<compile_context>
chip_gen: v7x
topology: tpu7x:2x2x1
jax: 0.10.2.dev20260603
libtpu: 0.0.44.dev20260713+nightly
codegen_flags: <defaults>
</compile_context>

<pallas_src>
import functools

import jax
import jax.numpy as jnp
from jax import lax
from jax.experimental import pallas as pl
from jax.experimental.pallas import tpu as pltpu
from jax.experimental.pallas import tpu_sc as plsc

NQ = 8
V = 100000
D = 32
B = 4096
T = 50
W = NQ * T

NBW = 128
GL = 128
GPC = NBW * NQ // GL


def _sc_call():
    info_nc, info_ns = 2, 16
    try:
        info = plsc.get_sparse_core_info()
        info_nc, info_ns = info.num_cores, info.num_subcores
    except Exception:
        pass
    NW = info_nc * info_ns
    assert B // NW == NBW

    mesh = plsc.VectorSubcoreMesh(core_axis_name="c", subcore_axis_name="s")

    @functools.partial(
        pl.kernel,
        mesh=mesh,
        out_type=jax.ShapeDtypeStruct((T * D // 8, NW, 8, NBW), jnp.float32),
        compiler_params=pltpu.CompilerParams(
            use_tc_tiling_on_sc=False, needs_layout_passes=False),
        scratch_types=[
            pltpu.VMEM((NBW, W + 1), jnp.int32),
            pltpu.VMEM((GPC, GL), jnp.int32),
            pltpu.VMEM((GPC, GL), jnp.int32),
            pltpu.VMEM((NBW * NQ, D), jnp.float32),
            pltpu.VMEM((NBW * NQ, D), jnp.float32),
            pltpu.VMEM((1, 1, D, NBW + 1), jnp.float32),
            pltpu.VMEM((1, 1, D, NBW + 1), jnp.float32),
            pltpu.VMEM((NQ, 16), jnp.float32),
            pltpu.SemaphoreType.DMA,
            pltpu.SemaphoreType.DMA,
            pltpu.SemaphoreType.DMA,
            pltpu.SemaphoreType.DMA,
            pltpu.SemaphoreType.DMA,
        ],
    )
    def k(tok_hbm, table_hbm, w_hbm, out_hbm,
          tokv, idx0, idx1, rows0, rows1, outb0, outb1, wv,
          tsem, gsem0, gsem1, osem0, osem1):
        wid = lax.axis_index("s") * info_nc + lax.axis_index("c")
        idxs = (idx0, idx1)
        rows = (rows0, rows1)
        outs = (outb0, outb1)
        gsems = (gsem0, gsem1)
        osems = (osem0, osem1)

        pltpu.sync_copy(w_hbm, wv)
        w = [wv[q, :] for q in range(NQ)]
        lane = lax.iota(jnp.int32, 16)
        zero16 = lane * 0

        pltpu.async_copy(
            tok_hbm.at[pl.ds(wid * NBW, NBW)], tokv.at[:, pl.ds(0, W)], tsem
        ).wait()

        def issue(c, buf):
            for g in range(GPC):
                for q in range(NQ):
                    toks16 = plsc.load_gather(
                        tokv, [lane + g * 16, zero16 + (q * T + c)]
                    )
                    idxs[buf][g, pl.ds(q * 16, 16)] = toks16 + (q * V)
            for g in range(GPC):
                pltpu.async_copy(
                    table_hbm.at[idxs[buf].at[g]],
                    rows[buf].at[pl.ds(g * GL, GL)],
                    gsems[buf],
                )

        def wait_gathers(buf):
            pltpu.make_async_copy(
                table_hbm.at[pl.ds(0, NBW * NQ)], rows[buf], gsems[buf]
            ).wait()

        def out_pairs(c, buf):
            return [
                (outs[buf].at[:, :, pl.ds(eb * 8, 8), pl.ds(0, NBW)],
                 out_hbm.at[pl.ds(c * (D // 8) + eb, 1), pl.ds(wid, 1)])
                for eb in range(D // 8)
            ]

        def compute(buf):
            rref = rows[buf]
            oref = outs[buf]

            def row_body(b, carry):
                base = lax.shift_left(lax.shift_right_logical(b, 4), 7) + \
                    lax.bitwise_and(b, 15)
                a0 = w[0] * rref[base, pl.ds(0, 16)]
                a1 = w[0] * rref[base, pl.ds(16, 16)]
                for q in range(1, NQ):
                    a0 = a0 + w[q] * rref[base + q * 16, pl.ds(0, 16)]
                    a1 = a1 + w[q] * rref[base + q * 16, pl.ds(16, 16)]
                col = zero16 + b
                plsc.store_scatter(oref, [zero16, zero16, lane, col], a0)
                plsc.store_scatter(oref, [zero16, zero16, lane + 16, col], a1)
                return carry

            lax.fori_loop(0, NBW, row_body, 0)

        def stage(c, buf):
            @pl.when(c + 1 < T)
            def _():
                issue(c + 1, (buf + 1) % 2)

            wait_gathers(buf)

            @pl.when(c >= 2)
            def _():
                for src, dst in out_pairs(c, buf):
                    pltpu.make_async_copy(src, dst, osems[buf]).wait()

            compute(buf)
            for src, dst in out_pairs(c, buf):
                pltpu.async_copy(src, dst, osems[buf])

        issue(0, 0)

        def outer(g, carry):
            stage(2 * g, 0)
            stage(2 * g + 1, 1)
            return carry

        lax.fori_loop(0, T // 2, outer, 0)

        for src, dst in out_pairs(T - 2, 0):
            pltpu.make_async_copy(src, dst, osems[0]).wait()
        for src, dst in out_pairs(T - 1, 1):
            pltpu.make_async_copy(src, dst, osems[1]).wait()

    return k


def kernel(tokens, tables, weights):
    flat_table = tables.reshape(NQ * V, D)
    w16 = jnp.broadcast_to(weights.astype(jnp.float32)[:, None], (NQ, 16))
    out4 = _sc_call()(tokens, flat_table, w16)
    out5 = out4.reshape(T, D // 8, 32, 8, NBW)
    return out5.transpose(2, 4, 0, 1, 3).reshape(B, T, D)

# --- scband reference (transcript-rebuilt; emitter-appended) ---
"""Pipeline reference for scband-weighted-codebook-embedding-17343077941713 (READ-ONLY COPY).

The authoritative reference and input builder live on the scoring server;
editing this copy changes nothing except your own understanding.
"""

import jax, jax.numpy as jnp
import numpy as np

NQ = 8
TOKEN_SIZE = 100000
EMBED_DIM = 32
BATCH = 4096
TOKEN_LEN = 50


def setup_inputs(seed: int = 0) -> dict:
    key = jax.random.key(seed)
    k1, k2 = jax.random.split(key, 2)
    tokens = jax.random.randint(k1, (BATCH, NQ * TOKEN_LEN), 0, TOKEN_SIZE, dtype=jnp.int32)
    # learned params: one embedding table per codebook, stacked: (nq, token_size, embed_dim)
    tables = jax.random.normal(k2, (NQ, TOKEN_SIZE, EMBED_DIM), dtype=jnp.float32)
    weights = jnp.ones((NQ,), dtype=jnp.float32) / NQ
    return {"tokens": tokens, "tables": tables, "weights": weights}


def reference(tokens, tables, weights):
    batch_size, total_length = tokens.shape
    assert total_length % NQ == 0
    token_length = total_length // NQ
    tok = tokens.reshape(batch_size, NQ, token_length)
    if NQ == 1:
        return jnp.take(tables[0], tok[:, 0, :], axis=0)
    # per-codebook embedding lookup (gather), then stack: (nq, B, T, D)
    embeddings = jnp.stack([jnp.take(tables[i], tok[:, i, :], axis=0) for i in range(NQ)], axis=0)
    weighted_sum = jnp.einsum('i,ibtd->btd', weights, embeddings)
    return weighted_sum

if __name__ == "__main__":
    import jax
    _d = setup_inputs()
    print(jax.jit(kernel)(*tuple(_d.values())))

</pallas_src>

<mosaic_0001>
#map = affine_map<(d0, d1) -> (0, 0)>
#map1 = affine_map<(d0, d1) -> (0, 0, 0, 0)>
module attributes {stable_mosaic.version = 14 : i64} {
  func.func @k(%arg0: i32, %arg1: i32, %arg2: memref<4096x400xi32, #tpu.memory_space<hbm>>, %arg3: memref<800000x32xf32, #tpu.memory_space<hbm>>, %arg4: memref<8x16xf32, #tpu.memory_space<hbm>>, %arg5: memref<200x32x8x128xf32, #tpu.memory_space<hbm>>, %arg6: memref<128x401xi32, #tpu.memory_space<vmem>>, %arg7: memref<8x128xi32, #tpu.memory_space<vmem>>, %arg8: memref<8x128xi32, #tpu.memory_space<vmem>>, %arg9: memref<1024x32xf32, #tpu.memory_space<vmem>>, %arg10: memref<1024x32xf32, #tpu.memory_space<vmem>>, %arg11: memref<1x1x32x129xf32, #tpu.memory_space<vmem>>, %arg12: memref<1x1x32x129xf32, #tpu.memory_space<vmem>>, %arg13: memref<8x16xf32, #tpu.memory_space<vmem>>, %arg14: memref<!tpu.dma_semaphore, #tpu.memory_space<semaphore_mem>>, %arg15: memref<!tpu.dma_semaphore, #tpu.memory_space<semaphore_mem>>, %arg16: memref<!tpu.dma_semaphore, #tpu.memory_space<semaphore_mem>>, %arg17: memref<!tpu.dma_semaphore, #tpu.memory_space<semaphore_mem>>, %arg18: memref<!tpu.dma_semaphore, #tpu.memory_space<semaphore_mem>>) attributes {dimension_semantics = [#tpu.dimension_semantics<core_parallel>, #tpu.dimension_semantics<subcore_parallel>], iteration_bounds = array<i64: 2, 16>, scalar_prefetch = 0 : i64, scratch_operands = 13 : i64, tpu.core_type = #tpu.core_type<sc_vector_subcore>, window_params = [{transform_indices = #map}, {transform_indices = #map}, {transform_indices = #map}, {transform_indices = #map1}]} {
    %mul3A = arith.constant 2 : i32
    %mul3A_0 = arith.muli %arg1, %mul3A : i32
    %add3A = arith.addi %mul3A_0, %arg0 : i32
    "tpu.region"() ({
      %run_scoped3A = tpu.sem_alloc : memref<!tpu.dma_semaphore, #tpu.memory_space<semaphore_mem>>
      tpu.enqueue_dma source(%arg4 : memref<8x16xf32, #tpu.memory_space<hbm>>) target(%arg13 : memref<8x16xf32, #tpu.memory_space<vmem>>) target_semaphore(%run_scoped3A : memref<!tpu.dma_semaphore, #tpu.memory_space<semaphore_mem>>)
      tpu.wait_dma2 semaphore(%run_scoped3A : memref<!tpu.dma_semaphore, #tpu.memory_space<semaphore_mem>>) src(%arg4 : memref<8x16xf32, #tpu.memory_space<hbm>>) dst(%arg13 : memref<8x16xf32, #tpu.memory_space<vmem>>)
      tpu.yield
    }) : () -> ()
    %get3A = arith.constant 0 : i32
    %get3A_1 = arith.index_cast %get3A : i32 to index
    %get3A_2 = arith.constant 0 : index
    %get3A_3 = tpu.vector_load %arg13[%get3A_1, %get3A_2] {strides = array<i32>} : memref<8x16xf32, #tpu.memory_space<vmem>>, vector<16xf32>,
    %get3A_4 = arith.constant 1 : i32
    %get3A_5 = arith.index_cast %get3A_4 : i32 to index
    %get3A_6 = arith.constant 0 : index
    %get3A_7 = tpu.vector_load %arg13[%get3A_5, %get3A_6] {strides = array<i32>} : memref<8x16xf32, #tpu.memory_space<vmem>>, vector<16xf32>,
    %get3A_8 = arith.constant 2 : i32
    %get3A_9 = arith.index_cast %get3A_8 : i32 to index
    %get3A_10 = arith.constant 0 : index
    %get3A_11 = tpu.vector_load %arg13[%get3A_9, %get3A_10] {strides = array<i32>} : memref<8x16xf32, #tpu.memory_space<vmem>>, vector<16xf32>,
    %get3A_12 = arith.constant 3 : i32
    %get3A_13 = arith.index_cast %get3A_12 : i32 to index
    %get3A_14 = arith.constant 0 : index
    %get3A_15 = tpu.vector_load %arg13[%get3A_13, %get3A_14] {strides = array<i32>} : memref<8x16xf32, #tpu.memory_space<vmem>>, vector<16xf32>,
    %get3A_16 = arith.constant 4 : i32
    %get3A_17 = arith.index_cast %get3A_16 : i32 to index
    %get3A_18 = arith.constant 0 : index
    %get3A_19 = tpu.vector_load %arg13[%get3A_17, %get3A_18] {strides = array<i32>} : memref<8x16xf32, #tpu.memory_space<vmem>>, vector<16xf32>,
    %get3A_20 = arith.constant 5 : i32
    %get3A_21 = arith.index_cast %get3A_20 : i32 to index
    %get3A_22 = arith.constant 0 : index
    %get3A_23 = tpu.vector_load %arg13[%get3A_21, %get3A_22] {strides = array<i32>} : memref<8x16xf32, #tpu.memory_space<vmem>>, vector<16xf32>,
    %get3A_24 = arith.constant 6 : i32
    %get3A_25 = arith.index_cast %get3A_24 : i32 to index
    %get3A_26 = arith.constant 0 : index
    %get3A_27 = tpu.vector_load %arg13[%get3A_25, %get3A_26] {strides = array<i32>} : memref<8x16xf32, #tpu.memory_space<vmem>>, vector<16xf32>,
    %get3A_28 = arith.constant 7 : i32
    %get3A_29 = arith.index_cast %get3A_28 : i32 to index
    %get3A_30 = arith.constant 0 : index
    %get3A_31 = tpu.vector_load %arg13[%get3A_29, %get3A_30] {strides = array<i32>} : memref<8x16xf32, #tpu.memory_space<vmem>>, vector<16xf32>,
    %iota3A = tpu.iota {dimensions = array<i32: 0>} : vector<16xi32>
    %mul3A_32 = arith.constant 0 : i32
    %mul3A_33 = vector.broadcast %mul3A_32 : i32 to vector<16xi32>
    %mul3A_34 = arith.muli %iota3A, %mul3A_33 : vector<16xi32>
    %mul3A_35 = arith.constant 128 : i32
    %mul3A_36 = arith.muli %add3A, %mul3A_35 : i32
    %dma_start3A = arith.constant 0 : i32
    %dma_start3A_37 = arith.constant 0 : i32
    %dma_start3A_38 = tpu.memref_slice %arg6[%dma_start3A, %dma_start3A_37] : memref<128x401xi32, #tpu.memory_space<vmem>> -> memref<128x400xi32, #tpu.memory_space<vmem>>
    %dma_start3A_39 = arith.constant 0 : i32
    %dma_start3A_40 = tpu.memref_slice %arg2[%mul3A_36, %dma_start3A_39] : memref<4096x400xi32, #tpu.memory_space<hbm>> -> memref<128x400xi32, #tpu.memory_space<hbm>>
    %dma_start3A_41 = arith.constant 0 : i32
    %dma_start3A_42 = arith.constant 0 : i32
    %dma_start3A_43 = tpu.memref_slice %arg6[%dma_start3A_41, %dma_start3A_42] : memref<128x401xi32, #tpu.memory_space<vmem>> -> memref<128x400xi32, #tpu.memory_space<vmem>>
    %dma_start3A_44 = arith.constant 0 : i32
    %dma_start3A_45 = tpu.memref_slice %arg2[%mul3A_36, %dma_start3A_44] : memref<4096x400xi32, #tpu.memory_space<hbm>> -> memref<128x400xi32, #tpu.memory_space<hbm>>
    tpu.enqueue_dma source(%dma_start3A_45 : memref<128x400xi32, #tpu.memory_space<hbm>>) target(%dma_start3A_43 : memref<128x400xi32, #tpu.memory_space<vmem>>) target_semaphore(%arg14 : memref<!tpu.dma_semaphore, #tpu.memory_space<semaphore_mem>>)
    %dma_wait3A = arith.constant 0 : i32
    %dma_wait3A_46 = arith.constant 0 : i32
    %dma_wait3A_47 = tpu.memref_slice %arg6[%dma_wait3A, %dma_wait3A_46] : memref<128x401xi32, #tpu.memory_space<vmem>> -> memref<128x400xi32, #tpu.memory_space<vmem>>
    %dma_wait3A_48 = arith.constant 0 : i32
    %dma_wait3A_49 = tpu.memref_slice %arg2[%mul3A_36, %dma_wait3A_48] : memref<4096x400xi32, #tpu.memory_space<hbm>> -> memref<128x400xi32, #tpu.memory_space<hbm>>
    %dma_wait3A_50 = arith.constant 0 : i32
    %dma_wait3A_51 = arith.constant 0 : i32
    %dma_wait3A_52 = tpu.memref_slice %arg6[%dma_wait3A_50, %dma_wait3A_51] : memref<128x401xi32, #tpu.memory_space<vmem>> -> memref<128x400xi32, #tpu.memory_space<vmem>>
    %dma_wait3A_53 = arith.constant 0 : i32
    %dma_wait3A_54 = tpu.memref_slice %arg2[%mul3A_36, %dma_wait3A_53] : memref<4096x400xi32, #tpu.memory_space<hbm>> -> memref<128x400xi32, #tpu.memory_space<hbm>>
    tpu.wait_dma2 semaphore(%arg14 : memref<!tpu.dma_semaphore, #tpu.memory_space<semaphore_mem>>) src(%dma_wait3A_54 : memref<128x400xi32, #tpu.memory_space<hbm>>) dst(%dma_wait3A_52 : memref<128x400xi32, #tpu.memory_space<vmem>>)
    %add3A_55 = arith.constant 0 : i32
    %add3A_56 = vector.broadcast %add3A_55 : i32 to vector<16xi32>
    %add3A_57 = arith.addi %iota3A, %add3A_56 : vector<16xi32>
    %add3A_58 = arith.constant 0 : i32
    %add3A_59 = vector.broadcast %add3A_58 : i32 to vector<16xi32>
    %add3A_60 = arith.addi %mul3A_34, %add3A_59 : vector<16xi32>
    %gather3A = tpu.vector_load_idx %arg6[%add3A_57, %add3A_60] : memref<128x401xi32, #tpu.memory_space<vmem>>[vector<16xi32>, vector<16xi32>], vector<16xi32>,
    %add3A_61 = arith.constant 0 : i32
    %add3A_62 = vector.broadcast %add3A_61 : i32 to vector<16xi32>
    %add3A_63 = arith.addi %gather3A, %add3A_62 : vector<16xi32>
    %swap3A = arith.constant 0 : i32
    %swap3A_64 = arith.index_cast %swap3A : i32 to index
    %swap3A_65 = arith.constant 0 : index
    %swap3A_66 = tpu.vector_load %arg7[%swap3A_64, %swap3A_65] {strides = array<i32>} : memref<8x128xi32, #tpu.memory_space<vmem>>, vector<16xi32>,
    tpu.vector_store %arg7[%swap3A_64, %swap3A_65], %add3A_63 {strides = array<i32>} : memref<8x128xi32, #tpu.memory_space<vmem>>, vector<16xi32>,
    %add3A_67 = arith.constant 0 : i32
    %add3A_68 = vector.broadcast %add3A_67 : i32 to vector<16xi32>
    %add3A_69 = arith.addi %iota3A, %add3A_68 : vector<16xi32>
    %add3A_70 = arith.constant 50 : i32
    %add3A_71 = vector.broadcast %add3A_70 : i32 to vector<16xi32>
    %add3A_72 = arith.addi %mul3A_34, %add3A_71 : vector<16xi32>
    %gather3A_73 = tpu.vector_load_idx %arg6[%add3A_69, %add3A_72] : memref<128x401xi32, #tpu.memory_space<vmem>>[vector<16xi32>, vector<16xi32>], vector<16xi32>,
    %add3A_74 = arith.constant 100000 : i32
    %add3A_75 = vector.broadcast %add3A_74 : i32 to vector<16xi32>
    %add3A_76 = arith.addi %gather3A_73, %add3A_75 : vector<16xi32>
    %swap3A_77 = arith.constant 0 : i32
    %swap3A_78 = arith.index_cast %swap3A_77 : i32 to index
    %swap3A_79 = arith.constant 16 : index
    %swap3A_80 = tpu.vector_load %arg7[%swap3A_78, %swap3A_79] {strides = array<i32>} : memref<8x128xi32, #tpu.memory_space<vmem>>, vector<16xi32>,
    tpu.vector_store %arg7[%swap3A_78, %swap3A_79], %add3A_76 {strides = array<i32>} : memref<8x128xi32, #tpu.memory_space<vmem>>, vector<16xi32>,
    %add3A_81 = arith.constant 0 : i32
    %add3A_82 = vector.broadcast %add3A_81 : i32 to vector<16xi32>
    %add3A_83 = arith.addi %iota3A, %add3A_82 : vector<16xi32>
    %add3A_84 = arith.constant 100 : i32
    %add3A_85 = vector.broadcast %add3A_84 : i32 to vector<16xi32>
    %add3A_86 = arith.addi %mul3A_34, %add3A_85 : vector<16xi32>
    %gather3A_87 = tpu.vector_load_idx %arg6[%add3A_83, %add3A_86] : memref<128x401xi32, #tpu.memory_space<vmem>>[vector<16xi32>, vector<16xi32>], vector<16xi32>,
    %add3A_88 = arith.constant 200000 : i32
    %add3A_89 = vector.broadcast %add3A_88 : i32 to vector<16xi32>
    %add3A_90 = arith.addi %gather3A_87, %add3A_89 : vector<16xi32>
    %swap3A_91 = arith.constant 0 : i32
    %swap3A_92 = arith.index_cast %swap3A_91 : i32 to index
    %swap3A_93 = arith.constant 32 : index
    %swap3A_94 = tpu.vector_load %arg7[%swap3A_92, %swap3A_93] {strides = array<i32>} : memref<8x128xi32, #tpu.memory_space<vmem>>, vector<16xi32>,
    tpu.vector_store %arg7[%swap3A_92, %swap3A_93], %add3A_90 {strides = array<i32>} : memref<8x128xi32, #tpu.memory_space<vmem>>, vector<16xi32>,
    %add3A_95 = arith.constant 0 : i32
    %add3A_96 = vector.broadcast %add3A_95 : i32 to vector<16xi32>
    %add3A_97 = arith.addi %iota3A, %add3A_96 : vector<16xi32>
    %add3A_98 = arith.constant 150 : i32
    %add3A_99 = vector.broadcast %add3A_98 : i32 to vector<16xi32>
    %add3A_100 = arith.addi %mul3A_34, %add3A_99 : vector<16xi32>
    %gather3A_101 = tpu.vector_load_idx %arg6[%add3A_97, %add3A_100] : memref<128x401xi32, #tpu.memory_space<vmem>>[vector<16xi32>, vector<16xi32>], vector<16xi32>,
    %add3A_102 = arith.constant 300000 : i32
    %add3A_103 = vector.broadcast %add3A_102 : i32 to vector<16xi32>
    %add3A_104 = arith.addi %gather3A_101, %add3A_103 : vector<16xi32>
    %swap3A_105 = arith.constant 0 : i32
    %swap3A_106 = arith.index_cast %swap3A_105 : i32 to index
    %swap3A_107 = arith.constant 48 : index
    %swap3A_108 = tpu.vector_load %arg7[%swap3A_106, %swap3A_107] {strides = array<i32>} : memref<8x128xi32, #tpu.memory_space<vmem>>, vector<16xi32>,
    tpu.vector_store %arg7[%swap3A_106, %swap3A_107], %add3A_104 {strides = array<i32>} : memref<8x128xi32, #tpu.memory_space<vmem>>, vector<16xi32>,
    %add3A_109 = arith.constant 0 : i32
    %add3A_110 = vector.broadcast %add3A_109 : i32 to vector<16xi32>
    %add3A_111 = arith.addi %iota3A, %add3A_110 : vector<16xi32>
    %add3A_112 = arith.constant 200 : i32
    %add3A_113 = vector.broadcast %add3A_112 : i32 to vector<16xi32>
    %add3A_114 = arith.addi %mul3A_34, %add3A_113 : vector<16xi32>
    %gather3A_115 = tpu.vector_load_idx %arg6[%add3A_111, %add3A_114] : memref<128x401xi32, #tpu.memory_space<vmem>>[vector<16xi32>, vector<16xi32>], vector<16xi32>,
    %add3A_116 = arith.constant 400000 : i32
    %add3A_117 = vector.broadcast %add3A_116 : i32 to vector<16xi32>
    %add3A_118 = arith.addi %gather3A_115, %add3A_117 : vector<16xi32>
    %swap3A_119 = arith.constant 0 : i32
    %swap3A_120 = arith.index_cast %swap3A_119 : i32 to index
    %swap3A_121 = arith.constant 64 : index
    %swap3A_122 = tpu.vector_load %arg7[%swap3A_120, %swap3A_121] {strides = array<i32>} : memref<8x128xi32, #tpu.memory_space<vmem>>, vector<16xi32>,
    tpu.vector_store %arg7[%swap3A_120, %swap3A_121], %add3A_118 {strides = array<i32>} : memref<8x128xi32, #tpu.memory_space<vmem>>, vector<16xi32>,
    %add3A_123 = arith.constant 0 : i32
    %add3A_124 = vector.broadcast %add3A_123 : i32 to vector<16xi32>
    %add3A_125 = arith.addi %iota3A, %add3A_124 : vector<16xi32>
    %add3A_126 = arith.constant 250 : i32
    %add3A_127 = vector.broadcast %add3A_126 : i32 to vector<16xi32>
    %add3A_128 = arith.addi %mul3A_34, %add3A_127 : vector<16xi32>
    %gather3A_129 = tpu.vector_load_idx %arg6[%add3A_125, %add3A_128] : memref<128x401xi32, #tpu.memory_space<vmem>>[vector<16xi32>, vector<16xi32>], vector<16xi32>,
    %add3A_130 = arith.constant 500000 : i32
    %add3A_131 = vector.broadcast %add3A_130 : i32 to vector<16xi32>
    %add3A_132 = arith.addi %gather3A_129, %add3A_131 : vector<16xi32>
    %swap3A_133 = arith.constant 0 : i32
    %swap3A_134 = arith.index_cast %swap3A_133 : i32 to index
    %swap3A_135 = arith.constant 80 : index
    %swap3A_136 = tpu.vector_load %arg7[%swap3A_134, %swap3A_135] {strides = array<i32>} : memref<8x128xi32, #tpu.memory_space<vmem>>, vector<16xi32>,
    tpu.vector_store %arg7[%swap3A_134, %swap3A_135], %add3A_132 {strides = array<i32>} : memref<8x128xi32, #tpu.memory_space<vmem>>, vector<16xi32>,
    %add3A_137 = arith.constant 0 : i32
    %add3A_138 = vector.broadcast %add3A_137 : i32 to vector<16xi32>
    %add3A_139 = arith.addi %iota3A, %add3A_138 : vector<16xi32>
    %add3A_140 = arith.constant 300 : i32
    %add3A_141 = vector.broadcast %add3A_140 : i32 to vector<16xi32>
    %add3A_142 = arith.addi %mul3A_34, %add3A_141 : vector<16xi32>
    %gather3A_143 = tpu.vector_load_idx %arg6[%add3A_139, %add3A_142] : memref<128x401xi32, #tpu.memory_space<vmem>>[vector<16xi32>, vector<16xi32>], vector<16xi32>,
    %add3A_144 = arith.constant 600000 : i32
    %add3A_145 = vector.broadcast %add3A_144 : i32 to vector<16xi32>
    %add3A_146 = arith.addi %gather3A_143, %add3A_145 : vector<16xi32>
    %swap3A_147 = arith.constant 0 : i32
    %swap3A_148 = arith.index_cast %swap3A_147 : i32 to index
    %swap3A_149 = arith.constant 96 : index
    %swap3A_150 = tpu.vector_load %arg7[%swap3A_148, %swap3A_149] {strides = array<i32>} : memref<8x128xi32, #tpu.memory_space<vmem>>, vector<16xi32>,
    tpu.vector_store %arg7[%swap3A_148, %swap3A_149], %add3A_146 {strides = array<i32>} : memref<8x128xi32, #tpu.memory_space<vmem>>, vector<16xi32>,
    %add3A_151 = arith.constant 0 : i32
    %add3A_152 = vector.broadcast %add3A_151 : i32 to vector<16xi32>
    %add3A_153 = arith.addi %iota3A, %add3A_152 : vector<16xi32>
    %add3A_154 = arith.constant 350 : i32
    %add3A_155 = vector.broadcast %add3A_154 : i32 to vector<16xi32>
    %add3A_156 = arith.addi %mul3A_34, %add3A_155 : vector<16xi32>
    %gather3A_157 = tpu.vector_load_idx %arg6[%add3A_153, %add3A_156] : memref<128x401xi32, #tpu.memory_space<vmem>>[vector<16xi32>, vector<16xi32>], vector<16xi32>,
    %add3A_158 = arith.constant 700000 : i32
    %add3A_159 = vector.broadcast %add3A_158 : i32 to vector<16xi32>
    %add3A_160 = arith.addi %gather3A_157, %add3A_159 : vector<16xi32>
    %swap3A_161 = arith.constant 0 : i32
    %swap3A_162 = arith.index_cast %swap3A_161 : i32 to index
    %swap3A_163 = arith.constant 112 : index
    %swap3A_164 = tpu.vector_load %arg7[%swap3A_162, %swap3A_163] {strides = array<i32>} : memref<8x128xi32, #tpu.memory_space<vmem>>, vector<16xi32>,
    tpu.vector_store %arg7[%swap3A_162, %swap3A_163], %add3A_160 {strides = array<i32>} : memref<8x128xi32, #tpu.memory_space<vmem>>, vector<16xi32>,
    %add3A_165 = arith.constant 16 : i32
    %add3A_166 = vector.broadcast %add3A_165 : i32 to vector<16xi32>
    %add3A_167 = arith.addi %iota3A, %add3A_166 : vector<16xi32>
    %add3A_168 = arith.constant 0 : i32
    %add3A_169 = vector.broadcast %add3A_168 : i32 to vector<16xi32>
    %add3A_170 = arith.addi %mul3A_34, %add3A_169 : vector<16xi32>
    %gather3A_171 = tpu.vector_load_idx %arg6[%add3A_167, %add3A_170] : memref<128x401xi32, #tpu.memory_space<vmem>>[vector<16xi32>, vector<16xi32>], vector<16xi32>,
    %add3A_172 = arith.constant 0 : i32
    %add3A_173 = vector.broadcast %add3A_172 : i32 to vector<16xi32>
    %add3A_174 = arith.addi %gather3A_171, %add3A_173 : vector<16xi32>
    %swap3A_175 = arith.constant 1 : i32
    %swap3A_176 = arith.index_cast %swap3A_175 : i32 to index
    %swap3A_177 = arith.constant 0 : index
    %swap3A_178 = tpu.vector_load %arg7[%swap3A_176, %swap3A_177] {strides = array<i32>} : memref<8x128xi32, #tpu.memory_space<vmem>>, vector<16xi32>,
    tpu.vector_store %arg7[%swap3A_176, %swap3A_177], %add3A_174 {strides = array<i32>} : memref<8x128xi32, #tpu.memory_space<vmem>>, vector<16xi32>,
    %add3A_179 = arith.constant 16 : i32
    %add3A_180 = vector.broadcast %add3A_179 : i32 to vector<16xi32>
    %add3A_181 = arith.addi %iota3A, %add3A_180 : vector<16xi32>
    %add3A_182 = arith.constant 50 : i32
    %add3A_183 = vector.broadcast %add3A_182 : i32 to vector<16xi32>
    %add3A_184 = arith.addi %mul3A_34, %add3A_183 : vector<16xi32>
    %gather3A_185 = tpu.vector_load_idx %arg6[%add3A_181, %add3A_184] : memref<128x401xi32, #tpu.memory_space<vmem>>[vector<16xi32>, vector<16xi32>], vector<16xi32>,
    %add3A_186 = arith.constant 100000 : i32
    %add3A_187 = vector.broadcast %add3A_186 : i32 to vector<16xi32>
    %add3A_188 = arith.addi %gather3A_185, %add3A_187 : vector<16xi32>
    %swap3A_189 = arith.constant 1 : i32
    %swap3A_190 = arith.index_cast %swap3A_189 : i32 to index
    %swap3A_191 = arith.constant 16 : index
    %swap3A_192 = tpu.vector_load %arg7[%swap3A_190, %swap3A_191] {strides = array<i32>} : memref<8x128xi32, #tpu.memory_space<vmem>>, vector<16xi32>,
    tpu.vector_store %arg7[%swap3A_190, %swap3A_191], %add3A_188 {strides = array<i32>} : memref<8x128xi32, #tpu.memory_space<vmem>>, vector<16xi32>,
    %add3A_193 = arith.constant 16 : i32
    %add3A_194 = vector.broadcast %add3A_193 : i32 to vector<16xi32>
    %add3A_195 = arith.addi %iota3A, %add3A_194 : vector<16xi32>
    %add3A_196 = arith.constant 100 : i32
    %add3A_197 = vector.broadcast %add3A_196 : i32 to vector<16xi32>
    %add3A_198 = arith.addi %mul3A_34, %add3A_197 : vector<16xi32>
    %gather3A_199 = tpu.vector_load_idx %arg6[%add3A_195, %add3A_198] : memref<128x401xi32, #tpu.memory_space<vmem>>[vector<16xi32>, vector<16xi32>], vector<16xi32>,
    %add3A_200 = arith.constant 200000 : i32
    %add3A_201 = vector.broadcast %add3A_200 : i32 to vector<16xi32>
    %add3A_202 = arith.addi %gather3A_199, %add3A_201 : vector<16xi32>
    %swap3A_203 = arith.constant 1 : i32
    %swap3A_204 = arith.index_cast %swap3A_203 : i32 to index
    %swap3A_205 = arith.constant 32 : index
    %swap3A_206 = tpu.vector_load %arg7[%swap3A_204, %swap3A_205] {strides = array<i32>} : memref<8x128xi32, #tpu.memory_space<vmem>>, vector<16xi32>,
    tpu.vector_store %arg7[%swap3A_204, %swap3A_205], %add3A_202 {strides = array<i32>} : memref<8x128xi32, #tpu.memory_space<vmem>>, vector<16xi32>,
    %add3A_207 = arith.constant 16 : i32
    %add3A_208 = vector.broadcast %add3A_207 : i32 to vector<16xi32>
    %add3A_209 = arith.addi %iota3A, %add3A_208 : vector<16xi32>
    %add3A_210 = arith.constant 150 : i32
    %add3A_211 = vector.broadcast %add3A_210 : i32 to vector<16xi32>
    %add3A_212 = arith.addi %mul3A_34, %add3A_211 : vector<16xi32>
    %gather3A_213 = tpu.vector_load_idx %arg6[%add3A_209, %add3A_212] : memref<128x401xi32, #tpu.memory_space<vmem>>[vector<16xi32>, vector<16xi32>], vector<16xi32>,
    %add3A_214 = arith.constant 300000 : i32
    %add3A_215 = vector.broadcast %add3A_214 : i32 to vector<16xi32>
    %add3A_216 = arith.addi %gather3A_213, %add3A_215 : vector<16xi32>
    %swap3A_217 = arith.constant 1 : i32
    %swap3A_218 = arith.index_cast %swap3A_217 : i32 to index
    %swap3A_219 = arith.constant 48 : index
    %swap3A_220 = tpu.vector_load %arg7[%swap3A_218, %swap3A_219] {strides = array<i32>} : memref<8x128xi32, #tpu.memory_space<vmem>>, vector<16xi32>,
    tpu.vector_store %arg7[%swap3A_218, %swap3A_219], %add3A_216 {strides = array<i32>} : memref<8x128xi32, #tpu.memory_space<vmem>>, vector<16xi32>,
    %add3A_221 = arith.constant 16 : i32
    %add3A_222 = vector.broadcast %add3A_221 : i32 to vector<16xi32>
    %add3A_223 = arith.addi %iota3A, %add3A_222 : vector<16xi32>
    %add3A_224 = arith.constant 200 : i32
    %add3A_225 = vector.broadcast %add3A_224 : i32 to vector<16xi32>
    %add3A_226 = arith.addi %mul3A_34, %add3A_225 : vector<16xi32>
    %gather3A_227 = tpu.vector_load_idx %arg6[%add3A_223, %add3A_226] : memref<128x401xi32, #tpu.memory_space<vmem>>[vector<16xi32>, vector<16xi32>], vector<16xi32>,
    %add3A_228 = arith.constant 400000 : i32
    %add3A_229 = vector.broadcast %add3A_228 : i32 to vector<16xi32>
    %add3A_230 = arith.addi %gather3A_227, %add3A_229 : vector<16xi32>
    %swap3A_231 = arith.constant 1 : i32
    %swap3A_232 = arith.index_cast %swap3A_231 : i32 to index
    %swap3A_233 = arith.constant 64 : index
    %swap3A_234 = tpu.vector_load %arg7[%swap3A_232, %swap3A_233] {strides = array<i32>} : memref<8x128xi32, #tpu.memory_space<vmem>>, vector<16xi32>,
    tpu.vector_store %arg7[%swap3A_232, %swap3A_233], %add3A_230 {strides = array<i32>} : memref<8x128xi32, #tpu.memory_space<vmem>>, vector<16xi32>,
    %add3A_235 = arith.constant 16 : i32
    %add3A_236 = vector.broadcast %add3A_235 : i32 to vector<16xi32>
    %add3A_237 = arith.addi %iota3A, %add3A_236 : vector<16xi32>
    %add3A_238 = arith.constant 250 : i32
    %add3A_239 = vector.broadcast %add3A_238 : i32 to vector<16xi32>
    %add3A_240 = arith.addi %mul3A_34, %add3A_239 : vector<16xi32>
    %gather3A_241 = tpu.vector_load_idx %arg6[%add3A_237, %add3A_240] : memref<128x401xi32, #tpu.memory_space<vmem>>[vector<16xi32>, vector<16xi32>], vector<16xi32>,
    %add3A_242 = arith.constant 500000 : i32
    %add3A_243 = vector.broadcast %add3A_242 : i32 to vector<16xi32>
    %add3A_244 = arith.addi %gather3A_241, %add3A_243 : vector<16xi32>
    %swap3A_245 = arith.constant 1 : i32
    %swap3A_246 = arith.index_cast %swap3A_245 : i32 to index
    %swap3A_247 = arith.constant 80 : index
    %swap3A_248 = tpu.vector_load %arg7[%swap3A_246, %swap3A_247] {strides = array<i32>} : memref<8x128xi32, #tpu.memory_space<vmem>>, vector<16xi32>,
    tpu.vector_store %arg7[%swap3A_246, %swap3A_247], %add3A_244 {strides = array<i32>} : memref<8x128xi32, #tpu.memory_space<vmem>>, vector<16xi32>,
    %add3A_249 = arith.constant 16 : i32
    %add3A_250 = vector.broadcast %add3A_249 : i32 to vector<16xi32>
    %add3A_251 = arith.addi %iota3A, %add3A_250 : vector<16xi32>
    %add3A_252 = arith.constant 300 : i32
    %add3A_253 = vector.broadcast %add3A_252 : i32 to vector<16xi32>
    %add3A_254 = arith.addi %mul3A_34, %add3A_253 : vector<16xi32>
    %gather3A_255 = tpu.vector_load_idx %arg6[%add3A_251, %add3A_254] : memref<128x401xi32, #tpu.memory_space<vmem>>[vector<16xi32>, vector<16xi32>], vector<16xi32>,
    %add3A_256 = arith.constant 600000 : i32
    %add3A_257 = vector.broadcast %add3A_256 : i32 to vector<16xi32>
    %add3A_258 = arith.addi %gather3A_255, %add3A_257 : vector<16xi32>
    %swap3A_259 = arith.constant 1 : i32
    %swap3A_260 = arith.index_cast %swap3A_259 : i32 to index
    %swap3A_261 = arith.constant 96 : index
    %swap3A_262 = tpu.vector_load %arg7[%swap3A_260, %swap3A_261] {strides = array<i32>} : memref<8x128xi32, #tpu.memory_space<vmem>>, vector<16xi32>,
    tpu.vector_store %arg7[%swap3A_260, %swap3A_261], %add3A_258 {strides = array<i32>} : memref<8x128xi32, #tpu.memory_space<vmem>>, vector<16xi32>,
    %add3A_263 = arith.constant 16 : i32
    %add3A_264 = vector.broadcast %add3A_263 : i32 to vector<16xi32>
    %add3A_265 = arith.addi %iota3A, %add3A_264 : vector<16xi32>
    %add3A_266 = arith.constant 350 : i32
    %add3A_267 = vector.broadcast %add3A_266 : i32 to vector<16xi32>
    %add3A_268 = arith.addi %mul3A_34, %add3A_267 : vector<16xi32>
    %gather3A_269 = tpu.vector_load_idx %arg6[%add3A_265, %add3A_268] : memref<128x401xi32, #tpu.memory_space<vmem>>[vector<16xi32>, vector<16xi32>], vector<16xi32>,
    %add3A_270 = arith.constant 700000 : i32
    %add3A_271 = vector.broadcast %add3A_270 : i32 to vector<16xi32>
    %add3A_272 = arith.addi %gather3A_269, %add3A_271 : vector<16xi32>
    %swap3A_273 = arith.constant 1 : i32
    %swap3A_274 = arith.index_cast %swap3A_273 : i32 to index
    %swap3A_275 = arith.constant 112 : index
    %swap3A_276 = tpu.vector_load %arg7[%swap3A_274, %swap3A_275] {strides = array<i32>} : memref<8x128xi32, #tpu.memory_space<vmem>>, vector<16xi32>,
    tpu.vector_store %arg7[%swap3A_274, %swap3A_275], %add3A_272 {strides = array<i32>} : memref<8x128xi32, #tpu.memory_space<vmem>>, vector<16xi32>,
    %add3A_277 = arith.constant 32 : i32
    %add3A_278 = vector.broadcast %add3A_277 : i32 to vector<16xi32>
    %add3A_279 = arith.addi %iota3A, %add3A_278 : vector<16xi32>
    %add3A_280 = arith.constant 0 : i32
    %add3A_281 = vector.broadcast %add3A_280 : i32 to vector<16xi32>
    %add3A_282 = arith.addi %mul3A_34, %add3A_281 : vector<16xi32>
    %gather3A_283 = tpu.vector_load_idx %arg6[%add3A_279, %add3A_282] : memref<128x401xi32, #tpu.memory_space<vmem>>[vector<16xi32>, vector<16xi32>], vector<16xi32>,
    %add3A_284 = arith.constant 0 : i32
    %add3A_285 = vector.broadcast %add3A_284 : i32 to vector<16xi32>
    %add3A_286 = arith.addi %gather3A_283, %add3A_285 : vector<16xi32>
    %swap3A_287 = arith.constant 2 : i32
    %swap3A_288 = arith.index_cast %swap3A_287 : i32 to index
    %swap3A_289 = arith.constant 0 : index
    %swap3A_290 = tpu.vector_load %arg7[%swap3A_288, %swap3A_289] {strides = array<i32>} : memref<8x128xi32, #tpu.memory_space<vmem>>, vector<16xi32>,
    tpu.vector_store %arg7[%swap3A_288, %swap3A_289], %add3A_286 {strides = array<i32>} : memref<8x128xi32, #tpu.memory_space<vmem>>, vector<16xi32>,
    %add3A_291 = arith.constant 32 : i32
    %add3A_292 = vector.broadcast %add3A_291 : i32 to vector<16xi32>
    %add3A_293 = arith.addi %iota3A, %add3A_292 : vector<16xi32>
    %add3A_294 = arith.constant 50 : i32
    %add3A_295 = vector.broadcast %add3A_294 : i32 to vector<16xi32>
    %add3A_296 = arith.addi %mul3A_34, %add3A_295 : vector<16xi32>
    %gather3A_297 = tpu.vector_load_idx %arg6[%add3A_293, %add3A_296] : memref<128x401xi32, #tpu.memory_space<vmem>>[vector<16xi32>, vector<16xi32>], vector<16xi32>,
    %add3A_298 = arith.constant 100000 : i32
    %add3A_299 = vector.broadcast %add3A_298 : i32 to vector<16xi32>
    %add3A_300 = arith.addi %gather3A_297, %add3A_299 : vector<16xi32>
    %swap3A_301 = arith.constant 2 : i32
    %swap3A_302 = arith.index_cast %swap3A_301 : i32 to index
    %swap3A_303 = arith.constant 16 : index
    %swap3A_304 = tpu.vector_load %arg7[%swap3A_302, %swap3A_303] {strides = array<i32>} : memref<8x128xi32, #tpu.memory_space<vmem>>, vector<16xi32>,
    tpu.vector_store %arg7[%swap3A_302, %swap3A_303], %add3A_300 {strides = array<i32>} : memref<8x128xi32, #tpu.memory_space<vmem>>, vector<16xi32>,
    %add3A_305 = arith.constant 32 : i32
    %add3A_306 = vector.broadcast %add3A_305 : i32 to vector<16xi32>
    %add3A_307 = arith.addi %iota3A, %add3A_306 : vector<16xi32>
    %add3A_308 = arith.constant 100 : i32
    %add3A_309 = vector.broadcast %add3A_308 : i32 to vector<16xi32>
    %add3A_310 = arith.addi %mul3A_34, %add3A_309 : vector<16xi32>
    %gather3A_311 = tpu.vector_load_idx %arg6[%add3A_307, %add3A_310] : memref<128x401xi32, #tpu.memory_space<vmem>>[vector<16xi32>, vector<16xi32>], vector<16xi32>,
    %add3A_312 = arith.constant 200000 : i32
    %add3A_313 = vector.broadcast %add3A_312 : i32 to vector<16xi32>
    %add3A_314 = arith.addi %gather3A_311, %add3A_313 : vector<16xi32>
    %swap3A_315 = arith.constant 2 : i32
    %swap3A_316 = arith.index_cast %swap3A_315 : i32 to index
    %swap3A_317 = arith.constant 32 : index
    %swap3A_318 = tpu.vector_load %arg7[%swap3A_316, %swap3A_317] {strides = array<i32>} : memref<8x128xi32, #tpu.memory_space<vmem>>, vector<16xi32>,
    tpu.vector_store %arg7[%swap3A_316, %swap3A_317], %add3A_314 {strides = array<i32>} : memref<8x128xi32, #tpu.memory_space<vmem>>, vector<16xi32>,
    %add3A_319 = arith.constant 32 : i32
    %add3A_320 = vector.broadcast %add3A_319 : i32 to vector<16xi32>
    %add3A_321 = arith.addi %iota3A, %add3A_320 : vector<16xi32>
    %add3A_322 = arith.constant 150 : i32
    %add3A_323 = vector.broadcast %add3A_322 : i32 to vector<16xi32>
    %add3A_324 = arith.addi %mul3A_34, %add3A_323 : vector<16xi32>
    %gather3A_325 = tpu.vector_load_idx %arg6[%add3A_321, %add3A_324] : memref<128x401xi32, #tpu.memory_space<vmem>>[vector<16xi32>, vector<16xi32>], vector<16xi32>,
    %add3A_326 = arith.constant 300000 : i32
    %add3A_327 = vector.broadcast %add3A_326 : i32 to vector<16xi32>
    %add3A_328 = arith.addi %gather3A_325, %add3A_327 : vector<16xi32>
    %swap3A_329 = arith.constant 2 : i32
    %swap3A_330 = arith.index_cast %swap3A_329 : i32 to index
    %swap3A_331 = arith.constant 48 : index
    %swap3A_332 = tpu.vector_load %arg7[%swap3A_330, %swap3A_331] {strides = array<i32>} : memref<8x128xi32, #tpu.memory_space<vmem>>, vector<16xi32>,
    tpu.vector_store %arg7[%swap3A_330, %swap3A_331], %add3A_328 {strides = array<i32>} : memref<8x128xi32, #tpu.memory_space<vmem>>, vector<16xi32>,
    %add3A_333 = arith.constant 32 : i32
    %add3A_334 = vector.broadcast %add3A_333 : i32 to vector<16xi32>
    %add3A_335 = arith.addi %iota3A, %add3A_334 : vector<16xi32>
    %add3A_336 = arith.constant 200 : i32
    %add3A_337 = vector.broadcast %add3A_336 : i32 to vector<16xi32>
    %add3A_338 = arith.addi %mul3A_34, %add3A_337 : vector<16xi32>
    %gather3A_339 = tpu.vector_load_idx %arg6[%add3A_335, %add3A_338] : memref<128x401xi32, #tpu.memory_space<vmem>>[vector<16xi32>, vector<16xi32>], vector<16xi32>,
    %add3A_340 = arith.constant 400000 : i32
    %add3A_341 = vector.broadcast %add3A_340 : i32 to vector<16xi32>
    %add3A_342 = arith.addi %gather3A_339, %add3A_341 : vector<16xi32>
    %swap3A_343 = arith.constant 2 : i32
    %swap3A_344 = arith.index_cast %swap3A_343 : i32 to index
    %swap3A_345 = arith.constant 64 : index
    %swap3A_346 = tpu.vector_load %arg7[%swap3A_344, %swap3A_345] {strides = array<i32>} : memref<8x128xi32, #tpu.memory_space<vmem>>, vector<16xi32>,
    tpu.vector_store %arg7[%swap3A_344, %swap3A_345], %add3A_342 {strides = array<i32>} : memref<8x128xi32, #tpu.memory_space<vmem>>, vector<16xi32>,
    %add3A_347 = arith.constant 32 : i32
    %add3A_348 = vector.broadcast %add3A_347 : i32 to vector<16xi32>
    %add3A_349 = arith.addi %iota3A, %add3A_348 : vector<16xi32>
    %add3A_350 = arith.constant 250 : i32
    %add3A_351 = vector.broadcast %add3A_350 : i32 to vector<16xi32>
    %add3A_352 = arith.addi %mul3A_34, %add3A_351 : vector<16xi32>
    %gather3A_353 = tpu.vector_load_idx %arg6[%add3A_349, %add3A_352] : memref<128x401xi32, #tpu.memory_space<vmem>>[vector<16xi32>, vector<16xi32>], vector<16xi32>,
    %add3A_354 = arith.constant 500000 : i32
    %add3A_355 = vector.broadcast %add3A_354 : i32 to vector<16xi32>
    %add3A_356 = arith.addi %gather3A_353, %add3A_355 : vector<16xi32>
    %swap3A_357 = arith.constant 2 : i32
    %swap3A_358 = arith.index_cast %swap3A_357 : i32 to index
    %swap3A_359 = arith.constant 80 : index
    %swap3A_360 = tpu.vector_load %arg7[%swap3A_358, %swap3A_359] {strides = array<i32>} : memref<8x128xi32, #tpu.memory_space<vmem>>, vector<16xi32>,
    tpu.vector_store %arg7[%swap3A_358, %swap3A_359], %add3A_356 {strides = array<i32>} : memref<8x128xi32, #tpu.memory_space<vmem>>, vector<16xi32>,
    %add3A_361 = arith.constant 32 : i32
    %add3A_362 = vector.broadcast %add3A_361 : i32 to vector<16xi32>
    %add3A_363 = arith.addi %iota3A, %add3A_362 : vector<16xi32>
    %add3A_364 = arith.constant 300 : i32
    %add3A_365 = vector.broadcast %add3A_364 : i32 to vector<16xi32>
    %add3A_366 = arith.addi %mul3A_34, %add3A_365 : vector<16xi32>
    %gather3A_367 = tpu.vector_load_idx %arg6[%add3A_363, %add3A_366] : memref<128x401xi32, #tpu.memory_space<vmem>>[vector<16xi32>, vector<16xi32>], vector<16xi32>,
    %add3A_368 = arith.constant 600000 : i32
    %add3A_369 = vector.broadcast %add3A_368 : i32 to vector<16xi32>
    %add3A_370 = arith.addi %gather3A_367, %add3A_369 : vector<16xi32>
    %swap3A_371 = arith.constant 2 : i32
    %swap3A_372 = arith.index_cast %swap3A_371 : i32 to index
    %swap3A_373 = arith.constant 96 : index
    %swap3A_374 = tpu.vector_load %arg7[%swap3A_372, %swap3A_373] {strides = array<i32>} : memref<8x128xi32, #tpu.memory_space<vmem>>, vector<16xi32>,
    tpu.vector_store %arg7[%swap3A_372, %swap3A_373], %add3A_370 {strides = array<i32>} : memref<8x128xi32, #tpu.memory_space<vmem>>, vector<16xi32>,
    %add3A_375 = arith.constant 32 : i32
    %add3A_376 = vector.broadcast %add3A_375 : i32 to vector<16xi32>
    %add3A_377 = arith.addi %iota3A, %add3A_376 : vector<16xi32>
    %add3A_378 = arith.constant 350 : i32
    %add3A_379 = vector.broadcast %add3A_378 : i32 to vector<16xi32>
    %add3A_380 = arith.addi %mul3A_34, %add3A_379 : vector<16xi32>
    %gather3A_381 = tpu.vector_load_idx %arg6[%add3A_377, %add3A_380] : memref<128x401xi32, #tpu.memory_space<vmem>>[vector<16xi32>, vector<16xi32>], vector<16xi32>,
    %add3A_382 = arith.constant 700000 : i32
    %add3A_383 = vector.broadcast %add3A_382 : i32 to vector<16xi32>
    %add3A_384 = arith.addi %gather3A_381, %add3A_383 : vector<16xi32>
    %swap3A_385 = arith.constant 2 : i32
    %swap3A_386 = arith.index_cast %swap3A_385 : i32 to index
    %swap3A_387 = arith.constant 112 : index
    %swap3A_388 = tpu.vector_load %arg7[%swap3A_386, %swap3A_387] {strides = array<i32>} : memref<8x128xi32, #tpu.memory_space<vmem>>, vector<16xi32>,
    tpu.vector_store %arg7[%swap3A_386, %swap3A_387], %add3A_384 {strides = array<i32>} : memref<8x128xi32, #tpu.memory_space<vmem>>, vector<16xi32>,
    %add3A_389 = arith.constant 48 : i32
    %add3A_390 = vector.broadcast %add3A_389 : i32 to vector<16xi32>
    %add3A_391 = arith.addi %iota3A, %add3A_390 : vector<16xi32>
    %add3A_392 = arith.constant 0 : i32
    %add3A_393 = vector.broadcast %add3A_392 : i32 to vector<16xi32>
    %add3A_394 = arith.addi %mul3A_34, %add3A_393 : vector<16xi32>
    %gather3A_395 = tpu.vector_load_idx %arg6[%add3A_391, %add3A_394] : memref<128x401xi32, #tpu.memory_space<vmem>>[vector<16xi32>, vector<16xi32>], vector<16xi32>,
    %add3A_396 = arith.constant 0 : i32
    %add3A_397 = vector.broadcast %add3A_396 : i32 to vector<16xi32>
    %add3A_398 = arith.addi %gather3A_395, %add3A_397 : vector<16xi32>
    %swap3A_399 = arith.constant 3 : i32
    %swap3A_400 = arith.index_cast %swap3A_399 : i32 to index
    %swap3A_401 = arith.constant 0 : index
    %swap3A_402 = tpu.vector_load %arg7[%swap3A_400, %swap3A_401] {strides = array<i32>} : memref<8x128xi32, #tpu.memory_space<vmem>>, vector<16xi32>,
    tpu.vector_store %arg7[%swap3A_400, %swap3A_401], %add3A_398 {strides = array<i32>} : memref<8x128xi32, #tpu.memory_space<vmem>>, vector<16xi32>,
    %add3A_403 = arith.constant 48 : i32
    %add3A_404 = vector.broadcast %add3A_403 : i32 to vector<16xi32>
    %add3A_405 = arith.addi %iota3A, %add3A_404 : vector<16xi32>
    %add3A_406 = arith.constant 50 : i32
    %add3A_407 = vector.broadcast %add3A_406 : i32 to vector<16xi32>
    %add3A_408 = arith.addi %mul3A_34, %add3A_407 : vector<16xi32>
    %gather3A_409 = tpu.vector_load_idx %arg6[%add3A_405, %add3A_408] : memref<128x401xi32, #tpu.memory_space<vmem>>[vector<16xi32>, vector<16xi32>], vector<16xi32>,
    %add3A_410 = arith.constant 100000 : i32
    %add3A_411 = vector.broadcast %add3A_410 : i32 to vector<16xi32>
    %add3A_412 = arith.addi %gather3A_409, %add3A_411 : vector<16xi32>
    %swap3A_413 = arith.constant 3 : i32
    %swap3A_414 = arith.index_cast %swap3A_413 : i32 to index
    %swap3A_415 = arith.constant 16 : index
    %swap3A_416 = tpu.vector_load %arg7[%swap3A_414, %swap3A_415] {strides = array<i32>} : memref<8x128xi32, #tpu.memory_space<vmem>>, vector<16xi32>,
    tpu.vector_store %arg7[%swap3A_414, %swap3A_415], %add3A_412 {strides = array<i32>} : memref<8x128xi32, #tpu.memory_space<vmem>>, vector<16xi32>,
    %add3A_417 = arith.constant 48 : i32
    %add3A_418 = vector.broadcast %add3A_417 : i32 to vector<16xi32>
    %add3A_419 = arith.addi %iota3A, %add3A_418 : vector<16xi32>
    %add3A_420 = arith.constant 100 : i32
    %add3A_421 = vector.broadcast %add3A_420 : i32 to vector<16xi32>
    %add3A_422 = arith.addi %mul3A_34, %add3A_421 : vector<16xi32>
    %gather3A_423 = tpu.vector_load_idx %arg6[%add3A_419, %add3A_422] : memref<128x401xi32, #tpu.memory_space<vmem>>[vector<16xi32>, vector<16xi32>], vector<16xi32>,
    %add3A_424 = arith.constant 200000 : i32
    %add3A_425 = vector.broadcast %add3A_424 : i32 to vector<16xi32>
    %add3A_426 = arith.addi %gather3A_423, %add3A_425 : vector<16xi32>
    %swap3A_427 = arith.constant 3 : i32
    %swap3A_428 = arith.index_cast %swap3A_427 : i32 to index
    %swap3A_429 = arith.constant 32 : index
    %swap3A_430 = tpu.vector_load %arg7[%swap3A_428, %swap3A_429] {strides = array<i32>} : memref<8x128xi32, #tpu.memory_space<vmem>>, vector<16xi32>,
    tpu.vector_store %arg7[%swap3A_428, %swap3A_429], %add3A_426 {strides = array<i32>} : memref<8x128xi32, #tpu.memory_space<vmem>>, vector<16xi32>,
    %add3A_431 = arith.constant 48 : i32
    %add3A_432 = vector.broadcast %add3A_431 : i32 to vector<16xi32>
    %add3A_433 = arith.addi %iota3A, %add3A_432 : vector<16xi32>
    %add3A_434 = arith.constant 150 : i32
    %add3A_435 = vector.broadcast %add3A_434 : i32 to vector<16xi32>
    %add3A_436 = arith.addi %mul3A_34, %add3A_435 : vector<16xi32>
    %gather3A_437 = tpu.vector_load_idx %arg6[%add3A_433, %add3A_436] : memref<128x401xi32, #tpu.memory_space<vmem>>[vector<16xi32>, vector<16xi32>], vector<16xi32>,
    %add3A_438 = arith.constant 300000 : i32
    %add3A_439 = vector.broadcast %add3A_438 : i32 to vector<16xi32>
    %add3A_440 = arith.addi %gather3A_437, %add3A_439 : vector<16xi32>
    %swap3A_441 = arith.constant 3 : i32
    %swap3A_442 = arith.index_cast %swap3A_441 : i32 to index
    %swap3A_443 = arith.constant 48 : index
    %swap3A_444 = tpu.vector_load %arg7[%swap3A_442, %swap3A_443] {strides = array<i32>} : memref<8x128xi32, #tpu.memory_space<vmem>>, vector<16xi32>,
    tpu.vector_store %arg7[%swap3A_442, %swap3A_443], %add3A_440 {strides = array<i32>} : memref<8x128xi32, #tpu.memory_space<vmem>>, vector<16xi32>,
    %add3A_445 = arith.constant 48 : i32
    %add3A_446 = vector.broadcast %add3A_445 : i32 to vector<16xi32>
    %add3A_447 = arith.addi %iota3A, %add3A_446 : vector<16xi32>
    %add3A_448 = arith.constant 200 : i32
    %add3A_449 = vector.broadcast %add3A_448 : i32 to vector<16xi32>
    %add3A_450 = arith.addi %mul3A_34, %add3A_449 : vector<16xi32>
    %gather3A_451 = tpu.vector_load_idx %arg6[%add3A_447, %add3A_450] : memref<128x401xi32, #tpu.memory_space<vmem>>[vector<16xi32>, vector<16xi32>], vector<16xi32>,
    %add3A_452 = arith.constant 400000 : i32
    %add3A_453 = vector.broadcast %add3A_452 : i32 to vector<16xi32>
    %add3A_454 = arith.addi %gather3A_451, %add3A_453 : vector<16xi32>
    %swap3A_455 = arith.constant 3 : i32
    %swap3A_456 = arith.index_cast %swap3A_455 : i32 to index
    %swap3A_457 = arith.constant 64 : index
    %swap3A_458 = tpu.vector_load %arg7[%swap3A_456, %swap3A_457] {strides = array<i32>} : memref<8x128xi32, #tpu.memory_space<vmem>>, vector<16xi32>,
    tpu.vector_store %arg7[%swap3A_456, %swap3A_457], %add3A_454 {strides = array<i32>} : memref<8x128xi32, #tpu.memory_space<vmem>>, vector<16xi32>,
    %add3A_459 = arith.constant 48 : i32
    %add3A_460 = vector.broadcast %add3A_459 : i32 to vector<16xi32>
    %add3A_461 = arith.addi %iota3A, %add3A_460 : vector<16xi32>
    %add3A_462 = arith.constant 250 : i32
    %add3A_463 = vector.broadcast %add3A_462 : i32 to vector<16xi32>
    %add3A_464 = arith.addi %mul3A_34, %add3A_463 : vector<16xi32>
    %gather3A_465 = tpu.vector_load_idx %arg6[%add3A_461, %add3A_464] : memref<128x401xi32, #tpu.memory_space<vmem>>[vector<16xi32>, vector<16xi32>], vector<16xi32>,
    %add3A_466 = arith.constant 500000 : i32
    %add3A_467 = vector.broadcast %add3A_466 : i32 to vector<16xi32>
    %add3A_468 = arith.addi %gather3A_465, %add3A_467 : vector<16xi32>
    %swap3A_469 = arith.constant 3 : i32
    %swap3A_470 = arith.index_cast %swap3A_469 : i32 to index
    %swap3A_471 = arith.constant 80 : index
    %swap3A_472 = tpu.vector_load %arg7[%swap3A_470, %swap3A_471] {strides = array<i32>} : memref<8x128xi32, #tpu.memory_space<vmem>>, vector<16xi32>,
    tpu.vector_store %arg7[%swap3A_470, %swap3A_471], %add3A_468 {strides = array<i32>} : memref<8x128xi32, #tpu.memory_space<vmem>>, vector<16xi32>,
    %add3A_473 = arith.constant 48 : i32
    %add3A_474 = vector.broadcast %add3A_473 : i32 to vector<16xi32>
    %add3A_475 = arith.addi %iota3A, %add3A_474 : vector<16xi32>
    %add3A_476 = arith.constant 300 : i32
    %add3A_477 = vector.broadcast %add3A_476 : i32 to vector<16xi32>
    %add3A_478 = arith.addi %mul3A_34, %add3A_477 : vector<16xi32>
    %gather3A_479 = tpu.vector_load_idx %arg6[%add3A_475, %add3A_478] : memref<128x401xi32, #tpu.memory_space<vmem>>[vector<16xi32>, vector<16xi32>], vector<16xi32>,
    %add3A_480 = arith.constant 600000 : i32
    %add3A_481 = vector.broadcast %add3A_480 : i32 to vector<16xi32>
    %add3A_482 = arith.addi %gather3A_479, %add3A_481 : vector<16xi32>
    %swap3A_483 = arith.constant 3 : i32
    %swap3A_484 = arith.index_cast %swap3A_483 : i32 to index
    %swap3A_485 = arith.constant 96 : index
    %swap3A_486 = tpu.vector_load %arg7[%swap3A_484, %swap3A_485] {strides = array<i32>} : memref<8x128xi32, #tpu.memory_space<vmem>>, vector<16xi32>,
    tpu.vector_store %arg7[%swap3A_484, %swap3A_485], %add3A_482 {strides = array<i32>} : memref<8x128xi32, #tpu.memory_space<vmem>>, vector<16xi32>,
    %add3A_487 = arith.constant 48 : i32
    %add3A_488 = vector.broadcast %add3A_487 : i32 to vector<16xi32>
    %add3A_489 = arith.addi %iota3A, %add3A_488 : vector<16xi32>
    %add3A_490 = arith.constant 350 : i32
    %add3A_491 = vector.broadcast %add3A_490 : i32 to vector<16xi32>
    %add3A_492 = arith.addi %mul3A_34, %add3A_491 : vector<16xi32>
    %gather3A_493 = tpu.vector_load_idx %arg6[%add3A_489, %add3A_492] : memref<128x401xi32, #tpu.memory_space<vmem>>[vector<16xi32>, vector<16xi32>], vector<16xi32>,
    %add3A_494 = arith.constant 700000 : i32
    %add3A_495 = vector.broadcast %add3A_494 : i32 to vector<16xi32>
    %add3A_496 = arith.addi %gather3A_493, %add3A_495 : vector<16xi32>
    %swap3A_497 = arith.constant 3 : i32
    %swap3A_498 = arith.index_cast %swap3A_497 : i32 to index
    %swap3A_499 = arith.constant 112 : index
    %swap3A_500 = tpu.vector_load %arg7[%swap3A_498, %swap3A_499] {strides = array<i32>} : memref<8x128xi32, #tpu.memory_space<vmem>>, vector<16xi32>,
    tpu.vector_store %arg7[%swap3A_498, %swap3A_499], %add3A_496 {strides = array<i32>} : memref<8x128xi32, #tpu.memory_space<vmem>>, vector<16xi32>,
    %add3A_501 = arith.constant 64 : i32
    %add3A_502 = vector.broadcast %add3A_501 : i32 to vector<16xi32>
    %add3A_503 = arith.addi %iota3A, %add3A_502 : vector<16xi32>
    %add3A_504 = arith.constant 0 : i32
    %add3A_505 = vector.broadcast %add3A_504 : i32 to vector<16xi32>
    %add3A_506 = arith.addi %mul3A_34, %add3A_505 : vector<16xi32>
    %gather3A_507 = tpu.vector_load_idx %arg6[%add3A_503, %add3A_506] : memref<128x401xi32, #tpu.memory_space<vmem>>[vector<16xi32>, vector<16xi32>], vector<16xi32>,
    %add3A_508 = arith.constant 0 : i32
    %add3A_509 = vector.broadcast %add3A_508 : i32 to vector<16xi32>
    %add3A_510 = arith.addi %gather3A_507, %add3A_509 : vector<16xi32>
    %swap3A_511 = arith.constant 4 : i32
    %swap3A_512 = arith.index_cast %swap3A_511 : i32 to index
    %swap3A_513 = arith.constant 0 : index
    %swap3A_514 = tpu.vector_load %arg7[%swap3A_512, %swap3A_513] {strides = array<i32>} : memref<8x128xi32, #tpu.memory_space<vmem>>, vector<16xi32>,
    tpu.vector_store %arg7[%swap3A_512, %swap3A_513], %add3A_510 {strides = array<i32>} : memref<8x128xi32, #tpu.memory_space<vmem>>, vector<16xi32>,
    %add3A_515 = arith.constant 64 : i32
    %add3A_516 = vector.broadcast %add3A_515 : i32 to vector<16xi32>
    %add3A_517 = arith.addi %iota3A, %add3A_516 : vector<16xi32>
    %add3A_518 = arith.constant 50 : i32
    %add3A_519 = vector.broadcast %add3A_518 : i32 to vector<16xi32>
    %add3A_520 = arith.addi %mul3A_34, %add3A_519 : vector<16xi32>
    %gather3A_521 = tpu.vector_load_idx %arg6[%add3A_517, %add3A_520] : memref<128x401xi32, #tpu.memory_space<vmem>>[vector<16xi32>, vector<16xi32>], vector<16xi32>,
    %add3A_522 = arith.constant 100000 : i32
    %add3A_523 = vector.broadcast %add3A_522 : i32 to vector<16xi32>
    %add3A_524 = arith.addi %gather3A_521, %add3A_523 : vector<16xi32>
    %swap3A_525 = arith.constant 4 : i32
    %swap3A_526 = arith.index_cast %swap3A_525 : i32 to index
    %swap3A_527 = arith.constant 16 : index
    %swap3A_528 = tpu.vector_load %arg7[%swap3A_526, %swap3A_527] {strides = array<i32>} : memref<8x128xi32, #tpu.memory_space<vmem>>, vector<16xi32>,
    tpu.vector_store %arg7[%swap3A_526, %swap3A_527], %add3A_524 {strides = array<i32>} : memref<8x128xi32, #tpu.memory_space<vmem>>, vector<16xi32>,
    %add3A_529 = arith.constant 64 : i32
    %add3A_530 = vector.broadcast %add3A_529 : i32 to vector<16xi32>
    %add3A_531 = arith.addi %iota3A, %add3A_530 : vector<16xi32>
    %add3A_532 = arith.constant 100 : i32
    %add3A_533 = vector.broadcast %add3A_532 : i32 to vector<16xi32>
    %add3A_534 = arith.addi %mul3A_34, %add3A_533 : vector<16xi32>
    %gather3A_535 = tpu.vector_load_idx %arg6[%add3A_531, %add3A_534] : memref<128x401xi32, #tpu.memory_space<vmem>>[vector<16xi32>, vector<16xi32>], vector<16xi32>,
    %add3A_536 = arith.constant 200000 : i32
    %add3A_537 = vector.broadcast %add3A_536 : i32 to vector<16xi32>
    %add3A_538 = arith.addi %gather3A_535, %add3A_537 : vector<16xi32>
    %swap3A_539 = arith.constant 4 : i32
    %swap3A_540 = arith.index_cast %swap3A_539 : i32 to index
    %swap3A_541 = arith.constant 32 : index
    %swap3A_542 = tpu.vector_load %arg7[%swap3A_540, %swap3A_541] {strides = array<i32>} : memref<8x128xi32, #tpu.memory_space<vmem>>, vector<16xi32>,
    tpu.vector_store %arg7[%swap3A_540, %swap3A_541], %add3A_538 {strides = array<i32>} : memref<8x128xi32, #tpu.memory_space<vmem>>, vector<16xi32>,
    %add3A_543 = arith.constant 64 : i32
    %add3A_544 = vector.broadcast %add3A_543 : i32 to vector<16xi32>
    %add3A_545 = arith.addi %iota3A, %add3A_544 : vector<16xi32>
    %add3A_546 = arith.constant 150 : i32
    %add3A_547 = vector.broadcast %add3A_546 : i32 to vector<16xi32>
    %add3A_548 = arith.addi %mul3A_34, %add3A_547 : vector<16xi32>
    %gather3A_549 = tpu.vector_load_idx %arg6[%add3A_545, %add3A_548] : memref<128x401xi32, #tpu.memory_space<vmem>>[vector<16xi32>, vector<16xi32>], vector<16xi32>,
    %add3A_550 = arith.constant 300000 : i32
    %add3A_551 = vector.broadcast %add3A_550 : i32 to vector<16xi32>
    %add3A_552 = arith.addi %gather3A_549, %add3A_551 : vector<16xi32>
    %swap3A_553 = arith.constant 4 : i32
    %swap3A_554 = arith.index_cast %swap3A_553 : i32 to index
    %swap3A_555 = arith.constant 48 : index
    %swap3A_556 = tpu.vector_load %arg7[%swap3A_554, %swap3A_555] {strides = array<i32>} : memref<8x128xi32, #tpu.memory_space<vmem>>, vector<16xi32>,
    tpu.vector_store %arg7[%swap3A_554, %swap3A_555], %add3A_552 {strides = array<i32>} : memref<8x128xi32, #tpu.memory_space<vmem>>, vector<16xi32>,
    %add3A_557 = arith.constant 64 : i32
    %add3A_558 = vector.broadcast %add3A_557 : i32 to vector<16xi32>
    %add3A_559 = arith.addi %iota3A, %add3A_558 : vector<16xi32>
    %add3A_560 = arith.constant 200 : i32
    %add3A_561 = vector.broadcast %add3A_560 : i32 to vector<16xi32>
    %add3A_562 = arith.addi %mul3A_34, %add3A_561 : vector<16xi32>
    %gather3A_563 = tpu.vector_load_idx %arg6[%add3A_559, %add3A_562] : memref<128x401xi32, #tpu.memory_space<vmem>>[vector<16xi32>, vector<16xi32>], vector<16xi32>,
    %add3A_564 = arith.constant 400000 : i32
    %add3A_565 = vector.broadcast %add3A_564 : i32 to vector<16xi32>
    %add3A_566 = arith.addi %gather3A_563, %add3A_565 : vector<16xi32>
    %swap3A_567 = arith.constant 4 : i32
    %swap3A_568 = arith.index_cast %swap3A_567 : i32 to index
    %swap3A_569 = arith.constant 64 : index
    %swap3A_570 = tpu.vector_load %arg7[%swap3A_568, %swap3A_569] {strides = array<i32>} : memref<8x128xi32, #tpu.memory_space<vmem>>, vector<16xi32>,
    tpu.vector_store %arg7[%swap3A_568, %swap3A_569], %add3A_566 {strides = array<i32>} : memref<8x128xi32, #tpu.memory_space<vmem>>, vector<16xi32>,
    %add3A_571 = arith.constant 64 : i32
    %add3A_572 = vector.broadcast %add3A_571 : i32 to vector<16xi32>
    %add3A_573 = arith.addi %iota3A, %add3A_572 : vector<16xi32>
    %add3A_574 = arith.constant 250 : i32
    %add3A_575 = vector.broadcast %add3A_574 : i32 to vector<16xi32>
    %add3A_576 = arith.addi %mul3A_34, %add3A_575 : vector<16xi32>
    %gather3A_577 = tpu.vector_load_idx %arg6[%add3A_573, %add3A_576] : memref<128x401xi32, #tpu.memory_space<vmem>>[vector<16xi32>, vector<16xi32>], vector<16xi32>,
    %add3A_578 = arith.constant 500000 : i32
    %add3A_579 = vector.broadcast %add3A_578 : i32 to vector<16xi32>
    %add3A_580 = arith.addi %gather3A_577, %add3A_579 : vector<16xi32>
    %swap3A_581 = arith.constant 4 : i32
    %swap3A_582 = arith.index_cast %swap3A_581 : i32 to index
    %swap3A_583 = arith.constant 80 : index
    %swap3A_584 = tpu.vector_load %arg7[%swap3A_582, %swap3A_583] {strides = array<i32>} : memref<8x128xi32, #tpu.memory_space<vmem>>, vector<16xi32>,
    tpu.vector_store %arg7[%swap3A_582, %swap3A_583], %add3A_580 {strides = array<i32>} : memref<8x128xi32, #tpu.memory_space<vmem>>, vector<16xi32>,
    %add3A_585 = arith.constant 64 : i32
    %add3A_586 = vector.broadcast %add3A_585 : i32 to vector<16xi32>
    %add3A_587 = arith.addi %iota3A, %add3A_586 : vector<16xi32>
    %add3A_588 = arith.constant 300 : i32
    %add3A_589 = vector.broadcast %add3A_588 : i32 to vector<16xi32>
    %add3A_590 = arith.addi %mul3A_34, %add3A_589 : vector<16xi32>
    %gather3A_591 = tpu.vector_load_idx %arg6[%add3A_587, %add3A_590] : memref<128x401xi32, #tpu.memory_space<vmem>>[vector<16xi32>, vector<16xi32>], vector<16xi32>,
    %add3A_592 = arith.constant 600000 : i32
    %add3A_593 = vector.broadcast %add3A_592 : i32 to vector<16xi32>
    %add3A_594 = arith.addi %gather3A_591, %add3A_593 : vector<16xi32>
    %swap3A_595 = arith.constant 4 : i32
    %swap3A_596 = arith.index_cast %swap3A_595 : i32 to index
    %swap3A_597 = arith.constant 96 : index
    %swap3A_598 = tpu.vector_load %arg7[%swap3A_596, %swap3A_597] {strides = array<i32>} : memref<8x128xi32, #tpu.memory_space<vmem>>, vector<16xi32>,
    tpu.vector_store %arg7[%swap3A_596, %swap3A_597], %add3A_594 {strides = array<i32>} : memref<8x128xi32, #tpu.memory_space<vmem>>, vector<16xi32>,
    %add3A_599 = arith.constant 64 : i32
    %add3A_600 = vector.broadcast %add3A_599 : i32 to vector<16xi32>
    %add3A_601 = arith.addi %iota3A, %add3A_600 : vector<16xi32>
    %add3A_602 = arith.constant 350 : i32
    %add3A_603 = vector.broadcast %add3A_602 : i32 to vector<16xi32>
    %add3A_604 = arith.addi %mul3A_34, %add3A_603 : vector<16xi32>
    %gather3A_605 = tpu.vector_load_idx %arg6[%add3A_601, %add3A_604] : memref<128x401xi32, #tpu.memory_space<vmem>>[vector<16xi32>, vector<16xi32>], vector<16xi32>,
    %add3A_606 = arith.constant 700000 : i32
    %add3A_607 = vector.broadcast %add3A_606 : i32 to vector<16xi32>
    %add3A_608 = arith.addi %gather3A_605, %add3A_607 : vector<16xi32>
    %swap3A_609 = arith.constant 4 : i32
    %swap3A_610 = arith.index_cast %swap3A_609 : i32 to index
    %swap3A_611 = arith.constant 112 : index
    %swap3A_612 = tpu.vector_load %arg7[%swap3A_610, %swap3A_611] {strides = array<i32>} : memref<8x128xi32, #tpu.memory_space<vmem>>, vector<16xi32>,
    tpu.vector_store %arg7[%swap3A_610, %swap3A_611], %add3A_608 {strides = array<i32>} : memref<8x128xi32, #tpu.memory_space<vmem>>, vector<16xi32>,
    %add3A_613 = arith.constant 80 : i32
    %add3A_614 = vector.broadcast %add3A_613 : i32 to vector<16xi32>
    %add3A_615 = arith.addi %iota3A, %add3A_614 : vector<16xi32>
    %add3A_616 = arith.constant 0 : i32
    %add3A_617 = vector.broadcast %add3A_616 : i32 to vector<16xi32>
    %add3A_618 = arith.addi %mul3A_34, %add3A_617 : vector<16xi32>
    %gather3A_619 = tpu.vector_load_idx %arg6[%add3A_615, %add3A_618] : memref<128x401xi32, #tpu.memory_space<vmem>>[vector<16xi32>, vector<16xi32>], vector<16xi32>,
    %add3A_620 = arith.constant 0 : i32
    %add3A_621 = vector.broadcast %add3A_620 : i32 to vector<16xi32>
    %add3A_622 = arith.addi %gather3A_619, %add3A_621 : vector<16xi32>
    %swap3A_623 = arith.constant 5 : i32
    %swap3A_624 = arith.index_cast %swap3A_623 : i32 to index
    %swap3A_625 = arith.constant 0 : index
    %swap3A_626 = tpu.vector_load %arg7[%swap3A_624, %swap3A_625] {strides = array<i32>} : memref<8x128xi32, #tpu.memory_space<vmem>>, vector<16xi32>,
    tpu.vector_store %arg7[%swap3A_624, %swap3A_625], %add3A_622 {strides = array<i32>} : memref<8x128xi32, #tpu.memory_space<vmem>>, vector<16xi32>,
    %add3A_627 = arith.constant 80 : i32
    %add3A_628 = vector.broadcast %add3A_627 : i32 to vector<16xi32>
    %add3A_629 = arith.addi %iota3A, %add3A_628 : vector<16xi32>
    %add3A_630 = arith.constant 50 : i32
    %add3A_631 = vector.broadcast %add3A_630 : i32 to vector<16xi32>
    %add3A_632 = arith.addi %mul3A_34, %add3A_631 : vector<16xi32>
    %gather3A_633 = tpu.vector_load_idx %arg6[%add3A_629, %add3A_632] : memref<128x401xi32, #tpu.memory_space<vmem>>[vector<16xi32>, vector<16xi32>], vector<16xi32>,
    %add3A_634 = arith.constant 100000 : i32
    %add3A_635 = vector.broadcast %add3A_634 : i32 to vector<16xi32>
    %add3A_636 = arith.addi %gather3A_633, %add3A_635 : vector<16xi32>
    %swap3A_637 = arith.constant 5 : i32
    %swap3A_638 = arith.index_cast %swap3A_637 : i32 to index
    %swap3A_639 = arith.constant 16 : index
    %swap3A_640 = tpu.vector_load %arg7[%swap3A_638, %swap3A_639] {strides = array<i32>} : memref<8x128xi32, #tpu.memory_space<vmem>>, vector<16xi32>,
    tpu.vector_store %arg7[%swap3A_638, %swap3A_639], %add3A_636 {strides = array<i32>} : memref<8x128xi32, #tpu.memory_space<vmem>>, vector<16xi32>,
    %add3A_641 = arith.constant 80 : i32
    %add3A_642 = vector.broadcast %add3A_641 : i32 to vector<16xi32>
    %add3A_643 = arith.addi %iota3A, %add3A_642 : vector<16xi32>
    %add3A_644 = arith.constant 100 : i32
    %add3A_645 = vector.broadcast %add3A_644 : i32 to vector<16xi32>
    %add3A_646 = arith.addi %mul3A_34, %add3A_645 : vector<16xi32>
    %gather3A_647 = tpu.vector_load_idx %arg6[%add3A_643, %add3A_646] : memref<128x401xi32, #tpu.memory_space<vmem>>[vector<16xi32>, vector<16xi32>], vector<16xi32>,
    %add3A_648 = arith.constant 200000 : i32
    %add3A_649 = vector.broadcast %add3A_648 : i32 to vector<16xi32>
    %add3A_650 = arith.addi %gather3A_647, %add3A_649 : vector<16xi32>
    %swap3A_651 = arith.constant 5 : i32
    %swap3A_652 = arith.index_cast %swap3A_651 : i32 to index
    %swap3A_653 = arith.constant 32 : index
    %swap3A_654 = tpu.vector_load %arg7[%swap3A_652, %swap3A_653] {strides = array<i32>} : memref<8x128xi32, #tpu.memory_space<vmem>>, vector<16xi32>,
    tpu.vector_store %arg7[%swap3A_652, %swap3A_653], %add3A_650 {strides = array<i32>} : memref<8x128xi32, #tpu.memory_space<vmem>>, vector<16xi32>,
    %add3A_655 = arith.constant 80 : i32
    %add3A_656 = vector.broadcast %add3A_655 : i32 to vector<16xi32>
    %add3A_657 = arith.addi %iota3A, %add3A_656 : vector<16xi32>
    %add3A_658 = arith.constant 150 : i32
    %add3A_659 = vector.broadcast %add3A_658 : i32 to vector<16xi32>
    %add3A_660 = arith.addi %mul3A_34, %add3A_659 : vector<16xi32>
    %gather3A_661 = tpu.vector_load_idx %arg6[%add3A_657, %add3A_660] : memref<128x401xi32, #tpu.memory_space<vmem>>[vector<16xi32>, vector<16xi32>], vector<16xi32>,
    %add3A_662 = arith.constant 300000 : i32
    %add3A_663 = vector.broadcast %add3A_662 : i32 to vector<16xi32>
    %add3A_664 = arith.addi %gather3A_661, %add3A_663 : vector<16xi32>
    %swap3A_665 = arith.constant 5 : i32
    %swap3A_666 = arith.index_cast %swap3A_665 : i32 to index
    %swap3A_667 = arith.constant 48 : index
    %swap3A_668 = tpu.vector_load %arg7[%swap3A_666, %swap3A_667] {strides = array<i32>} : memref<8x128xi32, #tpu.memory_space<vmem>>, vector<16xi32>,
    tpu.vector_store %arg7[%swap3A_666, %swap3A_667], %add3A_664 {strides = array<i32>} : memref<8x128xi32, #tpu.memory_space<vmem>>, vector<16xi32>,
    %add3A_669 = arith.constant 80 : i32
    %add3A_670 = vector.broadcast %add3A_669 : i32 to vector<16xi32>
    %add3A_671 = arith.addi %iota3A, %add3A_670 : vector<16xi32>
    %add3A_672 = arith.constant 200 : i32
    %add3A_673 = vector.broadcast %add3A_672 : i32 to vector<16xi32>
    %add3A_674 = arith.addi %mul3A_34, %add3A_673 : vector<16xi32>
    %gather3A_675 = tpu.vector_load_idx %arg6[%add3A_671, %add3A_674] : memref<128x401xi32, #tpu.memory_space<vmem>>[vector<16xi32>, vector<16xi32>], vector<16xi32>,
    %add3A_676 = arith.constant 400000 : i32
    %add3A_677 = vector.broadcast %add3A_676 : i32 to vector<16xi32>
    %add3A_678 = arith.addi %gather3A_675, %add3A_677 : vector<16xi32>
    %swap3A_679 = arith.constant 5 : i32
    %swap3A_680 = arith.index_cast %swap3A_679 : i32 to index
    %swap3A_681 = arith.constant 64 : index
    %swap3A_682 = tpu.vector_load %arg7[%swap3A_680, %swap3A_681] {strides = array<i32>} : memref<8x128xi32, #tpu.memory_space<vmem>>, vector<16xi32>,
    tpu.vector_store %arg7[%swap3A_680, %swap3A_681], %add3A_678 {strides = array<i32>} : memref<8x128xi32, #tpu.memory_space<vmem>>, vector<16xi32>,
    %add3A_683 = arith.constant 80 : i32
    %add3A_684 = vector.broadcast %add3A_683 : i32 to vector<16xi32>
    %add3A_685 = arith.addi %iota3A, %add3A_684 : vector<16xi32>
    %add3A_686 = arith.constant 250 : i32
    %add3A_687 = vector.broadcast %add3A_686 : i32 to vector<16xi32>
    %add3A_688 = arith.addi %mul3A_34, %add3A_687 : vector<16xi32>
    %gather3A_689 = tpu.vector_load_idx %arg6[%add3A_685, %add3A_688] : memref<128x401xi32, #tpu.memory_space<vmem>>[vector<16xi32>, vector<16xi32>], vector<16xi32>,
    %add3A_690 = arith.constant 500000 : i32
    %add3A_691 = vector.broadcast %add3A_690 : i32 to vector<16xi32>
    %add3A_692 = arith.addi %gather3A_689, %add3A_691 : vector<16xi32>
    %swap3A_693 = arith.constant 5 : i32
    %swap3A_694 = arith.index_cast %swap3A_693 : i32 to index
    %swap3A_695 = arith.constant 80 : index
    %swap3A_696 = tpu.vector_load %arg7[%swap3A_694, %swap3A_695] {strides = array<i32>} : memref<8x128xi32, #tpu.memory_space<vmem>>, vector<16xi32>,
    tpu.vector_store %arg7[%swap3A_694, %swap3A_695], %add3A_692 {strides = array<i32>} : memref<8x128xi32, #tpu.memory_space<vmem>>, vector<16xi32>,
    %add3A_697 = arith.constant 80 : i32
    %add3A_698 = vector.broadcast %add3A_697 : i32 to vector<16xi32>
    %add3A_699 = arith.addi %iota3A, %add3A_698 : vector<16xi32>
    %add3A_700 = arith.constant 300 : i32
    %add3A_701 = vector.broadcast %add3A_700 : i32 to vector<16xi32>
    %add3A_702 = arith.addi %mul3A_34, %add3A_701 : vector<16xi32>
    %gather3A_703 = tpu.vector_load_idx %arg6[%add3A_699, %add3A_702] : memref<128x401xi32, #tpu.memory_space<vmem>>[vector<16xi32>, vector<16xi32>], vector<16xi32>,
    %add3A_704 = arith.constant 600000 : i32
    %add3A_705 = vector.broadcast %add3A_704 : i32 to vector<16xi32>
    %add3A_706 = arith.addi %gather3A_703, %add3A_705 : vector<16xi32>
    %swap3A_707 = arith.constant 5 : i32
    %swap3A_708 = arith.index_cast %swap3A_707 : i32 to index
    %swap3A_709 = arith.constant 96 : index
    %swap3A_710 = tpu.vector_load %arg7[%swap3A_708, %swap3A_709] {strides = array<i32>} : memref<8x128xi32, #tpu.memory_space<vmem>>, vector<16xi32>,
    tpu.vector_store %arg7[%swap3A_708, %swap3A_709], %add3A_706 {strides = array<i32>} : memref<8x128xi32, #tpu.memory_space<vmem>>, vector<16xi32>,
    %add3A_711 = arith.constant 80 : i32
    %add3A_712 = vector.broadcast %add3A_711 : i32 to vector<16xi32>
    %add3A_713 = arith.addi %iota3A, %add3A_712 : vector<16xi32>
    %add3A_714 = arith.constant 350 : i32
    %add3A_715 = vector.broadcast %add3A_714 : i32 to vector<16xi32>
    %add3A_716 = arith.addi %mul3A_34, %add3A_715 : vector<16xi32>
    %gather3A_717 = tpu.vector_load_idx %arg6[%add3A_713, %add3A_716] : memref<128x401xi32, #tpu.memory_space<vmem>>[vector<16xi32>, vector<16xi32>], vector<16xi32>,
    %add3A_718 = arith.constant 700000 : i32
    %add3A_719 = vector.broadcast %add3A_718 : i32 to vector<16xi32>
    %add3A_720 = arith.addi %gather3A_717, %add3A_719 : vector<16xi32>
    %swap3A_721 = arith.constant 5 : i32
    %swap3A_722 = arith.index_cast %swap3A_721 : i32 to index
    %swap3A_723 = arith.constant 112 : index
    %swap3A_724 = tpu.vector_load %arg7[%swap3A_722, %swap3A_723] {strides = array<i32>} : memref<8x128xi32, #tpu.memory_space<vmem>>, vector<16xi32>,
    tpu.vector_store %arg7[%swap3A_722, %swap3A_723], %add3A_720 {strides = array<i32>} : memref<8x128xi32, #tpu.memory_space<vmem>>, vector<16xi32>,
    %add3A_725 = arith.constant 96 : i32
    %add3A_726 = vector.broadcast %add3A_725 : i32 to vector<16xi32>
    %add3A_727 = arith.addi %iota3A, %add3A_726 : vector<16xi32>
    %add3A_728 = arith.constant 0 : i32
    %add3A_729 = vector.broadcast %add3A_728 : i32 to vector<16xi32>
    %add3A_730 = arith.addi %mul3A_34, %add3A_729 : vector<16xi32>
    %gather3A_731 = tpu.vector_load_idx %arg6[%add3A_727, %add3A_730] : memref<128x401xi32, #tpu.memory_space<vmem>>[vector<16xi32>, vector<16xi32>], vector<16xi32>,
    %add3A_732 = arith.constant 0 : i32
    %add3A_733 = vector.broadcast %add3A_732 : i32 to vector<16xi32>
    %add3A_734 = arith.addi %gather3A_731, %add3A_733 : vector<16xi32>
    %swap3A_735 = arith.constant 6 : i32
    %swap3A_736 = arith.index_cast %swap3A_735 : i32 to index
    %swap3A_737 = arith.constant 0 : index
    %swap3A_738 = tpu.vector_load %arg7[%swap3A_736, %swap3A_737] {strides = array<i32>} : memref<8x128xi32, #tpu.memory_space<vmem>>, vector<16xi32>,
    tpu.vector_store %arg7[%swap3A_736, %swap3A_737], %add3A_734 {strides = array<i32>} : memref<8x128xi32, #tpu.memory_space<vmem>>, vector<16xi32>,
    %add3A_739 = arith.constant 96 : i32
    %add3A_740 = vector.broadcast %add3A_739 : i32 to vector<16xi32>
    %add3A_741 = arith.addi %iota3A, %add3A_740 : vector<16xi32>
    %add3A_742 = arith.constant 50 : i32
    %add3A_743 = vector.broadcast %add3A_742 : i32 to vector<16xi32>
    %add3A_744 = arith.addi %mul3A_34, %add3A_743 : vector<16xi32>
    %gather3A_745 = tpu.vector_load_idx %arg6[%add3A_741, %add3A_744] : memref<128x401xi32, #tpu.memory_space<vmem>>[vector<16xi32>, vector<16xi32>], vector<16xi32>,
    %add3A_746 = arith.constant 100000 : i32
    %add3A_747 = vector.broadcast %add3A_746 : i32 to vector<16xi32>
    %add3A_748 = arith.addi %gather3A_745, %add3A_747 : vector<16xi32>
    %swap3A_749 = arith.constant 6 : i32
    %swap3A_750 = arith.index_cast %swap3A_749 : i32 to index
    %swap3A_751 = arith.constant 16 : index
    %swap3A_752 = tpu.vector_load %arg7[%swap3A_750, %swap3A_751] {strides = array<i32>} : memref<8x128xi32, #tpu.memory_space<vmem>>, vector<16xi32>,
    tpu.vector_store %arg7[%swap3A_750, %swap3A_751], %add3A_748 {strides = array<i32>} : memref<8x128xi32, #tpu.memory_space<vmem>>, vector<16xi32>,
    %add3A_753 = arith.constant 96 : i32
    %add3A_754 = vector.broadcast %add3A_753 : i32 to vector<16xi32>
    %add3A_755 = arith.addi %iota3A, %add3A_754 : vector<16xi32>
    %add3A_756 = arith.constant 100 : i32
    %add3A_757 = vector.broadcast %add3A_756 : i32 to vector<16xi32>
    %add3A_758 = arith.addi %mul3A_34, %add3A_757 : vector<16xi32>
    %gather3A_759 = tpu.vector_load_idx %arg6[%add3A_755, %add3A_758] : memref<128x401xi32, #tpu.memory_space<vmem>>[vector<16xi32>, vector<16xi32>], vector<16xi32>,
    %add3A_760 = arith.constant 200000 : i32
    %add3A_761 = vector.broadcast %add3A_760 : i32 to vector<16xi32>
    %add3A_762 = arith.addi %gather3A_759, %add3A_761 : vector<16xi32>
    %swap3A_763 = arith.constant 6 : i32
    %swap3A_764 = arith.index_cast %swap3A_763 : i32 to index
    %swap3A_765 = arith.constant 32 : index
    %swap3A_766 = tpu.vector_load %arg7[%swap3A_764, %swap3A_765] {strides = array<i32>} : memref<8x128xi32, #tpu.memory_space<vmem>>, vector<16xi32>,
    tpu.vector_store %arg7[%swap3A_764, %swap3A_765], %add3A_762 {strides = array<i32>} : memref<8x128xi32, #tpu.memory_space<vmem>>, vector<16xi32>,
    %add3A_767 = arith.constant 96 : i32
    %add3A_768 = vector.broadcast %add3A_767 : i32 to vector<16xi32>
    %add3A_769 = arith.addi %iota3A, %add3A_768 : vector<16xi32>
    %add3A_770 = arith.constant 150 : i32
    %add3A_771 = vector.broadcast %add3A_770 : i32 to vector<16xi32>
    %add3A_772 = arith.addi %mul3A_34, %add3A_771 : vector<16xi32>
    %gather3A_773 = tpu.vector_load_idx %arg6[%add3A_769, %add3A_772] : memref<128x401xi32, #tpu.memory_space<vmem>>[vector<16xi32>, vector<16xi32>], vector<16xi32>,
    %add3A_774 = arith.constant 300000 : i32
    %add3A_775 = vector.broadcast %add3A_774 : i32 to vector<16xi32>
    %add3A_776 = arith.addi %gather3A_773, %add3A_775 : vector<16xi32>
    %swap3A_777 = arith.constant 6 : i32
    %swap3A_778 = arith.index_cast %swap3A_777 : i32 to index
    %swap3A_779 = arith.constant 48 : index
    %swap3A_780 = tpu.vector_load %arg7[%swap3A_778, %swap3A_779] {strides = array<i32>} : memref<8x128xi32, #tpu.memory_space<vmem>>, vector<16xi32>,
    tpu.vector_store %arg7[%swap3A_778, %swap3A_779], %add3A_776 {strides = array<i32>} : memref<8x128xi32, #tpu.memory_space<vmem>>, vector<16xi32>,
    %add3A_781 = arith.constant 96 : i32
    %add3A_782 = vector.broadcast %add3A_781 : i32 to vector<16xi32>
    %add3A_783 = arith.addi %iota3A, %add3A_782 : vector<16xi32>
    %add3A_784 = arith.constant 200 : i32
    %add3A_785 = vector.broadcast %add3A_784 : i32 to vector<16xi32>
    %add3A_786 = arith.addi %mul3A_34, %add3A_785 : vector<16xi32>
    %gather3A_787 = tpu.vector_load_idx %arg6[%add3A_783, %add3A_786] : memref<128x401xi32, #tpu.memory_space<vmem>>[vector<16xi32>, vector<16xi32>], vector<16xi32>,
    %add3A_788 = arith.constant 400000 : i32
    %add3A_789 = vector.broadcast %add3A_788 : i32 to vector<16xi32>
    %add3A_790 = arith.addi %gather3A_787, %add3A_789 : vector<16xi32>
    %swap3A_791 = arith.constant 6 : i32
    %swap3A_792 = arith.index_cast %swap3A_791 : i32 to index
    %swap3A_793 = arith.constant 64 : index
    %swap3A_794 = tpu.vector_load %arg7[%swap3A_792, %swap3A_793] {strides = array<i32>} : memref<8x128xi32, #tpu.memory_space<vmem>>, vector<16xi32>,
    tpu.vector_store %arg7[%swap3A_792, %swap3A_793], %add3A_790 {strides = array<i32>} : memref<8x128xi32, #tpu.memory_space<vmem>>, vector<16xi32>,
    %add3A_795 = arith.constant 96 : i32
    %add3A_796 = vector.broadcast %add3A_795 : i32 to vector<16xi32>
    %add3A_797 = arith.addi %iota3A, %add3A_796 : vector<16xi32>
    %add3A_798 = arith.constant 250 : i32
    %add3A_799 = vector.broadcast %add3A_798 : i32 to vector<16xi32>
    %add3A_800 = arith.addi %mul3A_34, %add3A_799 : vector<16xi32>
    %gather3A_801 = tpu.vector_load_idx %arg6[%add3A_797, %add3A_800] : memref<128x401xi32, #tpu.memory_space<vmem>>[vector<16xi32>, vector<16xi32>], vector<16xi32>,
    %add3A_802 = arith.constant 500000 : i32
    %add3A_803 = vector.broadcast %add3A_802 : i32 to vector<16xi32>
    %add3A_804 = arith.addi %gather3A_801, %add3A_803 : vector<16xi32>
    %swap3A_805 = arith.constant 6 : i32
    %swap3A_806 = arith.index_cast %swap3A_805 : i32 to index
    %swap3A_807 = arith.constant 80 : index
    %swap3A_808 = tpu.vector_load %arg7[%swap3A_806, %swap3A_807] {strides = array<i32>} : memref<8x128xi32, #tpu.memory_space<vmem>>, vector<16xi32>,
    tpu.vector_store %arg7[%swap3A_806, %swap3A_807], %add3A_804 {strides = array<i32>} : memref<8x128xi32, #tpu.memory_space<vmem>>, vector<16xi32>,
    %add3A_809 = arith.constant 96 : i32
    %add3A_810 = vector.broadcast %add3A_809 : i32 to vector<16xi32>
    %add3A_811 = arith.addi %iota3A, %add3A_810 : vector<16xi32>
    %add3A_812 = arith.constant 300 : i32
    %add3A_813 = vector.broadcast %add3A_812 : i32 to vector<16xi32>
    %add3A_814 = arith.addi %mul3A_34, %add3A_813 : vector<16xi32>
    %gather3A_815 = tpu.vector_load_idx %arg6[%add3A_811, %add3A_814] : memref<128x401xi32, #tpu.memory_space<vmem>>[vector<16xi32>, vector<16xi32>], vector<16xi32>,
    %add3A_816 = arith.constant 600000 : i32
    %add3A_817 = vector.broadcast %add3A_816 : i32 to vector<16xi32>
    %add3A_818 = arith.addi %gather3A_815, %add3A_817 : vector<16xi32>
    %swap3A_819 = arith.constant 6 : i32
    %swap3A_820 = arith.index_cast %swap3A_819 : i32 to index
    %swap3A_821 = arith.constant 96 : index
    %swap3A_822 = tpu.vector_load %arg7[%swap3A_820, %swap3A_821] {strides = array<i32>} : memref<8x128xi32, #tpu.memory_space<vmem>>, vector<16xi32>,
    tpu.vector_store %arg7[%swap3A_820, %swap3A_821], %add3A_818 {strides = array<i32>} : memref<8x128xi32, #tpu.memory_space<vmem>>, vector<16xi32>,
    %add3A_823 = arith.constant 96 : i32
    %add3A_824 = vector.broadcast %add3A_823 : i32 to vector<16xi32>
    %add3A_825 = arith.addi %iota3A, %add3A_824 : vector<16xi32>
    %add3A_826 = arith.constant 350 : i32
    %add3A_827 = vector.broadcast %add3A_826 : i32 to vector<16xi32>
    %add3A_828 = arith.addi %mul3A_34, %add3A_827 : vector<16xi32>
    %gather3A_829 = tpu.vector_load_idx %arg6[%add3A_825, %add3A_828] : memref<128x401xi32, #tpu.memory_space<vmem>>[vector<16xi32>, vector<16xi32>], vector<16xi32>,
    %add3A_830 = arith.constant 700000 : i32
    %add3A_831 = vector.broadcast %add3A_830 : i32 to vector<16xi32>
    %add3A_832 = arith.addi %gather3A_829, %add3A_831 : vector<16xi32>
    %swap3A_833 = arith.constant 6 : i32
    %swap3A_834 = arith.index_cast %swap3A_833 : i32 to index
    %swap3A_835 = arith.constant 112 : index
    %swap3A_836 = tpu.vector_load %arg7[%swap3A_834, %swap3A_835] {strides = array<i32>} : memref<8x128xi32, #tpu.memory_space<vmem>>, vector<16xi32>,
    tpu.vector_store %arg7[%swap3A_834, %swap3A_835], %add3A_832 {strides = array<i32>} : memref<8x128xi32, #tpu.memory_space<vmem>>, vector<16xi32>,
    %add3A_837 = arith.constant 112 : i32
    %add3A_838 = vector.broadcast %add3A_837 : i32 to vector<16xi32>
    %add3A_839 = arith.addi %iota3A, %add3A_838 : vector<16xi32>
    %add3A_840 = arith.constant 0 : i32
    %add3A_841 = vector.broadcast %add3A_840 : i32 to vector<16xi32>
    %add3A_842 = arith.addi %mul3A_34, %add3A_841 : vector<16xi32>
    %gather3A_843 = tpu.vector_load_idx %arg6[%add3A_839, %add3A_842] : memref<128x401xi32, #tpu.memory_space<vmem>>[vector<16xi32>, vector<16xi32>], vector<16xi32>,
    %add3A_844 = arith.constant 0 : i32
    %add3A_845 = vector.broadcast %add3A_844 : i32 to vector<16xi32>
    %add3A_846 = arith.addi %gather3A_843, %add3A_845 : vector<16xi32>
    %swap3A_847 = arith.constant 7 : i32
    %swap3A_848 = arith.index_cast %swap3A_847 : i32 to index
    %swap3A_849 = arith.constant 0 : index
    %swap3A_850 = tpu.vector_load %arg7[%swap3A_848, %swap3A_849] {strides = array<i32>} : memref<8x128xi32, #tpu.memory_space<vmem>>, vector<16xi32>,
    tpu.vector_store %arg7[%swap3A_848, %swap3A_849], %add3A_846 {strides = array<i32>} : memref<8x128xi32, #tpu.memory_space<vmem>>, vector<16xi32>,
    %add3A_851 = arith.constant 112 : i32
    %add3A_852 = vector.broadcast %add3A_851 : i32 to vector<16xi32>
    %add3A_853 = arith.addi %iota3A, %add3A_852 : vector<16xi32>
    %add3A_854 = arith.constant 50 : i32
    %add3A_855 = vector.broadcast %add3A_854 : i32 to vector<16xi32>
    %add3A_856 = arith.addi %mul3A_34, %add3A_855 : vector<16xi32>
    %gather3A_857 = tpu.vector_load_idx %arg6[%add3A_853, %add3A_856] : memref<128x401xi32, #tpu.memory_space<vmem>>[vector<16xi32>, vector<16xi32>], vector<16xi32>,
    %add3A_858 = arith.constant 100000 : i32
    %add3A_859 = vector.broadcast %add3A_858 : i32 to vector<16xi32>
    %add3A_860 = arith.addi %gather3A_857, %add3A_859 : vector<16xi32>
    %swap3A_861 = arith.constant 7 : i32
    %swap3A_862 = arith.index_cast %swap3A_861 : i32 to index
    %swap3A_863 = arith.constant 16 : index
    %swap3A_864 = tpu.vector_load %arg7[%swap3A_862, %swap3A_863] {strides = array<i32>} : memref<8x128xi32, #tpu.memory_space<vmem>>, vector<16xi32>,
    tpu.vector_store %arg7[%swap3A_862, %swap3A_863], %add3A_860 {strides = array<i32>} : memref<8x128xi32, #tpu.memory_space<vmem>>, vector<16xi32>,
    %add3A_865 = arith.constant 112 : i32
    %add3A_866 = vector.broadcast %add3A_865 : i32 to vector<16xi32>
    %add3A_867 = arith.addi %iota3A, %add3A_866 : vector<16xi32>
    %add3A_868 = arith.constant 100 : i32
    %add3A_869 = vector.broadcast %add3A_868 : i32 to vector<16xi32>
    %add3A_870 = arith.addi %mul3A_34, %add3A_869 : vector<16xi32>
    %gather3A_871 = tpu.vector_load_idx %arg6[%add3A_867, %add3A_870] : memref<128x401xi32, #tpu.memory_space<vmem>>[vector<16xi32>, vector<16xi32>], vector<16xi32>,
    %add3A_872 = arith.constant 200000 : i32
    %add3A_873 = vector.broadcast %add3A_872 : i32 to vector<16xi32>
    %add3A_874 = arith.addi %gather3A_871, %add3A_873 : vector<16xi32>
    %swap3A_875 = arith.constant 7 : i32
    %swap3A_876 = arith.index_cast %swap3A_875 : i32 to index
    %swap3A_877 = arith.constant 32 : index
    %swap3A_878 = tpu.vector_load %arg7[%swap3A_876, %swap3A_877] {strides = array<i32>} : memref<8x128xi32, #tpu.memory_space<vmem>>, vector<16xi32>,
    tpu.vector_store %arg7[%swap3A_876, %swap3A_877], %add3A_874 {strides = array<i32>} : memref<8x128xi32, #tpu.memory_space<vmem>>, vector<16xi32>,
    %add3A_879 = arith.constant 112 : i32
    %add3A_880 = vector.broadcast %add3A_879 : i32 to vector<16xi32>
    %add3A_881 = arith.addi %iota3A, %add3A_880 : vector<16xi32>
    %add3A_882 = arith.constant 150 : i32
    %add3A_883 = vector.broadcast %add3A_882 : i32 to vector<16xi32>
    %add3A_884 = arith.addi %mul3A_34, %add3A_883 : vector<16xi32>
    %gather3A_885 = tpu.vector_load_idx %arg6[%add3A_881, %add3A_884] : memref<128x401xi32, #tpu.memory_space<vmem>>[vector<16xi32>, vector<16xi32>], vector<16xi32>,
    %add3A_886 = arith.constant 300000 : i32
    %add3A_887 = vector.broadcast %add3A_886 : i32 to vector<16xi32>
    %add3A_888 = arith.addi %gather3A_885, %add3A_887 : vector<16xi32>
    %swap3A_889 = arith.constant 7 : i32
    %swap3A_890 = arith.index_cast %swap3A_889 : i32 to index
    %swap3A_891 = arith.constant 48 : index
    %swap3A_892 = tpu.vector_load %arg7[%swap3A_890, %swap3A_891] {strides = array<i32>} : memref<8x128xi32, #tpu.memory_space<vmem>>, vector<16xi32>,
    tpu.vector_store %arg7[%swap3A_890, %swap3A_891], %add3A_888 {strides = array<i32>} : memref<8x128xi32, #tpu.memory_space<vmem>>, vector<16xi32>,
    %add3A_893 = arith.constant 112 : i32
    %add3A_894 = vector.broadcast %add3A_893 : i32 to vector<16xi32>
    %add3A_895 = arith.addi %iota3A, %add3A_894 : vector<16xi32>
    %add3A_896 = arith.constant 200 : i32
    %add3A_897 = vector.broadcast %add3A_896 : i32 to vector<16xi32>
    %add3A_898 = arith.addi %mul3A_34, %add3A_897 : vector<16xi32>
    %gather3A_899 = tpu.vector_load_idx %arg6[%add3A_895, %add3A_898] : memref<128x401xi32, #tpu.memory_space<vmem>>[vector<16xi32>, vector<16xi32>], vector<16xi32>,
    %add3A_900 = arith.constant 400000 : i32
    %add3A_901 = vector.broadcast %add3A_900 : i32 to vector<16xi32>
    %add3A_902 = arith.addi %gather3A_899, %add3A_901 : vector<16xi32>
    %swap3A_903 = arith.constant 7 : i32
    %swap3A_904 = arith.index_cast %swap3A_903 : i32 to index
    %swap3A_905 = arith.constant 64 : index
    %swap3A_906 = tpu.vector_load %arg7[%swap3A_904, %swap3A_905] {strides = array<i32>} : memref<8x128xi32, #tpu.memory_space<vmem>>, vector<16xi32>,
    tpu.vector_store %arg7[%swap3A_904, %swap3A_905], %add3A_902 {strides = array<i32>} : memref<8x128xi32, #tpu.memory_space<vmem>>, vector<16xi32>,
    %add3A_907 = arith.constant 112 : i32
    %add3A_908 = vector.broadcast %add3A_907 : i32 to vector<16xi32>
    %add3A_909 = arith.addi %iota3A, %add3A_908 : vector<16xi32>
    %add3A_910 = arith.constant 250 : i32
    %add3A_911 = vector.broadcast %add3A_910 : i32 to vector<16xi32>
    %add3A_912 = arith.addi %mul3A_34, %add3A_911 : vector<16xi32>
    %gather3A_913 = tpu.vector_load_idx %arg6[%add3A_909, %add3A_912] : memref<128x401xi32, #tpu.memory_space<vmem>>[vector<16xi32>, vector<16xi32>], vector<16xi32>,
    %add3A_914 = arith.constant 500000 : i32
    %add3A_915 = vector.broadcast %add3A_914 : i32 to vector<16xi32>
    %add3A_916 = arith.addi %gather3A_913, %add3A_915 : vector<16xi32>
    %swap3A_917 = arith.constant 7 : i32
    %swap3A_918 = arith.index_cast %swap3A_917 : i32 to index
    %swap3A_919 = arith.constant 80 : index
    %swap3A_920 = tpu.vector_load %arg7[%swap3A_918, %swap3A_919] {strides = array<i32>} : memref<8x128xi32, #tpu.memory_space<vmem>>, vector<16xi32>,
    tpu.vector_store %arg7[%swap3A_918, %swap3A_919], %add3A_916 {strides = array<i32>} : memref<8x128xi32, #tpu.memory_space<vmem>>, vector<16xi32>,
    %add3A_921 = arith.constant 112 : i32
    %add3A_922 = vector.broadcast %add3A_921 : i32 to vector<16xi32>
    %add3A_923 = arith.addi %iota3A, %add3A_922 : vector<16xi32>
    %add3A_924 = arith.constant 300 : i32
    %add3A_925 = vector.broadcast %add3A_924 : i32 to vector<16xi32>
    %add3A_926 = arith.addi %mul3A_34, %add3A_925 : vector<16xi32>
    %gather3A_927 = tpu.vector_load_idx %arg6[%add3A_923, %add3A_926] : memref<128x401xi32, #tpu.memory_space<vmem>>[vector<16xi32>, vector<16xi32>], vector<16xi32>,
    %add3A_928 = arith.constant 600000 : i32
    %add3A_929 = vector.broadcast %add3A_928 : i32 to vector<16xi32>
    %add3A_930 = arith.addi %gather3A_927, %add3A_929 : vector<16xi32>
    %swap3A_931 = arith.constant 7 : i32
    %swap3A_932 = arith.index_cast %swap3A_931 : i32 to index
    %swap3A_933 = arith.constant 96 : index
    %swap3A_934 = tpu.vector_load %arg7[%swap3A_932, %swap3A_933] {strides = array<i32>} : memref<8x128xi32, #tpu.memory_space<vmem>>, vector<16xi32>,
    tpu.vector_store %arg7[%swap3A_932, %swap3A_933], %add3A_930 {strides = array<i32>} : memref<8x128xi32, #tpu.memory_space<vmem>>, vector<16xi32>,
    %add3A_935 = arith.constant 112 : i32
    %add3A_936 = vector.broadcast %add3A_935 : i32 to vector<16xi32>
    %add3A_937 = arith.addi %iota3A, %add3A_936 : vector<16xi32>
    %add3A_938 = arith.constant 350 : i32
    %add3A_939 = vector.broadcast %add3A_938 : i32 to vector<16xi32>
    %add3A_940 = arith.addi %mul3A_34, %add3A_939 : vector<16xi32>
    %gather3A_941 = tpu.vector_load_idx %arg6[%add3A_937, %add3A_940] : memref<128x401xi32, #tpu.memory_space<vmem>>[vector<16xi32>, vector<16xi32>], vector<16xi32>,
    %add3A_942 = arith.constant 700000 : i32
    %add3A_943 = vector.broadcast %add3A_942 : i32 to vector<16xi32>
    %add3A_944 = arith.addi %gather3A_941, %add3A_943 : vector<16xi32>
    %swap3A_945 = arith.constant 7 : i32
    %swap3A_946 = arith.index_cast %swap3A_945 : i32 to index
    %swap3A_947 = arith.constant 112 : index
    %swap3A_948 = tpu.vector_load %arg7[%swap3A_946, %swap3A_947] {strides = array<i32>} : memref<8x128xi32, #tpu.memory_space<vmem>>, vector<16xi32>,
    tpu.vector_store %arg7[%swap3A_946, %swap3A_947], %add3A_944 {strides = array<i32>} : memref<8x128xi32, #tpu.memory_space<vmem>>, vector<16xi32>,
    %dma_start3A_949 = arith.constant 0 : i32
    %dma_start3A_950 = arith.constant 0 : i32
    %dma_start3A_951 = arith.constant 0 : i32
    %dma_start3A_952 = tpu.memref_slice %arg9[%dma_start3A_950, %dma_start3A_951] : memref<1024x32xf32, #tpu.memory_space<vmem>> -> memref<128x32xf32, #tpu.memory_space<vmem>>
    %dma_start3A_953 = arith.constant 0 : i32
    %dma_start3A_954 = tpu.memref_slice %arg7[%dma_start3A_949, %dma_start3A_953] : memref<8x128xi32, #tpu.memory_space<vmem>> -> memref<1x128xi32, #tpu.memory_space<vmem>>
    %dma_start3A_955 = tpu.memref_squeeze %dma_start3A_954 : memref<1x128xi32, #tpu.memory_space<vmem>> -> memref<128xi32, #tpu.memory_space<vmem>>
    %dma_start3A_956 = arith.constant 0 : i32
    %dma_start3A_957 = arith.constant 0 : i32
    %dma_start3A_958 = tpu.memref_slice %arg3[%dma_start3A_956, %dma_start3A_957] : memref<800000x32xf32, #tpu.memory_space<hbm>> -> memref<800000x32xf32, #tpu.memory_space<hbm>>
    tpu.enqueue_indirect_dma source(%dma_start3A_958 : memref<800000x32xf32, #tpu.memory_space<hbm>>) target(%dma_start3A_952 : memref<128x32xf32, #tpu.memory_space<vmem>>) offsets(%dma_start3A_955 : memref<128xi32, #tpu.memory_space<vmem>>) semaphore(%arg15 : memref<!tpu.dma_semaphore, #tpu.memory_space<semaphore_mem>>)
    %dma_start3A_959 = arith.constant 1 : i32
    %dma_start3A_960 = arith.constant 128 : i32
    %dma_start3A_961 = arith.constant 0 : i32
    %dma_start3A_962 = tpu.memref_slice %arg9[%dma_start3A_960, %dma_start3A_961] : memref<1024x32xf32, #tpu.memory_space<vmem>> -> memref<128x32xf32, #tpu.memory_space<vmem>>
    %dma_start3A_963 = arith.constant 0 : i32
    %dma_start3A_964 = tpu.memref_slice %arg7[%dma_start3A_959, %dma_start3A_963] : memref<8x128xi32, #tpu.memory_space<vmem>> -> memref<1x128xi32, #tpu.memory_space<vmem>>
    %dma_start3A_965 = tpu.memref_squeeze %dma_start3A_964 : memref<1x128xi32, #tpu.memory_space<vmem>> -> memref<128xi32, #tpu.memory_space<vmem>>
    %dma_start3A_966 = arith.constant 0 : i32
    %dma_start3A_967 = arith.constant 0 : i32
    %dma_start3A_968 = tpu.memref_slice %arg3[%dma_start3A_966, %dma_start3A_967] : memref<800000x32xf32, #tpu.memory_space<hbm>> -> memref<800000x32xf32, #tpu.memory_space<hbm>>
    tpu.enqueue_indirect_dma source(%dma_start3A_968 : memref<800000x32xf32, #tpu.memory_space<hbm>>) target(%dma_start3A_962 : memref<128x32xf32, #tpu.memory_space<vmem>>) offsets(%dma_start3A_965 : memref<128xi32, #tpu.memory_space<vmem>>) semaphore(%arg15 : memref<!tpu.dma_semaphore, #tpu.memory_space<semaphore_mem>>)
    %dma_start3A_969 = arith.constant 2 : i32
    %dma_start3A_970 = arith.constant 256 : i32
    %dma_start3A_971 = arith.constant 0 : i32
    %dma_start3A_972 = tpu.memref_slice %arg9[%dma_start3A_970, %dma_start3A_971] : memref<1024x32xf32, #tpu.memory_space<vmem>> -> memref<128x32xf32, #tpu.memory_space<vmem>>
    %dma_start3A_973 = arith.constant 0 : i32
    %dma_start3A_974 = tpu.memref_slice %arg7[%dma_start3A_969, %dma_start3A_973] : memref<8x128xi32, #tpu.memory_space<vmem>> -> memref<1x128xi32, #tpu.memory_space<vmem>>
    %dma_start3A_975 = tpu.memref_squeeze %dma_start3A_974 : memref<1x128xi32, #tpu.memory_space<vmem>> -> memref<128xi32, #tpu.memory_space<vmem>>
    %dma_start3A_976 = arith.constant 0 : i32
    %dma_start3A_977 = arith.constant 0 : i32
    %dma_start3A_978 = tpu.memref_slice %arg3[%dma_start3A_976, %dma_start3A_977] : memref<800000x32xf32, #tpu.memory_space<hbm>> -> memref<800000x32xf32, #tpu.memory_space<hbm>>
    tpu.enqueue_indirect_dma source(%dma_start3A_978 : memref<800000x32xf32, #tpu.memory_space<hbm>>) target(%dma_start3A_972 : memref<128x32xf32, #tpu.memory_space<vmem>>) offsets(%dma_start3A_975 : memref<128xi32, #tpu.memory_space<vmem>>) semaphore(%arg15 : memref<!tpu.dma_semaphore, #tpu.memory_space<semaphore_mem>>)
    %dma_start3A_979 = arith.constant 3 : i32
    %dma_start3A_980 = arith.constant 384 : i32
    %dma_start3A_981 = arith.constant 0 : i32
    %dma_start3A_982 = tpu.memref_slice %arg9[%dma_start3A_980, %dma_start3A_981] : memref<1024x32xf32, #tpu.memory_space<vmem>> -> memref<128x32xf32, #tpu.memory_space<vmem>>
    %dma_start3A_983 = arith.constant 0 : i32
    %dma_start3A_984 = tpu.memref_slice %arg7[%dma_start3A_979, %dma_start3A_983] : memref<8x128xi32, #tpu.memory_space<vmem>> -> memref<1x128xi32, #tpu.memory_space<vmem>>
    %dma_start3A_985 = tpu.memref_squeeze %dma_start3A_984 : memref<1x128xi32, #tpu.memory_space<vmem>> -> memref<128xi32, #tpu.memory_space<vmem>>
    %dma_start3A_986 = arith.constant 0 : i32
    %dma_start3A_987 = arith.constant 0 : i32
    %dma_start3A_988 = tpu.memref_slice %arg3[%dma_start3A_986, %dma_start3A_987] : memref<800000x32xf32, #tpu.memory_space<hbm>> -> memref<800000x32xf32, #tpu.memory_space<hbm>>
    tpu.enqueue_indirect_dma source(%dma_start3A_988 : memref<800000x32xf32, #tpu.memory_space<hbm>>) target(%dma_start3A_982 : memref<128x32xf32, #tpu.memory_space<vmem>>) offsets(%dma_start3A_985 : memref<128xi32, #tpu.memory_space<vmem>>) semaphore(%arg15 : memref<!tpu.dma_semaphore, #tpu.memory_space<semaphore_mem>>)
    %dma_start3A_989 = arith.constant 4 : i32
    %dma_start3A_990 = arith.constant 512 : i32
    %dma_start3A_991 = arith.constant 0 : i32
    %dma_start3A_992 = tpu.memref_slice %arg9[%dma_start3A_990, %dma_start3A_991] : memref<1024x32xf32, #tpu.memory_space<vmem>> -> memref<128x32xf32, #tpu.memory_space<vmem>>
    %dma_start3A_993 = arith.constant 0 : i32
    %dma_start3A_994 = tpu.memref_slice %arg7[%dma_start3A_989, %dma_start3A_993] : memref<8x128xi32, #tpu.memory_space<vmem>> -> memref<1x128xi32, #tpu.memory_space<vmem>>
    %dma_start3A_995 = tpu.memref_squeeze %dma_start3A_994 : memref<1x128xi32, #tpu.memory_space<vmem>> -> memref<128xi32, #tpu.memory_space<vmem>>
    %dma_start3A_996 = arith.constant 0 : i32
    %dma_start3A_997 = arith.constant 0 : i32
    %dma_start3A_998 = tpu.memref_slice %arg3[%dma_start3A_996, %dma_start3A_997] : memref<800000x32xf32, #tpu.memory_space<hbm>> -> memref<800000x32xf32, #tpu.memory_space<hbm>>
    tpu.enqueue_indirect_dma source(%dma_start3A_998 : memref<800000x32xf32, #tpu.memory_space<hbm>>) target(%dma_start3A_992 : memref<128x32xf32, #tpu.memory_space<vmem>>) offsets(%dma_start3A_995 : memref<128xi32, #tpu.memory_space<vmem>>) semaphore(%arg15 : memref<!tpu.dma_semaphore, #tpu.memory_space<semaphore_mem>>)
    %dma_start3A_999 = arith.constant 5 : i32
    %dma_start3A_1000 = arith.constant 640 : i32
    %dma_start3A_1001 = arith.constant 0 : i32
    %dma_start3A_1002 = tpu.memref_slice %arg9[%dma_start3A_1000, %dma_start3A_1001] : memref<1024x32xf32, #tpu.memory_space<vmem>> -> memref<128x32xf32, #tpu.memory_space<vmem>>
    %dma_start3A_1003 = arith.constant 0 : i32
    %dma_start3A_1004 = tpu.memref_slice %arg7[%dma_start3A_999, %dma_start3A_1003] : memref<8x128xi32, #tpu.memory_space<vmem>> -> memref<1x128xi32, #tpu.memory_space<vmem>>
    %dma_start3A_1005 = tpu.memref_squeeze %dma_start3A_1004 : memref<1x128xi32, #tpu.memory_space<vmem>> -> memref<128xi32, #tpu.memory_space<vmem>>
    %dma_start3A_1006 = arith.constant 0 : i32
    %dma_start3A_1007 = arith.constant 0 : i32
    %dma_start3A_1008 = tpu.memref_slice %arg3[%dma_start3A_1006, %dma_start3A_1007] : memref<800000x32xf32, #tpu.memory_space<hbm>> -> memref<800000x32xf32, #tpu.memory_space<hbm>>
    tpu.enqueue_indirect_dma source(%dma_start3A_1008 : memref<800000x32xf32, #tpu.memory_space<hbm>>) target(%dma_start3A_1002 : memref<128x32xf32, #tpu.memory_space<vmem>>) offsets(%dma_start3A_1005 : memref<128xi32, #tpu.memory_space<vmem>>) semaphore(%arg15 : memref<!tpu.dma_semaphore, #tpu.memory_space<semaphore_mem>>)
    %dma_start3A_1009 = arith.constant 6 : i32
    %dma_start3A_1010 = arith.constant 768 : i32
    %dma_start3A_1011 = arith.constant 0 : i32
    %dma_start3A_1012 = tpu.memref_slice %arg9[%dma_start3A_1010, %dma_start3A_1011] : memref<1024x32xf32, #tpu.memory_space<vmem>> -> memref<128x32xf32, #tpu.memory_space<vmem>>
    %dma_start3A_1013 = arith.constant 0 : i32
    %dma_start3A_1014 = tpu.memref_slice %arg7[%dma_start3A_1009, %dma_start3A_1013] : memref<8x128xi32, #tpu.memory_space<vmem>> -> memref<1x128xi32, #tpu.memory_space<vmem>>
    %dma_start3A_1015 = tpu.memref_squeeze %dma_start3A_1014 : memref<1x128xi32, #tpu.memory_space<vmem>> -> memref<128xi32, #tpu.memory_space<vmem>>
    %dma_start3A_1016 = arith.constant 0 : i32
    %dma_start3A_1017 = arith.constant 0 : i32
    %dma_start3A_1018 = tpu.memref_slice %arg3[%dma_start3A_1016, %dma_start3A_1017] : memref<800000x32xf32, #tpu.memory_space<hbm>> -> memref<800000x32xf32, #tpu.memory_space<hbm>>
    tpu.enqueue_indirect_dma source(%dma_start3A_1018 : memref<800000x32xf32, #tpu.memory_space<hbm>>) target(%dma_start3A_1012 : memref<128x32xf32, #tpu.memory_space<vmem>>) offsets(%dma_start3A_1015 : memref<128xi32, #tpu.memory_space<vmem>>) semaphore(%arg15 : memref<!tpu.dma_semaphore, #tpu.memory_space<semaphore_mem>>)
    %dma_start3A_1019 = arith.constant 7 : i32
    %dma_start3A_1020 = arith.constant 896 : i32
    %dma_start3A_1021 = arith.constant 0 : i32
    %dma_start3A_1022 = tpu.memref_slice %arg9[%dma_start3A_1020, %dma_start3A_1021] : memref<1024x32xf32, #tpu.memory_space<vmem>> -> memref<128x32xf32, #tpu.memory_space<vmem>>
    %dma_start3A_1023 = arith.constant 0 : i32
    %dma_start3A_1024 = tpu.memref_slice %arg7[%dma_start3A_1019, %dma_start3A_1023] : memref<8x128xi32, #tpu.memory_space<vmem>> -> memref<1x128xi32, #tpu.memory_space<vmem>>
    %dma_start3A_1025 = tpu.memref_squeeze %dma_start3A_1024 : memref<1x128xi32, #tpu.memory_space<vmem>> -> memref<128xi32, #tpu.memory_space<vmem>>
    %dma_start3A_1026 = arith.constant 0 : i32
    %dma_start3A_1027 = arith.constant 0 : i32
    %dma_start3A_1028 = tpu.memref_slice %arg3[%dma_start3A_1026, %dma_start3A_1027] : memref<800000x32xf32, #tpu.memory_space<hbm>> -> memref<800000x32xf32, #tpu.memory_space<hbm>>
    tpu.enqueue_indirect_dma source(%dma_start3A_1028 : memref<800000x32xf32, #tpu.memory_space<hbm>>) target(%dma_start3A_1022 : memref<128x32xf32, #tpu.memory_space<vmem>>) offsets(%dma_start3A_1025 : memref<128xi32, #tpu.memory_space<vmem>>) semaphore(%arg15 : memref<!tpu.dma_semaphore, #tpu.memory_space<semaphore_mem>>)
    %scan3A = arith.constant 0 : i32
    %scan3A_1029 = arith.constant 0 : i32
    %scan3A_1030 = arith.constant 25 : i32
    %scan3A_1031 = arith.addi %scan3A_1029, %scan3A_1030 : i32
    %scan3A_1032 = arith.constant 1 : i32
    scf.for %scan3A_1178 = %scan3A_1029 to %scan3A_1031 step %scan3A_1032  : i32 {
      %mul3A_1179 = arith.constant 2 : i32
      %mul3A_1180 = arith.muli %mul3A_1179, %scan3A_1178 : i32
      %add3A_1181 = arith.constant 1 : i32
      %add3A_1182 = arith.addi %mul3A_1180, %add3A_1181 : i32
      %lt3A = arith.constant 50 : i32
      %lt3A_1183 = arith.cmpi slt, %add3A_1182, %lt3A : i32
      %convert_element_type3A = arith.extui %lt3A_1183 : i1 to i32
      %cond3A = arith.constant 0 : i32
      %cond3A_1184 = arith.cmpi ne, %convert_element_type3A, %cond3A : i32
      scf.if %cond3A_1184 {
        %add3A_1389 = arith.constant 1 : i32
        %add3A_1390 = arith.addi %mul3A_1180, %add3A_1389 : i32
        %add3A_1391 = arith.constant 0 : i32
        %add3A_1392 = vector.broadcast %add3A_1391 : i32 to vector<16xi32>
        %add3A_1393 = arith.addi %iota3A, %add3A_1392 : vector<16xi32>
        %add3A_1394 = arith.constant 0 : i32
        %add3A_1395 = arith.addi %add3A_1394, %add3A_1390 : i32
        %add3A_1396 = vector.broadcast %add3A_1395 : i32 to vector<16xi32>
        %add3A_1397 = arith.addi %mul3A_34, %add3A_1396 : vector<16xi32>
        %gather3A_1398 = tpu.vector_load_idx %arg6[%add3A_1393, %add3A_1397] : memref<128x401xi32, #tpu.memory_space<vmem>>[vector<16xi32>, vector<16xi32>], vector<16xi32>,
        %add3A_1399 = arith.constant 0 : i32
        %add3A_1400 = vector.broadcast %add3A_1399 : i32 to vector<16xi32>
        %add3A_1401 = arith.addi %gather3A_1398, %add3A_1400 : vector<16xi32>
        %swap3A_1402 = arith.constant 0 : i32
        %swap3A_1403 = arith.index_cast %swap3A_1402 : i32 to index
        %swap3A_1404 = arith.constant 0 : index
        %swap3A_1405 = tpu.vector_load %arg8[%swap3A_1403, %swap3A_1404] {strides = array<i32>} : memref<8x128xi32, #tpu.memory_space<vmem>>, vector<16xi32>,
        tpu.vector_store %arg8[%swap3A_1403, %swap3A_1404], %add3A_1401 {strides = array<i32>} : memref<8x128xi32, #tpu.memory_space<vmem>>, vector<16xi32>,
        %add3A_1406 = arith.constant 0 : i32
        %add3A_1407 = vector.broadcast %add3A_1406 : i32 to vector<16xi32>
        %add3A_1408 = arith.addi %iota3A, %add3A_1407 : vector<16xi32>
        %add3A_1409 = arith.constant 50 : i32
        %add3A_1410 = arith.addi %add3A_1409, %add3A_1390 : i32
        %add3A_1411 = vector.broadcast %add3A_1410 : i32 to vector<16xi32>
        %add3A_1412 = arith.addi %mul3A_34, %add3A_1411 : vector<16xi32>
        %gather3A_1413 = tpu.vector_load_idx %arg6[%add3A_1408, %add3A_1412] : memref<128x401xi32, #tpu.memory_space<vmem>>[vector<16xi32>, vector<16xi32>], vector<16xi32>,
        %add3A_1414 = arith.constant 100000 : i32
        %add3A_1415 = vector.broadcast %add3A_1414 : i32 to vector<16xi32>
        %add3A_1416 = arith.addi %gather3A_1413, %add3A_1415 : vector<16xi32>
        %swap3A_1417 = arith.constant 0 : i32
        %swap3A_1418 = arith.index_cast %swap3A_1417 : i32 to index
        %swap3A_1419 = arith.constant 16 : index
        %swap3A_1420 = tpu.vector_load %arg8[%swap3A_1418, %swap3A_1419] {strides = array<i32>} : memref<8x128xi32, #tpu.memory_space<vmem>>, vector<16xi32>,
        tpu.vector_store %arg8[%swap3A_1418, %swap3A_1419], %add3A_1416 {strides = array<i32>} : memref<8x128xi32, #tpu.memory_space<vmem>>, vector<16xi32>,
        %add3A_1421 = arith.constant 0 : i32
        %add3A_1422 = vector.broadcast %add3A_1421 : i32 to vector<16xi32>
        %add3A_1423 = arith.addi %iota3A, %add3A_1422 : vector<16xi32>
        %add3A_1424 = arith.constant 100 : i32
        %add3A_1425 = arith.addi %add3A_1424, %add3A_1390 : i32
        %add3A_1426 = vector.broadcast %add3A_1425 : i32 to vector<16xi32>
        %add3A_1427 = arith.addi %mul3A_34, %add3A_1426 : vector<16xi32>
        %gather3A_1428 = tpu.vector_load_idx %arg6[%add3A_1423, %add3A_1427] : memref<128x401xi32, #tpu.memory_space<vmem>>[vector<16xi32>, vector<16xi32>], vector<16xi32>,
        %add3A_1429 = arith.constant 200000 : i32
        %add3A_1430 = vector.broadcast %add3A_1429 : i32 to vector<16xi32>
        %add3A_1431 = arith.addi %gather3A_1428, %add3A_1430 : vector<16xi32>
        %swap3A_1432 = arith.constant 0 : i32
        %swap3A_1433 = arith.index_cast %swap3A_1432 : i32 to index
        %swap3A_1434 = arith.constant 32 : index
        %swap3A_1435 = tpu.vector_load %arg8[%swap3A_1433, %swap3A_1434] {strides = array<i32>} : memref<8x128xi32, #tpu.memory_space<vmem>>, vector<16xi32>,
        tpu.vector_store %arg8[%swap3A_1433, %swap3A_1434], %add3A_1431 {strides = array<i32>} : memref<8x128xi32, #tpu.memory_space<vmem>>, vector<16xi32>,
        %add3A_1436 = arith.constant 0 : i32
        %add3A_1437 = vector.broadcast %add3A_1436 : i32 to vector<16xi32>
        %add3A_1438 = arith.addi %iota3A, %add3A_1437 : vector<16xi32>
        %add3A_1439 = arith.constant 150 : i32
        %add3A_1440 = arith.addi %add3A_1439, %add3A_1390 : i32
        %add3A_1441 = vector.broadcast %add3A_1440 : i32 to vector<16xi32>
        %add3A_1442 = arith.addi %mul3A_34, %add3A_1441 : vector<16xi32>
        %gather3A_1443 = tpu.vector_load_idx %arg6[%add3A_1438, %add3A_1442] : memref<128x401xi32, #tpu.memory_space<vmem>>[vector<16xi32>, vector<16xi32>], vector<16xi32>,
        %add3A_1444 = arith.constant 300000 : i32
        %add3A_1445 = vector.broadcast %add3A_1444 : i32 to vector<16xi32>
        %add3A_1446 = arith.addi %gather3A_1443, %add3A_1445 : vector<16xi32>
        %swap3A_1447 = arith.constant 0 : i32
        %swap3A_1448 = arith.index_cast %swap3A_1447 : i32 to index
        %swap3A_1449 = arith.constant 48 : index
        %swap3A_1450 = tpu.vector_load %arg8[%swap3A_1448, %swap3A_1449] {strides = array<i32>} : memref<8x128xi32, #tpu.memory_space<vmem>>, vector<16xi32>,
        tpu.vector_store %arg8[%swap3A_1448, %swap3A_1449], %add3A_1446 {strides = array<i32>} : memref<8x128xi32, #tpu.memory_space<vmem>>, vector<16xi32>,
        %add3A_1451 = arith.constant 0 : i32
        %add3A_1452 = vector.broadcast %add3A_1451 : i32 to vector<16xi32>
        %add3A_1453 = arith.addi %iota3A, %add3A_1452 : vector<16xi32>
        %add3A_1454 = arith.constant 200 : i32
        %add3A_1455 = arith.addi %add3A_1454, %add3A_1390 : i32
        %add3A_1456 = vector.broadcast %add3A_1455 : i32 to vector<16xi32>
        %add3A_1457 = arith.addi %mul3A_34, %add3A_1456 : vector<16xi32>
        %gather3A_1458 = tpu.vector_load_idx %arg6[%add3A_1453, %add3A_1457] : memref<128x401xi32, #tpu.memory_space<vmem>>[vector<16xi32>, vector<16xi32>], vector<16xi32>,
        %add3A_1459 = arith.constant 400000 : i32
        %add3A_1460 = vector.broadcast %add3A_1459 : i32 to vector<16xi32>
        %add3A_1461 = arith.addi %gather3A_1458, %add3A_1460 : vector<16xi32>
        %swap3A_1462 = arith.constant 0 : i32
        %swap3A_1463 = arith.index_cast %swap3A_1462 : i32 to index
        %swap3A_1464 = arith.constant 64 : index
        %swap3A_1465 = tpu.vector_load %arg8[%swap3A_1463, %swap3A_1464] {strides = array<i32>} : memref<8x128xi32, #tpu.memory_space<vmem>>, vector<16xi32>,
        tpu.vector_store %arg8[%swap3A_1463, %swap3A_1464], %add3A_1461 {strides = array<i32>} : memref<8x128xi32, #tpu.memory_space<vmem>>, vector<16xi32>,
        %add3A_1466 = arith.constant 0 : i32
        %add3A_1467 = vector.broadcast %add3A_1466 : i32 to vector<16xi32>
        %add3A_1468 = arith.addi %iota3A, %add3A_1467 : vector<16xi32>
        %add3A_1469 = arith.constant 250 : i32
        %add3A_1470 = arith.addi %add3A_1469, %add3A_1390 : i32
        %add3A_1471 = vector.broadcast %add3A_1470 : i32 to vector<16xi32>
        %add3A_1472 = arith.addi %mul3A_34, %add3A_1471 : vector<16xi32>
        %gather3A_1473 = tpu.vector_load_idx %arg6[%add3A_1468, %add3A_1472] : memref<128x401xi32, #tpu.memory_space<vmem>>[vector<16xi32>, vector<16xi32>], vector<16xi32>,
        %add3A_1474 = arith.constant 500000 : i32
        %add3A_1475 = vector.broadcast %add3A_1474 : i32 to vector<16xi32>
        %add3A_1476 = arith.addi %gather3A_1473, %add3A_1475 : vector<16xi32>
        %swap3A_1477 = arith.constant 0 : i32
        %swap3A_1478 = arith.index_cast %swap3A_1477 : i32 to index
        %swap3A_1479 = arith.constant 80 : index
        %swap3A_1480 = tpu.vector_load %arg8[%swap3A_1478, %swap3A_1479] {strides = array<i32>} : memref<8x128xi32, #tpu.memory_space<vmem>>, vector<16xi32>,
        tpu.vector_store %arg8[%swap3A_1478, %swap3A_1479], %add3A_1476 {strides = array<i32>} : memref<8x128xi32, #tpu.memory_space<vmem>>, vector<16xi32>,
        %add3A_1481 = arith.constant 0 : i32
        %add3A_1482 = vector.broadcast %add3A_1481 : i32 to vector<16xi32>
        %add3A_1483 = arith.addi %iota3A, %add3A_1482 : vector<16xi32>
        %add3A_1484 = arith.constant 300 : i32
        %add3A_1485 = arith.addi %add3A_1484, %add3A_1390 : i32
        %add3A_1486 = vector.broadcast %add3A_1485 : i32 to vector<16xi32>
        %add3A_1487 = arith.addi %mul3A_34, %add3A_1486 : vector<16xi32>
        %gather3A_1488 = tpu.vector_load_idx %arg6[%add3A_1483, %add3A_1487] : memref<128x401xi32, #tpu.memory_space<vmem>>[vector<16xi32>, vector<16xi32>], vector<16xi32>,
        %add3A_1489 = arith.constant 600000 : i32
        %add3A_1490 = vector.broadcast %add3A_1489 : i32 to vector<16xi32>
        %add3A_1491 = arith.addi %gather3A_1488, %add3A_1490 : vector<16xi32>
        %swap3A_1492 = arith.constant 0 : i32
        %swap3A_1493 = arith.index_cast %swap3A_1492 : i32 to index
        %swap3A_1494 = arith.constant 96 : index
        %swap3A_1495 = tpu.vector_load %arg8[%swap3A_1493, %swap3A_1494] {strides = array<i32>} : memref<8x128xi32, #tpu.memory_space<vmem>>, vector<16xi32>,
        tpu.vector_store %arg8[%swap3A_1493, %swap3A_1494], %add3A_1491 {strides = array<i32>} : memref<8x128xi32, #tpu.memory_space<vmem>>, vector<16xi32>,
        %add3A_1496 = arith.constant 0 : i32
        %add3A_1497 = vector.broadcast %add3A_1496 : i32 to vector<16xi32>
        %add3A_1498 = arith.addi %iota3A, %add3A_1497 : vector<16xi32>
        %add3A_1499 = arith.constant 350 : i32
        %add3A_1500 = arith.addi %add3A_1499, %add3A_1390 : i32
        %add3A_1501 = vector.broadcast %add3A_1500 : i32 to vector<16xi32>
        %add3A_1502 = arith.addi %mul3A_34, %add3A_1501 : vector<16xi32>
        %gather3A_1503 = tpu.vector_load_idx %arg6[%add3A_1498, %add3A_1502] : memref<128x401xi32, #tpu.memory_space<vmem>>[vector<16xi32>, vector<16xi32>], vector<16xi32>,
        %add3A_1504 = arith.constant 700000 : i32
        %add3A_1505 = vector.broadcast %add3A_1504 : i32 to vector<16xi32>
        %add3A_1506 = arith.addi %gather3A_1503, %add3A_1505 : vector<16xi32>
        %swap3A_1507 = arith.constant 0 : i32
        %swap3A_1508 = arith.index_cast %swap3A_1507 : i32 to index
        %swap3A_1509 = arith.constant 112 : index
        %swap3A_1510 = tpu.vector_load %arg8[%swap3A_1508, %swap3A_1509] {strides = array<i32>} : memref<8x128xi32, #tpu.memory_space<vmem>>, vector<16xi32>,
        tpu.vector_store %arg8[%swap3A_1508, %swap3A_1509], %add3A_1506 {strides = array<i32>} : memref<8x128xi32, #tpu.memory_space<vmem>>, vector<16xi32>,
        %add3A_1511 = arith.constant 16 : i32
        %add3A_1512 = vector.broadcast %add3A_1511 : i32 to vector<16xi32>
        %add3A_1513 = arith.addi %iota3A, %add3A_1512 : vector<16xi32>
        %add3A_1514 = arith.constant 0 : i32
        %add3A_1515 = arith.addi %add3A_1514, %add3A_1390 : i32
        %add3A_1516 = vector.broadcast %add3A_1515 : i32 to vector<16xi32>
        %add3A_1517 = arith.addi %mul3A_34, %add3A_1516 : vector<16xi32>
        %gather3A_1518 = tpu.vector_load_idx %arg6[%add3A_1513, %add3A_1517] : memref<128x401xi32, #tpu.memory_space<vmem>>[vector<16xi32>, vector<16xi32>], vector<16xi32>,
        %add3A_1519 = arith.constant 0 : i32
        %add3A_1520 = vector.broadcast %add3A_1519 : i32 to vector<16xi32>
        %add3A_1521 = arith.addi %gather3A_1518, %add3A_1520 : vector<16xi32>
        %swap3A_1522 = arith.constant 1 : i32
        %swap3A_1523 = arith.index_cast %swap3A_1522 : i32 to index
        %swap3A_1524 = arith.constant 0 : index
        %swap3A_1525 = tpu.vector_load %arg8[%swap3A_1523, %swap3A_1524] {strides = array<i32>} : memref<8x128xi32, #tpu.memory_space<vmem>>, vector<16xi32>,
        tpu.vector_store %arg8[%swap3A_1523, %swap3A_1524], %add3A_1521 {strides = array<i32>} : memref<8x128xi32, #tpu.memory_space<vmem>>, vector<16xi32>,
        %add3A_1526 = arith.constant 16 : i32
        %add3A_1527 = vector.broadcast %add3A_1526 : i32 to vector<16xi32>
        %add3A_1528 = arith.addi %iota3A, %add3A_1527 : vector<16xi32>
        %add3A_1529 = arith.constant 50 : i32
        %add3A_1530 = arith.addi %add3A_1529, %add3A_1390 : i32
        %add3A_1531 = vector.broadcast %add3A_1530 : i32 to vector<16xi32>
        %add3A_1532 = arith.addi %mul3A_34, %add3A_1531 : vector<16xi32>
        %gather3A_1533 = tpu.vector_load_idx %arg6[%add3A_1528, %add3A_1532] : memref<128x401xi32, #tpu.memory_space<vmem>>[vector<16xi32>, vector<16xi32>], vector<16xi32>,
        %add3A_1534 = arith.constant 100000 : i32
        %add3A_1535 = vector.broadcast %add3A_1534 : i32 to vector<16xi32>
        %add3A_1536 = arith.addi %gather3A_1533, %add3A_1535 : vector<16xi32>
        %swap3A_1537 = arith.constant 1 : i32
        %swap3A_1538 = arith.index_cast %swap3A_1537 : i32 to index
        %swap3A_1539 = arith.constant 16 : index
        %swap3A_1540 = tpu.vector_load %arg8[%swap3A_1538, %swap3A_1539] {strides = array<i32>} : memref<8x128xi32, #tpu.memory_space<vmem>>, vector<16xi32>,
        tpu.vector_store %arg8[%swap3A_1538, %swap3A_1539], %add3A_1536 {strides = array<i32>} : memref<8x128xi32, #tpu.memory_space<vmem>>, vector<16xi32>,
        %add3A_1541 = arith.constant 16 : i32
        %add3A_1542 = vector.broadcast %add3A_1541 : i32 to vector<16xi32>
        %add3A_1543 = arith.addi %iota3A, %add3A_1542 : vector<16xi32>
        %add3A_1544 = arith.constant 100 : i32
        %add3A_1545 = arith.addi %add3A_1544, %add3A_1390 : i32
        %add3A_1546 = vector.broadcast %add3A_1545 : i32 to vector<16xi32>
        %add3A_1547 = arith.addi %mul3A_34, %add3A_1546 : vector<16xi32>
        %gather3A_1548 = tpu.vector_load_idx %arg6[%add3A_1543, %add3A_1547] : memref<128x401xi32, #tpu.memory_space<vmem>>[vector<16xi32>, vector<16xi32>], vector<16xi32>,
        %add3A_1549 = arith.constant 200000 : i32
        %add3A_1550 = vector.broadcast %add3A_1549 : i32 to vector<16xi32>
        %add3A_1551 = arith.addi %gather3A_1548, %add3A_1550 : vector<16xi32>
        %swap3A_1552 = arith.constant 1 : i32
        %swap3A_1553 = arith.index_cast %swap3A_1552 : i32 to index
        %swap3A_1554 = arith.constant 32 : index
        %swap3A_1555 = tpu.vector_load %arg8[%swap3A_1553, %swap3A_1554] {strides = array<i32>} : memref<8x128xi32, #tpu.memory_space<vmem>>, vector<16xi32>,
        tpu.vector_store %arg8[%swap3A_1553, %swap3A_1554], %add3A_1551 {strides = array<i32>} : memref<8x128xi32, #tpu.memory_space<vmem>>, vector<16xi32>,
        %add3A_1556 = arith.constant 16 : i32
        %add3A_1557 = vector.broadcast %add3A_1556 : i32 to vector<16xi32>
        %add3A_1558 = arith.addi %iota3A, %add3A_1557 : vector<16xi32>
        %add3A_1559 = arith.constant 150 : i32
        %add3A_1560 = arith.addi %add3A_1559, %add3A_1390 : i32
        %add3A_1561 = vector.broadcast %add3A_1560 : i32 to vector<16xi32>
        %add3A_1562 = arith.addi %mul3A_34, %add3A_1561 : vector<16xi32>
        %gather3A_1563 = tpu.vector_load_idx %arg6[%add3A_1558, %add3A_1562] : memref<128x401xi32, #tpu.memory_space<vmem>>[vector<16xi32>, vector<16xi32>], vector<16xi32>,
        %add3A_1564 = arith.constant 300000 : i32
        %add3A_1565 = vector.broadcast %add3A_1564 : i32 to vector<16xi32>
        %add3A_1566 = arith.addi %gather3A_1563, %add3A_1565 : vector<16xi32>
        %swap3A_1567 = arith.constant 1 : i32
        %swap3A_1568 = arith.index_cast %swap3A_1567 : i32 to index
        %swap3A_1569 = arith.constant 48 : index
        %swap3A_1570 = tpu.vector_load %arg8[%swap3A_1568, %swap3A_1569] {strides = array<i32>} : memref<8x128xi32, #tpu.memory_space<vmem>>, vector<16xi32>,
        tpu.vector_store %arg8[%swap3A_1568, %swap3A_1569], %add3A_1566 {strides = array<i32>} : memref<8x128xi32, #tpu.memory_space<vmem>>, vector<16xi32>,
        %add3A_1571 = arith.constant 16 : i32
        %add3A_1572 = vector.broadcast %add3A_1571 : i32 to vector<16xi32>
        %add3A_1573 = arith.addi %iota3A, %add3A_1572 : vector<16xi32>
        %add3A_1574 = arith.constant 200 : i32
        %add3A_1575 = arith.addi %add3A_1574, %add3A_1390 : i32
        %add3A_1576 = vector.broadcast %add3A_1575 : i32 to vector<16xi32>
        %add3A_1577 = arith.addi %mul3A_34, %add3A_1576 : vector<16xi32>
        %gather3A_1578 = tpu.vector_load_idx %arg6[%add3A_1573, %add3A_1577] : memref<128x401xi32, #tpu.memory_space<vmem>>[vector<16xi32>, vector<16xi32>], vector<16xi32>,
        %add3A_1579 = arith.constant 400000 : i32
        %add3A_1580 = vector.broadcast %add3A_1579 : i32 to vector<16xi32>
        %add3A_1581 = arith.addi %gather3A_1578, %add3A_1580 : vector<16xi32>
        %swap3A_1582 = arith.constant 1 : i32
        %swap3A_1583 = arith.index_cast %swap3A_1582 : i32 to index
        %swap3A_1584 = arith.constant 64 : index
        %swap3A_1585 = tpu.vector_load %arg8[%swap3A_1583, %swap3A_1584] {strides = array<i32>} : memref<8x128xi32, #tpu.memory_space<vmem>>, vector<16xi32>,
        tpu.vector_store %arg8[%swap3A_1583, %swap3A_1584], %add3A_1581 {strides = array<i32>} : memref<8x128xi32, #tpu.memory_space<vmem>>, vector<16xi32>,
        %add3A_1586 = arith.constant 16 : i32
        %add3A_1587 = vector.broadcast %add3A_1586 : i32 to vector<16xi32>
        %add3A_1588 = arith.addi %iota3A, %add3A_1587 : vector<16xi32>
        %add3A_1589 = arith.constant 250 : i32
        %add3A_1590 = arith.addi %add3A_1589, %add3A_1390 : i32
        %add3A_1591 = vector.broadcast %add3A_1590 : i32 to vector<16xi32>
        %add3A_1592 = arith.addi %mul3A_34, %add3A_1591 : vector<16xi32>
        %gather3A_1593 = tpu.vector_load_idx %arg6[%add3A_1588, %add3A_1592] : memref<128x401xi32, #tpu.memory_space<vmem>>[vector<16xi32>, vector<16xi32>], vector<16xi32>,
        %add3A_1594 = arith.constant 500000 : i32
        %add3A_1595 = vector.broadcast %add3A_1594 : i32 to vector<16xi32>
        %add3A_1596 = arith.addi %gather3A_1593, %add3A_1595 : vector<16xi32>
        %swap3A_1597 = arith.constant 1 : i32
        %swap3A_1598 = arith.index_cast %swap3A_1597 : i32 to index
        %swap3A_1599 = arith.constant 80 : index
        %swap3A_1600 = tpu.vector_load %arg8[%swap3A_1598, %swap3A_1599] {strides = array<i32>} : memref<8x128xi32, #tpu.memory_space<vmem>>, vector<16xi32>,
        tpu.vector_store %arg8[%swap3A_1598, %swap3A_1599], %add3A_1596 {strides = array<i32>} : memref<8x128xi32, #tpu.memory_space<vmem>>, vector<16xi32>,
        %add3A_1601 = arith.constant 16 : i32
        %add3A_1602 = vector.broadcast %add3A_1601 : i32 to vector<16xi32>
        %add3A_1603 = arith.addi %iota3A, %add3A_1602 : vector<16xi32>
        %add3A_1604 = arith.constant 300 : i32
        %add3A_1605 = arith.addi %add3A_1604, %add3A_1390 : i32
        %add3A_1606 = vector.broadcast %add3A_1605 : i32 to vector<16xi32>
        %add3A_1607 = arith.addi %mul3A_34, %add3A_1606 : vector<16xi32>
        %gather3A_1608 = tpu.vector_load_idx %arg6[%add3A_1603, %add3A_1607] : memref<128x401xi32, #tpu.memory_space<vmem>>[vector<16xi32>, vector<16xi32>], vector<16xi32>,
        %add3A_1609 = arith.constant 600000 : i32
        %add3A_1610 = vector.broadcast %add3A_1609 : i32 to vector<16xi32>
        %add3A_1611 = arith.addi %gather3A_1608, %add3A_1610 : vector<16xi32>
        %swap3A_1612 = arith.constant 1 : i32
        %swap3A_1613 = arith.index_cast %swap3A_1612 : i32 to index
        %swap3A_1614 = arith.constant 96 : index
        %swap3A_1615 = tpu.vector_load %arg8[%swap3A_1613, %swap3A_1614] {strides = array<i32>} : memref<8x128xi32, #tpu.memory_space<vmem>>, vector<16xi32>,
        tpu.vector_store %arg8[%swap3A_1613, %swap3A_1614], %add3A_1611 {strides = array<i32>} : memref<8x128xi32, #tpu.memory_space<vmem>>, vector<16xi32>,
        %add3A_1616 = arith.constant 16 : i32
        %add3A_1617 = vector.broadcast %add3A_1616 : i32 to vector<16xi32>
        %add3A_1618 = arith.addi %iota3A, %add3A_1617 : vector<16xi32>
        %add3A_1619 = arith.constant 350 : i32
        %add3A_1620 = arith.addi %add3A_1619, %add3A_1390 : i32
        %add3A_1621 = vector.broadcast %add3A_1620 : i32 to vector<16xi32>
        %add3A_1622 = arith.addi %mul3A_34, %add3A_1621 : vector<16xi32>
        %gather3A_1623 = tpu.vector_load_idx %arg6[%add3A_1618, %add3A_1622] : memref<128x401xi32, #tpu.memory_space<vmem>>[vector<16xi32>, vector<16xi32>], vector<16xi32>,
        %add3A_1624 = arith.constant 700000 : i32
        %add3A_1625 = vector.broadcast %add3A_1624 : i32 to vector<16xi32>
        %add3A_1626 = arith.addi %gather3A_1623, %add3A_1625 : vector<16xi32>
        %swap3A_1627 = arith.constant 1 : i32
        %swap3A_1628 = arith.index_cast %swap3A_1627 : i32 to index
        %swap3A_1629 = arith.constant 112 : index
        %swap3A_1630 = tpu.vector_load %arg8[%swap3A_1628, %swap3A_1629] {strides = array<i32>} : memref<8x128xi32, #tpu.memory_space<vmem>>, vector<16xi32>,
        tpu.vector_store %arg8[%swap3A_1628, %swap3A_1629], %add3A_1626 {strides = array<i32>} : memref<8x128xi32, #tpu.memory_space<vmem>>, vector<16xi32>,
        %add3A_1631 = arith.constant 32 : i32
        %add3A_1632 = vector.broadcast %add3A_1631 : i32 to vector<16xi32>
        %add3A_1633 = arith.addi %iota3A, %add3A_1632 : vector<16xi32>
        %add3A_1634 = arith.constant 0 : i32
        %add3A_1635 = arith.addi %add3A_1634, %add3A_1390 : i32
        %add3A_1636 = vector.broadcast %add3A_1635 : i32 to vector<16xi32>
        %add3A_1637 = arith.addi %mul3A_34, %add3A_1636 : vector<16xi32>
        %gather3A_1638 = tpu.vector_load_idx %arg6[%add3A_1633, %add3A_1637] : memref<128x401xi32, #tpu.memory_space<vmem>>[vector<16xi32>, vector<16xi32>], vector<16xi32>,
        %add3A_1639 = arith.constant 0 : i32
        %add3A_1640 = vector.broadcast %add3A_1639 : i32 to vector<16xi32>
        %add3A_1641 = arith.addi %gather3A_1638, %add3A_1640 : vector<16xi32>
        %swap3A_1642 = arith.constant 2 : i32
        %swap3A_1643 = arith.index_cast %swap3A_1642 : i32 to index
        %swap3A_1644 = arith.constant 0 : index
        %swap3A_1645 = tpu.vector_load %arg8[%swap3A_1643, %swap3A_1644] {strides = array<i32>} : memref<8x128xi32, #tpu.memory_space<vmem>>, vector<16xi32>,
        tpu.vector_store %arg8[%swap3A_1643, %swap3A_1644], %add3A_1641 {strides = array<i32>} : memref<8x128xi32, #tpu.memory_space<vmem>>, vector<16xi32>,
        %add3A_1646 = arith.constant 32 : i32
        %add3A_1647 = vector.broadcast %add3A_1646 : i32 to vector<16xi32>
        %add3A_1648 = arith.addi %iota3A, %add3A_1647 : vector<16xi32>
        %add3A_1649 = arith.constant 50 : i32
        %add3A_1650 = arith.addi %add3A_1649, %add3A_1390 : i32
        %add3A_1651 = vector.broadcast %add3A_1650 : i32 to vector<16xi32>
        %add3A_1652 = arith.addi %mul3A_34, %add3A_1651 : vector<16xi32>
        %gather3A_1653 = tpu.vector_load_idx %arg6[%add3A_1648, %add3A_1652] : memref<128x401xi32, #tpu.memory_space<vmem>>[vector<16xi32>, vector<16xi32>], vector<16xi32>,
        %add3A_1654 = arith.constant 100000 : i32
        %add3A_1655 = vector.broadcast %add3A_1654 : i32 to vector<16xi32>
        %add3A_1656 = arith.addi %gather3A_1653, %add3A_1655 : vector<16xi32>
        %swap3A_1657 = arith.constant 2 : i32
        %swap3A_1658 = arith.index_cast %swap3A_1657 : i32 to index
        %swap3A_1659 = arith.constant 16 : index
        %swap3A_1660 = tpu.vector_load %arg8[%swap3A_1658, %swap3A_1659] {strides = array<i32>} : memref<8x128xi32, #tpu.memory_space<vmem>>, vector<16xi32>,
        tpu.vector_store %arg8[%swap3A_1658, %swap3A_1659], %add3A_1656 {strides = array<i32>} : memref<8x128xi32, #tpu.memory_space<vmem>>, vector<16xi32>,
        %add3A_1661 = arith.constant 32 : i32
        %add3A_1662 = vector.broadcast %add3A_1661 : i32 to vector<16xi32>
        %add3A_1663 = arith.addi %iota3A, %add3A_1662 : vector<16xi32>
        %add3A_1664 = arith.constant 100 : i32
        %add3A_1665 = arith.addi %add3A_1664, %add3A_1390 : i32
        %add3A_1666 = vector.broadcast %add3A_1665 : i32 to vector<16xi32>
        %add3A_1667 = arith.addi %mul3A_34, %add3A_1666 : vector<16xi32>
        %gather3A_1668 = tpu.vector_load_idx %arg6[%add3A_1663, %add3A_1667] : memref<128x401xi32, #tpu.memory_space<vmem>>[vector<16xi32>, vector<16xi32>], vector<16xi32>,
        %add3A_1669 = arith.constant 200000 : i32
        %add3A_1670 = vector.broadcast %add3A_1669 : i32 to vector<16xi32>
        %add3A_1671 = arith.addi %gather3A_1668, %add3A_1670 : vector<16xi32>
        %swap3A_1672 = arith.constant 2 : i32
        %swap3A_1673 = arith.index_cast %swap3A_1672 : i32 to index
        %swap3A_1674 = arith.constant 32 : index
        %swap3A_1675 = tpu.vector_load %arg8[%swap3A_1673, %swap3A_1674] {strides = array<i32>} : memref<8x128xi32, #tpu.memory_space<vmem>>, vector<16xi32>,
        tpu.vector_store %arg8[%swap3A_1673, %swap3A_1674], %add3A_1671 {strides = array<i32>} : memref<8x128xi32, #tpu.memory_space<vmem>>, vector<16xi32>,
        %add3A_1676 = arith.constant 32 : i32
        %add3A_1677 = vector.broadcast %add3A_1676 : i32 to vector<16xi32>
        %add3A_1678 = arith.addi %iota3A, %add3A_1677 : vector<16xi32>
        %add3A_1679 = arith.constant 150 : i32
        %add3A_1680 = arith.addi %add3A_1679, %add3A_1390 : i32
        %add3A_1681 = vector.broadcast %add3A_1680 : i32 to vector<16xi32>
        %add3A_1682 = arith.addi %mul3A_34, %add3A_1681 : vector<16xi32>
        %gather3A_1683 = tpu.vector_load_idx %arg6[%add3A_1678, %add3A_1682] : memref<128x401xi32, #tpu.memory_space<vmem>>[vector<16xi32>, vector<16xi32>], vector<16xi32>,
        %add3A_1684 = arith.constant 300000 : i32
        %add3A_1685 = vector.broadcast %add3A_1684 : i32 to vector<16xi32>
        %add3A_1686 = arith.addi %gather3A_1683, %add3A_1685 : vector<16xi32>
        %swap3A_1687 = arith.constant 2 : i32
        %swap3A_1688 = arith.index_cast %swap3A_1687 : i32 to index
        %swap3A_1689 = arith.constant 48 : index
        %swap3A_1690 = tpu.vector_load %arg8[%swap3A_1688, %swap3A_1689] {strides = array<i32>} : memref<8x128xi32, #tpu.memory_space<vmem>>, vector<16xi32>,
        tpu.vector_store %arg8[%swap3A_1688, %swap3A_1689], %add3A_1686 {strides = array<i32>} : memref<8x128xi32, #tpu.memory_space<vmem>>, vector<16xi32>,
        %add3A_1691 = arith.constant 32 : i32
        %add3A_1692 = vector.broadcast %add3A_1691 : i32 to vector<16xi32>
        %add3A_1693 = arith.addi %iota3A, %add3A_1692 : vector<16xi32>
        %add3A_1694 = arith.constant 200 : i32
        %add3A_1695 = arith.addi %add3A_1694, %add3A_1390 : i32
        %add3A_1696 = vector.broadcast %add3A_1695 : i32 to vector<16xi32>
        %add3A_1697 = arith.addi %mul3A_34, %add3A_1696 : vector<16xi32>
        %gather3A_1698 = tpu.vector_load_idx %arg6[%add3A_1693, %add3A_1697] : memref<128x401xi32, #tpu.memory_space<vmem>>[vector<16xi32>, vector<16xi32>], vector<16xi32>,
        %add3A_1699 = arith.constant 400000 : i32
        %add3A_1700 = vector.broadcast %add3A_1699 : i32 to vector<16xi32>
        %add3A_1701 = arith.addi %gather3A_1698, %add3A_1700 : vector<16xi32>
        %swap3A_1702 = arith.constant 2 : i32
        %swap3A_1703 = arith.index_cast %swap3A_1702 : i32 to index
        %swap3A_1704 = arith.constant 64 : index
        %swap3A_1705 = tpu.vector_load %arg8[%swap3A_1703, %swap3A_1704] {strides = array<i32>} : memref<8x128xi32, #tpu.memory_space<vmem>>, vector<16xi32>,
        tpu.vector_store %arg8[%swap3A_1703, %swap3A_1704], %add3A_1701 {strides = array<i32>} : memref<8x128xi32, #tpu.memory_space<vmem>>, vector<16xi32>,
        %add3A_1706 = arith.constant 32 : i32
        %add3A_1707 = vector.broadcast %add3A_1706 : i32 to vector<16xi32>
        %add3A_1708 = arith.addi %iota3A, %add3A_1707 : vector<16xi32>
        %add3A_1709 = arith.constant 250 : i32
        %add3A_1710 = arith.addi %add3A_1709, %add3A_1390 : i32
        %add3A_1711 = vector.broadcast %add3A_1710 : i32 to vector<16xi32>
        %add3A_1712 = arith.addi %mul3A_34, %add3A_1711 : vector<16xi32>
        %gather3A_1713 = tpu.vector_load_idx %arg6[%add3A_1708, %add3A_1712] : memref<128x401xi32, #tpu.memory_space<vmem>>[vector<16xi32>, vector<16xi32>], vector<16xi32>,
        %add3A_1714 = arith.constant 500000 : i32
        %add3A_1715 = vector.broadcast %add3A_1714 : i32 to vector<16xi32>
        %add3A_1716 = arith.addi %gather3A_1713, %add3A_1715 : vector<16xi32>
        %swap3A_1717 = arith.constant 2 : i32
        %swap3A_1718 = arith.index_cast %swap3A_1717 : i32 to index
        %swap3A_1719 = arith.constant 80 : index
        %swap3A_1720 = tpu.vector_load %arg8[%swap3A_1718, %swap3A_1719] {strides = array<i32>} : memref<8x128xi32, #tpu.memory_space<vmem>>, vector<16xi32>,
        tpu.vector_store %arg8[%swap3A_1718, %swap3A_1719], %add3A_1716 {strides = array<i32>} : memref<8x128xi32, #tpu.memory_space<vmem>>, vector<16xi32>,
        %add3A_1721 = arith.constant 32 : i32
        %add3A_1722 = vector.broadcast %add3A_1721 : i32 to vector<16xi32>
        %add3A_1723 = arith.addi %iota3A, %add3A_1722 : vector<16xi32>
        %add3A_1724 = arith.constant 300 : i32
        %add3A_1725 = arith.addi %add3A_1724, %add3A_1390 : i32
        %add3A_1726 = vector.broadcast %add3A_1725 : i32 to vector<16xi32>
        %add3A_1727 = arith.addi %mul3A_34, %add3A_1726 : vector<16xi32>
        %gather3A_1728 = tpu.vector_load_idx %arg6[%add3A_1723, %add3A_1727] : memref<128x401xi32, #tpu.memory_space<vmem>>[vector<16xi32>, vector<16xi32>], vector<16xi32>,
        %add3A_1729 = arith.constant 600000 : i32
        %add3A_1730 = vector.broadcast %add3A_1729 : i32 to vector<16xi32>
        %add3A_1731 = arith.addi %gather3A_1728, %add3A_1730 : vector<16xi32>
        %swap3A_1732 = arith.constant 2 : i32
        %swap3A_1733 = arith.index_cast %swap3A_1732 : i32 to index
        %swap3A_1734 = arith.constant 96 : index
        %swap3A_1735 = tpu.vector_load %arg8[%swap3A_1733, %swap3A_1734] {strides = array<i32>} : memref<8x128xi32, #tpu.memory_space<vmem>>, vector<16xi32>,
        tpu.vector_store %arg8[%swap3A_1733, %swap3A_1734], %add3A_1731 {strides = array<i32>} : memref<8x128xi32, #tpu.memory_space<vmem>>, vector<16xi32>,
        %add3A_1736 = arith.constant 32 : i32
        %add3A_1737 = vector.broadcast %add3A_1736 : i32 to vector<16xi32>
        %add3A_1738 = arith.addi %iota3A, %add3A_1737 : vector<16xi32>
        %add3A_1739 = arith.constant 350 : i32
        %add3A_1740 = arith.addi %add3A_1739, %add3A_1390 : i32
        %add3A_1741 = vector.broadcast %add3A_1740 : i32 to vector<16xi32>
        %add3A_1742 = arith.addi %mul3A_34, %add3A_1741 : vector<16xi32>
        %gather3A_1743 = tpu.vector_load_idx %arg6[%add3A_1738, %add3A_1742] : memref<128x401xi32, #tpu.memory_space<vmem>>[vector<16xi32>, vector<16xi32>], vector<16xi32>,
        %add3A_1744 = arith.constant 700000 : i32
        %add3A_1745 = vector.broadcast %add3A_1744 : i32 to vector<16xi32>
        %add3A_1746 = arith.addi %gather3A_1743, %add3A_1745 : vector<16xi32>
        %swap3A_1747 = arith.constant 2 : i32
        %swap3A_1748 = arith.index_cast %swap3A_1747 : i32 to index
        %swap3A_1749 = arith.constant 112 : index
        %swap3A_1750 = tpu.vector_load %arg8[%swap3A_1748, %swap3A_1749] {strides = array<i32>} : memref<8x128xi32, #tpu.memory_space<vmem>>, vector<16xi32>,
        tpu.vector_store %arg8[%swap3A_1748, %swap3A_1749], %add3A_1746 {strides = array<i32>} : memref<8x128xi32, #tpu.memory_space<vmem>>, vector<16xi32>,
        %add3A_1751 = arith.constant 48 : i32
        %add3A_1752 = vector.broadcast %add3A_1751 : i32 to vector<16xi32>
        %add3A_1753 = arith.addi %iota3A, %add3A_1752 : vector<16xi32>
        %add3A_1754 = arith.constant 0 : i32
        %add3A_1755 = arith.addi %add3A_1754, %add3A_1390 : i32
        %add3A_1756 = vector.broadcast %add3A_1755 : i32 to vector<16xi32>
        %add3A_1757 = arith.addi %mul3A_34, %add3A_1756 : vector<16xi32>
        %gather3A_1758 = tpu.vector_load_idx %arg6[%add3A_1753, %add3A_1757] : memref<128x401xi32, #tpu.memory_space<vmem>>[vector<16xi32>, vector<16xi32>], vector<16xi32>,
        %add3A_1759 = arith.constant 0 : i32
        %add3A_1760 = vector.broadcast %add3A_1759 : i32 to vector<16xi32>
        %add3A_1761 = arith.addi %gather3A_1758, %add3A_1760 : vector<16xi32>
        %swap3A_1762 = arith.constant 3 : i32
        %swap3A_1763 = arith.index_cast %swap3A_1762 : i32 to index
        %swap3A_1764 = arith.constant 0 : index
        %swap3A_1765 = tpu.vector_load %arg8[%swap3A_1763, %swap3A_1764] {strides = array<i32>} : memref<8x128xi32, #tpu.memory_space<vmem>>, vector<16xi32>,
        tpu.vector_store %arg8[%swap3A_1763, %swap3A_1764], %add3A_1761 {strides = array<i32>} : memref<8x128xi32, #tpu.memory_space<vmem>>, vector<16xi32>,
        %add3A_1766 = arith.constant 48 : i32
        %add3A_1767 = vector.broadcast %add3A_1766 : i32 to vector<16xi32>
        %add3A_1768 = arith.addi %iota3A, %add3A_1767 : vector<16xi32>
        %add3A_1769 = arith.constant 50 : i32
        %add3A_1770 = arith.addi %add3A_1769, %add3A_1390 : i32
        %add3A_1771 = vector.broadcast %add3A_1770 : i32 to vector<16xi32>
        %add3A_1772 = arith.addi %mul3A_34, %add3A_1771 : vector<16xi32>
        %gather3A_1773 = tpu.vector_load_idx %arg6[%add3A_1768, %add3A_1772] : memref<128x401xi32, #tpu.memory_space<vmem>>[vector<16xi32>, vector<16xi32>], vector<16xi32>,
        %add3A_1774 = arith.constant 100000 : i32
        %add3A_1775 = vector.broadcast %add3A_1774 : i32 to vector<16xi32>
        %add3A_1776 = arith.addi %gather3A_1773, %add3A_1775 : vector<16xi32>
        %swap3A_1777 = arith.constant 3 : i32
        %swap3A_1778 = arith.index_cast %swap3A_1777 : i32 to index
        %swap3A_1779 = arith.constant 16 : index
        %swap3A_1780 = tpu.vector_load %arg8[%swap3A_1778, %swap3A_1779] {strides = array<i32>} : memref<8x128xi32, #tpu.memory_space<vmem>>, vector<16xi32>,
        tpu.vector_store %arg8[%swap3A_1778, %swap3A_1779], %add3A_1776 {strides = array<i32>} : memref<8x128xi32, #tpu.memory_space<vmem>>, vector<16xi32>,
        %add3A_1781 = arith.constant 48 : i32
        %add3A_1782 = vector.broadcast %add3A_1781 : i32 to vector<16xi32>
        %add3A_1783 = arith.addi %iota3A, %add3A_1782 : vector<16xi32>
        %add3A_1784 = arith.constant 100 : i32
        %add3A_1785 = arith.addi %add3A_1784, %add3A_1390 : i32
        %add3A_1786 = vector.broadcast %add3A_1785 : i32 to vector<16xi32>
        %add3A_1787 = arith.addi %mul3A_34, %add3A_1786 : vector<16xi32>
        %gather3A_1788 = tpu.vector_load_idx %arg6[%add3A_1783, %add3A_1787] : memref<128x401xi32, #tpu.memory_space<vmem>>[vector<16xi32>, vector<16xi32>], vector<16xi32>,
        %add3A_1789 = arith.constant 200000 : i32
        %add3A_1790 = vector.broadcast %add3A_1789 : i32 to vector<16xi32>
        %add3A_1791 = arith.addi %gather3A_1788, %add3A_1790 : vector<16xi32>
        %swap3A_1792 = arith.constant 3 : i32
        %swap3A_1793 = arith.index_cast %swap3A_1792 : i32 to index
        %swap3A_1794 = arith.constant 32 : index
        %swap3A_1795 = tpu.vector_load %arg8[%swap3A_1793, %swap3A_1794] {strides = array<i32>} : memref<8x128xi32, #tpu.memory_space<vmem>>, vector<16xi32>,
        tpu.vector_store %arg8[%swap3A_1793, %swap3A_1794], %add3A_1791 {strides = array<i32>} : memref<8x128xi32, #tpu.memory_space<vmem>>, vector<16xi32>,
        %add3A_1796 = arith.constant 48 : i32
        %add3A_1797 = vector.broadcast %add3A_1796 : i32 to vector<16xi32>
        %add3A_1798 = arith.addi %iota3A, %add3A_1797 : vector<16xi32>
        %add3A_1799 = arith.constant 150 : i32
        %add3A_1800 = arith.addi %add3A_1799, %add3A_1390 : i32
        %add3A_1801 = vector.broadcast %add3A_1800 : i32 to vector<16xi32>
        %add3A_1802 = arith.addi %mul3A_34, %add3A_1801 : vector<16xi32>
        %gather3A_1803 = tpu.vector_load_idx %arg6[%add3A_1798, %add3A_1802] : memref<128x401xi32, #tpu.memory_space<vmem>>[vector<16xi32>, vector<16xi32>], vector<16xi32>,
        %add3A_1804 = arith.constant 300000 : i32
        %add3A_1805 = vector.broadcast %add3A_1804 : i32 to vector<16xi32>
        %add3A_1806 = arith.addi %gather3A_1803, %add3A_1805 : vector<16xi32>
        %swap3A_1807 = arith.constant 3 : i32
        %swap3A_1808 = arith.index_cast %swap3A_1807 : i32 to index
        %swap3A_1809 = arith.constant 48 : index
        %swap3A_1810 = tpu.vector_load %arg8[%swap3A_1808, %swap3A_1809] {strides = array<i32>} : memref<8x128xi32, #tpu.memory_space<vmem>>, vector<16xi32>,
        tpu.vector_store %arg8[%swap3A_1808, %swap3A_1809], %add3A_1806 {strides = array<i32>} : memref<8x128xi32, #tpu.memory_space<vmem>>, vector<16xi32>,
        %add3A_1811 = arith.constant 48 : i32
        %add3A_1812 = vector.broadcast %add3A_1811 : i32 to vector<16xi32>
        %add3A_1813 = arith.addi %iota3A, %add3A_1812 : vector<16xi32>
        %add3A_1814 = arith.constant 200 : i32
        %add3A_1815 = arith.addi %add3A_1814, %add3A_1390 : i32
        %add3A_1816 = vector.broadcast %add3A_1815 : i32 to vector<16xi32>
        %add3A_1817 = arith.addi %mul3A_34, %add3A_1816 : vector<16xi32>
        %gather3A_1818 = tpu.vector_load_idx %arg6[%add3A_1813, %add3A_1817] : memref<128x401xi32, #tpu.memory_space<vmem>>[vector<16xi32>, vector<16xi32>], vector<16xi32>,
        %add3A_1819 = arith.constant 400000 : i32
        %add3A_1820 = vector.broadcast %add3A_1819 : i32 to vector<16xi32>
        %add3A_1821 = arith.addi %gather3A_1818, %add3A_1820 : vector<16xi32>
        %swap3A_1822 = arith.constant 3 : i32
        %swap3A_1823 = arith.index_cast %swap3A_1822 : i32 to index
        %swap3A_1824 = arith.constant 64 : index
        %swap3A_1825 = tpu.vector_load %arg8[%swap3A_1823, %swap3A_1824] {strides = array<i32>} : memref<8x128xi32, #tpu.memory_space<vmem>>, vector<16xi32>,
        tpu.vector_store %arg8[%swap3A_1823, %swap3A_1824], %add3A_1821 {strides = array<i32>} : memref<8x128xi32, #tpu.memory_space<vmem>>, vector<16xi32>,
        %add3A_1826 = arith.constant 48 : i32
        %add3A_1827 = vector.broadcast %add3A_1826 : i32 to vector<16xi32>
        %add3A_1828 = arith.addi %iota3A, %add3A_1827 : vector<16xi32>
        %add3A_1829 = arith.constant 250 : i32
        %add3A_1830 = arith.addi %add3A_1829, %add3A_1390 : i32
        %add3A_1831 = vector.broadcast %add3A_1830 : i32 to vector<16xi32>
        %add3A_1832 = arith.addi %mul3A_34, %add3A_1831 : vector<16xi32>
        %gather3A_1833 = tpu.vector_load_idx %arg6[%add3A_1828, %add3A_1832] : memref<128x401xi32, #tpu.memory_space<vmem>>[vector<16xi32>, vector<16xi32>], vector<16xi32>,
        %add3A_1834 = arith.constant 500000 : i32
        %add3A_1835 = vector.broadcast %add3A_1834 : i32 to vector<16xi32>
        %add3A_1836 = arith.addi %gather3A_1833, %add3A_1835 : vector<16xi32>
        %swap3A_1837 = arith.constant 3 : i32
        %swap3A_1838 = arith.index_cast %swap3A_1837 : i32 to index
        %swap3A_1839 = arith.constant 80 : index
        %swap3A_1840 = tpu.vector_load %arg8[%swap3A_1838, %swap3A_1839] {strides = array<i32>} : memref<8x128xi32, #tpu.memory_space<vmem>>, vector<16xi32>,
        tpu.vector_store %arg8[%swap3A_1838, %swap3A_1839], %add3A_1836 {strides = array<i32>} : memref<8x128xi32, #tpu.memory_space<vmem>>, vector<16xi32>,
        %add3A_1841 = arith.constant 48 : i32
        %add3A_1842 = vector.broadcast %add3A_1841 : i32 to vector<16xi32>
        %add3A_1843 = arith.addi %iota3A, %add3A_1842 : vector<16xi32>
        %add3A_1844 = arith.constant 300 : i32
        %add3A_1845 = arith.addi %add3A_1844, %add3A_1390 : i32
        %add3A_1846 = vector.broadcast %add3A_1845 : i32 to vector<16xi32>
        %add3A_1847 = arith.addi %mul3A_34, %add3A_1846 : vector<16xi32>
        %gather3A_1848 = tpu.vector_load_idx %arg6[%add3A_1843, %add3A_1847] : memref<128x401xi32, #tpu.memory_space<vmem>>[vector<16xi32>, vector<16xi32>], vector<16xi32>,
        %add3A_1849 = arith.constant 600000 : i32
        %add3A_1850 = vector.broadcast %add3A_1849 : i32 to vector<16xi32>
        %add3A_1851 = arith.addi %gather3A_1848, %add3A_1850 : vector<16xi32>
        %swap3A_1852 = arith.constant 3 : i32
        %swap3A_1853 = arith.index_cast %swap3A_1852 : i32 to index
        %swap3A_1854 = arith.constant 96 : index
        %swap3A_1855 = tpu.vector_load %arg8[%swap3A_1853, %swap3A_1854] {strides = array<i32>} : memref<8x128xi32, #tpu.memory_space<vmem>>, vector<16xi32>,
        tpu.vector_store %arg8[%swap3A_1853, %swap3A_1854], %add3A_1851 {strides = array<i32>} : memref<8x128xi32, #tpu.memory_space<vmem>>, vector<16xi32>,
        %add3A_1856 = arith.constant 48 : i32
        %add3A_1857 = vector.broadcast %add3A_1856 : i32 to vector<16xi32>
        %add3A_1858 = arith.addi %iota3A, %add3A_1857 : vector<16xi32>
        %add3A_1859 = arith.constant 350 : i32
        %add3A_1860 = arith.addi %add3A_1859, %add3A_1390 : i32
        %add3A_1861 = vector.broadcast %add3A_1860 : i32 to vector<16xi32>
        %add3A_1862 = arith.addi %mul3A_34, %add3A_1861 : vector<16xi32>
        %gather3A_1863 = tpu.vector_load_idx %arg6[%add3A_1858, %add3A_1862] : memref<128x401xi32, #tpu.memory_space<vmem>>[vector<16xi32>, vector<16xi32>], vector<16xi32>,
        %add3A_1864 = arith.constant 700000 : i32
        %add3A_1865 = vector.broadcast %add3A_1864 : i32 to vector<16xi32>
        %add3A_1866 = arith.addi %gather3A_1863, %add3A_1865 : vector<16xi32>
        %swap3A_1867 = arith.constant 3 : i32
        %swap3A_1868 = arith.index_cast %swap3A_1867 : i32 to index
        %swap3A_1869 = arith.constant 112 : index
        %swap3A_1870 = tpu.vector_load %arg8[%swap3A_1868, %swap3A_1869] {strides = array<i32>} : memref<8x128xi32, #tpu.memory_space<vmem>>, vector<16xi32>,
        tpu.vector_store %arg8[%swap3A_1868, %swap3A_1869], %add3A_1866 {strides = array<i32>} : memref<8x128xi32, #tpu.memory_space<vmem>>, vector<16xi32>,
        %add3A_1871 = arith.constant 64 : i32
        %add3A_1872 = vector.broadcast %add3A_1871 : i32 to vector<16xi32>
        %add3A_1873 = arith.addi %iota3A, %add3A_1872 : vector<16xi32>
        %add3A_1874 = arith.constant 0 : i32
        %add3A_1875 = arith.addi %add3A_1874, %add3A_1390 : i32
        %add3A_1876 = vector.broadcast %add3A_1875 : i32 to vector<16xi32>
        %add3A_1877 = arith.addi %mul3A_34, %add3A_1876 : vector<16xi32>
        %gather3A_1878 = tpu.vector_load_idx %arg6[%add3A_1873, %add3A_1877] : memref<128x401xi32, #tpu.memory_space<vmem>>[vector<16xi32>, vector<16xi32>], vector<16xi32>,
        %add3A_1879 = arith.constant 0 : i32
        %add3A_1880 = vector.broadcast %add3A_1879 : i32 to vector<16xi32>
        %add3A_1881 = arith.addi %gather3A_1878, %add3A_1880 : vector<16xi32>
        %swap3A_1882 = arith.constant 4 : i32
        %swap3A_1883 = arith.index_cast %swap3A_1882 : i32 to index
        %swap3A_1884 = arith.constant 0 : index
        %swap3A_1885 = tpu.vector_load %arg8[%swap3A_1883, %swap3A_1884] {strides = array<i32>} : memref<8x128xi32, #tpu.memory_space<vmem>>, vector<16xi32>,
        tpu.vector_store %arg8[%swap3A_1883, %swap3A_1884], %add3A_1881 {strides = array<i32>} : memref<8x128xi32, #tpu.memory_space<vmem>>, vector<16xi32>,
        %add3A_1886 = arith.constant 64 : i32
        %add3A_1887 = vector.broadcast %add3A_1886 : i32 to vector<16xi32>
        %add3A_1888 = arith.addi %iota3A, %add3A_1887 : vector<16xi32>
        %add3A_1889 = arith.constant 50 : i32
        %add3A_1890 = arith.addi %add3A_1889, %add3A_1390 : i32
        %add3A_1891 = vector.broadcast %add3A_1890 : i32 to vector<16xi32>
        %add3A_1892 = arith.addi %mul3A_34, %add3A_1891 : vector<16xi32>
        %gather3A_1893 = tpu.vector_load_idx %arg6[%add3A_1888, %add3A_1892] : memref<128x401xi32, #tpu.memory_space<vmem>>[vector<16xi32>, vector<16xi32>], vector<16xi32>,
        %add3A_1894 = arith.constant 100000 : i32
        %add3A_1895 = vector.broadcast %add3A_1894 : i32 to vector<16xi32>
        %add3A_1896 = arith.addi %gather3A_1893, %add3A_1895 : vector<16xi32>
        %swap3A_1897 = arith.constant 4 : i32
        %swap3A_1898 = arith.index_cast %swap3A_1897 : i32 to index
        %swap3A_1899 = arith.constant 16 : index
        %swap3A_1900 = tpu.vector_load %arg8[%swap3A_1898, %swap3A_1899] {strides = array<i32>} : memref<8x128xi32, #tpu.memory_space<vmem>>, vector<16xi32>,
        tpu.vector_store %arg8[%swap3A_1898, %swap3A_1899], %add3A_1896 {strides = array<i32>} : memref<8x128xi32, #tpu.memory_space<vmem>>, vector<16xi32>,
        %add3A_1901 = arith.constant 64 : i32
        %add3A_1902 = vector.broadcast %add3A_1901 : i32 to vector<16xi32>
        %add3A_1903 = arith.addi %iota3A, %add3A_1902 : vector<16xi32>
        %add3A_1904 = arith.constant 100 : i32
        %add3A_1905 = arith.addi %add3A_1904, %add3A_1390 : i32
        %add3A_1906 = vector.broadcast %add3A_1905 : i32 to vector<16xi32>
        %add3A_1907 = arith.addi %mul3A_34, %add3A_1906 : vector<16xi32>
        %gather3A_1908 = tpu.vector_load_idx %arg6[%add3A_1903, %add3A_1907] : memref<128x401xi32, #tpu.memory_space<vmem>>[vector<16xi32>, vector<16xi32>], vector<16xi32>,
        %add3A_1909 = arith.constant 200000 : i32
        %add3A_1910 = vector.broadcast %add3A_1909 : i32 to vector<16xi32>
        %add3A_1911 = arith.addi %gather3A_1908, %add3A_1910 : vector<16xi32>
        %swap3A_1912 = arith.constant 4 : i32
        %swap3A_1913 = arith.index_cast %swap3A_1912 : i32 to index
        %swap3A_1914 = arith.constant 32 : index
        %swap3A_1915 = tpu.vector_load %arg8[%swap3A_1913, %swap3A_1914] {strides = array<i32>} : memref<8x128xi32, #tpu.memory_space<vmem>>, vector<16xi32>,
        tpu.vector_store %arg8[%swap3A_1913, %swap3A_1914], %add3A_1911 {strides = array<i32>} : memref<8x128xi32, #tpu.memory_space<vmem>>, vector<16xi32>,
        %add3A_1916 = arith.constant 64 : i32
        %add3A_1917 = vector.broadcast %add3A_1916 : i32 to vector<16xi32>
        %add3A_1918 = arith.addi %iota3A, %add3A_1917 : vector<16xi32>
        %add3A_1919 = arith.constant 150 : i32
        %add3A_1920 = arith.addi %add3A_1919, %add3A_1390 : i32
        %add3A_1921 = vector.broadcast %add3A_1920 : i32 to vector<16xi32>
        %add3A_1922 = arith.addi %mul3A_34, %add3A_1921 : vector<16xi32>
        %gather3A_1923 = tpu.vector_load_idx %arg6[%add3A_1918, %add3A_1922] : memref<128x401xi32, #tpu.memory_space<vmem>>[vector<16xi32>, vector<16xi32>], vector<16xi32>,
        %add3A_1924 = arith.constant 300000 : i32
        %add3A_1925 = vector.broadcast %add3A_1924 : i32 to vector<16xi32>
        %add3A_1926 = arith.addi %gather3A_1923, %add3A_1925 : vector<16xi32>
        %swap3A_1927 = arith.constant 4 : i32
        %swap3A_1928 = arith.index_cast %swap3A_1927 : i32 to index
        %swap3A_1929 = arith.constant 48 : index
        %swap3A_1930 = tpu.vector_load %arg8[%swap3A_1928, %swap3A_1929] {strides = array<i32>} : memref<8x128xi32, #tpu.memory_space<vmem>>, vector<16xi32>,
        tpu.vector_store %arg8[%swap3A_1928, %swap3A_1929], %add3A_1926 {strides = array<i32>} : memref<8x128xi32, #tpu.memory_space<vmem>>, vector<16xi32>,
        %add3A_1931 = arith.constant 64 : i32
        %add3A_1932 = vector.broadcast %add3A_1931 : i32 to vector<16xi32>
        %add3A_1933 = arith.addi %iota3A, %add3A_1932 : vector<16xi32>
        %add3A_1934 = arith.constant 200 : i32
        %add3A_1935 = arith.addi %add3A_1934, %add3A_1390 : i32
        %add3A_1936 = vector.broadcast %add3A_1935 : i32 to vector<16xi32>
        %add3A_1937 = arith.addi %mul3A_34, %add3A_1936 : vector<16xi32>
        %gather3A_1938 = tpu.vector_load_idx %arg6[%add3A_1933, %add3A_1937] : memref<128x401xi32, #tpu.memory_space<vmem>>[vector<16xi32>, vector<16xi32>], vector<16xi32>,
        %add3A_1939 = arith.constant 400000 : i32
        %add3A_1940 = vector.broadcast %add3A_1939 : i32 to vector<16xi32>
        %add3A_1941 = arith.addi %gather3A_1938, %add3A_1940 : vector<16xi32>
        %swap3A_1942 = arith.constant 4 : i32
        %swap3A_1943 = arith.index_cast %swap3A_1942 : i32 to index
        %swap3A_1944 = arith.constant 64 : index
        %swap3A_1945 = tpu.vector_load %arg8[%swap3A_1943, %swap3A_1944] {strides = array<i32>} : memref<8x128xi32, #tpu.memory_space<vmem>>, vector<16xi32>,
        tpu.vector_store %arg8[%swap3A_1943, %swap3A_1944], %add3A_1941 {strides = array<i32>} : memref<8x128xi32, #tpu.memory_space<vmem>>, vector<16xi32>,
        %add3A_1946 = arith.constant 64 : i32
        %add3A_1947 = vector.broadcast %add3A_1946 : i32 to vector<16xi32>
        %add3A_1948 = arith.addi %iota3A, %add3A_1947 : vector<16xi32>
        %add3A_1949 = arith.constant 250 : i32
        %add3A_1950 = arith.addi %add3A_1949, %add3A_1390 : i32
        %add3A_1951 = vector.broadcast %add3A_1950 : i32 to vector<16xi32>
        %add3A_1952 = arith.addi %mul3A_34, %add3A_1951 : vector<16xi32>
        %gather3A_1953 = tpu.vector_load_idx %arg6[%add3A_1948, %add3A_1952] : memref<128x401xi32, #tpu.memory_space<vmem>>[vector<16xi32>, vector<16xi32>], vector<16xi32>,
        %add3A_1954 = arith.constant 500000 : i32
        %add3A_1955 = vector.broadcast %add3A_1954 : i32 to vector<16xi32>
        %add3A_1956 = arith.addi %gather3A_1953, %add3A_1955 : vector<16xi32>
        %swap3A_1957 = arith.constant 4 : i32
        %swap3A_1958 = arith.index_cast %swap3A_1957 : i32 to index
        %swap3A_1959 = arith.constant 80 : index
        %swap3A_1960 = tpu.vector_load %arg8[%swap3A_1958, %swap3A_1959] {strides = array<i32>} : memref<8x128xi32, #tpu.memory_space<vmem>>, vector<16xi32>,
        tpu.vector_store %arg8[%swap3A_1958, %swap3A_1959], %add3A_1956 {strides = array<i32>} : memref<8x128xi32, #tpu.memory_space<vmem>>, vector<16xi32>,
        %add3A_1961 = arith.constant 64 : i32
        %add3A_1962 = vector.broadcast %add3A_1961 : i32 to vector<16xi32>
        %add3A_1963 = arith.addi %iota3A, %add3A_1962 : vector<16xi32>
        %add3A_1964 = arith.constant 300 : i32
        %add3A_1965 = arith.addi %add3A_1964, %add3A_1390 : i32
        %add3A_1966 = vector.broadcast %add3A_1965 : i32 to vector<16xi32>
        %add3A_1967 = arith.addi %mul3A_34, %add3A_1966 : vector<16xi32>
        %gather3A_1968 = tpu.vector_load_idx %arg6[%add3A_1963, %add3A_1967] : memref<128x401xi32, #tpu.memory_space<vmem>>[vector<16xi32>, vector<16xi32>], vector<16xi32>,
        %add3A_1969 = arith.constant 600000 : i32
        %add3A_1970 = vector.broadcast %add3A_1969 : i32 to vector<16xi32>
        %add3A_1971 = arith.addi %gather3A_1968, %add3A_1970 : vector<16xi32>
        %swap3A_1972 = arith.constant 4 : i32
        %swap3A_1973 = arith.index_cast %swap3A_1972 : i32 to index
        %swap3A_1974 = arith.constant 96 : index
        %swap3A_1975 = tpu.vector_load %arg8[%swap3A_1973, %swap3A_1974] {strides = array<i32>} : memref<8x128xi32, #tpu.memory_space<vmem>>, vector<16xi32>,
        tpu.vector_store %arg8[%swap3A_1973, %swap3A_1974], %add3A_1971 {strides = array<i32>} : memref<8x128xi32, #tpu.memory_space<vmem>>, vector<16xi32>,
        %add3A_1976 = arith.constant 64 : i32
        %add3A_1977 = vector.broadcast %add3A_1976 : i32 to vector<16xi32>
        %add3A_1978 = arith.addi %iota3A, %add3A_1977 : vector<16xi32>
        %add3A_1979 = arith.constant 350 : i32
        %add3A_1980 = arith.addi %add3A_1979, %add3A_1390 : i32
        %add3A_1981 = vector.broadcast %add3A_1980 : i32 to vector<16xi32>
        %add3A_1982 = arith.addi %mul3A_34, %add3A_1981 : vector<16xi32>
        %gather3A_1983 = tpu.vector_load_idx %arg6[%add3A_1978, %add3A_1982] : memref<128x401xi32, #tpu.memory_space<vmem>>[vector<16xi32>, vector<16xi32>], vector<16xi32>,
        %add3A_1984 = arith.constant 700000 : i32
        %add3A_1985 = vector.broadcast %add3A_1984 : i32 to vector<16xi32>
        %add3A_1986 = arith.addi %gather3A_1983, %add3A_1985 : vector<16xi32>
        %swap3A_1987 = arith.constant 4 : i32
        %swap3A_1988 = arith.index_cast %swap3A_1987 : i32 to index
        %swap3A_1989 = arith.constant 112 : index
        %swap3A_1990 = tpu.vector_load %arg8[%swap3A_1988, %swap3A_1989] {strides = array<i32>} : memref<8x128xi32, #tpu.memory_space<vmem>>, vector<16xi32>,
        tpu.vector_store %arg8[%swap3A_1988, %swap3A_1989], %add3A_1986 {strides = array<i32>} : memref<8x128xi32, #tpu.memory_space<vmem>>, vector<16xi32>,
        %add3A_1991 = arith.constant 80 : i32
        %add3A_1992 = vector.broadcast %add3A_1991 : i32 to vector<16xi32>
        %add3A_1993 = arith.addi %iota3A, %add3A_1992 : vector<16xi32>
        %add3A_1994 = arith.constant 0 : i32
        %add3A_1995 = arith.addi %add3A_1994, %add3A_1390 : i32
        %add3A_1996 = vector.broadcast %add3A_1995 : i32 to vector<16xi32>
        %add3A_1997 = arith.addi %mul3A_34, %add3A_1996 : vector<16xi32>
        %gather3A_1998 = tpu.vector_load_idx %arg6[%add3A_1993, %add3A_1997] : memref<128x401xi32, #tpu.memory_space<vmem>>[vector<16xi32>, vector<16xi32>], vector<16xi32>,
        %add3A_1999 = arith.constant 0 : i32
        %add3A_2000 = vector.broadcast %add3A_1999 : i32 to vector<16xi32>
        %add3A_2001 = arith.addi %gather3A_1998, %add3A_2000 : vector<16xi32>
        %swap3A_2002 = arith.constant 5 : i32
        %swap3A_2003 = arith.index_cast %swap3A_2002 : i32 to index
        %swap3A_2004 = arith.constant 0 : index
        %swap3A_2005 = tpu.vector_load %arg8[%swap3A_2003, %swap3A_2004] {strides = array<i32>} : memref<8x128xi32, #tpu.memory_space<vmem>>, vector<16xi32>,
        tpu.vector_store %arg8[%swap3A_2003, %swap3A_2004], %add3A_2001 {strides = array<i32>} : memref<8x128xi32, #tpu.memory_space<vmem>>, vector<16xi32>,
        %add3A_2006 = arith.constant 80 : i32
        %add3A_2007 = vector.broadcast %add3A_2006 : i32 to vector<16xi32>
        %add3A_2008 = arith.addi %iota3A, %add3A_2007 : vector<16xi32>
        %add3A_2009 = arith.constant 50 : i32
        %add3A_2010 = arith.addi %add3A_2009, %add3A_1390 : i32
        %add3A_2011 = vector.broadcast %add3A_2010 : i32 to vector<16xi32>
        %add3A_2012 = arith.addi %mul3A_34, %add3A_2011 : vector<16xi32>
        %gather3A_2013 = tpu.vector_load_idx %arg6[%add3A_2008, %add3A_2012] : memref<128x401xi32, #tpu.memory_space<vmem>>[vector<16xi32>, vector<16xi32>], vector<16xi32>,
        %add3A_2014 = arith.constant 100000 : i32
        %add3A_2015 = vector.broadcast %add3A_2014 : i32 to vector<16xi32>
        %add3A_2016 = arith.addi %gather3A_2013, %add3A_2015 : vector<16xi32>
        %swap3A_2017 = arith.constant 5 : i32
        %swap3A_2018 = arith.index_cast %swap3A_2017 : i32 to index
        %swap3A_2019 = arith.constant 16 : index
        %swap3A_2020 = tpu.vector_load %arg8[%swap3A_2018, %swap3A_2019] {strides = array<i32>} : memref<8x128xi32, #tpu.memory_space<vmem>>, vector<16xi32>,
        tpu.vector_store %arg8[%swap3A_2018, %swap3A_2019], %add3A_2016 {strides = array<i32>} : memref<8x128xi32, #tpu.memory_space<vmem>>, vector<16xi32>,
        %add3A_2021 = arith.constant 80 : i32
        %add3A_2022 = vector.broadcast %add3A_2021 : i32 to vector<16xi32>
        %add3A_2023 = arith.addi %iota3A, %add3A_2022 : vector<16xi32>
        %add3A_2024 = arith.constant 100 : i32
        %add3A_2025 = arith.addi %add3A_2024, %add3A_1390 : i32
        %add3A_2026 = vector.broadcast %add3A_2025 : i32 to vector<16xi32>
        %add3A_2027 = arith.addi %mul3A_34, %add3A_2026 : vector<16xi32>
        %gather3A_2028 = tpu.vector_load_idx %arg6[%add3A_2023, %add3A_2027] : memref<128x401xi32, #tpu.memory_space<vmem>>[vector<16xi32>, vector<16xi32>], vector<16xi32>,
        %add3A_2029 = arith.constant 200000 : i32
        %add3A_2030 = vector.broadcast %add3A_2029 : i32 to vector<16xi32>
        %add3A_2031 = arith.addi %gather3A_2028, %add3A_2030 : vector<16xi32>
        %swap3A_2032 = arith.constant 5 : i32
        %swap3A_2033 = arith.index_cast %swap3A_2032 : i32 to index
        %swap3A_2034 = arith.constant 32 : index
        %swap3A_2035 = tpu.vector_load %arg8[%swap3A_2033, %swap3A_2034] {strides = array<i32>} : memref<8x128xi32, #tpu.memory_space<vmem>>, vector<16xi32>,
        tpu.vector_store %arg8[%swap3A_2033, %swap3A_2034], %add3A_2031 {strides = array<i32>} : memref<8x128xi32, #tpu.memory_space<vmem>>, vector<16xi32>,
        %add3A_2036 = arith.constant 80 : i32
        %add3A_2037 = vector.broadcast %add3A_2036 : i32 to vector<16xi32>
        %add3A_2038 = arith.addi %iota3A, %add3A_2037 : vector<16xi32>
        %add3A_2039 = arith.constant 150 : i32
        %add3A_2040 = arith.addi %add3A_2039, %add3A_1390 : i32
        %add3A_2041 = vector.broadcast %add3A_2040 : i32 to vector<16xi32>
        %add3A_2042 = arith.addi %mul3A_34, %add3A_2041 : vector<16xi32>
        %gather3A_2043 = tpu.vector_load_idx %arg6[%add3A_2038, %add3A_2042] : memref<128x401xi32, #tpu.memory_space<vmem>>[vector<16xi32>, vector<16xi32>], vector<16xi32>,
        %add3A_2044 = arith.constant 300000 : i32
        %add3A_2045 = vector.broadcast %add3A_2044 : i32 to vector<16xi32>
        %add3A_2046 = arith.addi %gather3A_2043, %add3A_2045 : vector<16xi32>
        %swap3A_2047 = arith.constant 5 : i32
        %swap3A_2048 = arith.index_cast %swap3A_2047 : i32 to index
        %swap3A_2049 = arith.constant 48 : index
        %swap3A_2050 = tpu.vector_load %arg8[%swap3A_2048, %swap3A_2049] {strides = array<i32>} : memref<8x128xi32, #tpu.memory_space<vmem>>, vector<16xi32>,
        tpu.vector_store %arg8[%swap3A_2048, %swap3A_2049], %add3A_2046 {strides = array<i32>} : memref<8x128xi32, #tpu.memory_space<vmem>>, vector<16xi32>,
        %add3A_2051 = arith.constant 80 : i32
        %add3A_2052 = vector.broadcast %add3A_2051 : i32 to vector<16xi32>
        %add3A_2053 = arith.addi %iota3A, %add3A_2052 : vector<16xi32>
        %add3A_2054 = arith.constant 200 : i32
        %add3A_2055 = arith.addi %add3A_2054, %add3A_1390 : i32
        %add3A_2056 = vector.broadcast %add3A_2055 : i32 to vector<16xi32>
        %add3A_2057 = arith.addi %mul3A_34, %add3A_2056 : vector<16xi32>
        %gather3A_2058 = tpu.vector_load_idx %arg6[%add3A_2053, %add3A_2057] : memref<128x401xi32, #tpu.memory_space<vmem>>[vector<16xi32>, vector<16xi32>], vector<16xi32>,
        %add3A_2059 = arith.constant 400000 : i32
        %add3A_2060 = vector.broadcast %add3A_2059 : i32 to vector<16xi32>
        %add3A_2061 = arith.addi %gather3A_2058, %add3A_2060 : vector<16xi32>
        %swap3A_2062 = arith.constant 5 : i32
        %swap3A_2063 = arith.index_cast %swap3A_2062 : i32 to index
        %swap3A_2064 = arith.constant 64 : index
        %swap3A_2065 = tpu.vector_load %arg8[%swap3A_2063, %swap3A_2064] {strides = array<i32>} : memref<8x128xi32, #tpu.memory_space<vmem>>, vector<16xi32>,
        tpu.vector_store %arg8[%swap3A_2063, %swap3A_2064], %add3A_2061 {strides = array<i32>} : memref<8x128xi32, #tpu.memory_space<vmem>>, vector<16xi32>,
        %add3A_2066 = arith.constant 80 : i32
        %add3A_2067 = vector.broadcast %add3A_2066 : i32 to vector<16xi32>
        %add3A_2068 = arith.addi %iota3A, %add3A_2067 : vector<16xi32>
        %add3A_2069 = arith.constant 250 : i32
        %add3A_2070 = arith.addi %add3A_2069, %add3A_1390 : i32
        %add3A_2071 = vector.broadcast %add3A_2070 : i32 to vector<16xi32>
        %add3A_2072 = arith.addi %mul3A_34, %add3A_2071 : vector<16xi32>
        %gather3A_2073 = tpu.vector_load_idx %arg6[%add3A_2068, %add3A_2072] : memref<128x401xi32, #tpu.memory_space<vmem>>[vector<16xi32>, vector<16xi32>], vector<16xi32>,
        %add3A_2074 = arith.constant 500000 : i32
        %add3A_2075 = vector.broadcast %add3A_2074 : i32 to vector<16xi32>
        %add3A_2076 = arith.addi %gather3A_2073, %add3A_2075 : vector<16xi32>
        %swap3A_2077 = arith.constant 5 : i32
        %swap3A_2078 = arith.index_cast %swap3A_2077 : i32 to index
        %swap3A_2079 = arith.constant 80 : index
        %swap3A_2080 = tpu.vector_load %arg8[%swap3A_2078, %swap3A_2079] {strides = array<i32>} : memref<8x128xi32, #tpu.memory_space<vmem>>, vector<16xi32>,
        tpu.vector_store %arg8[%swap3A_2078, %swap3A_2079], %add3A_2076 {strides = array<i32>} : memref<8x128xi32, #tpu.memory_space<vmem>>, vector<16xi32>,
        %add3A_2081 = arith.constant 80 : i32
        %add3A_2082 = vector.broadcast %add3A_2081 : i32 to vector<16xi32>
        %add3A_2083 = arith.addi %iota3A, %add3A_2082 : vector<16xi32>
        %add3A_2084 = arith.constant 300 : i32
        %add3A_2085 = arith.addi %add3A_2084, %add3A_1390 : i32
        %add3A_2086 = vector.broadcast %add3A_2085 : i32 to vector<16xi32>
        %add3A_2087 = arith.addi %mul3A_34, %add3A_2086 : vector<16xi32>
        %gather3A_2088 = tpu.vector_load_idx %arg6[%add3A_2083, %add3A_2087] : memref<128x401xi32, #tpu.memory_space<vmem>>[vector<16xi32>, vector<16xi32>], vector<16xi32>,
        %add3A_2089 = arith.constant 600000 : i32
        %add3A_2090 = vector.broadcast %add3A_2089 : i32 to vector<16xi32>
        %add3A_2091 = arith.addi %gather3A_2088, %add3A_2090 : vector<16xi32>
        %swap3A_2092 = arith.constant 5 : i32
        %swap3A_2093 = arith.index_cast %swap3A_2092 : i32 to index
        %swap3A_2094 = arith.constant 96 : index
        %swap3A_2095 = tpu.vector_load %arg8[%swap3A_2093, %swap3A_2094] {strides = array<i32>} : memref<8x128xi32, #tpu.memory_space<vmem>>, vector<16xi32>,
        tpu.vector_store %arg8[%swap3A_2093, %swap3A_2094], %add3A_2091 {strides = array<i32>} : memref<8x128xi32, #tpu.memory_space<vmem>>, vector<16xi32>,
        %add3A_2096 = arith.constant 80 : i32
        %add3A_2097 = vector.broadcast %add3A_2096 : i32 to vector<16xi32>
        %add3A_2098 = arith.addi %iota3A, %add3A_2097 : vector<16xi32>
        %add3A_2099 = arith.constant 350 : i32
        %add3A_2100 = arith.addi %add3A_2099, %add3A_1390 : i32
        %add3A_2101 = vector.broadcast %add3A_2100 : i32 to vector<16xi32>
        %add3A_2102 = arith.addi %mul3A_34, %add3A_2101 : vector<16xi32>
        %gather3A_2103 = tpu.vector_load_idx %arg6[%add3A_2098, %add3A_2102] : memref<128x401xi32, #tpu.memory_space<vmem>>[vector<16xi32>, vector<16xi32>], vector<16xi32>,
        %add3A_2104 = arith.constant 700000 : i32
        %add3A_2105 = vector.broadcast %add3A_2104 : i32 to vector<16xi32>
        %add3A_2106 = arith.addi %gather3A_2103, %add3A_2105 : vector<16xi32>
        %swap3A_2107 = arith.constant 5 : i32
        %swap3A_2108 = arith.index_cast %swap3A_2107 : i32 to index
        %swap3A_2109 = arith.constant 112 : index
        %swap3A_2110 = tpu.vector_load %arg8[%swap3A_2108, %swap3A_2109] {strides = array<i32>} : memref<8x128xi32, #tpu.memory_space<vmem>>, vector<16xi32>,
        tpu.vector_store %arg8[%swap3A_2108, %swap3A_2109], %add3A_2106 {strides = array<i32>} : memref<8x128xi32, #tpu.memory_space<vmem>>, vector<16xi32>,
        %add3A_2111 = arith.constant 96 : i32
        %add3A_2112 = vector.broadcast %add3A_2111 : i32 to vector<16xi32>
        %add3A_2113 = arith.addi %iota3A, %add3A_2112 : vector<16xi32>
        %add3A_2114 = arith.constant 0 : i32
        %add3A_2115 = arith.addi %add3A_2114, %add3A_1390 : i32
        %add3A_2116 = vector.broadcast %add3A_2115 : i32 to vector<16xi32>
        %add3A_2117 = arith.addi %mul3A_34, %add3A_2116 : vector<16xi32>
        %gather3A_2118 = tpu.vector_load_idx %arg6[%add3A_2113, %add3A_2117] : memref<128x401xi32, #tpu.memory_space<vmem>>[vector<16xi32>, vector<16xi32>], vector<16xi32>,
        %add3A_2119 = arith.constant 0 : i32
        %add3A_2120 = vector.broadcast %add3A_2119 : i32 to vector<16xi32>
        %add3A_2121 = arith.addi %gather3A_2118, %add3A_2120 : vector<16xi32>
        %swap3A_2122 = arith.constant 6 : i32
        %swap3A_2123 = arith.index_cast %swap3A_2122 : i32 to index
        %swap3A_2124 = arith.constant 0 : index
        %swap3A_2125 = tpu.vector_load %arg8[%swap3A_2123, %swap3A_2124] {strides = array<i32>} : memref<8x128xi32, #tpu.memory_space<vmem>>, vector<16xi32>,
        tpu.vector_store %arg8[%swap3A_2123, %swap3A_2124], %add3A_2121 {strides = array<i32>} : memref<8x128xi32, #tpu.memory_space<vmem>>, vector<16xi32>,
        %add3A_2126 = arith.constant 96 : i32
        %add3A_2127 = vector.broadcast %add3A_2126 : i32 to vector<16xi32>
        %add3A_2128 = arith.addi %iota3A, %add3A_2127 : vector<16xi32>
        %add3A_2129 = arith.constant 50 : i32
        %add3A_2130 = arith.addi %add3A_2129, %add3A_1390 : i32
        %add3A_2131 = vector.broadcast %add3A_2130 : i32 to vector<16xi32>
        %add3A_2132 = arith.addi %mul3A_34, %add3A_2131 : vector<16xi32>
        %gather3A_2133 = tpu.vector_load_idx %arg6[%add3A_2128, %add3A_2132] : memref<128x401xi32, #tpu.memory_space<vmem>>[vector<16xi32>, vector<16xi32>], vector<16xi32>,
        %add3A_2134 = arith.constant 100000 : i32
        %add3A_2135 = vector.broadcast %add3A_2134 : i32 to vector<16xi32>
        %add3A_2136 = arith.addi %gather3A_2133, %add3A_2135 : vector<16xi32>
        %swap3A_2137 = arith.constant 6 : i32
        %swap3A_2138 = arith.index_cast %swap3A_2137 : i32 to index
        %swap3A_2139 = arith.constant 16 : index
        %swap3A_2140 = tpu.vector_load %arg8[%swap3A_2138, %swap3A_2139] {strides = array<i32>} : memref<8x128xi32, #tpu.memory_space<vmem>>, vector<16xi32>,
        tpu.vector_store %arg8[%swap3A_2138, %swap3A_2139], %add3A_2136 {strides = array<i32>} : memref<8x128xi32, #tpu.memory_space<vmem>>, vector<16xi32>,
        %add3A_2141 = arith.constant 96 : i32
        %add3A_2142 = vector.broadcast %add3A_2141 : i32 to vector<16xi32>
        %add3A_2143 = arith.addi %iota3A, %add3A_2142 : vector<16xi32>
        %add3A_2144 = arith.constant 100 : i32
        %add3A_2145 = arith.addi %add3A_2144, %add3A_1390 : i32
        %add3A_2146 = vector.broadcast %add3A_2145 : i32 to vector<16xi32>
        %add3A_2147 = arith.addi %mul3A_34, %add3A_2146 : vector<16xi32>
        %gather3A_2148 = tpu.vector_load_idx %arg6[%add3A_2143, %add3A_2147] : memref<128x401xi32, #tpu.memory_space<vmem>>[vector<16xi32>, vector<16xi32>], vector<16xi32>,
        %add3A_2149 = arith.constant 200000 : i32
        %add3A_2150 = vector.broadcast %add3A_2149 : i32 to vector<16xi32>
        %add3A_2151 = arith.addi %gather3A_2148, %add3A_2150 : vector<16xi32>
        %swap3A_2152 = arith.constant 6 : i32
        %swap3A_2153 = arith.index_cast %swap3A_2152 : i32 to index
        %swap3A_2154 = arith.constant 32 : index
        %swap3A_2155 = tpu.vector_load %arg8[%swap3A_2153, %swap3A_2154] {strides = array<i32>} : memref<8x128xi32, #tpu.memory_space<vmem>>, vector<16xi32>,
        tpu.vector_store %arg8[%swap3A_2153, %swap3A_2154], %add3A_2151 {strides = array<i32>} : memref<8x128xi32, #tpu.memory_space<vmem>>, vector<16xi32>,
        %add3A_2156 = arith.constant 96 : i32
        %add3A_2157 = vector.broadcast %add3A_2156 : i32 to vector<16xi32>
        %add3A_2158 = arith.addi %iota3A, %add3A_2157 : vector<16xi32>
        %add3A_2159 = arith.constant 150 : i32
        %add3A_2160 = arith.addi %add3A_2159, %add3A_1390 : i32
        %add3A_2161 = vector.broadcast %add3A_2160 : i32 to vector<16xi32>
        %add3A_2162 = arith.addi %mul3A_34, %add3A_2161 : vector<16xi32>
        %gather3A_2163 = tpu.vector_load_idx %arg6[%add3A_2158, %add3A_2162] : memref<128x401xi32, #tpu.memory_space<vmem>>[vector<16xi32>, vector<16xi32>], vector<16xi32>,
        %add3A_2164 = arith.constant 300000 : i32
        %add3A_2165 = vector.broadcast %add3A_2164 : i32 to vector<16xi32>
        %add3A_2166 = arith.addi %gather3A_2163, %add3A_2165 : vector<16xi32>
        %swap3A_2167 = arith.constant 6 : i32
        %swap3A_2168 = arith.index_cast %swap3A_2167 : i32 to index
        %swap3A_2169 = arith.constant 48 : index
        %swap3A_2170 = tpu.vector_load %arg8[%swap3A_2168, %swap3A_2169] {strides = array<i32>} : memref<8x128xi32, #tpu.memory_space<vmem>>, vector<16xi32>,
        tpu.vector_store %arg8[%swap3A_2168, %swap3A_2169], %add3A_2166 {strides = array<i32>} : memref<8x128xi32, #tpu.memory_space<vmem>>, vector<16xi32>,
        %add3A_2171 = arith.constant 96 : i32
        %add3A_2172 = vector.broadcast %add3A_2171 : i32 to vector<16xi32>
        %add3A_2173 = arith.addi %iota3A, %add3A_2172 : vector<16xi32>
        %add3A_2174 = arith.constant 200 : i32
        %add3A_2175 = arith.addi %add3A_2174, %add3A_1390 : i32
        %add3A_2176 = vector.broadcast %add3A_2175 : i32 to vector<16xi32>
        %add3A_2177 = arith.addi %mul3A_34, %add3A_2176 : vector<16xi32>
        %gather3A_2178 = tpu.vector_load_idx %arg6[%add3A_2173, %add3A_2177] : memref<128x401xi32, #tpu.memory_space<vmem>>[vector<16xi32>, vector<16xi32>], vector<16xi32>,
        %add3A_2179 = arith.constant 400000 : i32
        %add3A_2180 = vector.broadcast %add3A_2179 : i32 to vector<16xi32>
        %add3A_2181 = arith.addi %gather3A_2178, %add3A_2180 : vector<16xi32>
        %swap3A_2182 = arith.constant 6 : i32
        %swap3A_2183 = arith.index_cast %swap3A_2182 : i32 to index
        %swap3A_2184 = arith.constant 64 : index
        %swap3A_2185 = tpu.vector_load %arg8[%swap3A_2183, %swap3A_2184] {strides = array<i32>} : memref<8x128xi32, #tpu.memory_space<vmem>>, vector<16xi32>,
        tpu.vector_store %arg8[%swap3A_2183, %swap3A_2184], %add3A_2181 {strides = array<i32>} : memref<8x128xi32, #tpu.memory_space<vmem>>, vector<16xi32>,
        %add3A_2186 = arith.constant 96 : i32
        %add3A_2187 = vector.broadcast %add3A_2186 : i32 to vector<16xi32>
        %add3A_2188 = arith.addi %iota3A, %add3A_2187 : vector<16xi32>
        %add3A_2189 = arith.constant 250 : i32
        %add3A_2190 = arith.addi %add3A_2189, %add3A_1390 : i32
        %add3A_2191 = vector.broadcast %add3A_2190 : i32 to vector<16xi32>
        %add3A_2192 = arith.addi %mul3A_34, %add3A_2191 : vector<16xi32>
        %gather3A_2193 = tpu.vector_load_idx %arg6[%add3A_2188, %add3A_2192] : memref<128x401xi32, #tpu.memory_space<vmem>>[vector<16xi32>, vector<16xi32>], vector<16xi32>,
        %add3A_2194 = arith.constant 500000 : i32
        %add3A_2195 = vector.broadcast %add3A_2194 : i32 to vector<16xi32>
        %add3A_2196 = arith.addi %gather3A_2193, %add3A_2195 : vector<16xi32>
        %swap3A_2197 = arith.constant 6 : i32
        %swap3A_2198 = arith.index_cast %swap3A_2197 : i32 to index
        %swap3A_2199 = arith.constant 80 : index
        %swap3A_2200 = tpu.vector_load %arg8[%swap3A_2198, %swap3A_2199] {strides = array<i32>} : memref<8x128xi32, #tpu.memory_space<vmem>>, vector<16xi32>,
        tpu.vector_store %arg8[%swap3A_2198, %swap3A_2199], %add3A_2196 {strides = array<i32>} : memref<8x128xi32, #tpu.memory_space<vmem>>, vector<16xi32>,
        %add3A_2201 = arith.constant 96 : i32
        %add3A_2202 = vector.broadcast %add3A_2201 : i32 to vector<16xi32>
        %add3A_2203 = arith.addi %iota3A, %add3A_2202 : vector<16xi32>
        %add3A_2204 = arith.constant 300 : i32
        %add3A_2205 = arith.addi %add3A_2204, %add3A_1390 : i32
        %add3A_2206 = vector.broadcast %add3A_2205 : i32 to vector<16xi32>
        %add3A_2207 = arith.addi %mul3A_34, %add3A_2206 : vector<16xi32>
        %gather3A_2208 = tpu.vector_load_idx %arg6[%add3A_2203, %add3A_2207] : memref<128x401xi32, #tpu.memory_space<vmem>>[vector<16xi32>, vector<16xi32>], vector<16xi32>,
        %add3A_2209 = arith.constant 600000 : i32
        %add3A_2210 = vector.broadcast %add3A_2209 : i32 to vector<16xi32>
        %add3A_2211 = arith.addi %gather3A_2208, %add3A_2210 : vector<16xi32>
        %swap3A_2212 = arith.constant 6 : i32
        %swap3A_2213 = arith.index_cast %swap3A_2212 : i32 to index
        %swap3A_2214 = arith.constant 96 : index
        %swap3A_2215 = tpu.vector_load %arg8[%swap3A_2213, %swap3A_2214] {strides = array<i32>} : memref<8x128xi32, #tpu.memory_space<vmem>>, vector<16xi32>,
        tpu.vector_store %arg8[%swap3A_2213, %swap3A_2214], %add3A_2211 {strides = array<i32>} : memref<8x128xi32, #tpu.memory_space<vmem>>, vector<16xi32>,
        %add3A_2216 = arith.constant 96 : i32
        %add3A_2217 = vector.broadcast %add3A_2216 : i32 to vector<16xi32>
        %add3A_2218 = arith.addi %iota3A, %add3A_2217 : vector<16xi32>
        %add3A_2219 = arith.constant 350 : i32
        %add3A_2220 = arith.addi %add3A_2219, %add3A_1390 : i32
        %add3A_2221 = vector.broadcast %add3A_2220 : i32 to vector<16xi32>
        %add3A_2222 = arith.addi %mul3A_34, %add3A_2221 : vector<16xi32>
        %gather3A_2223 = tpu.vector_load_idx %arg6[%add3A_2218, %add3A_2222] : memref<128x401xi32, #tpu.memory_space<vmem>>[vector<16xi32>, vector<16xi32>], vector<16xi32>,
        %add3A_2224 = arith.constant 700000 : i32
        %add3A_2225 = vector.broadcast %add3A_2224 : i32 to vector<16xi32>
        %add3A_2226 = arith.addi %gather3A_2223, %add3A_2225 : vector<16xi32>
        %swap3A_2227 = arith.constant 6 : i32
        %swap3A_2228 = arith.index_cast %swap3A_2227 : i32 to index
        %swap3A_2229 = arith.constant 112 : index
        %swap3A_2230 = tpu.vector_load %arg8[%swap3A_2228, %swap3A_2229] {strides = array<i32>} : memref<8x128xi32, #tpu.memory_space<vmem>>, vector<16xi32>,
        tpu.vector_store %arg8[%swap3A_2228, %swap3A_2229], %add3A_2226 {strides = array<i32>} : memref<8x128xi32, #tpu.memory_space<vmem>>, vector<16xi32>,
        %add3A_2231 = arith.constant 112 : i32
        %add3A_2232 = vector.broadcast %add3A_2231 : i32 to vector<16xi32>
        %add3A_2233 = arith.addi %iota3A, %add3A_2232 : vector<16xi32>
        %add3A_2234 = arith.constant 0 : i32
        %add3A_2235 = arith.addi %add3A_2234, %add3A_1390 : i32
        %add3A_2236 = vector.broadcast %add3A_2235 : i32 to vector<16xi32>
        %add3A_2237 = arith.addi %mul3A_34, %add3A_2236 : vector<16xi32>
        %gather3A_2238 = tpu.vector_load_idx %arg6[%add3A_2233, %add3A_2237] : memref<128x401xi32, #tpu.memory_space<vmem>>[vector<16xi32>, vector<16xi32>], vector<16xi32>,
        %add3A_2239 = arith.constant 0 : i32
        %add3A_2240 = vector.broadcast %add3A_2239 : i32 to vector<16xi32>
        %add3A_2241 = arith.addi %gather3A_2238, %add3A_2240 : vector<16xi32>
        %swap3A_2242 = arith.constant 7 : i32
        %swap3A_2243 = arith.index_cast %swap3A_2242 : i32 to index
        %swap3A_2244 = arith.constant 0 : index
        %swap3A_2245 = tpu.vector_load %arg8[%swap3A_2243, %swap3A_2244] {strides = array<i32>} : memref<8x128xi32, #tpu.memory_space<vmem>>, vector<16xi32>,
        tpu.vector_store %arg8[%swap3A_2243, %swap3A_2244], %add3A_2241 {strides = array<i32>} : memref<8x128xi32, #tpu.memory_space<vmem>>, vector<16xi32>,
        %add3A_2246 = arith.constant 112 : i32
        %add3A_2247 = vector.broadcast %add3A_2246 : i32 to vector<16xi32>
        %add3A_2248 = arith.addi %iota3A, %add3A_2247 : vector<16xi32>
        %add3A_2249 = arith.constant 50 : i32
        %add3A_2250 = arith.addi %add3A_2249, %add3A_1390 : i32
        %add3A_2251 = vector.broadcast %add3A_2250 : i32 to vector<16xi32>
        %add3A_2252 = arith.addi %mul3A_34, %add3A_2251 : vector<16xi32>
        %gather3A_2253 = tpu.vector_load_idx %arg6[%add3A_2248, %add3A_2252] : memref<128x401xi32, #tpu.memory_space<vmem>>[vector<16xi32>, vector<16xi32>], vector<16xi32>,
        %add3A_2254 = arith.constant 100000 : i32
        %add3A_2255 = vector.broadcast %add3A_2254 : i32 to vector<16xi32>
        %add3A_2256 = arith.addi %gather3A_2253, %add3A_2255 : vector<16xi32>
        %swap3A_2257 = arith.constant 7 : i32
        %swap3A_2258 = arith.index_cast %swap3A_2257 : i32 to index
        %swap3A_2259 = arith.constant 16 : index
        %swap3A_2260 = tpu.vector_load %arg8[%swap3A_2258, %swap3A_2259] {strides = array<i32>} : memref<8x128xi32, #tpu.memory_space<vmem>>, vector<16xi32>,
        tpu.vector_store %arg8[%swap3A_2258, %swap3A_2259], %add3A_2256 {strides = array<i32>} : memref<8x128xi32, #tpu.memory_space<vmem>>, vector<16xi32>,
        %add3A_2261 = arith.constant 112 : i32
        %add3A_2262 = vector.broadcast %add3A_2261 : i32 to vector<16xi32>
        %add3A_2263 = arith.addi %iota3A, %add3A_2262 : vector<16xi32>
        %add3A_2264 = arith.constant 100 : i32
        %add3A_2265 = arith.addi %add3A_2264, %add3A_1390 : i32
        %add3A_2266 = vector.broadcast %add3A_2265 : i32 to vector<16xi32>
        %add3A_2267 = arith.addi %mul3A_34, %add3A_2266 : vector<16xi32>
        %gather3A_2268 = tpu.vector_load_idx %arg6[%add3A_2263, %add3A_2267] : memref<128x401xi32, #tpu.memory_space<vmem>>[vector<16xi32>, vector<16xi32>], vector<16xi32>,
        %add3A_2269 = arith.constant 200000 : i32
        %add3A_2270 = vector.broadcast %add3A_2269 : i32 to vector<16xi32>
        %add3A_2271 = arith.addi %gather3A_2268, %add3A_2270 : vector<16xi32>
        %swap3A_2272 = arith.constant 7 : i32
        %swap3A_2273 = arith.index_cast %swap3A_2272 : i32 to index
        %swap3A_2274 = arith.constant 32 : index
        %swap3A_2275 = tpu.vector_load %arg8[%swap3A_2273, %swap3A_2274] {strides = array<i32>} : memref<8x128xi32, #tpu.memory_space<vmem>>, vector<16xi32>,
        tpu.vector_store %arg8[%swap3A_2273, %swap3A_2274], %add3A_2271 {strides = array<i32>} : memref<8x128xi32, #tpu.memory_space<vmem>>, vector<16xi32>,
        %add3A_2276 = arith.constant 112 : i32
        %add3A_2277 = vector.broadcast %add3A_2276 : i32 to vector<16xi32>
        %add3A_2278 = arith.addi %iota3A, %add3A_2277 : vector<16xi32>
        %add3A_2279 = arith.constant 150 : i32
        %add3A_2280 = arith.addi %add3A_2279, %add3A_1390 : i32
        %add3A_2281 = vector.broadcast %add3A_2280 : i32 to vector<16xi32>
        %add3A_2282 = arith.addi %mul3A_34, %add3A_2281 : vector<16xi32>
        %gather3A_2283 = tpu.vector_load_idx %arg6[%add3A_2278, %add3A_2282] : memref<128x401xi32, #tpu.memory_space<vmem>>[vector<16xi32>, vector<16xi32>], vector<16xi32>,
        %add3A_2284 = arith.constant 300000 : i32
        %add3A_2285 = vector.broadcast %add3A_2284 : i32 to vector<16xi32>
        %add3A_2286 = arith.addi %gather3A_2283, %add3A_2285 : vector<16xi32>
        %swap3A_2287 = arith.constant 7 : i32
        %swap3A_2288 = arith.index_cast %swap3A_2287 : i32 to index
        %swap3A_2289 = arith.constant 48 : index
        %swap3A_2290 = tpu.vector_load %arg8[%swap3A_2288, %swap3A_2289] {strides = array<i32>} : memref<8x128xi32, #tpu.memory_space<vmem>>, vector<16xi32>,
        tpu.vector_store %arg8[%swap3A_2288, %swap3A_2289], %add3A_2286 {strides = array<i32>} : memref<8x128xi32, #tpu.memory_space<vmem>>, vector<16xi32>,
        %add3A_2291 = arith.constant 112 : i32
        %add3A_2292 = vector.broadcast %add3A_2291 : i32 to vector<16xi32>
        %add3A_2293 = arith.addi %iota3A, %add3A_2292 : vector<16xi32>
        %add3A_2294 = arith.constant 200 : i32
        %add3A_2295 = arith.addi %add3A_2294, %add3A_1390 : i32
        %add3A_2296 = vector.broadcast %add3A_2295 : i32 to vector<16xi32>
        %add3A_2297 = arith.addi %mul3A_34, %add3A_2296 : vector<16xi32>
        %gather3A_2298 = tpu.vector_load_idx %arg6[%add3A_2293, %add3A_2297] : memref<128x401xi32, #tpu.memory_space<vmem>>[vector<16xi32>, vector<16xi32>], vector<16xi32>,
        %add3A_2299 = arith.constant 400000 : i32
        %add3A_2300 = vector.broadcast %add3A_2299 : i32 to vector<16xi32>
        %add3A_2301 = arith.addi %gather3A_2298, %add3A_2300 : vector<16xi32>
        %swap3A_2302 = arith.constant 7 : i32
        %swap3A_2303 = arith.index_cast %swap3A_2302 : i32 to index
        %swap3A_2304 = arith.constant 64 : index
        %swap3A_2305 = tpu.vector_load %arg8[%swap3A_2303, %swap3A_2304] {strides = array<i32>} : memref<8x128xi32, #tpu.memory_space<vmem>>, vector<16xi32>,
        tpu.vector_store %arg8[%swap3A_2303, %swap3A_2304], %add3A_2301 {strides = array<i32>} : memref<8x128xi32, #tpu.memory_space<vmem>>, vector<16xi32>,
        %add3A_2306 = arith.constant 112 : i32
        %add3A_2307 = vector.broadcast %add3A_2306 : i32 to vector<16xi32>
        %add3A_2308 = arith.addi %iota3A, %add3A_2307 : vector<16xi32>
        %add3A_2309 = arith.constant 250 : i32
        %add3A_2310 = arith.addi %add3A_2309, %add3A_1390 : i32
        %add3A_2311 = vector.broadcast %add3A_2310 : i32 to vector<16xi32>
        %add3A_2312 = arith.addi %mul3A_34, %add3A_2311 : vector<16xi32>
        %gather3A_2313 = tpu.vector_load_idx %arg6[%add3A_2308, %add3A_2312] : memref<128x401xi32, #tpu.memory_space<vmem>>[vector<16xi32>, vector<16xi32>], vector<16xi32>,
        %add3A_2314 = arith.constant 500000 : i32
        %add3A_2315 = vector.broadcast %add3A_2314 : i32 to vector<16xi32>
        %add3A_2316 = arith.addi %gather3A_2313, %add3A_2315 : vector<16xi32>
        %swap3A_2317 = arith.constant 7 : i32
        %swap3A_2318 = arith.index_cast %swap3A_2317 : i32 to index
        %swap3A_2319 = arith.constant 80 : index
        %swap3A_2320 = tpu.vector_load %arg8[%swap3A_2318, %swap3A_2319] {strides = array<i32>} : memref<8x128xi32, #tpu.memory_space<vmem>>, vector<16xi32>,
        tpu.vector_store %arg8[%swap3A_2318, %swap3A_2319], %add3A_2316 {strides = array<i32>} : memref<8x128xi32, #tpu.memory_space<vmem>>, vector<16xi32>,
        %add3A_2321 = arith.constant 112 : i32
        %add3A_2322 = vector.broadcast %add3A_2321 : i32 to vector<16xi32>
        %add3A_2323 = arith.addi %iota3A, %add3A_2322 : vector<16xi32>
        %add3A_2324 = arith.constant 300 : i32
        %add3A_2325 = arith.addi %add3A_2324, %add3A_1390 : i32
        %add3A_2326 = vector.broadcast %add3A_2325 : i32 to vector<16xi32>
        %add3A_2327 = arith.addi %mul3A_34, %add3A_2326 : vector<16xi32>
        %gather3A_2328 = tpu.vector_load_idx %arg6[%add3A_2323, %add3A_2327] : memref<128x401xi32, #tpu.memory_space<vmem>>[vector<16xi32>, vector<16xi32>], vector<16xi32>,
        %add3A_2329 = arith.constant 600000 : i32
        %add3A_2330 = vector.broadcast %add3A_2329 : i32 to vector<16xi32>
        %add3A_2331 = arith.addi %gather3A_2328, %add3A_2330 : vector<16xi32>
        %swap3A_2332 = arith.constant 7 : i32
        %swap3A_2333 = arith.index_cast %swap3A_2332 : i32 to index
        %swap3A_2334 = arith.constant 96 : index
        %swap3A_2335 = tpu.vector_load %arg8[%swap3A_2333, %swap3A_2334] {strides = array<i32>} : memref<8x128xi32, #tpu.memory_space<vmem>>, vector<16xi32>,
        tpu.vector_store %arg8[%swap3A_2333, %swap3A_2334], %add3A_2331 {strides = array<i32>} : memref<8x128xi32, #tpu.memory_space<vmem>>, vector<16xi32>,
        %add3A_2336 = arith.constant 112 : i32
        %add3A_2337 = vector.broadcast %add3A_2336 : i32 to vector<16xi32>
        %add3A_2338 = arith.addi %iota3A, %add3A_2337 : vector<16xi32>
        %add3A_2339 = arith.constant 350 : i32
        %add3A_2340 = arith.addi %add3A_2339, %add3A_1390 : i32
        %add3A_2341 = vector.broadcast %add3A_2340 : i32 to vector<16xi32>
        %add3A_2342 = arith.addi %mul3A_34, %add3A_2341 : vector<16xi32>
        %gather3A_2343 = tpu.vector_load_idx %arg6[%add3A_2338, %add3A_2342] : memref<128x401xi32, #tpu.memory_space<vmem>>[vector<16xi32>, vector<16xi32>], vector<16xi32>,
        %add3A_2344 = arith.constant 700000 : i32
        %add3A_2345 = vector.broadcast %add3A_2344 : i32 to vector<16xi32>
        %add3A_2346 = arith.addi %gather3A_2343, %add3A_2345 : vector<16xi32>
        %swap3A_2347 = arith.constant 7 : i32
        %swap3A_2348 = arith.index_cast %swap3A_2347 : i32 to index
        %swap3A_2349 = arith.constant 112 : index
        %swap3A_2350 = tpu.vector_load %arg8[%swap3A_2348, %swap3A_2349] {strides = array<i32>} : memref<8x128xi32, #tpu.memory_space<vmem>>, vector<16xi32>,
        tpu.vector_store %arg8[%swap3A_2348, %swap3A_2349], %add3A_2346 {strides = array<i32>} : memref<8x128xi32, #tpu.memory_space<vmem>>, vector<16xi32>,
        %dma_start3A_2351 = arith.constant 0 : i32
        %dma_start3A_2352 = arith.constant 0 : i32
        %dma_start3A_2353 = arith.constant 0 : i32
        %dma_start3A_2354 = tpu.memref_slice %arg10[%dma_start3A_2352, %dma_start3A_2353] : memref<1024x32xf32, #tpu.memory_space<vmem>> -> memref<128x32xf32, #tpu.memory_space<vmem>>
        %dma_start3A_2355 = arith.constant 0 : i32
        %dma_start3A_2356 = tpu.memref_slice %arg8[%dma_start3A_2351, %dma_start3A_2355] : memref<8x128xi32, #tpu.memory_space<vmem>> -> memref<1x128xi32, #tpu.memory_space<vmem>>
        %dma_start3A_2357 = tpu.memref_squeeze %dma_start3A_2356 : memref<1x128xi32, #tpu.memory_space<vmem>> -> memref<128xi32, #tpu.memory_space<vmem>>
        %dma_start3A_2358 = arith.constant 0 : i32
        %dma_start3A_2359 = arith.constant 0 : i32
        %dma_start3A_2360 = tpu.memref_slice %arg3[%dma_start3A_2358, %dma_start3A_2359] : memref<800000x32xf32, #tpu.memory_space<hbm>> -> memref<800000x32xf32, #tpu.memory_space<hbm>>
        tpu.enqueue_indirect_dma source(%dma_start3A_2360 : memref<800000x32xf32, #tpu.memory_space<hbm>>) target(%dma_start3A_2354 : memref<128x32xf32, #tpu.memory_space<vmem>>) offsets(%dma_start3A_2357 : memref<128xi32, #tpu.memory_space<vmem>>) semaphore(%arg16 : memref<!tpu.dma_semaphore, #tpu.memory_space<semaphore_mem>>)
        %dma_start3A_2361 = arith.constant 1 : i32
        %dma_start3A_2362 = arith.constant 128 : i32
        %dma_start3A_2363 = arith.constant 0 : i32
        %dma_start3A_2364 = tpu.memref_slice %arg10[%dma_start3A_2362, %dma_start3A_2363] : memref<1024x32xf32, #tpu.memory_space<vmem>> -> memref<128x32xf32, #tpu.memory_space<vmem>>
        %dma_start3A_2365 = arith.constant 0 : i32
        %dma_start3A_2366 = tpu.memref_slice %arg8[%dma_start3A_2361, %dma_start3A_2365] : memref<8x128xi32, #tpu.memory_space<vmem>> -> memref<1x128xi32, #tpu.memory_space<vmem>>
        %dma_start3A_2367 = tpu.memref_squeeze %dma_start3A_2366 : memref<1x128xi32, #tpu.memory_space<vmem>> -> memref<128xi32, #tpu.memory_space<vmem>>
        %dma_start3A_2368 = arith.constant 0 : i32
        %dma_start3A_2369 = arith.constant 0 : i32
        %dma_start3A_2370 = tpu.memref_slice %arg3[%dma_start3A_2368, %dma_start3A_2369] : memref<800000x32xf32, #tpu.memory_space<hbm>> -> memref<800000x32xf32, #tpu.memory_space<hbm>>
        tpu.enqueue_indirect_dma source(%dma_start3A_2370 : memref<800000x32xf32, #tpu.memory_space<hbm>>) target(%dma_start3A_2364 : memref<128x32xf32, #tpu.memory_space<vmem>>) offsets(%dma_start3A_2367 : memref<128xi32, #tpu.memory_space<vmem>>) semaphore(%arg16 : memref<!tpu.dma_semaphore, #tpu.memory_space<semaphore_mem>>)
        %dma_start3A_2371 = arith.constant 2 : i32
        %dma_start3A_2372 = arith.constant 256 : i32
        %dma_start3A_2373 = arith.constant 0 : i32
        %dma_start3A_2374 = tpu.memref_slice %arg10[%dma_start3A_2372, %dma_start3A_2373] : memref<1024x32xf32, #tpu.memory_space<vmem>> -> memref<128x32xf32, #tpu.memory_space<vmem>>
        %dma_start3A_2375 = arith.constant 0 : i32
        %dma_start3A_2376 = tpu.memref_slice %arg8[%dma_start3A_2371, %dma_start3A_2375] : memref<8x128xi32, #tpu.memory_space<vmem>> -> memref<1x128xi32, #tpu.memory_space<vmem>>
        %dma_start3A_2377 = tpu.memref_squeeze %dma_start3A_2376 : memref<1x128xi32, #tpu.memory_space<vmem>> -> memref<128xi32, #tpu.memory_space<vmem>>
        %dma_start3A_2378 = arith.constant 0 : i32
        %dma_start3A_2379 = arith.constant 0 : i32
        %dma_start3A_2380 = tpu.memref_slice %arg3[%dma_start3A_2378, %dma_start3A_2379] : memref<800000x32xf32, #tpu.memory_space<hbm>> -> memref<800000x32xf32, #tpu.memory_space<hbm>>
        tpu.enqueue_indirect_dma source(%dma_start3A_2380 : memref<800000x32xf32, #tpu.memory_space<hbm>>) target(%dma_start3A_2374 : memref<128x32xf32, #tpu.memory_space<vmem>>) offsets(%dma_start3A_2377 : memref<128xi32, #tpu.memory_space<vmem>>) semaphore(%arg16 : memref<!tpu.dma_semaphore, #tpu.memory_space<semaphore_mem>>)
        %dma_start3A_2381 = arith.constant 3 : i32
        %dma_start3A_2382 = arith.constant 384 : i32
        %dma_start3A_2383 = arith.constant 0 : i32
        %dma_start3A_2384 = tpu.memref_slice %arg10[%dma_start3A_2382, %dma_start3A_2383] : memref<1024x32xf32, #tpu.memory_space<vmem>> -> memref<128x32xf32, #tpu.memory_space<vmem>>
        %dma_start3A_2385 = arith.constant 0 : i32
        %dma_start3A_2386 = tpu.memref_slice %arg8[%dma_start3A_2381, %dma_start3A_2385] : memref<8x128xi32, #tpu.memory_space<vmem>> -> memref<1x128xi32, #tpu.memory_space<vmem>>
        %dma_start3A_2387 = tpu.memref_squeeze %dma_start3A_2386 : memref<1x128xi32, #tpu.memory_space<vmem>> -> memref<128xi32, #tpu.memory_space<vmem>>
        %dma_start3A_2388 = arith.constant 0 : i32
        %dma_start3A_2389 = arith.constant 0 : i32
        %dma_start3A_2390 = tpu.memref_slice %arg3[%dma_start3A_2388, %dma_start3A_2389] : memref<800000x32xf32, #tpu.memory_space<hbm>> -> memref<800000x32xf32, #tpu.memory_space<hbm>>
        tpu.enqueue_indirect_dma source(%dma_start3A_2390 : memref<800000x32xf32, #tpu.memory_space<hbm>>) target(%dma_start3A_2384 : memref<128x32xf32, #tpu.memory_space<vmem>>) offsets(%dma_start3A_2387 : memref<128xi32, #tpu.memory_space<vmem>>) semaphore(%arg16 : memref<!tpu.dma_semaphore, #tpu.memory_space<semaphore_mem>>)
        %dma_start3A_2391 = arith.constant 4 : i32
        %dma_start3A_2392 = arith.constant 512 : i32
        %dma_start3A_2393 = arith.constant 0 : i32
        %dma_start3A_2394 = tpu.memref_slice %arg10[%dma_start3A_2392, %dma_start3A_2393] : memref<1024x32xf32, #tpu.memory_space<vmem>> -> memref<128x32xf32, #tpu.memory_space<vmem>>
        %dma_start3A_2395 = arith.constant 0 : i32
        %dma_start3A_2396 = tpu.memref_slice %arg8[%dma_start3A_2391, %dma_start3A_2395] : memref<8x128xi32, #tpu.memory_space<vmem>> -> memref<1x128xi32, #tpu.memory_space<vmem>>
        %dma_start3A_2397 = tpu.memref_squeeze %dma_start3A_2396 : memref<1x128xi32, #tpu.memory_space<vmem>> -> memref<128xi32, #tpu.memory_space<vmem>>
        %dma_start3A_2398 = arith.constant 0 : i32
        %dma_start3A_2399 = arith.constant 0 : i32
        %dma_start3A_2400 = tpu.memref_slice %arg3[%dma_start3A_2398, %dma_start3A_2399] : memref<800000x32xf32, #tpu.memory_space<hbm>> -> memref<800000x32xf32, #tpu.memory_space<hbm>>
        tpu.enqueue_indirect_dma source(%dma_start3A_2400 : memref<800000x32xf32, #tpu.memory_space<hbm>>) target(%dma_start3A_2394 : memref<128x32xf32, #tpu.memory_space<vmem>>) offsets(%dma_start3A_2397 : memref<128xi32, #tpu.memory_space<vmem>>) semaphore(%arg16 : memref<!tpu.dma_semaphore, #tpu.memory_space<semaphore_mem>>)
        %dma_start3A_2401 = arith.constant 5 : i32
        %dma_start3A_2402 = arith.constant 640 : i32
        %dma_start3A_2403 = arith.constant 0 : i32
        %dma_start3A_2404 = tpu.memref_slice %arg10[%dma_start3A_2402, %dma_start3A_2403] : memref<1024x32xf32, #tpu.memory_space<vmem>> -> memref<128x32xf32, #tpu.memory_space<vmem>>
        %dma_start3A_2405 = arith.constant 0 : i32
        %dma_start3A_2406 = tpu.memref_slice %arg8[%dma_start3A_2401, %dma_start3A_2405] : memref<8x128xi32, #tpu.memory_space<vmem>> -> memref<1x128xi32, #tpu.memory_space<vmem>>
        %dma_start3A_2407 = tpu.memref_squeeze %dma_start3A_2406 : memref<1x128xi32, #tpu.memory_space<vmem>> -> memref<128xi32, #tpu.memory_space<vmem>>
        %dma_start3A_2408 = arith.constant 0 : i32
        %dma_start3A_2409 = arith.constant 0 : i32
        %dma_start3A_2410 = tpu.memref_slice %arg3[%dma_start3A_2408, %dma_start3A_2409] : memref<800000x32xf32, #tpu.memory_space<hbm>> -> memref<800000x32xf32, #tpu.memory_space<hbm>>
        tpu.enqueue_indirect_dma source(%dma_start3A_2410 : memref<800000x32xf32, #tpu.memory_space<hbm>>) target(%dma_start3A_2404 : memref<128x32xf32, #tpu.memory_space<vmem>>) offsets(%dma_start3A_2407 : memref<128xi32, #tpu.memory_space<vmem>>) semaphore(%arg16 : memref<!tpu.dma_semaphore, #tpu.memory_space<semaphore_mem>>)
        %dma_start3A_2411 = arith.constant 6 : i32
        %dma_start3A_2412 = arith.constant 768 : i32
        %dma_start3A_2413 = arith.constant 0 : i32
        %dma_start3A_2414 = tpu.memref_slice %arg10[%dma_start3A_2412, %dma_start3A_2413] : memref<1024x32xf32, #tpu.memory_space<vmem>> -> memref<128x32xf32, #tpu.memory_space<vmem>>
        %dma_start3A_2415 = arith.constant 0 : i32
        %dma_start3A_2416 = tpu.memref_slice %arg8[%dma_start3A_2411, %dma_start3A_2415] : memref<8x128xi32, #tpu.memory_space<vmem>> -> memref<1x128xi32, #tpu.memory_space<vmem>>
        %dma_start3A_2417 = tpu.memref_squeeze %dma_start3A_2416 : memref<1x128xi32, #tpu.memory_space<vmem>> -> memref<128xi32, #tpu.memory_space<vmem>>
        %dma_start3A_2418 = arith.constant 0 : i32
        %dma_start3A_2419 = arith.constant 0 : i32
        %dma_start3A_2420 = tpu.memref_slice %arg3[%dma_start3A_2418, %dma_start3A_2419] : memref<800000x32xf32, #tpu.memory_space<hbm>> -> memref<800000x32xf32, #tpu.memory_space<hbm>>
        tpu.enqueue_indirect_dma source(%dma_start3A_2420 : memref<800000x32xf32, #tpu.memory_space<hbm>>) target(%dma_start3A_2414 : memref<128x32xf32, #tpu.memory_space<vmem>>) offsets(%dma_start3A_2417 : memref<128xi32, #tpu.memory_space<vmem>>) semaphore(%arg16 : memref<!tpu.dma_semaphore, #tpu.memory_space<semaphore_mem>>)
        %dma_start3A_2421 = arith.constant 7 : i32
        %dma_start3A_2422 = arith.constant 896 : i32
        %dma_start3A_2423 = arith.constant 0 : i32
        %dma_start3A_2424 = tpu.memref_slice %arg10[%dma_start3A_2422, %dma_start3A_2423] : memref<1024x32xf32, #tpu.memory_space<vmem>> -> memref<128x32xf32, #tpu.memory_space<vmem>>
        %dma_start3A_2425 = arith.constant 0 : i32
        %dma_start3A_2426 = tpu.memref_slice %arg8[%dma_start3A_2421, %dma_start3A_2425] : memref<8x128xi32, #tpu.memory_space<vmem>> -> memref<1x128xi32, #tpu.memory_space<vmem>>
        %dma_start3A_2427 = tpu.memref_squeeze %dma_start3A_2426 : memref<1x128xi32, #tpu.memory_space<vmem>> -> memref<128xi32, #tpu.memory_space<vmem>>
        %dma_start3A_2428 = arith.constant 0 : i32
        %dma_start3A_2429 = arith.constant 0 : i32
        %dma_start3A_2430 = tpu.memref_slice %arg3[%dma_start3A_2428, %dma_start3A_2429] : memref<800000x32xf32, #tpu.memory_space<hbm>> -> memref<800000x32xf32, #tpu.memory_space<hbm>>
        tpu.enqueue_indirect_dma source(%dma_start3A_2430 : memref<800000x32xf32, #tpu.memory_space<hbm>>) target(%dma_start3A_2424 : memref<128x32xf32, #tpu.memory_space<vmem>>) offsets(%dma_start3A_2427 : memref<128xi32, #tpu.memory_space<vmem>>) semaphore(%arg16 : memref<!tpu.dma_semaphore, #tpu.memory_space<semaphore_mem>>)
      } else {
      }
      %dma_wait3A_1185 = arith.constant 0 : i32
      %dma_wait3A_1186 = arith.constant 0 : i32
      %dma_wait3A_1187 = tpu.memref_slice %arg3[%dma_wait3A_1185, %dma_wait3A_1186] : memref<800000x32xf32, #tpu.memory_space<hbm>> -> memref<1024x32xf32, #tpu.memory_space<hbm>>
      %dma_wait3A_1188 = arith.constant 0 : i32
      %dma_wait3A_1189 = arith.constant 0 : i32
      %dma_wait3A_1190 = tpu.memref_slice %arg3[%dma_wait3A_1188, %dma_wait3A_1189] : memref<800000x32xf32, #tpu.memory_space<hbm>> -> memref<1024x32xf32, #tpu.memory_space<hbm>>
      tpu.wait_dma2 semaphore(%arg15 : memref<!tpu.dma_semaphore, #tpu.memory_space<semaphore_mem>>) src(%dma_wait3A_1190 : memref<1024x32xf32, #tpu.memory_space<hbm>>) dst(%arg9 : memref<1024x32xf32, #tpu.memory_space<vmem>>)
      %ge3A = arith.constant 2 : i32
      %ge3A_1191 = arith.cmpi sge, %mul3A_1180, %ge3A : i32
      %convert_element_type3A_1192 = arith.extui %ge3A_1191 : i1 to i32
      %cond3A_1193 = arith.constant 0 : i32
      %cond3A_1194 = arith.cmpi ne, %convert_element_type3A_1192, %cond3A_1193 : i32
      scf.if %cond3A_1194 {
        %mul3A_1389 = arith.constant 4 : i32
        %mul3A_1390 = arith.muli %mul3A_1180, %mul3A_1389 : i32
        %add3A_1391 = arith.constant 0 : i32
        %add3A_1392 = arith.addi %mul3A_1390, %add3A_1391 : i32
        %mul3A_1393 = arith.constant 4 : i32
        %mul3A_1394 = arith.muli %mul3A_1180, %mul3A_1393 : i32
        %add3A_1395 = arith.constant 1 : i32
        %add3A_1396 = arith.addi %mul3A_1394, %add3A_1395 : i32
        %mul3A_1397 = arith.constant 4 : i32
        %mul3A_1398 = arith.muli %mul3A_1180, %mul3A_1397 : i32
        %add3A_1399 = arith.constant 2 : i32
        %add3A_1400 = arith.addi %mul3A_1398, %add3A_1399 : i32
        %mul3A_1401 = arith.constant 4 : i32
        %mul3A_1402 = arith.muli %mul3A_1180, %mul3A_1401 : i32
        %add3A_1403 = arith.constant 3 : i32
        %add3A_1404 = arith.addi %mul3A_1402, %add3A_1403 : i32
        %dma_wait3A_1405 = arith.constant 0 : i32
        %dma_wait3A_1406 = arith.constant 0 : i32
        %dma_wait3A_1407 = arith.constant 0 : i32
        %dma_wait3A_1408 = arith.constant 0 : i32
        %dma_wait3A_1409 = tpu.memref_slice %arg11[%dma_wait3A_1405, %dma_wait3A_1406, %dma_wait3A_1407, %dma_wait3A_1408] : memref<1x1x32x129xf32, #tpu.memory_space<vmem>> -> memref<1x1x8x128xf32, #tpu.memory_space<vmem>>
        %dma_wait3A_1410 = arith.constant 0 : i32
        %dma_wait3A_1411 = arith.constant 0 : i32
        %dma_wait3A_1412 = tpu.memref_slice %arg5[%add3A_1392, %add3A, %dma_wait3A_1410, %dma_wait3A_1411] : memref<200x32x8x128xf32, #tpu.memory_space<hbm>> -> memref<1x1x8x128xf32, #tpu.memory_space<hbm>>
        %dma_wait3A_1413 = arith.constant 0 : i32
        %dma_wait3A_1414 = arith.constant 0 : i32
        %dma_wait3A_1415 = tpu.memref_slice %arg5[%add3A_1392, %add3A, %dma_wait3A_1413, %dma_wait3A_1414] : memref<200x32x8x128xf32, #tpu.memory_space<hbm>> -> memref<1x1x8x128xf32, #tpu.memory_space<hbm>>
        %dma_wait3A_1416 = arith.constant 0 : i32
        %dma_wait3A_1417 = arith.constant 0 : i32
        %dma_wait3A_1418 = arith.constant 0 : i32
        %dma_wait3A_1419 = arith.constant 0 : i32
        %dma_wait3A_1420 = tpu.memref_slice %arg11[%dma_wait3A_1416, %dma_wait3A_1417, %dma_wait3A_1418, %dma_wait3A_1419] : memref<1x1x32x129xf32, #tpu.memory_space<vmem>> -> memref<1x1x8x128xf32, #tpu.memory_space<vmem>>
        tpu.wait_dma2 semaphore(%arg17 : memref<!tpu.dma_semaphore, #tpu.memory_space<semaphore_mem>>) src(%dma_wait3A_1420 : memref<1x1x8x128xf32, #tpu.memory_space<vmem>>) dst(%dma_wait3A_1415 : memref<1x1x8x128xf32, #tpu.memory_space<hbm>>)
        %dma_wait3A_1421 = arith.constant 0 : i32
        %dma_wait3A_1422 = arith.constant 0 : i32
        %dma_wait3A_1423 = arith.constant 8 : i32
        %dma_wait3A_1424 = arith.constant 0 : i32
        %dma_wait3A_1425 = tpu.memref_slice %arg11[%dma_wait3A_1421, %dma_wait3A_1422, %dma_wait3A_1423, %dma_wait3A_1424] : memref<1x1x32x129xf32, #tpu.memory_space<vmem>> -> memref<1x1x8x128xf32, #tpu.memory_space<vmem>>
        %dma_wait3A_1426 = arith.constant 0 : i32
        %dma_wait3A_1427 = arith.constant 0 : i32
        %dma_wait3A_1428 = tpu.memref_slice %arg5[%add3A_1396, %add3A, %dma_wait3A_1426, %dma_wait3A_1427] : memref<200x32x8x128xf32, #tpu.memory_space<hbm>> -> memref<1x1x8x128xf32, #tpu.memory_space<hbm>>
        %dma_wait3A_1429 = arith.constant 0 : i32
        %dma_wait3A_1430 = arith.constant 0 : i32
        %dma_wait3A_1431 = tpu.memref_slice %arg5[%add3A_1396, %add3A, %dma_wait3A_1429, %dma_wait3A_1430] : memref<200x32x8x128xf32, #tpu.memory_space<hbm>> -> memref<1x1x8x128xf32, #tpu.memory_space<hbm>>
        %dma_wait3A_1432 = arith.constant 0 : i32
        %dma_wait3A_1433 = arith.constant 0 : i32
        %dma_wait3A_1434 = arith.constant 8 : i32
        %dma_wait3A_1435 = arith.constant 0 : i32
        %dma_wait3A_1436 = tpu.memref_slice %arg11[%dma_wait3A_1432, %dma_wait3A_1433, %dma_wait3A_1434, %dma_wait3A_1435] : memref<1x1x32x129xf32, #tpu.memory_space<vmem>> -> memref<1x1x8x128xf32, #tpu.memory_space<vmem>>
        tpu.wait_dma2 semaphore(%arg17 : memref<!tpu.dma_semaphore, #tpu.memory_space<semaphore_mem>>) src(%dma_wait3A_1436 : memref<1x1x8x128xf32, #tpu.memory_space<vmem>>) dst(%dma_wait3A_1431 : memref<1x1x8x128xf32, #tpu.memory_space<hbm>>)
        %dma_wait3A_1437 = arith.constant 0 : i32
        %dma_wait3A_1438 = arith.constant 0 : i32
        %dma_wait3A_1439 = arith.constant 16 : i32
        %dma_wait3A_1440 = arith.constant 0 : i32
        %dma_wait3A_1441 = tpu.memref_slice %arg11[%dma_wait3A_1437, %dma_wait3A_1438, %dma_wait3A_1439, %dma_wait3A_1440] : memref<1x1x32x129xf32, #tpu.memory_space<vmem>> -> memref<1x1x8x128xf32, #tpu.memory_space<vmem>>
        %dma_wait3A_1442 = arith.constant 0 : i32
        %dma_wait3A_1443 = arith.constant 0 : i32
        %dma_wait3A_1444 = tpu.memref_slice %arg5[%add3A_1400, %add3A, %dma_wait3A_1442, %dma_wait3A_1443] : memref<200x32x8x128xf32, #tpu.memory_space<hbm>> -> memref<1x1x8x128xf32, #tpu.memory_space<hbm>>
        %dma_wait3A_1445 = arith.constant 0 : i32
        %dma_wait3A_1446 = arith.constant 0 : i32
        %dma_wait3A_1447 = tpu.memref_slice %arg5[%add3A_1400, %add3A, %dma_wait3A_1445, %dma_wait3A_1446] : memref<200x32x8x128xf32, #tpu.memory_space<hbm>> -> memref<1x1x8x128xf32, #tpu.memory_space<hbm>>
        %dma_wait3A_1448 = arith.constant 0 : i32
        %dma_wait3A_1449 = arith.constant 0 : i32
        %dma_wait3A_1450 = arith.constant 16 : i32
        %dma_wait3A_1451 = arith.constant 0 : i32
        %dma_wait3A_1452 = tpu.memref_slice %arg11[%dma_wait3A_1448, %dma_wait3A_1449, %dma_wait3A_1450, %dma_wait3A_1451] : memref<1x1x32x129xf32, #tpu.memory_space<vmem>> -> memref<1x1x8x128xf32, #tpu.memory_space<vmem>>
        tpu.wait_dma2 semaphore(%arg17 : memref<!tpu.dma_semaphore, #tpu.memory_space<semaphore_mem>>) src(%dma_wait3A_1452 : memref<1x1x8x128xf32, #tpu.memory_space<vmem>>) dst(%dma_wait3A_1447 : memref<1x1x8x128xf32, #tpu.memory_space<hbm>>)
        %dma_wait3A_1453 = arith.constant 0 : i32
        %dma_wait3A_1454 = arith.constant 0 : i32
        %dma_wait3A_1455 = arith.constant 24 : i32
        %dma_wait3A_1456 = arith.constant 0 : i32
        %dma_wait3A_1457 = tpu.memref_slice %arg11[%dma_wait3A_1453, %dma_wait3A_1454, %dma_wait3A_1455, %dma_wait3A_1456] : memref<1x1x32x129xf32, #tpu.memory_space<vmem>> -> memref<1x1x8x128xf32, #tpu.memory_space<vmem>>
        %dma_wait3A_1458 = arith.constant 0 : i32
        %dma_wait3A_1459 = arith.constant 0 : i32
        %dma_wait3A_1460 = tpu.memref_slice %arg5[%add3A_1404, %add3A, %dma_wait3A_1458, %dma_wait3A_1459] : memref<200x32x8x128xf32, #tpu.memory_space<hbm>> -> memref<1x1x8x128xf32, #tpu.memory_space<hbm>>
        %dma_wait3A_1461 = arith.constant 0 : i32
        %dma_wait3A_1462 = arith.constant 0 : i32
        %dma_wait3A_1463 = tpu.memref_slice %arg5[%add3A_1404, %add3A, %dma_wait3A_1461, %dma_wait3A_1462] : memref<200x32x8x128xf32, #tpu.memory_space<hbm>> -> memref<1x1x8x128xf32, #tpu.memory_space<hbm>>
        %dma_wait3A_1464 = arith.constant 0 : i32
        %dma_wait3A_1465 = arith.constant 0 : i32
        %dma_wait3A_1466 = arith.constant 24 : i32
        %dma_wait3A_1467 = arith.constant 0 : i32
        %dma_wait3A_1468 = tpu.memref_slice %arg11[%dma_wait3A_1464, %dma_wait3A_1465, %dma_wait3A_1466, %dma_wait3A_1467] : memref<1x1x32x129xf32, #tpu.memory_space<vmem>> -> memref<1x1x8x128xf32, #tpu.memory_space<vmem>>
        tpu.wait_dma2 semaphore(%arg17 : memref<!tpu.dma_semaphore, #tpu.memory_space<semaphore_mem>>) src(%dma_wait3A_1468 : memref<1x1x8x128xf32, #tpu.memory_space<vmem>>) dst(%dma_wait3A_1463 : memref<1x1x8x128xf32, #tpu.memory_space<hbm>>)
      } else {
      }
      %scan3A_1195 = arith.constant 0 : i32
      %scan3A_1196 = arith.constant 0 : i32
      %scan3A_1197 = arith.constant 128 : i32
      %scan3A_1198 = arith.addi %scan3A_1196, %scan3A_1197 : i32
      %scan3A_1199 = arith.constant 1 : i32
      scf.for %scan3A_1389 = %scan3A_1196 to %scan3A_1198 step %scan3A_1199  : i32 {
        %shift_right_logical3A = arith.constant 4 : i32
        %shift_right_logical3A_1390 = arith.shrui %scan3A_1389, %shift_right_logical3A : i32
        %shift_left3A = arith.constant 7 : i32
        %shift_left3A_1391 = arith.shli %shift_right_logical3A_1390, %shift_left3A : i32
        %and3A = arith.constant 15 : i32
        %and3A_1392 = arith.andi %scan3A_1389, %and3A : i32
        %add3A_1393 = arith.addi %shift_left3A_1391, %and3A_1392 : i32
        %get3A_1394 = arith.index_cast %add3A_1393 : i32 to index
        %get3A_1395 = arith.constant 0 : index
        %get3A_1396 = tpu.vector_load %arg9[%get3A_1394, %get3A_1395] {strides = array<i32>} : memref<1024x32xf32, #tpu.memory_space<vmem>>, vector<16xf32>,
        %mul3A_1397 = arith.mulf %get3A_3, %get3A_1396 : vector<16xf32>
        %get3A_1398 = arith.index_cast %add3A_1393 : i32 to index
        %get3A_1399 = arith.constant 16 : index
        %get3A_1400 = tpu.vector_load %arg9[%get3A_1398, %get3A_1399] {strides = array<i32>} : memref<1024x32xf32, #tpu.memory_space<vmem>>, vector<16xf32>,
        %mul3A_1401 = arith.mulf %get3A_3, %get3A_1400 : vector<16xf32>
        %add3A_1402 = arith.constant 16 : i32
        %add3A_1403 = arith.addi %add3A_1393, %add3A_1402 : i32
        %get3A_1404 = arith.index_cast %add3A_1403 : i32 to index
        %get3A_1405 = arith.constant 0 : index
        %get3A_1406 = tpu.vector_load %arg9[%get3A_1404, %get3A_1405] {strides = array<i32>} : memref<1024x32xf32, #tpu.memory_space<vmem>>, vector<16xf32>,
        %mul3A_1407 = arith.mulf %get3A_7, %get3A_1406 : vector<16xf32>
        %add3A_1408 = arith.addf %mul3A_1397, %mul3A_1407 : vector<16xf32>
        %add3A_1409 = arith.constant 16 : i32
        %add3A_1410 = arith.addi %add3A_1393, %add3A_1409 : i32
        %get3A_1411 = arith.index_cast %add3A_1410 : i32 to index
        %get3A_1412 = arith.constant 16 : index
        %get3A_1413 = tpu.vector_load %arg9[%get3A_1411, %get3A_1412] {strides = array<i32>} : memref<1024x32xf32, #tpu.memory_space<vmem>>, vector<16xf32>,
        %mul3A_1414 = arith.mulf %get3A_7, %get3A_1413 : vector<16xf32>
        %add3A_1415 = arith.addf %mul3A_1401, %mul3A_1414 : vector<16xf32>
        %add3A_1416 = arith.constant 32 : i32
        %add3A_1417 = arith.addi %add3A_1393, %add3A_1416 : i32
        %get3A_1418 = arith.index_cast %add3A_1417 : i32 to index
        %get3A_1419 = arith.constant 0 : index
        %get3A_1420 = tpu.vector_load %arg9[%get3A_1418, %get3A_1419] {strides = array<i32>} : memref<1024x32xf32, #tpu.memory_space<vmem>>, vector<16xf32>,
        %mul3A_1421 = arith.mulf %get3A_11, %get3A_1420 : vector<16xf32>
        %add3A_1422 = arith.addf %add3A_1408, %mul3A_1421 : vector<16xf32>
        %add3A_1423 = arith.constant 32 : i32
        %add3A_1424 = arith.addi %add3A_1393, %add3A_1423 : i32
        %get3A_1425 = arith.index_cast %add3A_1424 : i32 to index
        %get3A_1426 = arith.constant 16 : index
        %get3A_1427 = tpu.vector_load %arg9[%get3A_1425, %get3A_1426] {strides = array<i32>} : memref<1024x32xf32, #tpu.memory_space<vmem>>, vector<16xf32>,
        %mul3A_1428 = arith.mulf %get3A_11, %get3A_1427 : vector<16xf32>
        %add3A_1429 = arith.addf %add3A_1415, %mul3A_1428 : vector<16xf32>
        %add3A_1430 = arith.constant 48 : i32
        %add3A_1431 = arith.addi %add3A_1393, %add3A_1430 : i32
        %get3A_1432 = arith.index_cast %add3A_1431 : i32 to index
        %get3A_1433 = arith.constant 0 : index
        %get3A_1434 = tpu.vector_load %arg9[%get3A_1432, %get3A_1433] {strides = array<i32>} : memref<1024x32xf32, #tpu.memory_space<vmem>>, vector<16xf32>,
        %mul3A_1435 = arith.mulf %get3A_15, %get3A_1434 : vector<16xf32>
        %add3A_1436 = arith.addf %add3A_1422, %mul3A_1435 : vector<16xf32>
        %add3A_1437 = arith.constant 48 : i32
        %add3A_1438 = arith.addi %add3A_1393, %add3A_1437 : i32
        %get3A_1439 = arith.index_cast %add3A_1438 : i32 to index
        %get3A_1440 = arith.constant 16 : index
        %get3A_1441 = tpu.vector_load %arg9[%get3A_1439, %get3A_1440] {strides = array<i32>} : memref<1024x32xf32, #tpu.memory_space<vmem>>, vector<16xf32>,
        %mul3A_1442 = arith.mulf %get3A_15, %get3A_1441 : vector<16xf32>
        %add3A_1443 = arith.addf %add3A_1429, %mul3A_1442 : vector<16xf32>
        %add3A_1444 = arith.constant 64 : i32
        %add3A_1445 = arith.addi %add3A_1393, %add3A_1444 : i32
        %get3A_1446 = arith.index_cast %add3A_1445 : i32 to index
        %get3A_1447 = arith.constant 0 : index
        %get3A_1448 = tpu.vector_load %arg9[%get3A_1446, %get3A_1447] {strides = array<i32>} : memref<1024x32xf32, #tpu.memory_space<vmem>>, vector<16xf32>,
        %mul3A_1449 = arith.mulf %get3A_19, %get3A_1448 : vector<16xf32>
        %add3A_1450 = arith.addf %add3A_1436, %mul3A_1449 : vector<16xf32>
        %add3A_1451 = arith.constant 64 : i32
        %add3A_1452 = arith.addi %add3A_1393, %add3A_1451 : i32
        %get3A_1453 = arith.index_cast %add3A_1452 : i32 to index
        %get3A_1454 = arith.constant 16 : index
        %get3A_1455 = tpu.vector_load %arg9[%get3A_1453, %get3A_1454] {strides = array<i32>} : memref<1024x32xf32, #tpu.memory_space<vmem>>, vector<16xf32>,
        %mul3A_1456 = arith.mulf %get3A_19, %get3A_1455 : vector<16xf32>
        %add3A_1457 = arith.addf %add3A_1443, %mul3A_1456 : vector<16xf32>
        %add3A_1458 = arith.constant 80 : i32
        %add3A_1459 = arith.addi %add3A_1393, %add3A_1458 : i32
        %get3A_1460 = arith.index_cast %add3A_1459 : i32 to index
        %get3A_1461 = arith.constant 0 : index
        %get3A_1462 = tpu.vector_load %arg9[%get3A_1460, %get3A_1461] {strides = array<i32>} : memref<1024x32xf32, #tpu.memory_space<vmem>>, vector<16xf32>,
        %mul3A_1463 = arith.mulf %get3A_23, %get3A_1462 : vector<16xf32>
        %add3A_1464 = arith.addf %add3A_1450, %mul3A_1463 : vector<16xf32>
        %add3A_1465 = arith.constant 80 : i32
        %add3A_1466 = arith.addi %add3A_1393, %add3A_1465 : i32
        %get3A_1467 = arith.index_cast %add3A_1466 : i32 to index
        %get3A_1468 = arith.constant 16 : index
        %get3A_1469 = tpu.vector_load %arg9[%get3A_1467, %get3A_1468] {strides = array<i32>} : memref<1024x32xf32, #tpu.memory_space<vmem>>, vector<16xf32>,
        %mul3A_1470 = arith.mulf %get3A_23, %get3A_1469 : vector<16xf32>
        %add3A_1471 = arith.addf %add3A_1457, %mul3A_1470 : vector<16xf32>
        %add3A_1472 = arith.constant 96 : i32
        %add3A_1473 = arith.addi %add3A_1393, %add3A_1472 : i32
        %get3A_1474 = arith.index_cast %add3A_1473 : i32 to index
        %get3A_1475 = arith.constant 0 : index
        %get3A_1476 = tpu.vector_load %arg9[%get3A_1474, %get3A_1475] {strides = array<i32>} : memref<1024x32xf32, #tpu.memory_space<vmem>>, vector<16xf32>,
        %mul3A_1477 = arith.mulf %get3A_27, %get3A_1476 : vector<16xf32>
        %add3A_1478 = arith.addf %add3A_1464, %mul3A_1477 : vector<16xf32>
        %add3A_1479 = arith.constant 96 : i32
        %add3A_1480 = arith.addi %add3A_1393, %add3A_1479 : i32
        %get3A_1481 = arith.index_cast %add3A_1480 : i32 to index
        %get3A_1482 = arith.constant 16 : index
        %get3A_1483 = tpu.vector_load %arg9[%get3A_1481, %get3A_1482] {strides = array<i32>} : memref<1024x32xf32, #tpu.memory_space<vmem>>, vector<16xf32>,
        %mul3A_1484 = arith.mulf %get3A_27, %get3A_1483 : vector<16xf32>
        %add3A_1485 = arith.addf %add3A_1471, %mul3A_1484 : vector<16xf32>
        %add3A_1486 = arith.constant 112 : i32
        %add3A_1487 = arith.addi %add3A_1393, %add3A_1486 : i32
        %get3A_1488 = arith.index_cast %add3A_1487 : i32 to index
        %get3A_1489 = arith.constant 0 : index
        %get3A_1490 = tpu.vector_load %arg9[%get3A_1488, %get3A_1489] {strides = array<i32>} : memref<1024x32xf32, #tpu.memory_space<vmem>>, vector<16xf32>,
        %mul3A_1491 = arith.mulf %get3A_31, %get3A_1490 : vector<16xf32>
        %add3A_1492 = arith.addf %add3A_1478, %mul3A_1491 : vector<16xf32>
        %add3A_1493 = arith.constant 112 : i32
        %add3A_1494 = arith.addi %add3A_1393, %add3A_1493 : i32
        %get3A_1495 = arith.index_cast %add3A_1494 : i32 to index
        %get3A_1496 = arith.constant 16 : index
        %get3A_1497 = tpu.vector_load %arg9[%get3A_1495, %get3A_1496] {strides = array<i32>} : memref<1024x32xf32, #tpu.memory_space<vmem>>, vector<16xf32>,
        %mul3A_1498 = arith.mulf %get3A_31, %get3A_1497 : vector<16xf32>
        %add3A_1499 = arith.addf %add3A_1485, %mul3A_1498 : vector<16xf32>
        %add3A_1500 = vector.broadcast %scan3A_1389 : i32 to vector<16xi32>
        %add3A_1501 = arith.addi %mul3A_34, %add3A_1500 : vector<16xi32>
        tpu.vector_store_idx %arg11[%mul3A_34, %mul3A_34, %iota3A, %add3A_1501], %add3A_1492 : memref<1x1x32x129xf32, #tpu.memory_space<vmem>>[vector<16xi32>, vector<16xi32>, vector<16xi32>, vector<16xi32>], vector<16xf32>,
        %add3A_1502 = arith.constant 16 : i32
        %add3A_1503 = vector.broadcast %add3A_1502 : i32 to vector<16xi32>
        %add3A_1504 = arith.addi %iota3A, %add3A_1503 : vector<16xi32>
        tpu.vector_store_idx %arg11[%mul3A_34, %mul3A_34, %add3A_1504, %add3A_1501], %add3A_1499 : memref<1x1x32x129xf32, #tpu.memory_space<vmem>>[vector<16xi32>, vector<16xi32>, vector<16xi32>, vector<16xi32>], vector<16xf32>,
      }
      %scan3A_1200 = arith.constant 128 : i32
      %mul3A_1201 = arith.constant 4 : i32
      %mul3A_1202 = arith.muli %mul3A_1180, %mul3A_1201 : i32
      %add3A_1203 = arith.constant 0 : i32
      %add3A_1204 = arith.addi %mul3A_1202, %add3A_1203 : i32
      %mul3A_1205 = arith.constant 4 : i32
      %mul3A_1206 = arith.muli %mul3A_1180, %mul3A_1205 : i32
      %add3A_1207 = arith.constant 1 : i32
      %add3A_1208 = arith.addi %mul3A_1206, %add3A_1207 : i32
      %mul3A_1209 = arith.constant 4 : i32
      %mul3A_1210 = arith.muli %mul3A_1180, %mul3A_1209 : i32
      %add3A_1211 = arith.constant 2 : i32
      %add3A_1212 = arith.addi %mul3A_1210, %add3A_1211 : i32
      %mul3A_1213 = arith.constant 4 : i32
      %mul3A_1214 = arith.muli %mul3A_1180, %mul3A_1213 : i32
      %add3A_1215 = arith.constant 3 : i32
      %add3A_1216 = arith.addi %mul3A_1214, %add3A_1215 : i32
      %dma_start3A_1217 = arith.constant 0 : i32
      %dma_start3A_1218 = arith.constant 0 : i32
      %dma_start3A_1219 = arith.constant 0 : i32
      %dma_start3A_1220 = arith.constant 0 : i32
      %dma_start3A_1221 = tpu.memref_slice %arg11[%dma_start3A_1217, %dma_start3A_1218, %dma_start3A_1219, %dma_start3A_1220] : memref<1x1x32x129xf32, #tpu.memory_space<vmem>> -> memref<1x1x8x128xf32, #tpu.memory_space<vmem>>
      %dma_start3A_1222 = arith.constant 0 : i32
      %dma_start3A_1223 = arith.constant 0 : i32
      %dma_start3A_1224 = tpu.memref_slice %arg5[%add3A_1204, %add3A, %dma_start3A_1222, %dma_start3A_1223] : memref<200x32x8x128xf32, #tpu.memory_space<hbm>> -> memref<1x1x8x128xf32, #tpu.memory_space<hbm>>
      %dma_start3A_1225 = arith.constant 0 : i32
      %dma_start3A_1226 = arith.constant 0 : i32
      %dma_start3A_1227 = tpu.memref_slice %arg5[%add3A_1204, %add3A, %dma_start3A_1225, %dma_start3A_1226] : memref<200x32x8x128xf32, #tpu.memory_space<hbm>> -> memref<1x1x8x128xf32, #tpu.memory_space<hbm>>
      %dma_start3A_1228 = arith.constant 0 : i32
      %dma_start3A_1229 = arith.constant 0 : i32
      %dma_start3A_1230 = arith.constant 0 : i32
      %dma_start3A_1231 = arith.constant 0 : i32
      %dma_start3A_1232 = tpu.memref_slice %arg11[%dma_start3A_1228, %dma_start3A_1229, %dma_start3A_1230, %dma_start3A_1231] : memref<1x1x32x129xf32, #tpu.memory_space<vmem>> -> memref<1x1x8x128xf32, #tpu.memory_space<vmem>>
      tpu.enqueue_dma source(%dma_start3A_1232 : memref<1x1x8x128xf32, #tpu.memory_space<vmem>>) target(%dma_start3A_1227 : memref<1x1x8x128xf32, #tpu.memory_space<hbm>>) target_semaphore(%arg17 : memref<!tpu.dma_semaphore, #tpu.memory_space<semaphore_mem>>)
      %dma_start3A_1233 = arith.constant 0 : i32
      %dma_start3A_1234 = arith.constant 0 : i32
      %dma_start3A_1235 = arith.constant 8 : i32
      %dma_start3A_1236 = arith.constant 0 : i32
      %dma_start3A_1237 = tpu.memref_slice %arg11[%dma_start3A_1233, %dma_start3A_1234, %dma_start3A_1235, %dma_start3A_1236] : memref<1x1x32x129xf32, #tpu.memory_space<vmem>> -> memref<1x1x8x128xf32, #tpu.memory_space<vmem>>
      %dma_start3A_1238 = arith.constant 0 : i32
      %dma_start3A_1239 = arith.constant 0 : i32
      %dma_start3A_1240 = tpu.memref_slice %arg5[%add3A_1208, %add3A, %dma_start3A_1238, %dma_start3A_1239] : memref<200x32x8x128xf32, #tpu.memory_space<hbm>> -> memref<1x1x8x128xf32, #tpu.memory_space<hbm>>
      %dma_start3A_1241 = arith.constant 0 : i32
      %dma_start3A_1242 = arith.constant 0 : i32
      %dma_start3A_1243 = tpu.memref_slice %arg5[%add3A_1208, %add3A, %dma_start3A_1241, %dma_start3A_1242] : memref<200x32x8x128xf32, #tpu.memory_space<hbm>> -> memref<1x1x8x128xf32, #tpu.memory_space<hbm>>
      %dma_start3A_1244 = arith.constant 0 : i32
      %dma_start3A_1245 = arith.constant 0 : i32
      %dma_start3A_1246 = arith.constant 8 : i32
      %dma_start3A_1247 = arith.constant 0 : i32
      %dma_start3A_1248 = tpu.memref_slice %arg11[%dma_start3A_1244, %dma_start3A_1245, %dma_start3A_1246, %dma_start3A_1247] : memref<1x1x32x129xf32, #tpu.memory_space<vmem>> -> memref<1x1x8x128xf32, #tpu.memory_space<vmem>>
      tpu.enqueue_dma source(%dma_start3A_1248 : memref<1x1x8x128xf32, #tpu.memory_space<vmem>>) target(%dma_start3A_1243 : memref<1x1x8x128xf32, #tpu.memory_space<hbm>>) target_semaphore(%arg17 : memref<!tpu.dma_semaphore, #tpu.memory_space<semaphore_mem>>)
      %dma_start3A_1249 = arith.constant 0 : i32
      %dma_start3A_1250 = arith.constant 0 : i32
      %dma_start3A_1251 = arith.constant 16 : i32
      %dma_start3A_1252 = arith.constant 0 : i32
      %dma_start3A_1253 = tpu.memref_slice %arg11[%dma_start3A_1249, %dma_start3A_1250, %dma_start3A_1251, %dma_start3A_1252] : memref<1x1x32x129xf32, #tpu.memory_space<vmem>> -> memref<1x1x8x128xf32, #tpu.memory_space<vmem>>
      %dma_start3A_1254 = arith.constant 0 : i32
      %dma_start3A_1255 = arith.constant 0 : i32
      %dma_start3A_1256 = tpu.memref_slice %arg5[%add3A_1212, %add3A, %dma_start3A_1254, %dma_start3A_1255] : memref<200x32x8x128xf32, #tpu.memory_space<hbm>> -> memref<1x1x8x128xf32, #tpu.memory_space<hbm>>
      %dma_start3A_1257 = arith.constant 0 : i32
      %dma_start3A_1258 = arith.constant 0 : i32
      %dma_start3A_1259 = tpu.memref_slice %arg5[%add3A_1212, %add3A, %dma_start3A_1257, %dma_start3A_1258] : memref<200x32x8x128xf32, #tpu.memory_space<hbm>> -> memref<1x1x8x128xf32, #tpu.memory_space<hbm>>
      %dma_start3A_1260 = arith.constant 0 : i32
      %dma_start3A_1261 = arith.constant 0 : i32
      %dma_start3A_1262 = arith.constant 16 : i32
      %dma_start3A_1263 = arith.constant 0 : i32
      %dma_start3A_1264 = tpu.memref_slice %arg11[%dma_start3A_1260, %dma_start3A_1261, %dma_start3A_1262, %dma_start3A_1263] : memref<1x1x32x129xf32, #tpu.memory_space<vmem>> -> memref<1x1x8x128xf32, #tpu.memory_space<vmem>>
      tpu.enqueue_dma source(%dma_start3A_1264 : memref<1x1x8x128xf32, #tpu.memory_space<vmem>>) target(%dma_start3A_1259 : memref<1x1x8x128xf32, #tpu.memory_space<hbm>>) target_semaphore(%arg17 : memref<!tpu.dma_semaphore, #tpu.memory_space<semaphore_mem>>)
      %dma_start3A_1265 = arith.constant 0 : i32
      %dma_start3A_1266 = arith.constant 0 : i32
      %dma_start3A_1267 = arith.constant 24 : i32
      %dma_start3A_1268 = arith.constant 0 : i32
      %dma_start3A_1269 = tpu.memref_slice %arg11[%dma_start3A_1265, %dma_start3A_1266, %dma_start3A_1267, %dma_start3A_1268] : memref<1x1x32x129xf32, #tpu.memory_space<vmem>> -> memref<1x1x8x128xf32, #tpu.memory_space<vmem>>
      %dma_start3A_1270 = arith.constant 0 : i32
      %dma_start3A_1271 = arith.constant 0 : i32
      %dma_start3A_1272 = tpu.memref_slice %arg5[%add3A_1216, %add3A, %dma_start3A_1270, %dma_start3A_1271] : memref<200x32x8x128xf32, #tpu.memory_space<hbm>> -> memref<1x1x8x128xf32, #tpu.memory_space<hbm>>
      %dma_start3A_1273 = arith.constant 0 : i32
      %dma_start3A_1274 = arith.constant 0 : i32
      %dma_start3A_1275 = tpu.memref_slice %arg5[%add3A_1216, %add3A, %dma_start3A_1273, %dma_start3A_1274] : memref<200x32x8x128xf32, #tpu.memory_space<hbm>> -> memref<1x1x8x128xf32, #tpu.memory_space<hbm>>
      %dma_start3A_1276 = arith.constant 0 : i32
      %dma_start3A_1277 = arith.constant 0 : i32
      %dma_start3A_1278 = arith.constant 24 : i32
      %dma_start3A_1279 = arith.constant 0 : i32
      %dma_start3A_1280 = tpu.memref_slice %arg11[%dma_start3A_1276, %dma_start3A_1277, %dma_start3A_1278, %dma_start3A_1279] : memref<1x1x32x129xf32, #tpu.memory_space<vmem>> -> memref<1x1x8x128xf32, #tpu.memory_space<vmem>>
      tpu.enqueue_dma source(%dma_start3A_1280 : memref<1x1x8x128xf32, #tpu.memory_space<vmem>>) target(%dma_start3A_1275 : memref<1x1x8x128xf32, #tpu.memory_space<hbm>>) target_semaphore(%arg17 : memref<!tpu.dma_semaphore, #tpu.memory_space<semaphore_mem>>)
      %mul3A_1281 = arith.constant 2 : i32
      %mul3A_1282 = arith.muli %mul3A_1281, %scan3A_1178 : i32
      %add3A_1283 = arith.constant 1 : i32
      %add3A_1284 = arith.addi %mul3A_1282, %add3A_1283 : i32
      %add3A_1285 = arith.constant 1 : i32
      %add3A_1286 = arith.addi %add3A_1284, %add3A_1285 : i32
      %lt3A_1287 = arith.constant 50 : i32
      %lt3A_1288 = arith.cmpi slt, %add3A_1286, %lt3A_1287 : i32
      %convert_element_type3A_1289 = arith.extui %lt3A_1288 : i1 to i32
      %cond3A_1290 = arith.constant 0 : i32
      %cond3A_1291 = arith.cmpi ne, %convert_element_type3A_1289, %cond3A_1290 : i32
      scf.if %cond3A_1291 {
        %add3A_1389 = arith.constant 1 : i32
        %add3A_1390 = arith.addi %add3A_1284, %add3A_1389 : i32
        %add3A_1391 = arith.constant 0 : i32
        %add3A_1392 = vector.broadcast %add3A_1391 : i32 to vector<16xi32>
        %add3A_1393 = arith.addi %iota3A, %add3A_1392 : vector<16xi32>
        %add3A_1394 = arith.constant 0 : i32
        %add3A_1395 = arith.addi %add3A_1394, %add3A_1390 : i32
        %add3A_1396 = vector.broadcast %add3A_1395 : i32 to vector<16xi32>
        %add3A_1397 = arith.addi %mul3A_34, %add3A_1396 : vector<16xi32>
        %gather3A_1398 = tpu.vector_load_idx %arg6[%add3A_1393, %add3A_1397] : memref<128x401xi32, #tpu.memory_space<vmem>>[vector<16xi32>, vector<16xi32>], vector<16xi32>,
        %add3A_1399 = arith.constant 0 : i32
        %add3A_1400 = vector.broadcast %add3A_1399 : i32 to vector<16xi32>
        %add3A_1401 = arith.addi %gather3A_1398, %add3A_1400 : vector<16xi32>
        %swap3A_1402 = arith.constant 0 : i32
        %swap3A_1403 = arith.index_cast %swap3A_1402 : i32 to index
        %swap3A_1404 = arith.constant 0 : index
        %swap3A_1405 = tpu.vector_load %arg7[%swap3A_1403, %swap3A_1404] {strides = array<i32>} : memref<8x128xi32, #tpu.memory_space<vmem>>, vector<16xi32>,
        tpu.vector_store %arg7[%swap3A_1403, %swap3A_1404], %add3A_1401 {strides = array<i32>} : memref<8x128xi32, #tpu.memory_space<vmem>>, vector<16xi32>,
        %add3A_1406 = arith.constant 0 : i32
        %add3A_1407 = vector.broadcast %add3A_1406 : i32 to vector<16xi32>
        %add3A_1408 = arith.addi %iota3A, %add3A_1407 : vector<16xi32>
        %add3A_1409 = arith.constant 50 : i32
        %add3A_1410 = arith.addi %add3A_1409, %add3A_1390 : i32
        %add3A_1411 = vector.broadcast %add3A_1410 : i32 to vector<16xi32>
        %add3A_1412 = arith.addi %mul3A_34, %add3A_1411 : vector<16xi32>
        %gather3A_1413 = tpu.vector_load_idx %arg6[%add3A_1408, %add3A_1412] : memref<128x401xi32, #tpu.memory_space<vmem>>[vector<16xi32>, vector<16xi32>], vector<16xi32>,
        %add3A_1414 = arith.constant 100000 : i32
        %add3A_1415 = vector.broadcast %add3A_1414 : i32 to vector<16xi32>
        %add3A_1416 = arith.addi %gather3A_1413, %add3A_1415 : vector<16xi32>
        %swap3A_1417 = arith.constant 0 : i32
        %swap3A_1418 = arith.index_cast %swap3A_1417 : i32 to index
        %swap3A_1419 = arith.constant 16 : index
        %swap3A_1420 = tpu.vector_load %arg7[%swap3A_1418, %swap3A_1419] {strides = array<i32>} : memref<8x128xi32, #tpu.memory_space<vmem>>, vector<16xi32>,
        tpu.vector_store %arg7[%swap3A_1418, %swap3A_1419], %add3A_1416 {strides = array<i32>} : memref<8x128xi32, #tpu.memory_space<vmem>>, vector<16xi32>,
        %add3A_1421 = arith.constant 0 : i32
        %add3A_1422 = vector.broadcast %add3A_1421 : i32 to vector<16xi32>
        %add3A_1423 = arith.addi %iota3A, %add3A_1422 : vector<16xi32>
        %add3A_1424 = arith.constant 100 : i32
        %add3A_1425 = arith.addi %add3A_1424, %add3A_1390 : i32
        %add3A_1426 = vector.broadcast %add3A_1425 : i32 to vector<16xi32>
        %add3A_1427 = arith.addi %mul3A_34, %add3A_1426 : vector<16xi32>
        %gather3A_1428 = tpu.vector_load_idx %arg6[%add3A_1423, %add3A_1427] : memref<128x401xi32, #tpu.memory_space<vmem>>[vector<16xi32>, vector<16xi32>], vector<16xi32>,
        %add3A_1429 = arith.constant 200000 : i32
        %add3A_1430 = vector.broadcast %add3A_1429 : i32 to vector<16xi32>
        %add3A_1431 = arith.addi %gather3A_1428, %add3A_1430 : vector<16xi32>
        %swap3A_1432 = arith.constant 0 : i32
        %swap3A_1433 = arith.index_cast %swap3A_1432 : i32 to index
        %swap3A_1434 = arith.constant 32 : index
        %swap3A_1435 = tpu.vector_load %arg7[%swap3A_1433, %swap3A_1434] {strides = array<i32>} : memref<8x128xi32, #tpu.memory_space<vmem>>, vector<16xi32>,
        tpu.vector_store %arg7[%swap3A_1433, %swap3A_1434], %add3A_1431 {strides = array<i32>} : memref<8x128xi32, #tpu.memory_space<vmem>>, vector<16xi32>,
        %add3A_1436 = arith.constant 0 : i32
        %add3A_1437 = vector.broadcast %add3A_1436 : i32 to vector<16xi32>
        %add3A_1438 = arith.addi %iota3A, %add3A_1437 : vector<16xi32>
        %add3A_1439 = arith.constant 150 : i32
        %add3A_1440 = arith.addi %add3A_1439, %add3A_1390 : i32
        %add3A_1441 = vector.broadcast %add3A_1440 : i32 to vector<16xi32>
        %add3A_1442 = arith.addi %mul3A_34, %add3A_1441 : vector<16xi32>
        %gather3A_1443 = tpu.vector_load_idx %arg6[%add3A_1438, %add3A_1442] : memref<128x401xi32, #tpu.memory_space<vmem>>[vector<16xi32>, vector<16xi32>], vector<16xi32>,
        %add3A_1444 = arith.constant 300000 : i32
        %add3A_1445 = vector.broadcast %add3A_1444 : i32 to vector<16xi32>
        %add3A_1446 = arith.addi %gather3A_1443, %add3A_1445 : vector<16xi32>
        %swap3A_1447 = arith.constant 0 : i32
        %swap3A_1448 = arith.index_cast %swap3A_1447 : i32 to index
        %swap3A_1449 = arith.constant 48 : index
        %swap3A_1450 = tpu.vector_load %arg7[%swap3A_1448, %swap3A_1449] {strides = array<i32>} : memref<8x128xi32, #tpu.memory_space<vmem>>, vector<16xi32>,
        tpu.vector_store %arg7[%swap3A_1448, %swap3A_1449], %add3A_1446 {strides = array<i32>} : memref<8x128xi32, #tpu.memory_space<vmem>>, vector<16xi32>,
        %add3A_1451 = arith.constant 0 : i32
        %add3A_1452 = vector.broadcast %add3A_1451 : i32 to vector<16xi32>
        %add3A_1453 = arith.addi %iota3A, %add3A_1452 : vector<16xi32>
        %add3A_1454 = arith.constant 200 : i32
        %add3A_1455 = arith.addi %add3A_1454, %add3A_1390 : i32
        %add3A_1456 = vector.broadcast %add3A_1455 : i32 to vector<16xi32>
        %add3A_1457 = arith.addi %mul3A_34, %add3A_1456 : vector<16xi32>
        %gather3A_1458 = tpu.vector_load_idx %arg6[%add3A_1453, %add3A_1457] : memref<128x401xi32, #tpu.memory_space<vmem>>[vector<16xi32>, vector<16xi32>], vector<16xi32>,
        %add3A_1459 = arith.constant 400000 : i32
        %add3A_1460 = vector.broadcast %add3A_1459 : i32 to vector<16xi32>
        %add3A_1461 = arith.addi %gather3A_1458, %add3A_1460 : vector<16xi32>
        %swap3A_1462 = arith.constant 0 : i32
        %swap3A_1463 = arith.index_cast %swap3A_1462 : i32 to index
        %swap3A_1464 = arith.constant 64 : index
        %swap3A_1465 = tpu.vector_load %arg7[%swap3A_1463, %swap3A_1464] {strides = array<i32>} : memref<8x128xi32, #tpu.memory_space<vmem>>, vector<16xi32>,
        tpu.vector_store %arg7[%swap3A_1463, %swap3A_1464], %add3A_1461 {strides = array<i32>} : memref<8x128xi32, #tpu.memory_space<vmem>>, vector<16xi32>,
        %add3A_1466 = arith.constant 0 : i32
        %add3A_1467 = vector.broadcast %add3A_1466 : i32 to vector<16xi32>
        %add3A_1468 = arith.addi %iota3A, %add3A_1467 : vector<16xi32>
        %add3A_1469 = arith.constant 250 : i32
        %add3A_1470 = arith.addi %add3A_1469, %add3A_1390 : i32
        %add3A_1471 = vector.broadcast %add3A_1470 : i32 to vector<16xi32>
        %add3A_1472 = arith.addi %mul3A_34, %add3A_1471 : vector<16xi32>
        %gather3A_1473 = tpu.vector_load_idx %arg6[%add3A_1468, %add3A_1472] : memref<128x401xi32, #tpu.memory_space<vmem>>[vector<16xi32>, vector<16xi32>], vector<16xi32>,
        %add3A_1474 = arith.constant 500000 : i32
        %add3A_1475 = vector.broadcast %add3A_1474 : i32 to vector<16xi32>
        %add3A_1476 = arith.addi %gather3A_1473, %add3A_1475 : vector<16xi32>
        %swap3A_1477 = arith.constant 0 : i32
        %swap3A_1478 = arith.index_cast %swap3A_1477 : i32 to index
        %swap3A_1479 = arith.constant 80 : index
        %swap3A_1480 = tpu.vector_load %arg7[%swap3A_1478, %swap3A_1479] {strides = array<i32>} : memref<8x128xi32, #tpu.memory_space<vmem>>, vector<16xi32>,
        tpu.vector_store %arg7[%swap3A_1478, %swap3A_1479], %add3A_1476 {strides = array<i32>} : memref<8x128xi32, #tpu.memory_space<vmem>>, vector<16xi32>,
        %add3A_1481 = arith.constant 0 : i32
        %add3A_1482 = vector.broadcast %add3A_1481 : i32 to vector<16xi32>
        %add3A_1483 = arith.addi %iota3A, %add3A_1482 : vector<16xi32>
        %add3A_1484 = arith.constant 300 : i32
        %add3A_1485 = arith.addi %add3A_1484, %add3A_1390 : i32
        %add3A_1486 = vector.broadcast %add3A_1485 : i32 to vector<16xi32>
        %add3A_1487 = arith.addi %mul3A_34, %add3A_1486 : vector<16xi32>
        %gather3A_1488 = tpu.vector_load_idx %arg6[%add3A_1483, %add3A_1487] : memref<128x401xi32, #tpu.memory_space<vmem>>[vector<16xi32>, vector<16xi32>], vector<16xi32>,
        %add3A_1489 = arith.constant 600000 : i32
        %add3A_1490 = vector.broadcast %add3A_1489 : i32 to vector<16xi32>
        %add3A_1491 = arith.addi %gather3A_1488, %add3A_1490 : vector<16xi32>
        %swap3A_1492 = arith.constant 0 : i32
        %swap3A_1493 = arith.index_cast %swap3A_1492 : i32 to index
        %swap3A_1494 = arith.constant 96 : index
        %swap3A_1495 = tpu.vector_load %arg7[%swap3A_1493, %swap3A_1494] {strides = array<i32>} : memref<8x128xi32, #tpu.memory_space<vmem>>, vector<16xi32>,
        tpu.vector_store %arg7[%swap3A_1493, %swap3A_1494], %add3A_1491 {strides = array<i32>} : memref<8x128xi32, #tpu.memory_space<vmem>>, vector<16xi32>,
        %add3A_1496 = arith.constant 0 : i32
        %add3A_1497 = vector.broadcast %add3A_1496 : i32 to vector<16xi32>
        %add3A_1498 = arith.addi %iota3A, %add3A_1497 : vector<16xi32>
        %add3A_1499 = arith.constant 350 : i32
        %add3A_1500 = arith.addi %add3A_1499, %add3A_1390 : i32
        %add3A_1501 = vector.broadcast %add3A_1500 : i32 to vector<16xi32>
        %add3A_1502 = arith.addi %mul3A_34, %add3A_1501 : vector<16xi32>
        %gather3A_1503 = tpu.vector_load_idx %arg6[%add3A_1498, %add3A_1502] : memref<128x401xi32, #tpu.memory_space<vmem>>[vector<16xi32>, vector<16xi32>], vector<16xi32>,
        %add3A_1504 = arith.constant 700000 : i32
        %add3A_1505 = vector.broadcast %add3A_1504 : i32 to vector<16xi32>
        %add3A_1506 = arith.addi %gather3A_1503, %add3A_1505 : vector<16xi32>
        %swap3A_1507 = arith.constant 0 : i32
        %swap3A_1508 = arith.index_cast %swap3A_1507 : i32 to index
        %swap3A_1509 = arith.constant 112 : index
        %swap3A_1510 = tpu.vector_load %arg7[%swap3A_1508, %swap3A_1509] {strides = array<i32>} : memref<8x128xi32, #tpu.memory_space<vmem>>, vector<16xi32>,
        tpu.vector_store %arg7[%swap3A_1508, %swap3A_1509], %add3A_1506 {strides = array<i32>} : memref<8x128xi32, #tpu.memory_space<vmem>>, vector<16xi32>,
        %add3A_1511 = arith.constant 16 : i32
        %add3A_1512 = vector.broadcast %add3A_1511 : i32 to vector<16xi32>
        %add3A_1513 = arith.addi %iota3A, %add3A_1512 : vector<16xi32>
        %add3A_1514 = arith.constant 0 : i32
        %add3A_1515 = arith.addi %add3A_1514, %add3A_1390 : i32
        %add3A_1516 = vector.broadcast %add3A_1515 : i32 to vector<16xi32>
        %add3A_1517 = arith.addi %mul3A_34, %add3A_1516 : vector<16xi32>
        %gather3A_1518 = tpu.vector_load_idx %arg6[%add3A_1513, %add3A_1517] : memref<128x401xi32, #tpu.memory_space<vmem>>[vector<16xi32>, vector<16xi32>], vector<16xi32>,
        %add3A_1519 = arith.constant 0 : i32
        %add3A_1520 = vector.broadcast %add3A_1519 : i32 to vector<16xi32>
        %add3A_1521 = arith.addi %gather3A_1518, %add3A_1520 : vector<16xi32>
        %swap3A_1522 = arith.constant 1 : i32
        %swap3A_1523 = arith.index_cast %swap3A_1522 : i32 to index
        %swap3A_1524 = arith.constant 0 : index
        %swap3A_1525 = tpu.vector_load %arg7[%swap3A_1523, %swap3A_1524] {strides = array<i32>} : memref<8x128xi32, #tpu.memory_space<vmem>>, vector<16xi32>,
        tpu.vector_store %arg7[%swap3A_1523, %swap3A_1524], %add3A_1521 {strides = array<i32>} : memref<8x128xi32, #tpu.memory_space<vmem>>, vector<16xi32>,
        %add3A_1526 = arith.constant 16 : i32
        %add3A_1527 = vector.broadcast %add3A_1526 : i32 to vector<16xi32>
        %add3A_1528 = arith.addi %iota3A, %add3A_1527 : vector<16xi32>
        %add3A_1529 = arith.constant 50 : i32
        %add3A_1530 = arith.addi %add3A_1529, %add3A_1390 : i32
        %add3A_1531 = vector.broadcast %add3A_1530 : i32 to vector<16xi32>
        %add3A_1532 = arith.addi %mul3A_34, %add3A_1531 : vector<16xi32>
        %gather3A_1533 = tpu.vector_load_idx %arg6[%add3A_1528, %add3A_1532] : memref<128x401xi32, #tpu.memory_space<vmem>>[vector<16xi32>, vector<16xi32>], vector<16xi32>,
        %add3A_1534 = arith.constant 100000 : i32
        %add3A_1535 = vector.broadcast %add3A_1534 : i32 to vector<16xi32>
        %add3A_1536 = arith.addi %gather3A_1533, %add3A_1535 : vector<16xi32>
        %swap3A_1537 = arith.constant 1 : i32
        %swap3A_1538 = arith.index_cast %swap3A_1537 : i32 to index
        %swap3A_1539 = arith.constant 16 : index
        %swap3A_1540 = tpu.vector_load %arg7[%swap3A_1538, %swap3A_1539] {strides = array<i32>} : memref<8x128xi32, #tpu.memory_space<vmem>>, vector<16xi32>,
        tpu.vector_store %arg7[%swap3A_1538, %swap3A_1539], %add3A_1536 {strides = array<i32>} : memref<8x128xi32, #tpu.memory_space<vmem>>, vector<16xi32>,
        %add3A_1541 = arith.constant 16 : i32
        %add3A_1542 = vector.broadcast %add3A_1541 : i32 to vector<16xi32>
        %add3A_1543 = arith.addi %iota3A, %add3A_1542 : vector<16xi32>
        %add3A_1544 = arith.constant 100 : i32
        %add3A_1545 = arith.addi %add3A_1544, %add3A_1390 : i32
        %add3A_1546 = vector.broadcast %add3A_1545 : i32 to vector<16xi32>
        %add3A_1547 = arith.addi %mul3A_34, %add3A_1546 : vector<16xi32>
        %gather3A_1548 = tpu.vector_load_idx %arg6[%add3A_1543, %add3A_1547] : memref<128x401xi32, #tpu.memory_space<vmem>>[vector<16xi32>, vector<16xi32>], vector<16xi32>,
        %add3A_1549 = arith.constant 200000 : i32
        %add3A_1550 = vector.broadcast %add3A_1549 : i32 to vector<16xi32>
        %add3A_1551 = arith.addi %gather3A_1548, %add3A_1550 : vector<16xi32>
        %swap3A_1552 = arith.constant 1 : i32
        %swap3A_1553 = arith.index_cast %swap3A_1552 : i32 to index
        %swap3A_1554 = arith.constant 32 : index
        %swap3A_1555 = tpu.vector_load %arg7[%swap3A_1553, %swap3A_1554] {strides = array<i32>} : memref<8x128xi32, #tpu.memory_space<vmem>>, vector<16xi32>,
        tpu.vector_store %arg7[%swap3A_1553, %swap3A_1554], %add3A_1551 {strides = array<i32>} : memref<8x128xi32, #tpu.memory_space<vmem>>, vector<16xi32>,
        %add3A_1556 = arith.constant 16 : i32
        %add3A_1557 = vector.broadcast %add3A_1556 : i32 to vector<16xi32>
        %add3A_1558 = arith.addi %iota3A, %add3A_1557 : vector<16xi32>
        %add3A_1559 = arith.constant 150 : i32
        %add3A_1560 = arith.addi %add3A_1559, %add3A_1390 : i32
        %add3A_1561 = vector.broadcast %add3A_1560 : i32 to vector<16xi32>
        %add3A_1562 = arith.addi %mul3A_34, %add3A_1561 : vector<16xi32>
        %gather3A_1563 = tpu.vector_load_idx %arg6[%add3A_1558, %add3A_1562] : memref<128x401xi32, #tpu.memory_space<vmem>>[vector<16xi32>, vector<16xi32>], vector<16xi32>,
        %add3A_1564 = arith.constant 300000 : i32
        %add3A_1565 = vector.broadcast %add3A_1564 : i32 to vector<16xi32>
        %add3A_1566 = arith.addi %gather3A_1563, %add3A_1565 : vector<16xi32>
        %swap3A_1567 = arith.constant 1 : i32
        %swap3A_1568 = arith.index_cast %swap3A_1567 : i32 to index
        %swap3A_1569 = arith.constant 48 : index
        %swap3A_1570 = tpu.vector_load %arg7[%swap3A_1568, %swap3A_1569] {strides = array<i32>} : memref<8x128xi32, #tpu.memory_space<vmem>>, vector<16xi32>,
        tpu.vector_store %arg7[%swap3A_1568, %swap3A_1569], %add3A_1566 {strides = array<i32>} : memref<8x128xi32, #tpu.memory_space<vmem>>, vector<16xi32>,
        %add3A_1571 = arith.constant 16 : i32
        %add3A_1572 = vector.broadcast %add3A_1571 : i32 to vector<16xi32>
        %add3A_1573 = arith.addi %iota3A, %add3A_1572 : vector<16xi32>
        %add3A_1574 = arith.constant 200 : i32
        %add3A_1575 = arith.addi %add3A_1574, %add3A_1390 : i32
        %add3A_1576 = vector.broadcast %add3A_1575 : i32 to vector<16xi32>
        %add3A_1577 = arith.addi %mul3A_34, %add3A_1576 : vector<16xi32>
        %gather3A_1578 = tpu.vector_load_idx %arg6[%add3A_1573, %add3A_1577] : memref<128x401xi32, #tpu.memory_space<vmem>>[vector<16xi32>, vector<16xi32>], vector<16xi32>,
        %add3A_1579 = arith.constant 400000 : i32
        %add3A_1580 = vector.broadcast %add3A_1579 : i32 to vector<16xi32>
        %add3A_1581 = arith.addi %gather3A_1578, %add3A_1580 : vector<16xi32>
        %swap3A_1582 = arith.constant 1 : i32
        %swap3A_1583 = arith.index_cast %swap3A_1582 : i32 to index
        %swap3A_1584 = arith.constant 64 : index
        %swap3A_1585 = tpu.vector_load %arg7[%swap3A_1583, %swap3A_1584] {strides = array<i32>} : memref<8x128xi32, #tpu.memory_space<vmem>>, vector<16xi32>,
        tpu.vector_store %arg7[%swap3A_1583, %swap3A_1584], %add3A_1581 {strides = array<i32>} : memref<8x128xi32, #tpu.memory_space<vmem>>, vector<16xi32>,
        %add3A_1586 = arith.constant 16 : i32
        %add3A_1587 = vector.broadcast %add3A_1586 : i32 to vector<16xi32>
        %add3A_1588 = arith.addi %iota3A, %add3A_1587 : vector<16xi32>
        %add3A_1589 = arith.constant 250 : i32
        %add3A_1590 = arith.addi %add3A_1589, %add3A_1390 : i32
        %add3A_1591 = vector.broadcast %add3A_1590 : i32 to vector<16xi32>
        %add3A_1592 = arith.addi %mul3A_34, %add3A_1591 : vector<16xi32>
        %gather3A_1593 = tpu.vector_load_idx %arg6[%add3A_1588, %add3A_1592] : memref<128x401xi32, #tpu.memory_space<vmem>>[vector<16xi32>, vector<16xi32>], vector<16xi32>,
        %add3A_1594 = arith.constant 500000 : i32
        %add3A_1595 = vector.broadcast %add3A_1594 : i32 to vector<16xi32>
        %add3A_1596 = arith.addi %gather3A_1593, %add3A_1595 : vector<16xi32>
        %swap3A_1597 = arith.constant 1 : i32
        %swap3A_1598 = arith.index_cast %swap3A_1597 : i32 to index
        %swap3A_1599 = arith.constant 80 : index
        %swap3A_1600 = tpu.vector_load %arg7[%swap3A_1598, %swap3A_1599] {strides = array<i32>} : memref<8x128xi32, #tpu.memory_space<vmem>>, vector<16xi32>,
        tpu.vector_store %arg7[%swap3A_1598, %swap3A_1599], %add3A_1596 {strides = array<i32>} : memref<8x128xi32, #tpu.memory_space<vmem>>, vector<16xi32>,
        %add3A_1601 = arith.constant 16 : i32
        %add3A_1602 = vector.broadcast %add3A_1601 : i32 to vector<16xi32>
        %add3A_1603 = arith.addi %iota3A, %add3A_1602 : vector<16xi32>
        %add3A_1604 = arith.constant 300 : i32
        %add3A_1605 = arith.addi %add3A_1604, %add3A_1390 : i32
        %add3A_1606 = vector.broadcast %add3A_1605 : i32 to vector<16xi32>
        %add3A_1607 = arith.addi %mul3A_34, %add3A_1606 : vector<16xi32>
        %gather3A_1608 = tpu.vector_load_idx %arg6[%add3A_1603, %add3A_1607] : memref<128x401xi32, #tpu.memory_space<vmem>>[vector<16xi32>, vector<16xi32>], vector<16xi32>,
        %add3A_1609 = arith.constant 600000 : i32
        %add3A_1610 = vector.broadcast %add3A_1609 : i32 to vector<16xi32>
        %add3A_1611 = arith.addi %gather3A_1608, %add3A_1610 : vector<16xi32>
        %swap3A_1612 = arith.constant 1 : i32
        %swap3A_1613 = arith.index_cast %swap3A_1612 : i32 to index
        %swap3A_1614 = arith.constant 96 : index
        %swap3A_1615 = tpu.vector_load %arg7[%swap3A_1613, %swap3A_1614] {strides = array<i32>} : memref<8x128xi32, #tpu.memory_space<vmem>>, vector<16xi32>,
        tpu.vector_store %arg7[%swap3A_1613, %swap3A_1614], %add3A_1611 {strides = array<i32>} : memref<8x128xi32, #tpu.memory_space<vmem>>, vector<16xi32>,
        %add3A_1616 = arith.constant 16 : i32
        %add3A_1617 = vector.broadcast %add3A_1616 : i32 to vector<16xi32>
        %add3A_1618 = arith.addi %iota3A, %add3A_1617 : vector<16xi32>
        %add3A_1619 = arith.constant 350 : i32
        %add3A_1620 = arith.addi %add3A_1619, %add3A_1390 : i32
        %add3A_1621 = vector.broadcast %add3A_1620 : i32 to vector<16xi32>
        %add3A_1622 = arith.addi %mul3A_34, %add3A_1621 : vector<16xi32>
        %gather3A_1623 = tpu.vector_load_idx %arg6[%add3A_1618, %add3A_1622] : memref<128x401xi32, #tpu.memory_space<vmem>>[vector<16xi32>, vector<16xi32>], vector<16xi32>,
        %add3A_1624 = arith.constant 700000 : i32
        %add3A_1625 = vector.broadcast %add3A_1624 : i32 to vector<16xi32>
        %add3A_1626 = arith.addi %gather3A_1623, %add3A_1625 : vector<16xi32>
        %swap3A_1627 = arith.constant 1 : i32
        %swap3A_1628 = arith.index_cast %swap3A_1627 : i32 to index
        %swap3A_1629 = arith.constant 112 : index
        %swap3A_1630 = tpu.vector_load %arg7[%swap3A_1628, %swap3A_1629] {strides = array<i32>} : memref<8x128xi32, #tpu.memory_space<vmem>>, vector<16xi32>,
        tpu.vector_store %arg7[%swap3A_1628, %swap3A_1629], %add3A_1626 {strides = array<i32>} : memref<8x128xi32, #tpu.memory_space<vmem>>, vector<16xi32>,
        %add3A_1631 = arith.constant 32 : i32
        %add3A_1632 = vector.broadcast %add3A_1631 : i32 to vector<16xi32>
        %add3A_1633 = arith.addi %iota3A, %add3A_1632 : vector<16xi32>
        %add3A_1634 = arith.constant 0 : i32
        %add3A_1635 = arith.addi %add3A_1634, %add3A_1390 : i32
        %add3A_1636 = vector.broadcast %add3A_1635 : i32 to vector<16xi32>
        %add3A_1637 = arith.addi %mul3A_34, %add3A_1636 : vector<16xi32>
        %gather3A_1638 = tpu.vector_load_idx %arg6[%add3A_1633, %add3A_1637] : memref<128x401xi32, #tpu.memory_space<vmem>>[vector<16xi32>, vector<16xi32>], vector<16xi32>,
        %add3A_1639 = arith.constant 0 : i32
        %add3A_1640 = vector.broadcast %add3A_1639 : i32 to vector<16xi32>
        %add3A_1641 = arith.addi %gather3A_1638, %add3A_1640 : vector<16xi32>
        %swap3A_1642 = arith.constant 2 : i32
        %swap3A_1643 = arith.index_cast %swap3A_1642 : i32 to index
        %swap3A_1644 = arith.constant 0 : index
        %swap3A_1645 = tpu.vector_load %arg7[%swap3A_1643, %swap3A_1644] {strides = array<i32>} : memref<8x128xi32, #tpu.memory_space<vmem>>, vector<16xi32>,
        tpu.vector_store %arg7[%swap3A_1643, %swap3A_1644], %add3A_1641 {strides = array<i32>} : memref<8x128xi32, #tpu.memory_space<vmem>>, vector<16xi32>,
        %add3A_1646 = arith.constant 32 : i32
        %add3A_1647 = vector.broadcast %add3A_1646 : i32 to vector<16xi32>
        %add3A_1648 = arith.addi %iota3A, %add3A_1647 : vector<16xi32>
        %add3A_1649 = arith.constant 50 : i32
        %add3A_1650 = arith.addi %add3A_1649, %add3A_1390 : i32
        %add3A_1651 = vector.broadcast %add3A_1650 : i32 to vector<16xi32>
        %add3A_1652 = arith.addi %mul3A_34, %add3A_1651 : vector<16xi32>
        %gather3A_1653 = tpu.vector_load_idx %arg6[%add3A_1648, %add3A_1652] : memref<128x401xi32, #tpu.memory_space<vmem>>[vector<16xi32>, vector<16xi32>], vector<16xi32>,
        %add3A_1654 = arith.constant 100000 : i32
        %add3A_1655 = vector.broadcast %add3A_1654 : i32 to vector<16xi32>
        %add3A_1656 = arith.addi %gather3A_1653, %add3A_1655 : vector<16xi32>
        %swap3A_1657 = arith.constant 2 : i32
        %swap3A_1658 = arith.index_cast %swap3A_1657 : i32 to index
        %swap3A_1659 = arith.constant 16 : index
        %swap3A_1660 = tpu.vector_load %arg7[%swap3A_1658, %swap3A_1659] {strides = array<i32>} : memref<8x128xi32, #tpu.memory_space<vmem>>, vector<16xi32>,
        tpu.vector_store %arg7[%swap3A_1658, %swap3A_1659], %add3A_1656 {strides = array<i32>} : memref<8x128xi32, #tpu.memory_space<vmem>>, vector<16xi32>,
        %add3A_1661 = arith.constant 32 : i32
        %add3A_1662 = vector.broadcast %add3A_1661 : i32 to vector<16xi32>
        %add3A_1663 = arith.addi %iota3A, %add3A_1662 : vector<16xi32>
        %add3A_1664 = arith.constant 100 : i32
        %add3A_1665 = arith.addi %add3A_1664, %add3A_1390 : i32
        %add3A_1666 = vector.broadcast %add3A_1665 : i32 to vector<16xi32>
        %add3A_1667 = arith.addi %mul3A_34, %add3A_1666 : vector<16xi32>
        %gather3A_1668 = tpu.vector_load_idx %arg6[%add3A_1663, %add3A_1667] : memref<128x401xi32, #tpu.memory_space<vmem>>[vector<16xi32>, vector<16xi32>], vector<16xi32>,
        %add3A_1669 = arith.constant 200000 : i32
        %add3A_1670 = vector.broadcast %add3A_1669 : i32 to vector<16xi32>
        %add3A_1671 = arith.addi %gather3A_1668, %add3A_1670 : vector<16xi32>
        %swap3A_1672 = arith.constant 2 : i32
        %swap3A_1673 = arith.index_cast %swap3A_1672 : i32 to index
        %swap3A_1674 = arith.constant 32 : index
        %swap3A_1675 = tpu.vector_load %arg7[%swap3A_1673, %swap3A_1674] {strides = array<i32>} : memref<8x128xi32, #tpu.memory_space<vmem>>, vector<16xi32>,
        tpu.vector_store %arg7[%swap3A_1673, %swap3A_1674], %add3A_1671 {strides = array<i32>} : memref<8x128xi32, #tpu.memory_space<vmem>>, vector<16xi32>,
        %add3A_1676 = arith.constant 32 : i32
        %add3A_1677 = vector.broadcast %add3A_1676 : i32 to vector<16xi32>
        %add3A_1678 = arith.addi %iota3A, %add3A_1677 : vector<16xi32>
        %add3A_1679 = arith.constant 150 : i32
        %add3A_1680 = arith.addi %add3A_1679, %add3A_1390 : i32
        %add3A_1681 = vector.broadcast %add3A_1680 : i32 to vector<16xi32>
        %add3A_1682 = arith.addi %mul3A_34, %add3A_1681 : vector<16xi32>
        %gather3A_1683 = tpu.vector_load_idx %arg6[%add3A_1678, %add3A_1682] : memref<128x401xi32, #tpu.memory_space<vmem>>[vector<16xi32>, vector<16xi32>], vector<16xi32>,
        %add3A_1684 = arith.constant 300000 : i32
        %add3A_1685 = vector.broadcast %add3A_1684 : i32 to vector<16xi32>
        %add3A_1686 = arith.addi %gather3A_1683, %add3A_1685 : vector<16xi32>
        %swap3A_1687 = arith.constant 2 : i32
        %swap3A_1688 = arith.index_cast %swap3A_1687 : i32 to index
        %swap3A_1689 = arith.constant 48 : index
        %swap3A_1690 = tpu.vector_load %arg7[%swap3A_1688, %swap3A_1689] {strides = array<i32>} : memref<8x128xi32, #tpu.memory_space<vmem>>, vector<16xi32>,
        tpu.vector_store %arg7[%swap3A_1688, %swap3A_1689], %add3A_1686 {strides = array<i32>} : memref<8x128xi32, #tpu.memory_space<vmem>>, vector<16xi32>,
        %add3A_1691 = arith.constant 32 : i32
        %add3A_1692 = vector.broadcast %add3A_1691 : i32 to vector<16xi32>
        %add3A_1693 = arith.addi %iota3A, %add3A_1692 : vector<16xi32>
        %add3A_1694 = arith.constant 200 : i32
        %add3A_1695 = arith.addi %add3A_1694, %add3A_1390 : i32
        %add3A_1696 = vector.broadcast %add3A_1695 : i32 to vector<16xi32>
        %add3A_1697 = arith.addi %mul3A_34, %add3A_1696 : vector<16xi32>
        %gather3A_1698 = tpu.vector_load_idx %arg6[%add3A_1693, %add3A_1697] : memref<128x401xi32, #tpu.memory_space<vmem>>[vector<16xi32>, vector<16xi32>], vector<16xi32>,
        %add3A_1699 = arith.constant 400000 : i32
        %add3A_1700 = vector.broadcast %add3A_1699 : i32 to vector<16xi32>
        %add3A_1701 = arith.addi %gather3A_1698, %add3A_1700 : vector<16xi32>
        %swap3A_1702 = arith.constant 2 : i32
        %swap3A_1703 = arith.index_cast %swap3A_1702 : i32 to index
        %swap3A_1704 = arith.constant 64 : index
        %swap3A_1705 = tpu.vector_load %arg7[%swap3A_1703, %swap3A_1704] {strides = array<i32>} : memref<8x128xi32, #tpu.memory_space<vmem>>, vector<16xi32>,
        tpu.vector_store %arg7[%swap3A_1703, %swap3A_1704], %add3A_1701 {strides = array<i32>} : memref<8x128xi32, #tpu.memory_space<vmem>>, vector<16xi32>,
        %add3A_1706 = arith.constant 32 : i32
        %add3A_1707 = vector.broadcast %add3A_1706 : i32 to vector<16xi32>
        %add3A_1708 = arith.addi %iota3A, %add3A_1707 : vector<16xi32>
        %add3A_1709 = arith.constant 250 : i32
        %add3A_1710 = arith.addi %add3A_1709, %add3A_1390 : i32
        %add3A_1711 = vector.broadcast %add3A_1710 : i32 to vector<16xi32>
        %add3A_1712 = arith.addi %mul3A_34, %add3A_1711 : vector<16xi32>
        %gather3A_1713 = tpu.vector_load_idx %arg6[%add3A_1708, %add3A_1712] : memref<128x401xi32, #tpu.memory_space<vmem>>[vector<16xi32>, vector<16xi32>], vector<16xi32>,
        %add3A_1714 = arith.constant 500000 : i32
        %add3A_1715 = vector.broadcast %add3A_1714 : i32 to vector<16xi32>
        %add3A_1716 = arith.addi %gather3A_1713, %add3A_1715 : vector<16xi32>
        %swap3A_1717 = arith.constant 2 : i32
        %swap3A_1718 = arith.index_cast %swap3A_1717 : i32 to index
        %swap3A_1719 = arith.constant 80 : index
        %swap3A_1720 = tpu.vector_load %arg7[%swap3A_1718, %swap3A_1719] {strides = array<i32>} : memref<8x128xi32, #tpu.memory_space<vmem>>, vector<16xi32>,
        tpu.vector_store %arg7[%swap3A_1718, %swap3A_1719], %add3A_1716 {strides = array<i32>} : memref<8x128xi32, #tpu.memory_space<vmem>>, vector<16xi32>,
        %add3A_1721 = arith.constant 32 : i32
        %add3A_1722 = vector.broadcast %add3A_1721 : i32 to vector<16xi32>
        %add3A_1723 = arith.addi %iota3A, %add3A_1722 : vector<16xi32>
        %add3A_1724 = arith.constant 300 : i32
        %add3A_1725 = arith.addi %add3A_1724, %add3A_1390 : i32
        %add3A_1726 = vector.broadcast %add3A_1725 : i32 to vector<16xi32>
        %add3A_1727 = arith.addi %mul3A_34, %add3A_1726 : vector<16xi32>
        %gather3A_1728 = tpu.vector_load_idx %arg6[%add3A_1723, %add3A_1727] : memref<128x401xi32, #tpu.memory_space<vmem>>[vector<16xi32>, vector<16xi32>], vector<16xi32>,
        %add3A_1729 = arith.constant 600000 : i32
        %add3A_1730 = vector.broadcast %add3A_1729 : i32 to vector<16xi32>
        %add3A_1731 = arith.addi %gather3A_1728, %add3A_1730 : vector<16xi32>
        %swap3A_1732 = arith.constant 2 : i32
        %swap3A_1733 = arith.index_cast %swap3A_1732 : i32 to index
        %swap3A_1734 = arith.constant 96 : index
        %swap3A_1735 = tpu.vector_load %arg7[%swap3A_1733, %swap3A_1734] {strides = array<i32>} : memref<8x128xi32, #tpu.memory_space<vmem>>, vector<16xi32>,
        tpu.vector_store %arg7[%swap3A_1733, %swap3A_1734], %add3A_1731 {strides = array<i32>} : memref<8x128xi32, #tpu.memory_space<vmem>>, vector<16xi32>,
        %add3A_1736 = arith.constant 32 : i32
        %add3A_1737 = vector.broadcast %add3A_1736 : i32 to vector<16xi32>
        %add3A_1738 = arith.addi %iota3A, %add3A_1737 : vector<16xi32>
        %add3A_1739 = arith.constant 350 : i32
        %add3A_1740 = arith.addi %add3A_1739, %add3A_1390 : i32
        %add3A_1741 = vector.broadcast %add3A_1740 : i32 to vector<16xi32>
        %add3A_1742 = arith.addi %mul3A_34, %add3A_1741 : vector<16xi32>
        %gather3A_1743 = tpu.vector_load_idx %arg6[%add3A_1738, %add3A_1742] : memref<128x401xi32, #tpu.memory_space<vmem>>[vector<16xi32>, vector<16xi32>], vector<16xi32>,
        %add3A_1744 = arith.constant 700000 : i32
        %add3A_1745 = vector.broadcast %add3A_1744 : i32 to vector<16xi32>
        %add3A_1746 = arith.addi %gather3A_1743, %add3A_1745 : vector<16xi32>
        %swap3A_1747 = arith.constant 2 : i32
        %swap3A_1748 = arith.index_cast %swap3A_1747 : i32 to index
        %swap3A_1749 = arith.constant 112 : index
        %swap3A_1750 = tpu.vector_load %arg7[%swap3A_1748, %swap3A_1749] {strides = array<i32>} : memref<8x128xi32, #tpu.memory_space<vmem>>, vector<16xi32>,
        tpu.vector_store %arg7[%swap3A_1748, %swap3A_1749], %add3A_1746 {strides = array<i32>} : memref<8x128xi32, #tpu.memory_space<vmem>>, vector<16xi32>,
        %add3A_1751 = arith.constant 48 : i32
        %add3A_1752 = vector.broadcast %add3A_1751 : i32 to vector<16xi32>
        %add3A_1753 = arith.addi %iota3A, %add3A_1752 : vector<16xi32>
        %add3A_1754 = arith.constant 0 : i32
        %add3A_1755 = arith.addi %add3A_1754, %add3A_1390 : i32
        %add3A_1756 = vector.broadcast %add3A_1755 : i32 to vector<16xi32>
        %add3A_1757 = arith.addi %mul3A_34, %add3A_1756 : vector<16xi32>
        %gather3A_1758 = tpu.vector_load_idx %arg6[%add3A_1753, %add3A_1757] : memref<128x401xi32, #tpu.memory_space<vmem>>[vector<16xi32>, vector<16xi32>], vector<16xi32>,
        %add3A_1759 = arith.constant 0 : i32
        %add3A_1760 = vector.broadcast %add3A_1759 : i32 to vector<16xi32>
        %add3A_1761 = arith.addi %gather3A_1758, %add3A_1760 : vector<16xi32>
        %swap3A_1762 = arith.constant 3 : i32
        %swap3A_1763 = arith.index_cast %swap3A_1762 : i32 to index
        %swap3A_1764 = arith.constant 0 : index
        %swap3A_1765 = tpu.vector_load %arg7[%swap3A_1763, %swap3A_1764] {strides = array<i32>} : memref<8x128xi32, #tpu.memory_space<vmem>>, vector<16xi32>,
        tpu.vector_store %arg7[%swap3A_1763, %swap3A_1764], %add3A_1761 {strides = array<i32>} : memref<8x128xi32, #tpu.memory_space<vmem>>, vector<16xi32>,
        %add3A_1766 = arith.constant 48 : i32
        %add3A_1767 = vector.broadcast %add3A_1766 : i32 to vector<16xi32>
        %add3A_1768 = arith.addi %iota3A, %add3A_1767 : vector<16xi32>
        %add3A_1769 = arith.constant 50 : i32
        %add3A_1770 = arith.addi %add3A_1769, %add3A_1390 : i32
        %add3A_1771 = vector.broadcast %add3A_1770 : i32 to vector<16xi32>
        %add3A_1772 = arith.addi %mul3A_34, %add3A_1771 : vector<16xi32>
        %gather3A_1773 = tpu.vector_load_idx %arg6[%add3A_1768, %add3A_1772] : memref<128x401xi32, #tpu.memory_space<vmem>>[vector<16xi32>, vector<16xi32>], vector<16xi32>,
        %add3A_1774 = arith.constant 100000 : i32
        %add3A_1775 = vector.broadcast %add3A_1774 : i32 to vector<16xi32>
        %add3A_1776 = arith.addi %gather3A_1773, %add3A_1775 : vector<16xi32>
        %swap3A_1777 = arith.constant 3 : i32
        %swap3A_1778 = arith.index_cast %swap3A_1777 : i32 to index
        %swap3A_1779 = arith.constant 16 : index
        %swap3A_1780 = tpu.vector_load %arg7[%swap3A_1778, %swap3A_1779] {strides = array<i32>} : memref<8x128xi32, #tpu.memory_space<vmem>>, vector<16xi32>,
        tpu.vector_store %arg7[%swap3A_1778, %swap3A_1779], %add3A_1776 {strides = array<i32>} : memref<8x128xi32, #tpu.memory_space<vmem>>, vector<16xi32>,
        %add3A_1781 = arith.constant 48 : i32
        %add3A_1782 = vector.broadcast %add3A_1781 : i32 to vector<16xi32>
        %add3A_1783 = arith.addi %iota3A, %add3A_1782 : vector<16xi32>
        %add3A_1784 = arith.constant 100 : i32
        %add3A_1785 = arith.addi %add3A_1784, %add3A_1390 : i32
        %add3A_1786 = vector.broadcast %add3A_1785 : i32 to vector<16xi32>
        %add3A_1787 = arith.addi %mul3A_34, %add3A_1786 : vector<16xi32>
        %gather3A_1788 = tpu.vector_load_idx %arg6[%add3A_1783, %add3A_1787] : memref<128x401xi32, #tpu.memory_space<vmem>>[vector<16xi32>, vector<16xi32>], vector<16xi32>,
        %add3A_1789 = arith.constant 200000 : i32
        %add3A_1790 = vector.broadcast %add3A_1789 : i32 to vector<16xi32>
        %add3A_1791 = arith.addi %gather3A_1788, %add3A_1790 : vector<16xi32>
        %swap3A_1792 = arith.constant 3 : i32
        %swap3A_1793 = arith.index_cast %swap3A_1792 : i32 to index
        %swap3A_1794 = arith.constant 32 : index
        %swap3A_1795 = tpu.vector_load %arg7[%swap3A_1793, %swap3A_1794] {strides = array<i32>} : memref<8x128xi32, #tpu.memory_space<vmem>>, vector<16xi32>,
        tpu.vector_store %arg7[%swap3A_1793, %swap3A_1794], %add3A_1791 {strides = array<i32>} : memref<8x128xi32, #tpu.memory_space<vmem>>, vector<16xi32>,
        %add3A_1796 = arith.constant 48 : i32
        %add3A_1797 = vector.broadcast %add3A_1796 : i32 to vector<16xi32>
        %add3A_1798 = arith.addi %iota3A, %add3A_1797 : vector<16xi32>
        %add3A_1799 = arith.constant 150 : i32
        %add3A_1800 = arith.addi %add3A_1799, %add3A_1390 : i32
        %add3A_1801 = vector.broadcast %add3A_1800 : i32 to vector<16xi32>
        %add3A_1802 = arith.addi %mul3A_34, %add3A_1801 : vector<16xi32>
        %gather3A_1803 = tpu.vector_load_idx %arg6[%add3A_1798, %add3A_1802] : memref<128x401xi32, #tpu.memory_space<vmem>>[vector<16xi32>, vector<16xi32>], vector<16xi32>,
        %add3A_1804 = arith.constant 300000 : i32
        %add3A_1805 = vector.broadcast %add3A_1804 : i32 to vector<16xi32>
        %add3A_1806 = arith.addi %gather3A_1803, %add3A_1805 : vector<16xi32>
        %swap3A_1807 = arith.constant 3 : i32
        %swap3A_1808 = arith.index_cast %swap3A_1807 : i32 to index
        %swap3A_1809 = arith.constant 48 : index
        %swap3A_1810 = tpu.vector_load %arg7[%swap3A_1808, %swap3A_1809] {strides = array<i32>} : memref<8x128xi32, #tpu.memory_space<vmem>>, vector<16xi32>,
        tpu.vector_store %arg7[%swap3A_1808, %swap3A_1809], %add3A_1806 {strides = array<i32>} : memref<8x128xi32, #tpu.memory_space<vmem>>, vector<16xi32>,
        %add3A_1811 = arith.constant 48 : i32
        %add3A_1812 = vector.broadcast %add3A_1811 : i32 to vector<16xi32>
        %add3A_1813 = arith.addi %iota3A, %add3A_1812 : vector<16xi32>
        %add3A_1814 = arith.constant 200 : i32
        %add3A_1815 = arith.addi %add3A_1814, %add3A_1390 : i32
        %add3A_1816 = vector.broadcast %add3A_1815 : i32 to vector<16xi32>
        %add3A_1817 = arith.addi %mul3A_34, %add3A_1816 : vector<16xi32>
        %gather3A_1818 = tpu.vector_load_idx %arg6[%add3A_1813, %add3A_1817] : memref<128x401xi32, #tpu.memory_space<vmem>>[vector<16xi32>, vector<16xi32>], vector<16xi32>,
        %add3A_1819 = arith.constant 400000 : i32
        %add3A_1820 = vector.broadcast %add3A_1819 : i32 to vector<16xi32>
        %add3A_1821 = arith.addi %gather3A_1818, %add3A_1820 : vector<16xi32>
        %swap3A_1822 = arith.constant 3 : i32
        %swap3A_1823 = arith.index_cast %swap3A_1822 : i32 to index
        %swap3A_1824 = arith.constant 64 : index
        %swap3A_1825 = tpu.vector_load %arg7[%swap3A_1823, %swap3A_1824] {strides = array<i32>} : memref<8x128xi32, #tpu.memory_space<vmem>>, vector<16xi32>,
        tpu.vector_store %arg7[%swap3A_1823, %swap3A_1824], %add3A_1821 {strides = array<i32>} : memref<8x128xi32, #tpu.memory_space<vmem>>, vector<16xi32>,
        %add3A_1826 = arith.constant 48 : i32
        %add3A_1827 = vector.broadcast %add3A_1826 : i32 to vector<16xi32>
        %add3A_1828 = arith.addi %iota3A, %add3A_1827 : vector<16xi32>
        %add3A_1829 = arith.constant 250 : i32
        %add3A_1830 = arith.addi %add3A_1829, %add3A_1390 : i32
        %add3A_1831 = vector.broadcast %add3A_1830 : i32 to vector<16xi32>
        %add3A_1832 = arith.addi %mul3A_34, %add3A_1831 : vector<16xi32>
        %gather3A_1833 = tpu.vector_load_idx %arg6[%add3A_1828, %add3A_1832] : memref<128x401xi32, #tpu.memory_space<vmem>>[vector<16xi32>, vector<16xi32>], vector<16xi32>,
        %add3A_1834 = arith.constant 500000 : i32
        %add3A_1835 = vector.broadcast %add3A_1834 : i32 to vector<16xi32>
        %add3A_1836 = arith.addi %gather3A_1833, %add3A_1835 : vector<16xi32>
        %swap3A_1837 = arith.constant 3 : i32
        %swap3A_1838 = arith.index_cast %swap3A_1837 : i32 to index
        %swap3A_1839 = arith.constant 80 : index
        %swap3A_1840 = tpu.vector_load %arg7[%swap3A_1838, %swap3A_1839] {strides = array<i32>} : memref<8x128xi32, #tpu.memory_space<vmem>>, vector<16xi32>,
        tpu.vector_store %arg7[%swap3A_1838, %swap3A_1839], %add3A_1836 {strides = array<i32>} : memref<8x128xi32, #tpu.memory_space<vmem>>, vector<16xi32>,
        %add3A_1841 = arith.constant 48 : i32
        %add3A_1842 = vector.broadcast %add3A_1841 : i32 to vector<16xi32>
        %add3A_1843 = arith.addi %iota3A, %add3A_1842 : vector<16xi32>
        %add3A_1844 = arith.constant 300 : i32
        %add3A_1845 = arith.addi %add3A_1844, %add3A_1390 : i32
        %add3A_1846 = vector.broadcast %add3A_1845 : i32 to vector<16xi32>
        %add3A_1847 = arith.addi %mul3A_34, %add3A_1846 : vector<16xi32>
        %gather3A_1848 = tpu.vector_load_idx %arg6[%add3A_1843, %add3A_1847] : memref<128x401xi32, #tpu.memory_space<vmem>>[vector<16xi32>, vector<16xi32>], vector<16xi32>,
        %add3A_1849 = arith.constant 600000 : i32
        %add3A_1850 = vector.broadcast %add3A_1849 : i32 to vector<16xi32>
        %add3A_1851 = arith.addi %gather3A_1848, %add3A_1850 : vector<16xi32>
        %swap3A_1852 = arith.constant 3 : i32
        %swap3A_1853 = arith.index_cast %swap3A_1852 : i32 to index
        %swap3A_1854 = arith.constant 96 : index
        %swap3A_1855 = tpu.vector_load %arg7[%swap3A_1853, %swap3A_1854] {strides = array<i32>} : memref<8x128xi32, #tpu.memory_space<vmem>>, vector<16xi32>,
        tpu.vector_store %arg7[%swap3A_1853, %swap3A_1854], %add3A_1851 {strides = array<i32>} : memref<8x128xi32, #tpu.memory_space<vmem>>, vector<16xi32>,
        %add3A_1856 = arith.constant 48 : i32
        %add3A_1857 = vector.broadcast %add3A_1856 : i32 to vector<16xi32>
        %add3A_1858 = arith.addi %iota3A, %add3A_1857 : vector<16xi32>
        %add3A_1859 = arith.constant 350 : i32
        %add3A_1860 = arith.addi %add3A_1859, %add3A_1390 : i32
        %add3A_1861 = vector.broadcast %add3A_1860 : i32 to vector<16xi32>
        %add3A_1862 = arith.addi %mul3A_34, %add3A_1861 : vector<16xi32>
        %gather3A_1863 = tpu.vector_load_idx %arg6[%add3A_1858, %add3A_1862] : memref<128x401xi32, #tpu.memory_space<vmem>>[vector<16xi32>, vector<16xi32>], vector<16xi32>,
        %add3A_1864 = arith.constant 700000 : i32
        %add3A_1865 = vector.broadcast %add3A_1864 : i32 to vector<16xi32>
        %add3A_1866 = arith.addi %gather3A_1863, %add3A_1865 : vector<16xi32>
        %swap3A_1867 = arith.constant 3 : i32
        %swap3A_1868 = arith.index_cast %swap3A_1867 : i32 to index
        %swap3A_1869 = arith.constant 112 : index
        %swap3A_1870 = tpu.vector_load %arg7[%swap3A_1868, %swap3A_1869] {strides = array<i32>} : memref<8x128xi32, #tpu.memory_space<vmem>>, vector<16xi32>,
        tpu.vector_store %arg7[%swap3A_1868, %swap3A_1869], %add3A_1866 {strides = array<i32>} : memref<8x128xi32, #tpu.memory_space<vmem>>, vector<16xi32>,
        %add3A_1871 = arith.constant 64 : i32
        %add3A_1872 = vector.broadcast %add3A_1871 : i32 to vector<16xi32>
        %add3A_1873 = arith.addi %iota3A, %add3A_1872 : vector<16xi32>
        %add3A_1874 = arith.constant 0 : i32
        %add3A_1875 = arith.addi %add3A_1874, %add3A_1390 : i32
        %add3A_1876 = vector.broadcast %add3A_1875 : i32 to vector<16xi32>
        %add3A_1877 = arith.addi %mul3A_34, %add3A_1876 : vector<16xi32>
        %gather3A_1878 = tpu.vector_load_idx %arg6[%add3A_1873, %add3A_1877] : memref<128x401xi32, #tpu.memory_space<vmem>>[vector<16xi32>, vector<16xi32>], vector<16xi32>,
        %add3A_1879 = arith.constant 0 : i32
        %add3A_1880 = vector.broadcast %add3A_1879 : i32 to vector<16xi32>
        %add3A_1881 = arith.addi %gather3A_1878, %add3A_1880 : vector<16xi32>
        %swap3A_1882 = arith.constant 4 : i32
        %swap3A_1883 = arith.index_cast %swap3A_1882 : i32 to index
        %swap3A_1884 = arith.constant 0 : index
        %swap3A_1885 = tpu.vector_load %arg7[%swap3A_1883, %swap3A_1884] {strides = array<i32>} : memref<8x128xi32, #tpu.memory_space<vmem>>, vector<16xi32>,
        tpu.vector_store %arg7[%swap3A_1883, %swap3A_1884], %add3A_1881 {strides = array<i32>} : memref<8x128xi32, #tpu.memory_space<vmem>>, vector<16xi32>,
        %add3A_1886 = arith.constant 64 : i32
        %add3A_1887 = vector.broadcast %add3A_1886 : i32 to vector<16xi32>
        %add3A_1888 = arith.addi %iota3A, %add3A_1887 : vector<16xi32>
        %add3A_1889 = arith.constant 50 : i32
        %add3A_1890 = arith.addi %add3A_1889, %add3A_1390 : i32
        %add3A_1891 = vector.broadcast %add3A_1890 : i32 to vector<16xi32>
        %add3A_1892 = arith.addi %mul3A_34, %add3A_1891 : vector<16xi32>
        %gather3A_1893 = tpu.vector_load_idx %arg6[%add3A_1888, %add3A_1892] : memref<128x401xi32, #tpu.memory_space<vmem>>[vector<16xi32>, vector<16xi32>], vector<16xi32>,
        %add3A_1894 = arith.constant 100000 : i32
        %add3A_1895 = vector.broadcast %add3A_1894 : i32 to vector<16xi32>
        %add3A_1896 = arith.addi %gather3A_1893, %add3A_1895 : vector<16xi32>
        %swap3A_1897 = arith.constant 4 : i32
        %swap3A_1898 = arith.index_cast %swap3A_1897 : i32 to index
        %swap3A_1899 = arith.constant 16 : index
        %swap3A_1900 = tpu.vector_load %arg7[%swap3A_1898, %swap3A_1899] {strides = array<i32>} : memref<8x128xi32, #tpu.memory_space<vmem>>, vector<16xi32>,
        tpu.vector_store %arg7[%swap3A_1898, %swap3A_1899], %add3A_1896 {strides = array<i32>} : memref<8x128xi32, #tpu.memory_space<vmem>>, vector<16xi32>,
        %add3A_1901 = arith.constant 64 : i32
        %add3A_1902 = vector.broadcast %add3A_1901 : i32 to vector<16xi32>
        %add3A_1903 = arith.addi %iota3A, %add3A_1902 : vector<16xi32>
        %add3A_1904 = arith.constant 100 : i32
        %add3A_1905 = arith.addi %add3A_1904, %add3A_1390 : i32
        %add3A_1906 = vector.broadcast %add3A_1905 : i32 to vector<16xi32>
        %add3A_1907 = arith.addi %mul3A_34, %add3A_1906 : vector<16xi32>
        %gather3A_1908 = tpu.vector_load_idx %arg6[%add3A_1903, %add3A_1907] : memref<128x401xi32, #tpu.memory_space<vmem>>[vector<16xi32>, vector<16xi32>], vector<16xi32>,
        %add3A_1909 = arith.constant 200000 : i32
        %add3A_1910 = vector.broadcast %add3A_1909 : i32 to vector<16xi32>
        %add3A_1911 = arith.addi %gather3A_1908, %add3A_1910 : vector<16xi32>
        %swap3A_1912 = arith.constant 4 : i32
        %swap3A_1913 = arith.index_cast %swap3A_1912 : i32 to index
        %swap3A_1914 = arith.constant 32 : index
        %swap3A_1915 = tpu.vector_load %arg7[%swap3A_1913, %swap3A_1914] {strides = array<i32>} : memref<8x128xi32, #tpu.memory_space<vmem>>, vector<16xi32>,
        tpu.vector_store %arg7[%swap3A_1913, %swap3A_1914], %add3A_1911 {strides = array<i32>} : memref<8x128xi32, #tpu.memory_space<vmem>>, vector<16xi32>,
        %add3A_1916 = arith.constant 64 : i32
        %add3A_1917 = vector.broadcast %add3A_1916 : i32 to vector<16xi32>
        %add3A_1918 = arith.addi %iota3A, %add3A_1917 : vector<16xi32>
        %add3A_1919 = arith.constant 150 : i32
        %add3A_1920 = arith.addi %add3A_1919, %add3A_1390 : i32
        %add3A_1921 = vector.broadcast %add3A_1920 : i32 to vector<16xi32>
        %add3A_1922 = arith.addi %mul3A_34, %add3A_1921 : vector<16xi32>
        %gather3A_1923 = tpu.vector_load_idx %arg6[%add3A_1918, %add3A_1922] : memref<128x401xi32, #tpu.memory_space<vmem>>[vector<16xi32>, vector<16xi32>], vector<16xi32>,
        %add3A_1924 = arith.constant 300000 : i32
        %add3A_1925 = vector.broadcast %add3A_1924 : i32 to vector<16xi32>
        %add3A_1926 = arith.addi %gather3A_1923, %add3A_1925 : vector<16xi32>
        %swap3A_1927 = arith.constant 4 : i32
        %swap3A_1928 = arith.index_cast %swap3A_1927 : i32 to index
        %swap3A_1929 = arith.constant 48 : index
        %swap3A_1930 = tpu.vector_load %arg7[%swap3A_1928, %swap3A_1929] {strides = array<i32>} : memref<8x128xi32, #tpu.memory_space<vmem>>, vector<16xi32>,
        tpu.vector_store %arg7[%swap3A_1928, %swap3A_1929], %add3A_1926 {strides = array<i32>} : memref<8x128xi32, #tpu.memory_space<vmem>>, vector<16xi32>,
        %add3A_1931 = arith.constant 64 : i32
        %add3A_1932 = vector.broadcast %add3A_1931 : i32 to vector<16xi32>
        %add3A_1933 = arith.addi %iota3A, %add3A_1932 : vector<16xi32>
        %add3A_1934 = arith.constant 200 : i32
        %add3A_1935 = arith.addi %add3A_1934, %add3A_1390 : i32
        %add3A_1936 = vector.broadcast %add3A_1935 : i32 to vector<16xi32>
        %add3A_1937 = arith.addi %mul3A_34, %add3A_1936 : vector<16xi32>
        %gather3A_1938 = tpu.vector_load_idx %arg6[%add3A_1933, %add3A_1937] : memref<128x401xi32, #tpu.memory_space<vmem>>[vector<16xi32>, vector<16xi32>], vector<16xi32>,
        %add3A_1939 = arith.constant 400000 : i32
        %add3A_1940 = vector.broadcast %add3A_1939 : i32 to vector<16xi32>
        %add3A_1941 = arith.addi %gather3A_1938, %add3A_1940 : vector<16xi32>
        %swap3A_1942 = arith.constant 4 : i32
        %swap3A_1943 = arith.index_cast %swap3A_1942 : i32 to index
        %swap3A_1944 = arith.constant 64 : index
        %swap3A_1945 = tpu.vector_load %arg7[%swap3A_1943, %swap3A_1944] {strides = array<i32>} : memref<8x128xi32, #tpu.memory_space<vmem>>, vector<16xi32>,
        tpu.vector_store %arg7[%swap3A_1943, %swap3A_1944], %add3A_1941 {strides = array<i32>} : memref<8x128xi32, #tpu.memory_space<vmem>>, vector<16xi32>,
        %add3A_1946 = arith.constant 64 : i32
        %add3A_1947 = vector.broadcast %add3A_1946 : i32 to vector<16xi32>
        %add3A_1948 = arith.addi %iota3A, %add3A_1947 : vector<16xi32>
        %add3A_1949 = arith.constant 250 : i32
        %add3A_1950 = arith.addi %add3A_1949, %add3A_1390 : i32
        %add3A_1951 = vector.broadcast %add3A_1950 : i32 to vector<16xi32>
        %add3A_1952 = arith.addi %mul3A_34, %add3A_1951 : vector<16xi32>
        %gather3A_1953 = tpu.vector_load_idx %arg6[%add3A_1948, %add3A_1952] : memref<128x401xi32, #tpu.memory_space<vmem>>[vector<16xi32>, vector<16xi32>], vector<16xi32>,
        %add3A_1954 = arith.constant 500000 : i32
        %add3A_1955 = vector.broadcast %add3A_1954 : i32 to vector<16xi32>
        %add3A_1956 = arith.addi %gather3A_1953, %add3A_1955 : vector<16xi32>
        %swap3A_1957 = arith.constant 4 : i32
        %swap3A_1958 = arith.index_cast %swap3A_1957 : i32 to index
        %swap3A_1959 = arith.constant 80 : index
        %swap3A_1960 = tpu.vector_load %arg7[%swap3A_1958, %swap3A_1959] {strides = array<i32>} : memref<8x128xi32, #tpu.memory_space<vmem>>, vector<16xi32>,
        tpu.vector_store %arg7[%swap3A_1958, %swap3A_1959], %add3A_1956 {strides = array<i32>} : memref<8x128xi32, #tpu.memory_space<vmem>>, vector<16xi32>,
        %add3A_1961 = arith.constant 64 : i32
        %add3A_1962 = vector.broadcast %add3A_1961 : i32 to vector<16xi32>
        %add3A_1963 = arith.addi %iota3A, %add3A_1962 : vector<16xi32>
        %add3A_1964 = arith.constant 300 : i32
        %add3A_1965 = arith.addi %add3A_1964, %add3A_1390 : i32
        %add3A_1966 = vector.broadcast %add3A_1965 : i32 to vector<16xi32>
        %add3A_1967 = arith.addi %mul3A_34, %add3A_1966 : vector<16xi32>
        %gather3A_1968 = tpu.vector_load_idx %arg6[%add3A_1963, %add3A_1967] : memref<128x401xi32, #tpu.memory_space<vmem>>[vector<16xi32>, vector<16xi32>], vector<16xi32>,
        %add3A_1969 = arith.constant 600000 : i32
        %add3A_1970 = vector.broadcast %add3A_1969 : i32 to vector<16xi32>
        %add3A_1971 = arith.addi %gather3A_1968, %add3A_1970 : vector<16xi32>
        %swap3A_1972 = arith.constant 4 : i32
        %swap3A_1973 = arith.index_cast %swap3A_1972 : i32 to index
        %swap3A_1974 = arith.constant 96 : index
        %swap3A_1975 = tpu.vector_load %arg7[%swap3A_1973, %swap3A_1974] {strides = array<i32>} : memref<8x128xi32, #tpu.memory_space<vmem>>, vector<16xi32>,
        tpu.vector_store %arg7[%swap3A_1973, %swap3A_1974], %add3A_1971 {strides = array<i32>} : memref<8x128xi32, #tpu.memory_space<vmem>>, vector<16xi32>,
        %add3A_1976 = arith.constant 64 : i32
        %add3A_1977 = vector.broadcast %add3A_1976 : i32 to vector<16xi32>
        %add3A_1978 = arith.addi %iota3A, %add3A_1977 : vector<16xi32>
        %add3A_1979 = arith.constant 350 : i32
        %add3A_1980 = arith.addi %add3A_1979, %add3A_1390 : i32
        %add3A_1981 = vector.broadcast %add3A_1980 : i32 to vector<16xi32>
        %add3A_1982 = arith.addi %mul3A_34, %add3A_1981 : vector<16xi32>
        %gather3A_1983 = tpu.vector_load_idx %arg6[%add3A_1978, %add3A_1982] : memref<128x401xi32, #tpu.memory_space<vmem>>[vector<16xi32>, vector<16xi32>], vector<16xi32>,
        %add3A_1984 = arith.constant 700000 : i32
        %add3A_1985 = vector.broadcast %add3A_1984 : i32 to vector<16xi32>
        %add3A_1986 = arith.addi %gather3A_1983, %add3A_1985 : vector<16xi32>
        %swap3A_1987 = arith.constant 4 : i32
        %swap3A_1988 = arith.index_cast %swap3A_1987 : i32 to index
        %swap3A_1989 = arith.constant 112 : index
        %swap3A_1990 = tpu.vector_load %arg7[%swap3A_1988, %swap3A_1989] {strides = array<i32>} : memref<8x128xi32, #tpu.memory_space<vmem>>, vector<16xi32>,
        tpu.vector_store %arg7[%swap3A_1988, %swap3A_1989], %add3A_1986 {strides = array<i32>} : memref<8x128xi32, #tpu.memory_space<vmem>>, vector<16xi32>,
        %add3A_1991 = arith.constant 80 : i32
        %add3A_1992 = vector.broadcast %add3A_1991 : i32 to vector<16xi32>
        %add3A_1993 = arith.addi %iota3A, %add3A_1992 : vector<16xi32>
        %add3A_1994 = arith.constant 0 : i32
        %add3A_1995 = arith.addi %add3A_1994, %add3A_1390 : i32
        %add3A_1996 = vector.broadcast %add3A_1995 : i32 to vector<16xi32>
        %add3A_1997 = arith.addi %mul3A_34, %add3A_1996 : vector<16xi32>
        %gather3A_1998 = tpu.vector_load_idx %arg6[%add3A_1993, %add3A_1997] : memref<128x401xi32, #tpu.memory_space<vmem>>[vector<16xi32>, vector<16xi32>], vector<16xi32>,
        %add3A_1999 = arith.constant 0 : i32
        %add3A_2000 = vector.broadcast %add3A_1999 : i32 to vector<16xi32>
        %add3A_2001 = arith.addi %gather3A_1998, %add3A_2000 : vector<16xi32>
        %swap3A_2002 = arith.constant 5 : i32
        %swap3A_2003 = arith.index_cast %swap3A_2002 : i32 to index
        %swap3A_2004 = arith.constant 0 : index
        %swap3A_2005 = tpu.vector_load %arg7[%swap3A_2003, %swap3A_2004] {strides = array<i32>} : memref<8x128xi32, #tpu.memory_space<vmem>>, vector<16xi32>,
        tpu.vector_store %arg7[%swap3A_2003, %swap3A_2004], %add3A_2001 {strides = array<i32>} : memref<8x128xi32, #tpu.memory_space<vmem>>, vector<16xi32>,
        %add3A_2006 = arith.constant 80 : i32
        %add3A_2007 = vector.broadcast %add3A_2006 : i32 to vector<16xi32>
        %add3A_2008 = arith.addi %iota3A, %add3A_2007 : vector<16xi32>
        %add3A_2009 = arith.constant 50 : i32
        %add3A_2010 = arith.addi %add3A_2009, %add3A_1390 : i32
        %add3A_2011 = vector.broadcast %add3A_2010 : i32 to vector<16xi32>
        %add3A_2012 = arith.addi %mul3A_34, %add3A_2011 : vector<16xi32>
        %gather3A_2013 = tpu.vector_load_idx %arg6[%add3A_2008, %add3A_2012] : memref<128x401xi32, #tpu.memory_space<vmem>>[vector<16xi32>, vector<16xi32>], vector<16xi32>,
        %add3A_2014 = arith.constant 100000 : i32
        %add3A_2015 = vector.broadcast %add3A_2014 : i32 to vector<16xi32>
        %add3A_2016 = arith.addi %gather3A_2013, %add3A_2015 : vector<16xi32>
        %swap3A_2017 = arith.constant 5 : i32
        %swap3A_2018 = arith.index_cast %swap3A_2017 : i32 to index
        %swap3A_2019 = arith.constant 16 : index
        %swap3A_2020 = tpu.vector_load %arg7[%swap3A_2018, %swap3A_2019] {strides = array<i32>} : memref<8x128xi32, #tpu.memory_space<vmem>>, vector<16xi32>,
        tpu.vector_store %arg7[%swap3A_2018, %swap3A_2019], %add3A_2016 {strides = array<i32>} : memref<8x128xi32, #tpu.memory_space<vmem>>, vector<16xi32>,
        %add3A_2021 = arith.constant 80 : i32
        %add3A_2022 = vector.broadcast %add3A_2021 : i32 to vector<16xi32>
        %add3A_2023 = arith.addi %iota3A, %add3A_2022 : vector<16xi32>
        %add3A_2024 = arith.constant 100 : i32
        %add3A_2025 = arith.addi %add3A_2024, %add3A_1390 : i32
        %add3A_2026 = vector.broadcast %add3A_2025 : i32 to vector<16xi32>
        %add3A_2027 = arith.addi %mul3A_34, %add3A_2026 : vector<16xi32>
        %gather3A_2028 = tpu.vector_load_idx %arg6[%add3A_2023, %add3A_2027] : memref<128x401xi32, #tpu.memory_space<vmem>>[vector<16xi32>, vector<16xi32>], vector<16xi32>,
        %add3A_2029 = arith.constant 200000 : i32
        %add3A_2030 = vector.broadcast %add3A_2029 : i32 to vector<16xi32>
        %add3A_2031 = arith.addi %gather3A_2028, %add3A_2030 : vector<16xi32>
        %swap3A_2032 = arith.constant 5 : i32
        %swap3A_2033 = arith.index_cast %swap3A_2032 : i32 to index
        %swap3A_2034 = arith.constant 32 : index
        %swap3A_2035 = tpu.vector_load %arg7[%swap3A_2033, %swap3A_2034] {strides = array<i32>} : memref<8x128xi32, #tpu.memory_space<vmem>>, vector<16xi32>,
        tpu.vector_store %arg7[%swap3A_2033, %swap3A_2034], %add3A_2031 {strides = array<i32>} : memref<8x128xi32, #tpu.memory_space<vmem>>, vector<16xi32>,
        %add3A_2036 = arith.constant 80 : i32
        %add3A_2037 = vector.broadcast %add3A_2036 : i32 to vector<16xi32>
        %add3A_2038 = arith.addi %iota3A, %add3A_2037 : vector<16xi32>
        %add3A_2039 = arith.constant 150 : i32
        %add3A_2040 = arith.addi %add3A_2039, %add3A_1390 : i32
        %add3A_2041 = vector.broadcast %add3A_2040 : i32 to vector<16xi32>
        %add3A_2042 = arith.addi %mul3A_34, %add3A_2041 : vector<16xi32>
        %gather3A_2043 = tpu.vector_load_idx %arg6[%add3A_2038, %add3A_2042] : memref<128x401xi32, #tpu.memory_space<vmem>>[vector<16xi32>, vector<16xi32>], vector<16xi32>,
        %add3A_2044 = arith.constant 300000 : i32
        %add3A_2045 = vector.broadcast %add3A_2044 : i32 to vector<16xi32>
        %add3A_2046 = arith.addi %gather3A_2043, %add3A_2045 : vector<16xi32>
        %swap3A_2047 = arith.constant 5 : i32
        %swap3A_2048 = arith.index_cast %swap3A_2047 : i32 to index
        %swap3A_2049 = arith.constant 48 : index
        %swap3A_2050 = tpu.vector_load %arg7[%swap3A_2048, %swap3A_2049] {strides = array<i32>} : memref<8x128xi32, #tpu.memory_space<vmem>>, vector<16xi32>,
        tpu.vector_store %arg7[%swap3A_2048, %swap3A_2049], %add3A_2046 {strides = array<i32>} : memref<8x128xi32, #tpu.memory_space<vmem>>, vector<16xi32>,
        %add3A_2051 = arith.constant 80 : i32
        %add3A_2052 = vector.broadcast %add3A_2051 : i32 to vector<16xi32>
        %add3A_2053 = arith.addi %iota3A, %add3A_2052 : vector<16xi32>
        %add3A_2054 = arith.constant 200 : i32
        %add3A_2055 = arith.addi %add3A_2054, %add3A_1390 : i32
        %add3A_2056 = vector.broadcast %add3A_2055 : i32 to vector<16xi32>
        %add3A_2057 = arith.addi %mul3A_34, %add3A_2056 : vector<16xi32>
        %gather3A_2058 = tpu.vector_load_idx %arg6[%add3A_2053, %add3A_2057] : memref<128x401xi32, #tpu.memory_space<vmem>>[vector<16xi32>, vector<16xi32>], vector<16xi32>,
        %add3A_2059 = arith.constant 400000 : i32
        %add3A_2060 = vector.broadcast %add3A_2059 : i32 to vector<16xi32>
        %add3A_2061 = arith.addi %gather3A_2058, %add3A_2060 : vector<16xi32>
        %swap3A_2062 = arith.constant 5 : i32
        %swap3A_2063 = arith.index_cast %swap3A_2062 : i32 to index
        %swap3A_2064 = arith.constant 64 : index
        %swap3A_2065 = tpu.vector_load %arg7[%swap3A_2063, %swap3A_2064] {strides = array<i32>} : memref<8x128xi32, #tpu.memory_space<vmem>>, vector<16xi32>,
        tpu.vector_store %arg7[%swap3A_2063, %swap3A_2064], %add3A_2061 {strides = array<i32>} : memref<8x128xi32, #tpu.memory_space<vmem>>, vector<16xi32>,
        %add3A_2066 = arith.constant 80 : i32
        %add3A_2067 = vector.broadcast %add3A_2066 : i32 to vector<16xi32>
        %add3A_2068 = arith.addi %iota3A, %add3A_2067 : vector<16xi32>
        %add3A_2069 = arith.constant 250 : i32
        %add3A_2070 = arith.addi %add3A_2069, %add3A_1390 : i32
        %add3A_2071 = vector.broadcast %add3A_2070 : i32 to vector<16xi32>
        %add3A_2072 = arith.addi %mul3A_34, %add3A_2071 : vector<16xi32>
        %gather3A_2073 = tpu.vector_load_idx %arg6[%add3A_2068, %add3A_2072] : memref<128x401xi32, #tpu.memory_space<vmem>>[vector<16xi32>, vector<16xi32>], vector<16xi32>,
        %add3A_2074 = arith.constant 500000 : i32
        %add3A_2075 = vector.broadcast %add3A_2074 : i32 to vector<16xi32>
        %add3A_2076 = arith.addi %gather3A_2073, %add3A_2075 : vector<16xi32>
        %swap3A_2077 = arith.constant 5 : i32
        %swap3A_2078 = arith.index_cast %swap3A_2077 : i32 to index
        %swap3A_2079 = arith.constant 80 : index
        %swap3A_2080 = tpu.vector_load %arg7[%swap3A_2078, %swap3A_2079] {strides = array<i32>} : memref<8x128xi32, #tpu.memory_space<vmem>>, vector<16xi32>,
        tpu.vector_store %arg7[%swap3A_2078, %swap3A_2079], %add3A_2076 {strides = array<i32>} : memref<8x128xi32, #tpu.memory_space<vmem>>, vector<16xi32>,
        %add3A_2081 = arith.constant 80 : i32
        %add3A_2082 = vector.broadcast %add3A_2081 : i32 to vector<16xi32>
        %add3A_2083 = arith.addi %iota3A, %add3A_2082 : vector<16xi32>
        %add3A_2084 = arith.constant 300 : i32
        %add3A_2085 = arith.addi %add3A_2084, %add3A_1390 : i32
        %add3A_2086 = vector.broadcast %add3A_2085 : i32 to vector<16xi32>
        %add3A_2087 = arith.addi %mul3A_34, %add3A_2086 : vector<16xi32>
        %gather3A_2088 = tpu.vector_load_idx %arg6[%add3A_2083, %add3A_2087] : memref<128x401xi32, #tpu.memory_space<vmem>>[vector<16xi32>, vector<16xi32>], vector<16xi32>,
        %add3A_2089 = arith.constant 600000 : i32
        %add3A_2090 = vector.broadcast %add3A_2089 : i32 to vector<16xi32>
        %add3A_2091 = arith.addi %gather3A_2088, %add3A_2090 : vector<16xi32>
        %swap3A_2092 = arith.constant 5 : i32
        %swap3A_2093 = arith.index_cast %swap3A_2092 : i32 to index
        %swap3A_2094 = arith.constant 96 : index
        %swap3A_2095 = tpu.vector_load %arg7[%swap3A_2093, %swap3A_2094] {strides = array<i32>} : memref<8x128xi32, #tpu.memory_space<vmem>>, vector<16xi32>,
        tpu.vector_store %arg7[%swap3A_2093, %swap3A_2094], %add3A_2091 {strides = array<i32>} : memref<8x128xi32, #tpu.memory_space<vmem>>, vector<16xi32>,
        %add3A_2096 = arith.constant 80 : i32
        %add3A_2097 = vector.broadcast %add3A_2096 : i32 to vector<16xi32>
        %add3A_2098 = arith.addi %iota3A, %add3A_2097 : vector<16xi32>
        %add3A_2099 = arith.constant 350 : i32
        %add3A_2100 = arith.addi %add3A_2099, %add3A_1390 : i32
        %add3A_2101 = vector.broadcast %add3A_2100 : i32 to vector<16xi32>
        %add3A_2102 = arith.addi %mul3A_34, %add3A_2101 : vector<16xi32>
        %gather3A_2103 = tpu.vector_load_idx %arg6[%add3A_2098, %add3A_2102] : memref<128x401xi32, #tpu.memory_space<vmem>>[vector<16xi32>, vector<16xi32>], vector<16xi32>,
        %add3A_2104 = arith.constant 700000 : i32
        %add3A_2105 = vector.broadcast %add3A_2104 : i32 to vector<16xi32>
        %add3A_2106 = arith.addi %gather3A_2103, %add3A_2105 : vector<16xi32>
        %swap3A_2107 = arith.constant 5 : i32
        %swap3A_2108 = arith.index_cast %swap3A_2107 : i32 to index
        %swap3A_2109 = arith.constant 112 : index
        %swap3A_2110 = tpu.vector_load %arg7[%swap3A_2108, %swap3A_2109] {strides = array<i32>} : memref<8x128xi32, #tpu.memory_space<vmem>>, vector<16xi32>,
        tpu.vector_store %arg7[%swap3A_2108, %swap3A_2109], %add3A_2106 {strides = array<i32>} : memref<8x128xi32, #tpu.memory_space<vmem>>, vector<16xi32>,
        %add3A_2111 = arith.constant 96 : i32
        %add3A_2112 = vector.broadcast %add3A_2111 : i32 to vector<16xi32>
        %add3A_2113 = arith.addi %iota3A, %add3A_2112 : vector<16xi32>
        %add3A_2114 = arith.constant 0 : i32
        %add3A_2115 = arith.addi %add3A_2114, %add3A_1390 : i32
        %add3A_2116 = vector.broadcast %add3A_2115 : i32 to vector<16xi32>
        %add3A_2117 = arith.addi %mul3A_34, %add3A_2116 : vector<16xi32>
        %gather3A_2118 = tpu.vector_load_idx %arg6[%add3A_2113, %add3A_2117] : memref<128x401xi32, #tpu.memory_space<vmem>>[vector<16xi32>, vector<16xi32>], vector<16xi32>,
        %add3A_2119 = arith.constant 0 : i32
        %add3A_2120 = vector.broadcast %add3A_2119 : i32 to vector<16xi32>
        %add3A_2121 = arith.addi %gather3A_2118, %add3A_2120 : vector<16xi32>
        %swap3A_2122 = arith.constant 6 : i32
        %swap3A_2123 = arith.index_cast %swap3A_2122 : i32 to index
        %swap3A_2124 = arith.constant 0 : index
        %swap3A_2125 = tpu.vector_load %arg7[%swap3A_2123, %swap3A_2124] {strides = array<i32>} : memref<8x128xi32, #tpu.memory_space<vmem>>, vector<16xi32>,
        tpu.vector_store %arg7[%swap3A_2123, %swap3A_2124], %add3A_2121 {strides = array<i32>} : memref<8x128xi32, #tpu.memory_space<vmem>>, vector<16xi32>,
        %add3A_2126 = arith.constant 96 : i32
        %add3A_2127 = vector.broadcast %add3A_2126 : i32 to vector<16xi32>
        %add3A_2128 = arith.addi %iota3A, %add3A_2127 : vector<16xi32>
        %add3A_2129 = arith.constant 50 : i32
        %add3A_2130 = arith.addi %add3A_2129, %add3A_1390 : i32
        %add3A_2131 = vector.broadcast %add3A_2130 : i32 to vector<16xi32>
        %add3A_2132 = arith.addi %mul3A_34, %add3A_2131 : vector<16xi32>
        %gather3A_2133 = tpu.vector_load_idx %arg6[%add3A_2128, %add3A_2132] : memref<128x401xi32, #tpu.memory_space<vmem>>[vector<16xi32>, vector<16xi32>], vector<16xi32>,
        %add3A_2134 = arith.constant 100000 : i32
        %add3A_2135 = vector.broadcast %add3A_2134 : i32 to vector<16xi32>
        %add3A_2136 = arith.addi %gather3A_2133, %add3A_2135 : vector<16xi32>
        %swap3A_2137 = arith.constant 6 : i32
        %swap3A_2138 = arith.index_cast %swap3A_2137 : i32 to index
        %swap3A_2139 = arith.constant 16 : index
        %swap3A_2140 = tpu.vector_load %arg7[%swap3A_2138, %swap3A_2139] {strides = array<i32>} : memref<8x128xi32, #tpu.memory_space<vmem>>, vector<16xi32>,
        tpu.vector_store %arg7[%swap3A_2138, %swap3A_2139], %add3A_2136 {strides = array<i32>} : memref<8x128xi32, #tpu.memory_space<vmem>>, vector<16xi32>,
        %add3A_2141 = arith.constant 96 : i32
        %add3A_2142 = vector.broadcast %add3A_2141 : i32 to vector<16xi32>
        %add3A_2143 = arith.addi %iota3A, %add3A_2142 : vector<16xi32>
        %add3A_2144 = arith.constant 100 : i32
        %add3A_2145 = arith.addi %add3A_2144, %add3A_1390 : i32
        %add3A_2146 = vector.broadcast %add3A_2145 : i32 to vector<16xi32>
        %add3A_2147 = arith.addi %mul3A_34, %add3A_2146 : vector<16xi32>
        %gather3A_2148 = tpu.vector_load_idx %arg6[%add3A_2143, %add3A_2147] : memref<128x401xi32, #tpu.memory_space<vmem>>[vector<16xi32>, vector<16xi32>], vector<16xi32>,
        %add3A_2149 = arith.constant 200000 : i32
        %add3A_2150 = vector.broadcast %add3A_2149 : i32 to vector<16xi32>
        %add3A_2151 = arith.addi %gather3A_2148, %add3A_2150 : vector<16xi32>
        %swap3A_2152 = arith.constant 6 : i32
        %swap3A_2153 = arith.index_cast %swap3A_2152 : i32 to index
        %swap3A_2154 = arith.constant 32 : index
        %swap3A_2155 = tpu.vector_load %arg7[%swap3A_2153, %swap3A_2154] {strides = array<i32>} : memref<8x128xi32, #tpu.memory_space<vmem>>, vector<16xi32>,
        tpu.vector_store %arg7[%swap3A_2153, %swap3A_2154], %add3A_2151 {strides = array<i32>} : memref<8x128xi32, #tpu.memory_space<vmem>>, vector<16xi32>,
        %add3A_2156 = arith.constant 96 : i32
        %add3A_2157 = vector.broadcast %add3A_2156 : i32 to vector<16xi32>
        %add3A_2158 = arith.addi %iota3A, %add3A_2157 : vector<16xi32>
        %add3A_2159 = arith.constant 150 : i32
        %add3A_2160 = arith.addi %add3A_2159, %add3A_1390 : i32
        %add3A_2161 = vector.broadcast %add3A_2160 : i32 to vector<16xi32>
        %add3A_2162 = arith.addi %mul3A_34, %add3A_2161 : vector<16xi32>
        %gather3A_2163 = tpu.vector_load_idx %arg6[%add3A_2158, %add3A_2162] : memref<128x401xi32, #tpu.memory_space<vmem>>[vector<16xi32>, vector<16xi32>], vector<16xi32>,
        %add3A_2164 = arith.constant 300000 : i32
        %add3A_2165 = vector.broadcast %add3A_2164 : i32 to vector<16xi32>
        %add3A_2166 = arith.addi %gather3A_2163, %add3A_2165 : vector<16xi32>
        %swap3A_2167 = arith.constant 6 : i32
        %swap3A_2168 = arith.index_cast %swap3A_2167 : i32 to index
        %swap3A_2169 = arith.constant 48 : index
        %swap3A_2170 = tpu.vector_load %arg7[%swap3A_2168, %swap3A_2169] {strides = array<i32>} : memref<8x128xi32, #tpu.memory_space<vmem>>, vector<16xi32>,
        tpu.vector_store %arg7[%swap3A_2168, %swap3A_2169], %add3A_2166 {strides = array<i32>} : memref<8x128xi32, #tpu.memory_space<vmem>>, vector<16xi32>,
        %add3A_2171 = arith.constant 96 : i32
        %add3A_2172 = vector.broadcast %add3A_2171 : i32 to vector<16xi32>
        %add3A_2173 = arith.addi %iota3A, %add3A_2172 : vector<16xi32>
        %add3A_2174 = arith.constant 200 : i32
        %add3A_2175 = arith.addi %add3A_2174, %add3A_1390 : i32
        %add3A_2176 = vector.broadcast %add3A_2175 : i32 to vector<16xi32>
        %add3A_2177 = arith.addi %mul3A_34, %add3A_2176 : vector<16xi32>
        %gather3A_2178 = tpu.vector_load_idx %arg6[%add3A_2173, %add3A_2177] : memref<128x401xi32, #tpu.memory_space<vmem>>[vector<16xi32>, vector<16xi32>], vector<16xi32>,
        %add3A_2179 = arith.constant 400000 : i32
        %add3A_2180 = vector.broadcast %add3A_2179 : i32 to vector<16xi32>
        %add3A_2181 = arith.addi %gather3A_2178, %add3A_2180 : vector<16xi32>
        %swap3A_2182 = arith.constant 6 : i32
        %swap3A_2183 = arith.index_cast %swap3A_2182 : i32 to index
        %swap3A_2184 = arith.constant 64 : index
        %swap3A_2185 = tpu.vector_load %arg7[%swap3A_2183, %swap3A_2184] {strides = array<i32>} : memref<8x128xi32, #tpu.memory_space<vmem>>, vector<16xi32>,
        tpu.vector_store %arg7[%swap3A_2183, %swap3A_2184], %add3A_2181 {strides = array<i32>} : memref<8x128xi32, #tpu.memory_space<vmem>>, vector<16xi32>,
        %add3A_2186 = arith.constant 96 : i32
        %add3A_2187 = vector.broadcast %add3A_2186 : i32 to vector<16xi32>
        %add3A_2188 = arith.addi %iota3A, %add3A_2187 : vector<16xi32>
        %add3A_2189 = arith.constant 250 : i32
        %add3A_2190 = arith.addi %add3A_2189, %add3A_1390 : i32
        %add3A_2191 = vector.broadcast %add3A_2190 : i32 to vector<16xi32>
        %add3A_2192 = arith.addi %mul3A_34, %add3A_2191 : vector<16xi32>
        %gather3A_2193 = tpu.vector_load_idx %arg6[%add3A_2188, %add3A_2192] : memref<128x401xi32, #tpu.memory_space<vmem>>[vector<16xi32>, vector<16xi32>], vector<16xi32>,
        %add3A_2194 = arith.constant 500000 : i32
        %add3A_2195 = vector.broadcast %add3A_2194 : i32 to vector<16xi32>
        %add3A_2196 = arith.addi %gather3A_2193, %add3A_2195 : vector<16xi32>
        %swap3A_2197 = arith.constant 6 : i32
        %swap3A_2198 = arith.index_cast %swap3A_2197 : i32 to index
        %swap3A_2199 = arith.constant 80 : index
        %swap3A_2200 = tpu.vector_load %arg7[%swap3A_2198, %swap3A_2199] {strides = array<i32>} : memref<8x128xi32, #tpu.memory_space<vmem>>, vector<16xi32>,
        tpu.vector_store %arg7[%swap3A_2198, %swap3A_2199], %add3A_2196 {strides = array<i32>} : memref<8x128xi32, #tpu.memory_space<vmem>>, vector<16xi32>,
        %add3A_2201 = arith.constant 96 : i32
        %add3A_2202 = vector.broadcast %add3A_2201 : i32 to vector<16xi32>
        %add3A_2203 = arith.addi %iota3A, %add3A_2202 : vector<16xi32>
        %add3A_2204 = arith.constant 300 : i32
        %add3A_2205 = arith.addi %add3A_2204, %add3A_1390 : i32
        %add3A_2206 = vector.broadcast %add3A_2205 : i32 to vector<16xi32>
        %add3A_2207 = arith.addi %mul3A_34, %add3A_2206 : vector<16xi32>
        %gather3A_2208 = tpu.vector_load_idx %arg6[%add3A_2203, %add3A_2207] : memref<128x401xi32, #tpu.memory_space<vmem>>[vector<16xi32>, vector<16xi32>], vector<16xi32>,
        %add3A_2209 = arith.constant 600000 : i32
        %add3A_2210 = vector.broadcast %add3A_2209 : i32 to vector<16xi32>
        %add3A_2211 = arith.addi %gather3A_2208, %add3A_2210 : vector<16xi32>
        %swap3A_2212 = arith.constant 6 : i32
        %swap3A_2213 = arith.index_cast %swap3A_2212 : i32 to index
        %swap3A_2214 = arith.constant 96 : index
        %swap3A_2215 = tpu.vector_load %arg7[%swap3A_2213, %swap3A_2214] {strides = array<i32>} : memref<8x128xi32, #tpu.memory_space<vmem>>, vector<16xi32>,
        tpu.vector_store %arg7[%swap3A_2213, %swap3A_2214], %add3A_2211 {strides = array<i32>} : memref<8x128xi32, #tpu.memory_space<vmem>>, vector<16xi32>,
        %add3A_2216 = arith.constant 96 : i32
        %add3A_2217 = vector.broadcast %add3A_2216 : i32 to vector<16xi32>
        %add3A_2218 = arith.addi %iota3A, %add3A_2217 : vector<16xi32>
        %add3A_2219 = arith.constant 350 : i32
        %add3A_2220 = arith.addi %add3A_2219, %add3A_1390 : i32
        %add3A_2221 = vector.broadcast %add3A_2220 : i32 to vector<16xi32>
        %add3A_2222 = arith.addi %mul3A_34, %add3A_2221 : vector<16xi32>
        %gather3A_2223 = tpu.vector_load_idx %arg6[%add3A_2218, %add3A_2222] : memref<128x401xi32, #tpu.memory_space<vmem>>[vector<16xi32>, vector<16xi32>], vector<16xi32>,
        %add3A_2224 = arith.constant 700000 : i32
        %add3A_2225 = vector.broadcast %add3A_2224 : i32 to vector<16xi32>
        %add3A_2226 = arith.addi %gather3A_2223, %add3A_2225 : vector<16xi32>
        %swap3A_2227 = arith.constant 6 : i32
        %swap3A_2228 = arith.index_cast %swap3A_2227 : i32 to index
        %swap3A_2229 = arith.constant 112 : index
        %swap3A_2230 = tpu.vector_load %arg7[%swap3A_2228, %swap3A_2229] {strides = array<i32>} : memref<8x128xi32, #tpu.memory_space<vmem>>, vector<16xi32>,
        tpu.vector_store %arg7[%swap3A_2228, %swap3A_2229], %add3A_2226 {strides = array<i32>} : memref<8x128xi32, #tpu.memory_space<vmem>>, vector<16xi32>,
        %add3A_2231 = arith.constant 112 : i32
        %add3A_2232 = vector.broadcast %add3A_2231 : i32 to vector<16xi32>
        %add3A_2233 = arith.addi %iota3A, %add3A_2232 : vector<16xi32>
        %add3A_2234 = arith.constant 0 : i32
        %add3A_2235 = arith.addi %add3A_2234, %add3A_1390 : i32
        %add3A_2236 = vector.broadcast %add3A_2235 : i32 to vector<16xi32>
        %add3A_2237 = arith.addi %mul3A_34, %add3A_2236 : vector<16xi32>
        %gather3A_2238 = tpu.vector_load_idx %arg6[%add3A_2233, %add3A_2237] : memref<128x401xi32, #tpu.memory_space<vmem>>[vector<16xi32>, vector<16xi32>], vector<16xi32>,
        %add3A_2239 = arith.constant 0 : i32
        %add3A_2240 = vector.broadcast %add3A_2239 : i32 to vector<16xi32>
        %add3A_2241 = arith.addi %gather3A_2238, %add3A_2240 : vector<16xi32>
        %swap3A_2242 = arith.constant 7 : i32
        %swap3A_2243 = arith.index_cast %swap3A_2242 : i32 to index
        %swap3A_2244 = arith.constant 0 : index
        %swap3A_2245 = tpu.vector_load %arg7[%swap3A_2243, %swap3A_2244] {strides = array<i32>} : memref<8x128xi32, #tpu.memory_space<vmem>>, vector<16xi32>,
        tpu.vector_store %arg7[%swap3A_2243, %swap3A_2244], %add3A_2241 {strides = array<i32>} : memref<8x128xi32, #tpu.memory_space<vmem>>, vector<16xi32>,
        %add3A_2246 = arith.constant 112 : i32
        %add3A_2247 = vector.broadcast %add3A_2246 : i32 to vector<16xi32>
        %add3A_2248 = arith.addi %iota3A, %add3A_2247 : vector<16xi32>
        %add3A_2249 = arith.constant 50 : i32
        %add3A_2250 = arith.addi %add3A_2249, %add3A_1390 : i32
        %add3A_2251 = vector.broadcast %add3A_2250 : i32 to vector<16xi32>
        %add3A_2252 = arith.addi %mul3A_34, %add3A_2251 : vector<16xi32>
        %gather3A_2253 = tpu.vector_load_idx %arg6[%add3A_2248, %add3A_2252] : memref<128x401xi32, #tpu.memory_space<vmem>>[vector<16xi32>, vector<16xi32>], vector<16xi32>,
        %add3A_2254 = arith.constant 100000 : i32
        %add3A_2255 = vector.broadcast %add3A_2254 : i32 to vector<16xi32>
        %add3A_2256 = arith.addi %gather3A_2253, %add3A_2255 : vector<16xi32>
        %swap3A_2257 = arith.constant 7 : i32
        %swap3A_2258 = arith.index_cast %swap3A_2257 : i32 to index
        %swap3A_2259 = arith.constant 16 : index
        %swap3A_2260 = tpu.vector_load %arg7[%swap3A_2258, %swap3A_2259] {strides = array<i32>} : memref<8x128xi32, #tpu.memory_space<vmem>>, vector<16xi32>,
        tpu.vector_store %arg7[%swap3A_2258, %swap3A_2259], %add3A_2256 {strides = array<i32>} : memref<8x128xi32, #tpu.memory_space<vmem>>, vector<16xi32>,
        %add3A_2261 = arith.constant 112 : i32
        %add3A_2262 = vector.broadcast %add3A_2261 : i32 to vector<16xi32>
        %add3A_2263 = arith.addi %iota3A, %add3A_2262 : vector<16xi32>
        %add3A_2264 = arith.constant 100 : i32
        %add3A_2265 = arith.addi %add3A_2264, %add3A_1390 : i32
        %add3A_2266 = vector.broadcast %add3A_2265 : i32 to vector<16xi32>
        %add3A_2267 = arith.addi %mul3A_34, %add3A_2266 : vector<16xi32>
        %gather3A_2268 = tpu.vector_load_idx %arg6[%add3A_2263, %add3A_2267] : memref<128x401xi32, #tpu.memory_space<vmem>>[vector<16xi32>, vector<16xi32>], vector<16xi32>,
        %add3A_2269 = arith.constant 200000 : i32
        %add3A_2270 = vector.broadcast %add3A_2269 : i32 to vector<16xi32>
        %add3A_2271 = arith.addi %gather3A_2268, %add3A_2270 : vector<16xi32>
        %swap3A_2272 = arith.constant 7 : i32
        %swap3A_2273 = arith.index_cast %swap3A_2272 : i32 to index
        %swap3A_2274 = arith.constant 32 : index
        %swap3A_2275 = tpu.vector_load %arg7[%swap3A_2273, %swap3A_2274] {strides = array<i32>} : memref<8x128xi32, #tpu.memory_space<vmem>>, vector<16xi32>,
        tpu.vector_store %arg7[%swap3A_2273, %swap3A_2274], %add3A_2271 {strides = array<i32>} : memref<8x128xi32, #tpu.memory_space<vmem>>, vector<16xi32>,
        %add3A_2276 = arith.constant 112 : i32
        %add3A_2277 = vector.broadcast %add3A_2276 : i32 to vector<16xi32>
        %add3A_2278 = arith.addi %iota3A, %add3A_2277 : vector<16xi32>
        %add3A_2279 = arith.constant 150 : i32
        %add3A_2280 = arith.addi %add3A_2279, %add3A_1390 : i32
        %add3A_2281 = vector.broadcast %add3A_2280 : i32 to vector<16xi32>
        %add3A_2282 = arith.addi %mul3A_34, %add3A_2281 : vector<16xi32>
        %gather3A_2283 = tpu.vector_load_idx %arg6[%add3A_2278, %add3A_2282] : memref<128x401xi32, #tpu.memory_space<vmem>>[vector<16xi32>, vector<16xi32>], vector<16xi32>,
        %add3A_2284 = arith.constant 300000 : i32
        %add3A_2285 = vector.broadcast %add3A_2284 : i32 to vector<16xi32>
        %add3A_2286 = arith.addi %gather3A_2283, %add3A_2285 : vector<16xi32>
        %swap3A_2287 = arith.constant 7 : i32
        %swap3A_2288 = arith.index_cast %swap3A_2287 : i32 to index
        %swap3A_2289 = arith.constant 48 : index
        %swap3A_2290 = tpu.vector_load %arg7[%swap3A_2288, %swap3A_2289] {strides = array<i32>} : memref<8x128xi32, #tpu.memory_space<vmem>>, vector<16xi32>,
        tpu.vector_store %arg7[%swap3A_2288, %swap3A_2289], %add3A_2286 {strides = array<i32>} : memref<8x128xi32, #tpu.memory_space<vmem>>, vector<16xi32>,
        %add3A_2291 = arith.constant 112 : i32
        %add3A_2292 = vector.broadcast %add3A_2291 : i32 to vector<16xi32>
        %add3A_2293 = arith.addi %iota3A, %add3A_2292 : vector<16xi32>
        %add3A_2294 = arith.constant 200 : i32
        %add3A_2295 = arith.addi %add3A_2294, %add3A_1390 : i32
        %add3A_2296 = vector.broadcast %add3A_2295 : i32 to vector<16xi32>
        %add3A_2297 = arith.addi %mul3A_34, %add3A_2296 : vector<16xi32>
        %gather3A_2298 = tpu.vector_load_idx %arg6[%add3A_2293, %add3A_2297] : memref<128x401xi32, #tpu.memory_space<vmem>>[vector<16xi32>, vector<16xi32>], vector<16xi32>,
        %add3A_2299 = arith.constant 400000 : i32
        %add3A_2300 = vector.broadcast %add3A_2299 : i32 to vector<16xi32>
        %add3A_2301 = arith.addi %gather3A_2298, %add3A_2300 : vector<16xi32>
        %swap3A_2302 = arith.constant 7 : i32
        %swap3A_2303 = arith.index_cast %swap3A_2302 : i32 to index
        %swap3A_2304 = arith.constant 64 : index
        %swap3A_2305 = tpu.vector_load %arg7[%swap3A_2303, %swap3A_2304] {strides = array<i32>} : memref<8x128xi32, #tpu.memory_space<vmem>>, vector<16xi32>,
        tpu.vector_store %arg7[%swap3A_2303, %swap3A_2304], %add3A_2301 {strides = array<i32>} : memref<8x128xi32, #tpu.memory_space<vmem>>, vector<16xi32>,
        %add3A_2306 = arith.constant 112 : i32
        %add3A_2307 = vector.broadcast %add3A_2306 : i32 to vector<16xi32>
        %add3A_2308 = arith.addi %iota3A, %add3A_2307 : vector<16xi32>
        %add3A_2309 = arith.constant 250 : i32
        %add3A_2310 = arith.addi %add3A_2309, %add3A_1390 : i32
        %add3A_2311 = vector.broadcast %add3A_2310 : i32 to vector<16xi32>
        %add3A_2312 = arith.addi %mul3A_34, %add3A_2311 : vector<16xi32>
        %gather3A_2313 = tpu.vector_load_idx %arg6[%add3A_2308, %add3A_2312] : memref<128x401xi32, #tpu.memory_space<vmem>>[vector<16xi32>, vector<16xi32>], vector<16xi32>,
        %add3A_2314 = arith.constant 500000 : i32
        %add3A_2315 = vector.broadcast %add3A_2314 : i32 to vector<16xi32>
        %add3A_2316 = arith.addi %gather3A_2313, %add3A_2315 : vector<16xi32>
        %swap3A_2317 = arith.constant 7 : i32
        %swap3A_2318 = arith.index_cast %swap3A_2317 : i32 to index
        %swap3A_2319 = arith.constant 80 : index
        %swap3A_2320 = tpu.vector_load %arg7[%swap3A_2318, %swap3A_2319] {strides = array<i32>} : memref<8x128xi32, #tpu.memory_space<vmem>>, vector<16xi32>,
        tpu.vector_store %arg7[%swap3A_2318, %swap3A_2319], %add3A_2316 {strides = array<i32>} : memref<8x128xi32, #tpu.memory_space<vmem>>, vector<16xi32>,
        %add3A_2321 = arith.constant 112 : i32
        %add3A_2322 = vector.broadcast %add3A_2321 : i32 to vector<16xi32>
        %add3A_2323 = arith.addi %iota3A, %add3A_2322 : vector<16xi32>
        %add3A_2324 = arith.constant 300 : i32
        %add3A_2325 = arith.addi %add3A_2324, %add3A_1390 : i32
        %add3A_2326 = vector.broadcast %add3A_2325 : i32 to vector<16xi32>
        %add3A_2327 = arith.addi %mul3A_34, %add3A_2326 : vector<16xi32>
        %gather3A_2328 = tpu.vector_load_idx %arg6[%add3A_2323, %add3A_2327] : memref<128x401xi32, #tpu.memory_space<vmem>>[vector<16xi32>, vector<16xi32>], vector<16xi32>,
        %add3A_2329 = arith.constant 600000 : i32
        %add3A_2330 = vector.broadcast %add3A_2329 : i32 to vector<16xi32>
        %add3A_2331 = arith.addi %gather3A_2328, %add3A_2330 : vector<16xi32>
        %swap3A_2332 = arith.constant 7 : i32
        %swap3A_2333 = arith.index_cast %swap3A_2332 : i32 to index
        %swap3A_2334 = arith.constant 96 : index
        %swap3A_2335 = tpu.vector_load %arg7[%swap3A_2333, %swap3A_2334] {strides = array<i32>} : memref<8x128xi32, #tpu.memory_space<vmem>>, vector<16xi32>,
        tpu.vector_store %arg7[%swap3A_2333, %swap3A_2334], %add3A_2331 {strides = array<i32>} : memref<8x128xi32, #tpu.memory_space<vmem>>, vector<16xi32>,
        %add3A_2336 = arith.constant 112 : i32
        %add3A_2337 = vector.broadcast %add3A_2336 : i32 to vector<16xi32>
        %add3A_2338 = arith.addi %iota3A, %add3A_2337 : vector<16xi32>
        %add3A_2339 = arith.constant 350 : i32
        %add3A_2340 = arith.addi %add3A_2339, %add3A_1390 : i32
        %add3A_2341 = vector.broadcast %add3A_2340 : i32 to vector<16xi32>
        %add3A_2342 = arith.addi %mul3A_34, %add3A_2341 : vector<16xi32>
        %gather3A_2343 = tpu.vector_load_idx %arg6[%add3A_2338, %add3A_2342] : memref<128x401xi32, #tpu.memory_space<vmem>>[vector<16xi32>, vector<16xi32>], vector<16xi32>,
        %add3A_2344 = arith.constant 700000 : i32
        %add3A_2345 = vector.broadcast %add3A_2344 : i32 to vector<16xi32>
        %add3A_2346 = arith.addi %gather3A_2343, %add3A_2345 : vector<16xi32>
        %swap3A_2347 = arith.constant 7 : i32
        %swap3A_2348 = arith.index_cast %swap3A_2347 : i32 to index
        %swap3A_2349 = arith.constant 112 : index
        %swap3A_2350 = tpu.vector_load %arg7[%swap3A_2348, %swap3A_2349] {strides = array<i32>} : memref<8x128xi32, #tpu.memory_space<vmem>>, vector<16xi32>,
        tpu.vector_store %arg7[%swap3A_2348, %swap3A_2349], %add3A_2346 {strides = array<i32>} : memref<8x128xi32, #tpu.memory_space<vmem>>, vector<16xi32>,
        %dma_start3A_2351 = arith.constant 0 : i32
        %dma_start3A_2352 = arith.constant 0 : i32
        %dma_start3A_2353 = arith.constant 0 : i32
        %dma_start3A_2354 = tpu.memref_slice %arg9[%dma_start3A_2352, %dma_start3A_2353] : memref<1024x32xf32, #tpu.memory_space<vmem>> -> memref<128x32xf32, #tpu.memory_space<vmem>>
        %dma_start3A_2355 = arith.constant 0 : i32
        %dma_start3A_2356 = tpu.memref_slice %arg7[%dma_start3A_2351, %dma_start3A_2355] : memref<8x128xi32, #tpu.memory_space<vmem>> -> memref<1x128xi32, #tpu.memory_space<vmem>>
        %dma_start3A_2357 = tpu.memref_squeeze %dma_start3A_2356 : memref<1x128xi32, #tpu.memory_space<vmem>> -> memref<128xi32, #tpu.memory_space<vmem>>
        %dma_start3A_2358 = arith.constant 0 : i32
        %dma_start3A_2359 = arith.constant 0 : i32
        %dma_start3A_2360 = tpu.memref_slice %arg3[%dma_start3A_2358, %dma_start3A_2359] : memref<800000x32xf32, #tpu.memory_space<hbm>> -> memref<800000x32xf32, #tpu.memory_space<hbm>>
        tpu.enqueue_indirect_dma source(%dma_start3A_2360 : memref<800000x32xf32, #tpu.memory_space<hbm>>) target(%dma_start3A_2354 : memref<128x32xf32, #tpu.memory_space<vmem>>) offsets(%dma_start3A_2357 : memref<128xi32, #tpu.memory_space<vmem>>) semaphore(%arg15 : memref<!tpu.dma_semaphore, #tpu.memory_space<semaphore_mem>>)
        %dma_start3A_2361 = arith.constant 1 : i32
        %dma_start3A_2362 = arith.constant 128 : i32
        %dma_start3A_2363 = arith.constant 0 : i32
        %dma_start3A_2364 = tpu.memref_slice %arg9[%dma_start3A_2362, %dma_start3A_2363] : memref<1024x32xf32, #tpu.memory_space<vmem>> -> memref<128x32xf32, #tpu.memory_space<vmem>>
        %dma_start3A_2365 = arith.constant 0 : i32
        %dma_start3A_2366 = tpu.memref_slice %arg7[%dma_start3A_2361, %dma_start3A_2365] : memref<8x128xi32, #tpu.memory_space<vmem>> -> memref<1x128xi32, #tpu.memory_space<vmem>>
        %dma_start3A_2367 = tpu.memref_squeeze %dma_start3A_2366 : memref<1x128xi32, #tpu.memory_space<vmem>> -> memref<128xi32, #tpu.memory_space<vmem>>
        %dma_start3A_2368 = arith.constant 0 : i32
        %dma_start3A_2369 = arith.constant 0 : i32
        %dma_start3A_2370 = tpu.memref_slice %arg3[%dma_start3A_2368, %dma_start3A_2369] : memref<800000x32xf32, #tpu.memory_space<hbm>> -> memref<800000x32xf32, #tpu.memory_space<hbm>>
        tpu.enqueue_indirect_dma source(%dma_start3A_2370 : memref<800000x32xf32, #tpu.memory_space<hbm>>) target(%dma_start3A_2364 : memref<128x32xf32, #tpu.memory_space<vmem>>) offsets(%dma_start3A_2367 : memref<128xi32, #tpu.memory_space<vmem>>) semaphore(%arg15 : memref<!tpu.dma_semaphore, #tpu.memory_space<semaphore_mem>>)
        %dma_start3A_2371 = arith.constant 2 : i32
        %dma_start3A_2372 = arith.constant 256 : i32
        %dma_start3A_2373 = arith.constant 0 : i32
        %dma_start3A_2374 = tpu.memref_slice %arg9[%dma_start3A_2372, %dma_start3A_2373] : memref<1024x32xf32, #tpu.memory_space<vmem>> -> memref<128x32xf32, #tpu.memory_space<vmem>>
        %dma_start3A_2375 = arith.constant 0 : i32
        %dma_start3A_2376 = tpu.memref_slice %arg7[%dma_start3A_2371, %dma_start3A_2375] : memref<8x128xi32, #tpu.memory_space<vmem>> -> memref<1x128xi32, #tpu.memory_space<vmem>>
        %dma_start3A_2377 = tpu.memref_squeeze %dma_start3A_2376 : memref<1x128xi32, #tpu.memory_space<vmem>> -> memref<128xi32, #tpu.memory_space<vmem>>
        %dma_start3A_2378 = arith.constant 0 : i32
        %dma_start3A_2379 = arith.constant 0 : i32
        %dma_start3A_2380 = tpu.memref_slice %arg3[%dma_start3A_2378, %dma_start3A_2379] : memref<800000x32xf32, #tpu.memory_space<hbm>> -> memref<800000x32xf32, #tpu.memory_space<hbm>>
        tpu.enqueue_indirect_dma source(%dma_start3A_2380 : memref<800000x32xf32, #tpu.memory_space<hbm>>) target(%dma_start3A_2374 : memref<128x32xf32, #tpu.memory_space<vmem>>) offsets(%dma_start3A_2377 : memref<128xi32, #tpu.memory_space<vmem>>) semaphore(%arg15 : memref<!tpu.dma_semaphore, #tpu.memory_space<semaphore_mem>>)
        %dma_start3A_2381 = arith.constant 3 : i32
        %dma_start3A_2382 = arith.constant 384 : i32
        %dma_start3A_2383 = arith.constant 0 : i32
        %dma_start3A_2384 = tpu.memref_slice %arg9[%dma_start3A_2382, %dma_start3A_2383] : memref<1024x32xf32, #tpu.memory_space<vmem>> -> memref<128x32xf32, #tpu.memory_space<vmem>>
        %dma_start3A_2385 = arith.constant 0 : i32
        %dma_start3A_2386 = tpu.memref_slice %arg7[%dma_start3A_2381, %dma_start3A_2385] : memref<8x128xi32, #tpu.memory_space<vmem>> -> memref<1x128xi32, #tpu.memory_space<vmem>>
        %dma_start3A_2387 = tpu.memref_squeeze %dma_start3A_2386 : memref<1x128xi32, #tpu.memory_space<vmem>> -> memref<128xi32, #tpu.memory_space<vmem>>
        %dma_start3A_2388 = arith.constant 0 : i32
        %dma_start3A_2389 = arith.constant 0 : i32
        %dma_start3A_2390 = tpu.memref_slice %arg3[%dma_start3A_2388, %dma_start3A_2389] : memref<800000x32xf32, #tpu.memory_space<hbm>> -> memref<800000x32xf32, #tpu.memory_space<hbm>>
        tpu.enqueue_indirect_dma source(%dma_start3A_2390 : memref<800000x32xf32, #tpu.memory_space<hbm>>) target(%dma_start3A_2384 : memref<128x32xf32, #tpu.memory_space<vmem>>) offsets(%dma_start3A_2387 : memref<128xi32, #tpu.memory_space<vmem>>) semaphore(%arg15 : memref<!tpu.dma_semaphore, #tpu.memory_space<semaphore_mem>>)
        %dma_start3A_2391 = arith.constant 4 : i32
        %dma_start3A_2392 = arith.constant 512 : i32
        %dma_start3A_2393 = arith.constant 0 : i32
        %dma_start3A_2394 = tpu.memref_slice %arg9[%dma_start3A_2392, %dma_start3A_2393] : memref<1024x32xf32, #tpu.memory_space<vmem>> -> memref<128x32xf32, #tpu.memory_space<vmem>>
        %dma_start3A_2395 = arith.constant 0 : i32
        %dma_start3A_2396 = tpu.memref_slice %arg7[%dma_start3A_2391, %dma_start3A_2395] : memref<8x128xi32, #tpu.memory_space<vmem>> -> memref<1x128xi32, #tpu.memory_space<vmem>>
        %dma_start3A_2397 = tpu.memref_squeeze %dma_start3A_2396 : memref<1x128xi32, #tpu.memory_space<vmem>> -> memref<128xi32, #tpu.memory_space<vmem>>
        %dma_start3A_2398 = arith.constant 0 : i32
        %dma_start3A_2399 = arith.constant 0 : i32
        %dma_start3A_2400 = tpu.memref_slice %arg3[%dma_start3A_2398, %dma_start3A_2399] : memref<800000x32xf32, #tpu.memory_space<hbm>> -> memref<800000x32xf32, #tpu.memory_space<hbm>>
        tpu.enqueue_indirect_dma source(%dma_start3A_2400 : memref<800000x32xf32, #tpu.memory_space<hbm>>) target(%dma_start3A_2394 : memref<128x32xf32, #tpu.memory_space<vmem>>) offsets(%dma_start3A_2397 : memref<128xi32, #tpu.memory_space<vmem>>) semaphore(%arg15 : memref<!tpu.dma_semaphore, #tpu.memory_space<semaphore_mem>>)
        %dma_start3A_2401 = arith.constant 5 : i32
        %dma_start3A_2402 = arith.constant 640 : i32
        %dma_start3A_2403 = arith.constant 0 : i32
        %dma_start3A_2404 = tpu.memref_slice %arg9[%dma_start3A_2402, %dma_start3A_2403] : memref<1024x32xf32, #tpu.memory_space<vmem>> -> memref<128x32xf32, #tpu.memory_space<vmem>>
        %dma_start3A_2405 = arith.constant 0 : i32
        %dma_start3A_2406 = tpu.memref_slice %arg7[%dma_start3A_2401, %dma_start3A_2405] : memref<8x128xi32, #tpu.memory_space<vmem>> -> memref<1x128xi32, #tpu.memory_space<vmem>>
        %dma_start3A_2407 = tpu.memref_squeeze %dma_start3A_2406 : memref<1x128xi32, #tpu.memory_space<vmem>> -> memref<128xi32, #tpu.memory_space<vmem>>
        %dma_start3A_2408 = arith.constant 0 : i32
        %dma_start3A_2409 = arith.constant 0 : i32
        %dma_start3A_2410 = tpu.memref_slice %arg3[%dma_start3A_2408, %dma_start3A_2409] : memref<800000x32xf32, #tpu.memory_space<hbm>> -> memref<800000x32xf32, #tpu.memory_space<hbm>>
        tpu.enqueue_indirect_dma source(%dma_start3A_2410 : memref<800000x32xf32, #tpu.memory_space<hbm>>) target(%dma_start3A_2404 : memref<128x32xf32, #tpu.memory_space<vmem>>) offsets(%dma_start3A_2407 : memref<128xi32, #tpu.memory_space<vmem>>) semaphore(%arg15 : memref<!tpu.dma_semaphore, #tpu.memory_space<semaphore_mem>>)
        %dma_start3A_2411 = arith.constant 6 : i32
        %dma_start3A_2412 = arith.constant 768 : i32
        %dma_start3A_2413 = arith.constant 0 : i32
        %dma_start3A_2414 = tpu.memref_slice %arg9[%dma_start3A_2412, %dma_start3A_2413] : memref<1024x32xf32, #tpu.memory_space<vmem>> -> memref<128x32xf32, #tpu.memory_space<vmem>>
        %dma_start3A_2415 = arith.constant 0 : i32
        %dma_start3A_2416 = tpu.memref_slice %arg7[%dma_start3A_2411, %dma_start3A_2415] : memref<8x128xi32, #tpu.memory_space<vmem>> -> memref<1x128xi32, #tpu.memory_space<vmem>>
        %dma_start3A_2417 = tpu.memref_squeeze %dma_start3A_2416 : memref<1x128xi32, #tpu.memory_space<vmem>> -> memref<128xi32, #tpu.memory_space<vmem>>
        %dma_start3A_2418 = arith.constant 0 : i32
        %dma_start3A_2419 = arith.constant 0 : i32
        %dma_start3A_2420 = tpu.memref_slice %arg3[%dma_start3A_2418, %dma_start3A_2419] : memref<800000x32xf32, #tpu.memory_space<hbm>> -> memref<800000x32xf32, #tpu.memory_space<hbm>>
        tpu.enqueue_indirect_dma source(%dma_start3A_2420 : memref<800000x32xf32, #tpu.memory_space<hbm>>) target(%dma_start3A_2414 : memref<128x32xf32, #tpu.memory_space<vmem>>) offsets(%dma_start3A_2417 : memref<128xi32, #tpu.memory_space<vmem>>) semaphore(%arg15 : memref<!tpu.dma_semaphore, #tpu.memory_space<semaphore_mem>>)
        %dma_start3A_2421 = arith.constant 7 : i32
        %dma_start3A_2422 = arith.constant 896 : i32
        %dma_start3A_2423 = arith.constant 0 : i32
        %dma_start3A_2424 = tpu.memref_slice %arg9[%dma_start3A_2422, %dma_start3A_2423] : memref<1024x32xf32, #tpu.memory_space<vmem>> -> memref<128x32xf32, #tpu.memory_space<vmem>>
        %dma_start3A_2425 = arith.constant 0 : i32
        %dma_start3A_2426 = tpu.memref_slice %arg7[%dma_start3A_2421, %dma_start3A_2425] : memref<8x128xi32, #tpu.memory_space<vmem>> -> memref<1x128xi32, #tpu.memory_space<vmem>>
        %dma_start3A_2427 = tpu.memref_squeeze %dma_start3A_2426 : memref<1x128xi32, #tpu.memory_space<vmem>> -> memref<128xi32, #tpu.memory_space<vmem>>
        %dma_start3A_2428 = arith.constant 0 : i32
        %dma_start3A_2429 = arith.constant 0 : i32
        %dma_start3A_2430 = tpu.memref_slice %arg3[%dma_start3A_2428, %dma_start3A_2429] : memref<800000x32xf32, #tpu.memory_space<hbm>> -> memref<800000x32xf32, #tpu.memory_space<hbm>>
        tpu.enqueue_indirect_dma source(%dma_start3A_2430 : memref<800000x32xf32, #tpu.memory_space<hbm>>) target(%dma_start3A_2424 : memref<128x32xf32, #tpu.memory_space<vmem>>) offsets(%dma_start3A_2427 : memref<128xi32, #tpu.memory_space<vmem>>) semaphore(%arg15 : memref<!tpu.dma_semaphore, #tpu.memory_space<semaphore_mem>>)
      } else {
      }
      %dma_wait3A_1292 = arith.constant 0 : i32
      %dma_wait3A_1293 = arith.constant 0 : i32
      %dma_wait3A_1294 = tpu.memref_slice %arg3[%dma_wait3A_1292, %dma_wait3A_1293] : memref<800000x32xf32, #tpu.memory_space<hbm>> -> memref<1024x32xf32, #tpu.memory_space<hbm>>
      %dma_wait3A_1295 = arith.constant 0 : i32
      %dma_wait3A_1296 = arith.constant 0 : i32
      %dma_wait3A_1297 = tpu.memref_slice %arg3[%dma_wait3A_1295, %dma_wait3A_1296] : memref<800000x32xf32, #tpu.memory_space<hbm>> -> memref<1024x32xf32, #tpu.memory_space<hbm>>
      tpu.wait_dma2 semaphore(%arg16 : memref<!tpu.dma_semaphore, #tpu.memory_space<semaphore_mem>>) src(%dma_wait3A_1297 : memref<1024x32xf32, #tpu.memory_space<hbm>>) dst(%arg10 : memref<1024x32xf32, #tpu.memory_space<vmem>>)
      %ge3A_1298 = arith.constant 2 : i32
      %ge3A_1299 = arith.cmpi sge, %add3A_1284, %ge3A_1298 : i32
      %convert_element_type3A_1300 = arith.extui %ge3A_1299 : i1 to i32
      %cond3A_1301 = arith.constant 0 : i32
      %cond3A_1302 = arith.cmpi ne, %convert_element_type3A_1300, %cond3A_1301 : i32
      scf.if %cond3A_1302 {
        %mul3A_1389 = arith.constant 4 : i32
        %mul3A_1390 = arith.muli %add3A_1284, %mul3A_1389 : i32
        %add3A_1391 = arith.constant 0 : i32
        %add3A_1392 = arith.addi %mul3A_1390, %add3A_1391 : i32
        %mul3A_1393 = arith.constant 4 : i32
        %mul3A_1394 = arith.muli %add3A_1284, %mul3A_1393 : i32
        %add3A_1395 = arith.constant 1 : i32
        %add3A_1396 = arith.addi %mul3A_1394, %add3A_1395 : i32
        %mul3A_1397 = arith.constant 4 : i32
        %mul3A_1398 = arith.muli %add3A_1284, %mul3A_1397 : i32
        %add3A_1399 = arith.constant 2 : i32
        %add3A_1400 = arith.addi %mul3A_1398, %add3A_1399 : i32
        %mul3A_1401 = arith.constant 4 : i32
        %mul3A_1402 = arith.muli %add3A_1284, %mul3A_1401 : i32
        %add3A_1403 = arith.constant 3 : i32
        %add3A_1404 = arith.addi %mul3A_1402, %add3A_1403 : i32
        %dma_wait3A_1405 = arith.constant 0 : i32
        %dma_wait3A_1406 = arith.constant 0 : i32
        %dma_wait3A_1407 = arith.constant 0 : i32
        %dma_wait3A_1408 = arith.constant 0 : i32
        %dma_wait3A_1409 = tpu.memref_slice %arg12[%dma_wait3A_1405, %dma_wait3A_1406, %dma_wait3A_1407, %dma_wait3A_1408] : memref<1x1x32x129xf32, #tpu.memory_space<vmem>> -> memref<1x1x8x128xf32, #tpu.memory_space<vmem>>
        %dma_wait3A_1410 = arith.constant 0 : i32
        %dma_wait3A_1411 = arith.constant 0 : i32
        %dma_wait3A_1412 = tpu.memref_slice %arg5[%add3A_1392, %add3A, %dma_wait3A_1410, %dma_wait3A_1411] : memref<200x32x8x128xf32, #tpu.memory_space<hbm>> -> memref<1x1x8x128xf32, #tpu.memory_space<hbm>>
        %dma_wait3A_1413 = arith.constant 0 : i32
        %dma_wait3A_1414 = arith.constant 0 : i32
        %dma_wait3A_1415 = tpu.memref_slice %arg5[%add3A_1392, %add3A, %dma_wait3A_1413, %dma_wait3A_1414] : memref<200x32x8x128xf32, #tpu.memory_space<hbm>> -> memref<1x1x8x128xf32, #tpu.memory_space<hbm>>
        %dma_wait3A_1416 = arith.constant 0 : i32
        %dma_wait3A_1417 = arith.constant 0 : i32
        %dma_wait3A_1418 = arith.constant 0 : i32
        %dma_wait3A_1419 = arith.constant 0 : i32
        %dma_wait3A_1420 = tpu.memref_slice %arg12[%dma_wait3A_1416, %dma_wait3A_1417, %dma_wait3A_1418, %dma_wait3A_1419] : memref<1x1x32x129xf32, #tpu.memory_space<vmem>> -> memref<1x1x8x128xf32, #tpu.memory_space<vmem>>
        tpu.wait_dma2 semaphore(%arg18 : memref<!tpu.dma_semaphore, #tpu.memory_space<semaphore_mem>>) src(%dma_wait3A_1420 : memref<1x1x8x128xf32, #tpu.memory_space<vmem>>) dst(%dma_wait3A_1415 : memref<1x1x8x128xf32, #tpu.memory_space<hbm>>)
        %dma_wait3A_1421 = arith.constant 0 : i32
        %dma_wait3A_1422 = arith.constant 0 : i32
        %dma_wait3A_1423 = arith.constant 8 : i32
        %dma_wait3A_1424 = arith.constant 0 : i32
        %dma_wait3A_1425 = tpu.memref_slice %arg12[%dma_wait3A_1421, %dma_wait3A_1422, %dma_wait3A_1423, %dma_wait3A_1424] : memref<1x1x32x129xf32, #tpu.memory_space<vmem>> -> memref<1x1x8x128xf32, #tpu.memory_space<vmem>>
        %dma_wait3A_1426 = arith.constant 0 : i32
        %dma_wait3A_1427 = arith.constant 0 : i32
        %dma_wait3A_1428 = tpu.memref_slice %arg5[%add3A_1396, %add3A, %dma_wait3A_1426, %dma_wait3A_1427] : memref<200x32x8x128xf32, #tpu.memory_space<hbm>> -> memref<1x1x8x128xf32, #tpu.memory_space<hbm>>
        %dma_wait3A_1429 = arith.constant 0 : i32
        %dma_wait3A_1430 = arith.constant 0 : i32
        %dma_wait3A_1431 = tpu.memref_slice %arg5[%add3A_1396, %add3A, %dma_wait3A_1429, %dma_wait3A_1430] : memref<200x32x8x128xf32, #tpu.memory_space<hbm>> -> memref<1x1x8x128xf32, #tpu.memory_space<hbm>>
        %dma_wait3A_1432 = arith.constant 0 : i32
        %dma_wait3A_1433 = arith.constant 0 : i32
        %dma_wait3A_1434 = arith.constant 8 : i32
        %dma_wait3A_1435 = arith.constant 0 : i32
        %dma_wait3A_1436 = tpu.memref_slice %arg12[%dma_wait3A_1432, %dma_wait3A_1433, %dma_wait3A_1434, %dma_wait3A_1435] : memref<1x1x32x129xf32, #tpu.memory_space<vmem>> -> memref<1x1x8x128xf32, #tpu.memory_space<vmem>>
        tpu.wait_dma2 semaphore(%arg18 : memref<!tpu.dma_semaphore, #tpu.memory_space<semaphore_mem>>) src(%dma_wait3A_1436 : memref<1x1x8x128xf32, #tpu.memory_space<vmem>>) dst(%dma_wait3A_1431 : memref<1x1x8x128xf32, #tpu.memory_space<hbm>>)
        %dma_wait3A_1437 = arith.constant 0 : i32
        %dma_wait3A_1438 = arith.constant 0 : i32
        %dma_wait3A_1439 = arith.constant 16 : i32
        %dma_wait3A_1440 = arith.constant 0 : i32
        %dma_wait3A_1441 = tpu.memref_slice %arg12[%dma_wait3A_1437, %dma_wait3A_1438, %dma_wait3A_1439, %dma_wait3A_1440] : memref<1x1x32x129xf32, #tpu.memory_space<vmem>> -> memref<1x1x8x128xf32, #tpu.memory_space<vmem>>
        %dma_wait3A_1442 = arith.constant 0 : i32
        %dma_wait3A_1443 = arith.constant 0 : i32
        %dma_wait3A_1444 = tpu.memref_slice %arg5[%add3A_1400, %add3A, %dma_wait3A_1442, %dma_wait3A_1443] : memref<200x32x8x128xf32, #tpu.memory_space<hbm>> -> memref<1x1x8x128xf32, #tpu.memory_space<hbm>>
        %dma_wait3A_1445 = arith.constant 0 : i32
        %dma_wait3A_1446 = arith.constant 0 : i32
        %dma_wait3A_1447 = tpu.memref_slice %arg5[%add3A_1400, %add3A, %dma_wait3A_1445, %dma_wait3A_1446] : memref<200x32x8x128xf32, #tpu.memory_space<hbm>> -> memref<1x1x8x128xf32, #tpu.memory_space<hbm>>
        %dma_wait3A_1448 = arith.constant 0 : i32
        %dma_wait3A_1449 = arith.constant 0 : i32
        %dma_wait3A_1450 = arith.constant 16 : i32
        %dma_wait3A_1451 = arith.constant 0 : i32
        %dma_wait3A_1452 = tpu.memref_slice %arg12[%dma_wait3A_1448, %dma_wait3A_1449, %dma_wait3A_1450, %dma_wait3A_1451] : memref<1x1x32x129xf32, #tpu.memory_space<vmem>> -> memref<1x1x8x128xf32, #tpu.memory_space<vmem>>
        tpu.wait_dma2 semaphore(%arg18 : memref<!tpu.dma_semaphore, #tpu.memory_space<semaphore_mem>>) src(%dma_wait3A_1452 : memref<1x1x8x128xf32, #tpu.memory_space<vmem>>) dst(%dma_wait3A_1447 : memref<1x1x8x128xf32, #tpu.memory_space<hbm>>)
        %dma_wait3A_1453 = arith.constant 0 : i32
        %dma_wait3A_1454 = arith.constant 0 : i32
        %dma_wait3A_1455 = arith.constant 24 : i32
        %dma_wait3A_1456 = arith.constant 0 : i32
        %dma_wait3A_1457 = tpu.memref_slice %arg12[%dma_wait3A_1453, %dma_wait3A_1454, %dma_wait3A_1455, %dma_wait3A_1456] : memref<1x1x32x129xf32, #tpu.memory_space<vmem>> -> memref<1x1x8x128xf32, #tpu.memory_space<vmem>>
        %dma_wait3A_1458 = arith.constant 0 : i32
        %dma_wait3A_1459 = arith.constant 0 : i32
        %dma_wait3A_1460 = tpu.memref_slice %arg5[%add3A_1404, %add3A, %dma_wait3A_1458, %dma_wait3A_1459] : memref<200x32x8x128xf32, #tpu.memory_space<hbm>> -> memref<1x1x8x128xf32, #tpu.memory_space<hbm>>
        %dma_wait3A_1461 = arith.constant 0 : i32
        %dma_wait3A_1462 = arith.constant 0 : i32
        %dma_wait3A_1463 = tpu.memref_slice %arg5[%add3A_1404, %add3A, %dma_wait3A_1461, %dma_wait3A_1462] : memref<200x32x8x128xf32, #tpu.memory_space<hbm>> -> memref<1x1x8x128xf32, #tpu.memory_space<hbm>>
        %dma_wait3A_1464 = arith.constant 0 : i32
        %dma_wait3A_1465 = arith.constant 0 : i32
        %dma_wait3A_1466 = arith.constant 24 : i32
        %dma_wait3A_1467 = arith.constant 0 : i32
        %dma_wait3A_1468 = tpu.memref_slice %arg12[%dma_wait3A_1464, %dma_wait3A_1465, %dma_wait3A_1466, %dma_wait3A_1467] : memref<1x1x32x129xf32, #tpu.memory_space<vmem>> -> memref<1x1x8x128xf32, #tpu.memory_space<vmem>>
        tpu.wait_dma2 semaphore(%arg18 : memref<!tpu.dma_semaphore, #tpu.memory_space<semaphore_mem>>) src(%dma_wait3A_1468 : memref<1x1x8x128xf32, #tpu.memory_space<vmem>>) dst(%dma_wait3A_1463 : memref<1x1x8x128xf32, #tpu.memory_space<hbm>>)
      } else {
      }
      %scan3A_1303 = arith.constant 0 : i32
      %scan3A_1304 = arith.constant 0 : i32
      %scan3A_1305 = arith.constant 128 : i32
      %scan3A_1306 = arith.addi %scan3A_1304, %scan3A_1305 : i32
      %scan3A_1307 = arith.constant 1 : i32
      scf.for %scan3A_1389 = %scan3A_1304 to %scan3A_1306 step %scan3A_1307  : i32 {
        %shift_right_logical3A = arith.constant 4 : i32
        %shift_right_logical3A_1390 = arith.shrui %scan3A_1389, %shift_right_logical3A : i32
        %shift_left3A = arith.constant 7 : i32
        %shift_left3A_1391 = arith.shli %shift_right_logical3A_1390, %shift_left3A : i32
        %and3A = arith.constant 15 : i32
        %and3A_1392 = arith.andi %scan3A_1389, %and3A : i32
        %add3A_1393 = arith.addi %shift_left3A_1391, %and3A_1392 : i32
        %get3A_1394 = arith.index_cast %add3A_1393 : i32 to index
        %get3A_1395 = arith.constant 0 : index
        %get3A_1396 = tpu.vector_load %arg10[%get3A_1394, %get3A_1395] {strides = array<i32>} : memref<1024x32xf32, #tpu.memory_space<vmem>>, vector<16xf32>,
        %mul3A_1397 = arith.mulf %get3A_3, %get3A_1396 : vector<16xf32>
        %get3A_1398 = arith.index_cast %add3A_1393 : i32 to index
        %get3A_1399 = arith.constant 16 : index
        %get3A_1400 = tpu.vector_load %arg10[%get3A_1398, %get3A_1399] {strides = array<i32>} : memref<1024x32xf32, #tpu.memory_space<vmem>>, vector<16xf32>,
        %mul3A_1401 = arith.mulf %get3A_3, %get3A_1400 : vector<16xf32>
        %add3A_1402 = arith.constant 16 : i32
        %add3A_1403 = arith.addi %add3A_1393, %add3A_1402 : i32
        %get3A_1404 = arith.index_cast %add3A_1403 : i32 to index
        %get3A_1405 = arith.constant 0 : index
        %get3A_1406 = tpu.vector_load %arg10[%get3A_1404, %get3A_1405] {strides = array<i32>} : memref<1024x32xf32, #tpu.memory_space<vmem>>, vector<16xf32>,
        %mul3A_1407 = arith.mulf %get3A_7, %get3A_1406 : vector<16xf32>
        %add3A_1408 = arith.addf %mul3A_1397, %mul3A_1407 : vector<16xf32>
        %add3A_1409 = arith.constant 16 : i32
        %add3A_1410 = arith.addi %add3A_1393, %add3A_1409 : i32
        %get3A_1411 = arith.index_cast %add3A_1410 : i32 to index
        %get3A_1412 = arith.constant 16 : index
        %get3A_1413 = tpu.vector_load %arg10[%get3A_1411, %get3A_1412] {strides = array<i32>} : memref<1024x32xf32, #tpu.memory_space<vmem>>, vector<16xf32>,
        %mul3A_1414 = arith.mulf %get3A_7, %get3A_1413 : vector<16xf32>
        %add3A_1415 = arith.addf %mul3A_1401, %mul3A_1414 : vector<16xf32>
        %add3A_1416 = arith.constant 32 : i32
        %add3A_1417 = arith.addi %add3A_1393, %add3A_1416 : i32
        %get3A_1418 = arith.index_cast %add3A_1417 : i32 to index
        %get3A_1419 = arith.constant 0 : index
        %get3A_1420 = tpu.vector_load %arg10[%get3A_1418, %get3A_1419] {strides = array<i32>} : memref<1024x32xf32, #tpu.memory_space<vmem>>, vector<16xf32>,
        %mul3A_1421 = arith.mulf %get3A_11, %get3A_1420 : vector<16xf32>
        %add3A_1422 = arith.addf %add3A_1408, %mul3A_1421 : vector<16xf32>
        %add3A_1423 = arith.constant 32 : i32
        %add3A_1424 = arith.addi %add3A_1393, %add3A_1423 : i32
        %get3A_1425 = arith.index_cast %add3A_1424 : i32 to index
        %get3A_1426 = arith.constant 16 : index
        %get3A_1427 = tpu.vector_load %arg10[%get3A_1425, %get3A_1426] {strides = array<i32>} : memref<1024x32xf32, #tpu.memory_space<vmem>>, vector<16xf32>,
        %mul3A_1428 = arith.mulf %get3A_11, %get3A_1427 : vector<16xf32>
        %add3A_1429 = arith.addf %add3A_1415, %mul3A_1428 : vector<16xf32>
        %add3A_1430 = arith.constant 48 : i32
        %add3A_1431 = arith.addi %add3A_1393, %add3A_1430 : i32
        %get3A_1432 = arith.index_cast %add3A_1431 : i32 to index
        %get3A_1433 = arith.constant 0 : index
        %get3A_1434 = tpu.vector_load %arg10[%get3A_1432, %get3A_1433] {strides = array<i32>} : memref<1024x32xf32, #tpu.memory_space<vmem>>, vector<16xf32>,
        %mul3A_1435 = arith.mulf %get3A_15, %get3A_1434 : vector<16xf32>
        %add3A_1436 = arith.addf %add3A_1422, %mul3A_1435 : vector<16xf32>
        %add3A_1437 = arith.constant 48 : i32
        %add3A_1438 = arith.addi %add3A_1393, %add3A_1437 : i32
        %get3A_1439 = arith.index_cast %add3A_1438 : i32 to index
        %get3A_1440 = arith.constant 16 : index
        %get3A_1441 = tpu.vector_load %arg10[%get3A_1439, %get3A_1440] {strides = array<i32>} : memref<1024x32xf32, #tpu.memory_space<vmem>>, vector<16xf32>,
        %mul3A_1442 = arith.mulf %get3A_15, %get3A_1441 : vector<16xf32>
        %add3A_1443 = arith.addf %add3A_1429, %mul3A_1442 : vector<16xf32>
        %add3A_1444 = arith.constant 64 : i32
        %add3A_1445 = arith.addi %add3A_1393, %add3A_1444 : i32
        %get3A_1446 = arith.index_cast %add3A_1445 : i32 to index
        %get3A_1447 = arith.constant 0 : index
        %get3A_1448 = tpu.vector_load %arg10[%get3A_1446, %get3A_1447] {strides = array<i32>} : memref<1024x32xf32, #tpu.memory_space<vmem>>, vector<16xf32>,
        %mul3A_1449 = arith.mulf %get3A_19, %get3A_1448 : vector<16xf32>
        %add3A_1450 = arith.addf %add3A_1436, %mul3A_1449 : vector<16xf32>
        %add3A_1451 = arith.constant 64 : i32
        %add3A_1452 = arith.addi %add3A_1393, %add3A_1451 : i32
        %get3A_1453 = arith.index_cast %add3A_1452 : i32 to index
        %get3A_1454 = arith.constant 16 : index
        %get3A_1455 = tpu.vector_load %arg10[%get3A_1453, %get3A_1454] {strides = array<i32>} : memref<1024x32xf32, #tpu.memory_space<vmem>>, vector<16xf32>,
        %mul3A_1456 = arith.mulf %get3A_19, %get3A_1455 : vector<16xf32>
        %add3A_1457 = arith.addf %add3A_1443, %mul3A_1456 : vector<16xf32>
        %add3A_1458 = arith.constant 80 : i32
        %add3A_1459 = arith.addi %add3A_1393, %add3A_1458 : i32
        %get3A_1460 = arith.index_cast %add3A_1459 : i32 to index
        %get3A_1461 = arith.constant 0 : index
        %get3A_1462 = tpu.vector_load %arg10[%get3A_1460, %get3A_1461] {strides = array<i32>} : memref<1024x32xf32, #tpu.memory_space<vmem>>, vector<16xf32>,
        %mul3A_1463 = arith.mulf %get3A_23, %get3A_1462 : vector<16xf32>
        %add3A_1464 = arith.addf %add3A_1450, %mul3A_1463 : vector<16xf32>
        %add3A_1465 = arith.constant 80 : i32
        %add3A_1466 = arith.addi %add3A_1393, %add3A_1465 : i32
        %get3A_1467 = arith.index_cast %add3A_1466 : i32 to index
        %get3A_1468 = arith.constant 16 : index
        %get3A_1469 = tpu.vector_load %arg10[%get3A_1467, %get3A_1468] {strides = array<i32>} : memref<1024x32xf32, #tpu.memory_space<vmem>>, vector<16xf32>,
        %mul3A_1470 = arith.mulf %get3A_23, %get3A_1469 : vector<16xf32>
        %add3A_1471 = arith.addf %add3A_1457, %mul3A_1470 : vector<16xf32>
        %add3A_1472 = arith.constant 96 : i32
        %add3A_1473 = arith.addi %add3A_1393, %add3A_1472 : i32
        %get3A_1474 = arith.index_cast %add3A_1473 : i32 to index
        %get3A_1475 = arith.constant 0 : index
        %get3A_1476 = tpu.vector_load %arg10[%get3A_1474, %get3A_1475] {strides = array<i32>} : memref<1024x32xf32, #tpu.memory_space<vmem>>, vector<16xf32>,
        %mul3A_1477 = arith.mulf %get3A_27, %get3A_1476 : vector<16xf32>
        %add3A_1478 = arith.addf %add3A_1464, %mul3A_1477 : vector<16xf32>
        %add3A_1479 = arith.constant 96 : i32
        %add3A_1480 = arith.addi %add3A_1393, %add3A_1479 : i32
        %get3A_1481 = arith.index_cast %add3A_1480 : i32 to index
        %get3A_1482 = arith.constant 16 : index
        %get3A_1483 = tpu.vector_load %arg10[%get3A_1481, %get3A_1482] {strides = array<i32>} : memref<1024x32xf32, #tpu.memory_space<vmem>>, vector<16xf32>,
        %mul3A_1484 = arith.mulf %get3A_27, %get3A_1483 : vector<16xf32>
        %add3A_1485 = arith.addf %add3A_1471, %mul3A_1484 : vector<16xf32>
        %add3A_1486 = arith.constant 112 : i32
        %add3A_1487 = arith.addi %add3A_1393, %add3A_1486 : i32
        %get3A_1488 = arith.index_cast %add3A_1487 : i32 to index
        %get3A_1489 = arith.constant 0 : index
        %get3A_1490 = tpu.vector_load %arg10[%get3A_1488, %get3A_1489] {strides = array<i32>} : memref<1024x32xf32, #tpu.memory_space<vmem>>, vector<16xf32>,
        %mul3A_1491 = arith.mulf %get3A_31, %get3A_1490 : vector<16xf32>
        %add3A_1492 = arith.addf %add3A_1478, %mul3A_1491 : vector<16xf32>
        %add3A_1493 = arith.constant 112 : i32
        %add3A_1494 = arith.addi %add3A_1393, %add3A_1493 : i32
        %get3A_1495 = arith.index_cast %add3A_1494 : i32 to index
        %get3A_1496 = arith.constant 16 : index
        %get3A_1497 = tpu.vector_load %arg10[%get3A_1495, %get3A_1496] {strides = array<i32>} : memref<1024x32xf32, #tpu.memory_space<vmem>>, vector<16xf32>,
        %mul3A_1498 = arith.mulf %get3A_31, %get3A_1497 : vector<16xf32>
        %add3A_1499 = arith.addf %add3A_1485, %mul3A_1498 : vector<16xf32>
        %add3A_1500 = vector.broadcast %scan3A_1389 : i32 to vector<16xi32>
        %add3A_1501 = arith.addi %mul3A_34, %add3A_1500 : vector<16xi32>
        tpu.vector_store_idx %arg12[%mul3A_34, %mul3A_34, %iota3A, %add3A_1501], %add3A_1492 : memref<1x1x32x129xf32, #tpu.memory_space<vmem>>[vector<16xi32>, vector<16xi32>, vector<16xi32>, vector<16xi32>], vector<16xf32>,
        %add3A_1502 = arith.constant 16 : i32
        %add3A_1503 = vector.broadcast %add3A_1502 : i32 to vector<16xi32>
        %add3A_1504 = arith.addi %iota3A, %add3A_1503 : vector<16xi32>
        tpu.vector_store_idx %arg12[%mul3A_34, %mul3A_34, %add3A_1504, %add3A_1501], %add3A_1499 : memref<1x1x32x129xf32, #tpu.memory_space<vmem>>[vector<16xi32>, vector<16xi32>, vector<16xi32>, vector<16xi32>], vector<16xf32>,
      }
      %scan3A_1308 = arith.constant 128 : i32
      %mul3A_1309 = arith.constant 4 : i32
      %mul3A_1310 = arith.muli %add3A_1284, %mul3A_1309 : i32
      %add3A_1311 = arith.constant 0 : i32
      %add3A_1312 = arith.addi %mul3A_1310, %add3A_1311 : i32
      %mul3A_1313 = arith.constant 4 : i32
      %mul3A_1314 = arith.muli %add3A_1284, %mul3A_1313 : i32
      %add3A_1315 = arith.constant 1 : i32
      %add3A_1316 = arith.addi %mul3A_1314, %add3A_1315 : i32
      %mul3A_1317 = arith.constant 4 : i32
      %mul3A_1318 = arith.muli %add3A_1284, %mul3A_1317 : i32
      %add3A_1319 = arith.constant 2 : i32
      %add3A_1320 = arith.addi %mul3A_1318, %add3A_1319 : i32
      %mul3A_1321 = arith.constant 4 : i32
      %mul3A_1322 = arith.muli %add3A_1284, %mul3A_1321 : i32
      %add3A_1323 = arith.constant 3 : i32
      %add3A_1324 = arith.addi %mul3A_1322, %add3A_1323 : i32
      %dma_start3A_1325 = arith.constant 0 : i32
      %dma_start3A_1326 = arith.constant 0 : i32
      %dma_start3A_1327 = arith.constant 0 : i32
      %dma_start3A_1328 = arith.constant 0 : i32
      %dma_start3A_1329 = tpu.memref_slice %arg12[%dma_start3A_1325, %dma_start3A_1326, %dma_start3A_1327, %dma_start3A_1328] : memref<1x1x32x129xf32, #tpu.memory_space<vmem>> -> memref<1x1x8x128xf32, #tpu.memory_space<vmem>>
      %dma_start3A_1330 = arith.constant 0 : i32
      %dma_start3A_1331 = arith.constant 0 : i32
      %dma_start3A_1332 = tpu.memref_slice %arg5[%add3A_1312, %add3A, %dma_start3A_1330, %dma_start3A_1331] : memref<200x32x8x128xf32, #tpu.memory_space<hbm>> -> memref<1x1x8x128xf32, #tpu.memory_space<hbm>>
      %dma_start3A_1333 = arith.constant 0 : i32
      %dma_start3A_1334 = arith.constant 0 : i32
      %dma_start3A_1335 = tpu.memref_slice %arg5[%add3A_1312, %add3A, %dma_start3A_1333, %dma_start3A_1334] : memref<200x32x8x128xf32, #tpu.memory_space<hbm>> -> memref<1x1x8x128xf32, #tpu.memory_space<hbm>>
      %dma_start3A_1336 = arith.constant 0 : i32
      %dma_start3A_1337 = arith.constant 0 : i32
      %dma_start3A_1338 = arith.constant 0 : i32
      %dma_start3A_1339 = arith.constant 0 : i32
      %dma_start3A_1340 = tpu.memref_slice %arg12[%dma_start3A_1336, %dma_start3A_1337, %dma_start3A_1338, %dma_start3A_1339] : memref<1x1x32x129xf32, #tpu.memory_space<vmem>> -> memref<1x1x8x128xf32, #tpu.memory_space<vmem>>
      tpu.enqueue_dma source(%dma_start3A_1340 : memref<1x1x8x128xf32, #tpu.memory_space<vmem>>) target(%dma_start3A_1335 : memref<1x1x8x128xf32, #tpu.memory_space<hbm>>) target_semaphore(%arg18 : memref<!tpu.dma_semaphore, #tpu.memory_space<semaphore_mem>>)
      %dma_start3A_1341 = arith.constant 0 : i32
      %dma_start3A_1342 = arith.constant 0 : i32
      %dma_start3A_1343 = arith.constant 8 : i32
      %dma_start3A_1344 = arith.constant 0 : i32
      %dma_start3A_1345 = tpu.memref_slice %arg12[%dma_start3A_1341, %dma_start3A_1342, %dma_start3A_1343, %dma_start3A_1344] : memref<1x1x32x129xf32, #tpu.memory_space<vmem>> -> memref<1x1x8x128xf32, #tpu.memory_space<vmem>>
      %dma_start3A_1346 = arith.constant 0 : i32
      %dma_start3A_1347 = arith.constant 0 : i32
      %dma_start3A_1348 = tpu.memref_slice %arg5[%add3A_1316, %add3A, %dma_start3A_1346, %dma_start3A_1347] : memref<200x32x8x128xf32, #tpu.memory_space<hbm>> -> memref<1x1x8x128xf32, #tpu.memory_space<hbm>>
      %dma_start3A_1349 = arith.constant 0 : i32
      %dma_start3A_1350 = arith.constant 0 : i32
      %dma_start3A_1351 = tpu.memref_slice %arg5[%add3A_1316, %add3A, %dma_start3A_1349, %dma_start3A_1350] : memref<200x32x8x128xf32, #tpu.memory_space<hbm>> -> memref<1x1x8x128xf32, #tpu.memory_space<hbm>>
      %dma_start3A_1352 = arith.constant 0 : i32
      %dma_start3A_1353 = arith.constant 0 : i32
      %dma_start3A_1354 = arith.constant 8 : i32
      %dma_start3A_1355 = arith.constant 0 : i32
      %dma_start3A_1356 = tpu.memref_slice %arg12[%dma_start3A_1352, %dma_start3A_1353, %dma_start3A_1354, %dma_start3A_1355] : memref<1x1x32x129xf32, #tpu.memory_space<vmem>> -> memref<1x1x8x128xf32, #tpu.memory_space<vmem>>
      tpu.enqueue_dma source(%dma_start3A_1356 : memref<1x1x8x128xf32, #tpu.memory_space<vmem>>) target(%dma_start3A_1351 : memref<1x1x8x128xf32, #tpu.memory_space<hbm>>) target_semaphore(%arg18 : memref<!tpu.dma_semaphore, #tpu.memory_space<semaphore_mem>>)
      %dma_start3A_1357 = arith.constant 0 : i32
      %dma_start3A_1358 = arith.constant 0 : i32
      %dma_start3A_1359 = arith.constant 16 : i32
      %dma_start3A_1360 = arith.constant 0 : i32
      %dma_start3A_1361 = tpu.memref_slice %arg12[%dma_start3A_1357, %dma_start3A_1358, %dma_start3A_1359, %dma_start3A_1360] : memref<1x1x32x129xf32, #tpu.memory_space<vmem>> -> memref<1x1x8x128xf32, #tpu.memory_space<vmem>>
      %dma_start3A_1362 = arith.constant 0 : i32
      %dma_start3A_1363 = arith.constant 0 : i32
      %dma_start3A_1364 = tpu.memref_slice %arg5[%add3A_1320, %add3A, %dma_start3A_1362, %dma_start3A_1363] : memref<200x32x8x128xf32, #tpu.memory_space<hbm>> -> memref<1x1x8x128xf32, #tpu.memory_space<hbm>>
      %dma_start3A_1365 = arith.constant 0 : i32
      %dma_start3A_1366 = arith.constant 0 : i32
      %dma_start3A_1367 = tpu.memref_slice %arg5[%add3A_1320, %add3A, %dma_start3A_1365, %dma_start3A_1366] : memref<200x32x8x128xf32, #tpu.memory_space<hbm>> -> memref<1x1x8x128xf32, #tpu.memory_space<hbm>>
      %dma_start3A_1368 = arith.constant 0 : i32
      %dma_start3A_1369 = arith.constant 0 : i32
      %dma_start3A_1370 = arith.constant 16 : i32
      %dma_start3A_1371 = arith.constant 0 : i32
      %dma_start3A_1372 = tpu.memref_slice %arg12[%dma_start3A_1368, %dma_start3A_1369, %dma_start3A_1370, %dma_start3A_1371] : memref<1x1x32x129xf32, #tpu.memory_space<vmem>> -> memref<1x1x8x128xf32, #tpu.memory_space<vmem>>
      tpu.enqueue_dma source(%dma_start3A_1372 : memref<1x1x8x128xf32, #tpu.memory_space<vmem>>) target(%dma_start3A_1367 : memref<1x1x8x128xf32, #tpu.memory_space<hbm>>) target_semaphore(%arg18 : memref<!tpu.dma_semaphore, #tpu.memory_space<semaphore_mem>>)
      %dma_start3A_1373 = arith.constant 0 : i32
      %dma_start3A_1374 = arith.constant 0 : i32
      %dma_start3A_1375 = arith.constant 24 : i32
      %dma_start3A_1376 = arith.constant 0 : i32
      %dma_start3A_1377 = tpu.memref_slice %arg12[%dma_start3A_1373, %dma_start3A_1374, %dma_start3A_1375, %dma_start3A_1376] : memref<1x1x32x129xf32, #tpu.memory_space<vmem>> -> memref<1x1x8x128xf32, #tpu.memory_space<vmem>>
      %dma_start3A_1378 = arith.constant 0 : i32
      %dma_start3A_1379 = arith.constant 0 : i32
      %dma_start3A_1380 = tpu.memref_slice %arg5[%add3A_1324, %add3A, %dma_start3A_1378, %dma_start3A_1379] : memref<200x32x8x128xf32, #tpu.memory_space<hbm>> -> memref<1x1x8x128xf32, #tpu.memory_space<hbm>>
      %dma_start3A_1381 = arith.constant 0 : i32
      %dma_start3A_1382 = arith.constant 0 : i32
      %dma_start3A_1383 = tpu.memref_slice %arg5[%add3A_1324, %add3A, %dma_start3A_1381, %dma_start3A_1382] : memref<200x32x8x128xf32, #tpu.memory_space<hbm>> -> memref<1x1x8x128xf32, #tpu.memory_space<hbm>>
      %dma_start3A_1384 = arith.constant 0 : i32
      %dma_start3A_1385 = arith.constant 0 : i32
      %dma_start3A_1386 = arith.constant 24 : i32
      %dma_start3A_1387 = arith.constant 0 : i32
      %dma_start3A_1388 = tpu.memref_slice %arg12[%dma_start3A_1384, %dma_start3A_1385, %dma_start3A_1386, %dma_start3A_1387] : memref<1x1x32x129xf32, #tpu.memory_space<vmem>> -> memref<1x1x8x128xf32, #tpu.memory_space<vmem>>
      tpu.enqueue_dma source(%dma_start3A_1388 : memref<1x1x8x128xf32, #tpu.memory_space<vmem>>) target(%dma_start3A_1383 : memref<1x1x8x128xf32, #tpu.memory_space<hbm>>) target_semaphore(%arg18 : memref<!tpu.dma_semaphore, #tpu.memory_space<semaphore_mem>>)
    }
    %scan3A_1033 = arith.constant 25 : i32
    %dma_wait3A_1034 = arith.constant 0 : i32
    %dma_wait3A_1035 = arith.constant 0 : i32
    %dma_wait3A_1036 = arith.constant 0 : i32
    %dma_wait3A_1037 = arith.constant 0 : i32
    %dma_wait3A_1038 = tpu.memref_slice %arg11[%dma_wait3A_1034, %dma_wait3A_1035, %dma_wait3A_1036, %dma_wait3A_1037] : memref<1x1x32x129xf32, #tpu.memory_space<vmem>> -> memref<1x1x8x128xf32, #tpu.memory_space<vmem>>
    %dma_wait3A_1039 = arith.constant 192 : i32
    %dma_wait3A_1040 = arith.constant 0 : i32
    %dma_wait3A_1041 = arith.constant 0 : i32
    %dma_wait3A_1042 = tpu.memref_slice %arg5[%dma_wait3A_1039, %add3A, %dma_wait3A_1040, %dma_wait3A_1041] : memref<200x32x8x128xf32, #tpu.memory_space<hbm>> -> memref<1x1x8x128xf32, #tpu.memory_space<hbm>>
    %dma_wait3A_1043 = arith.constant 192 : i32
    %dma_wait3A_1044 = arith.constant 0 : i32
    %dma_wait3A_1045 = arith.constant 0 : i32
    %dma_wait3A_1046 = tpu.memref_slice %arg5[%dma_wait3A_1043, %add3A, %dma_wait3A_1044, %dma_wait3A_1045] : memref<200x32x8x128xf32, #tpu.memory_space<hbm>> -> memref<1x1x8x128xf32, #tpu.memory_space<hbm>>
    %dma_wait3A_1047 = arith.constant 0 : i32
    %dma_wait3A_1048 = arith.constant 0 : i32
    %dma_wait3A_1049 = arith.constant 0 : i32
    %dma_wait3A_1050 = arith.constant 0 : i32
    %dma_wait3A_1051 = tpu.memref_slice %arg11[%dma_wait3A_1047, %dma_wait3A_1048, %dma_wait3A_1049, %dma_wait3A_1050] : memref<1x1x32x129xf32, #tpu.memory_space<vmem>> -> memref<1x1x8x128xf32, #tpu.memory_space<vmem>>
    tpu.wait_dma2 semaphore(%arg17 : memref<!tpu.dma_semaphore, #tpu.memory_space<semaphore_mem>>) src(%dma_wait3A_1051 : memref<1x1x8x128xf32, #tpu.memory_space<vmem>>) dst(%dma_wait3A_1046 : memref<1x1x8x128xf32, #tpu.memory_space<hbm>>)
    %dma_wait3A_1052 = arith.constant 0 : i32
    %dma_wait3A_1053 = arith.constant 0 : i32
    %dma_wait3A_1054 = arith.constant 8 : i32
    %dma_wait3A_1055 = arith.constant 0 : i32
    %dma_wait3A_1056 = tpu.memref_slice %arg11[%dma_wait3A_1052, %dma_wait3A_1053, %dma_wait3A_1054, %dma_wait3A_1055] : memref<1x1x32x129xf32, #tpu.memory_space<vmem>> -> memref<1x1x8x128xf32, #tpu.memory_space<vmem>>
    %dma_wait3A_1057 = arith.constant 193 : i32
    %dma_wait3A_1058 = arith.constant 0 : i32
    %dma_wait3A_1059 = arith.constant 0 : i32
    %dma_wait3A_1060 = tpu.memref_slice %arg5[%dma_wait3A_1057, %add3A, %dma_wait3A_1058, %dma_wait3A_1059] : memref<200x32x8x128xf32, #tpu.memory_space<hbm>> -> memref<1x1x8x128xf32, #tpu.memory_space<hbm>>
    %dma_wait3A_1061 = arith.constant 193 : i32
    %dma_wait3A_1062 = arith.constant 0 : i32
    %dma_wait3A_1063 = arith.constant 0 : i32
    %dma_wait3A_1064 = tpu.memref_slice %arg5[%dma_wait3A_1061, %add3A, %dma_wait3A_1062, %dma_wait3A_1063] : memref<200x32x8x128xf32, #tpu.memory_space<hbm>> -> memref<1x1x8x128xf32, #tpu.memory_space<hbm>>
    %dma_wait3A_1065 = arith.constant 0 : i32
    %dma_wait3A_1066 = arith.constant 0 : i32
    %dma_wait3A_1067 = arith.constant 8 : i32
    %dma_wait3A_1068 = arith.constant 0 : i32
    %dma_wait3A_1069 = tpu.memref_slice %arg11[%dma_wait3A_1065, %dma_wait3A_1066, %dma_wait3A_1067, %dma_wait3A_1068] : memref<1x1x32x129xf32, #tpu.memory_space<vmem>> -> memref<1x1x8x128xf32, #tpu.memory_space<vmem>>
    tpu.wait_dma2 semaphore(%arg17 : memref<!tpu.dma_semaphore, #tpu.memory_space<semaphore_mem>>) src(%dma_wait3A_1069 : memref<1x1x8x128xf32, #tpu.memory_space<vmem>>) dst(%dma_wait3A_1064 : memref<1x1x8x128xf32, #tpu.memory_space<hbm>>)
    %dma_wait3A_1070 = arith.constant 0 : i32
    %dma_wait3A_1071 = arith.constant 0 : i32
    %dma_wait3A_1072 = arith.constant 16 : i32
    %dma_wait3A_1073 = arith.constant 0 : i32
    %dma_wait3A_1074 = tpu.memref_slice %arg11[%dma_wait3A_1070, %dma_wait3A_1071, %dma_wait3A_1072, %dma_wait3A_1073] : memref<1x1x32x129xf32, #tpu.memory_space<vmem>> -> memref<1x1x8x128xf32, #tpu.memory_space<vmem>>
    %dma_wait3A_1075 = arith.constant 194 : i32
    %dma_wait3A_1076 = arith.constant 0 : i32
    %dma_wait3A_1077 = arith.constant 0 : i32
    %dma_wait3A_1078 = tpu.memref_slice %arg5[%dma_wait3A_1075, %add3A, %dma_wait3A_1076, %dma_wait3A_1077] : memref<200x32x8x128xf32, #tpu.memory_space<hbm>> -> memref<1x1x8x128xf32, #tpu.memory_space<hbm>>
    %dma_wait3A_1079 = arith.constant 194 : i32
    %dma_wait3A_1080 = arith.constant 0 : i32
    %dma_wait3A_1081 = arith.constant 0 : i32
    %dma_wait3A_1082 = tpu.memref_slice %arg5[%dma_wait3A_1079, %add3A, %dma_wait3A_1080, %dma_wait3A_1081] : memref<200x32x8x128xf32, #tpu.memory_space<hbm>> -> memref<1x1x8x128xf32, #tpu.memory_space<hbm>>
    %dma_wait3A_1083 = arith.constant 0 : i32
    %dma_wait3A_1084 = arith.constant 0 : i32
    %dma_wait3A_1085 = arith.constant 16 : i32
    %dma_wait3A_1086 = arith.constant 0 : i32
    %dma_wait3A_1087 = tpu.memref_slice %arg11[%dma_wait3A_1083, %dma_wait3A_1084, %dma_wait3A_1085, %dma_wait3A_1086] : memref<1x1x32x129xf32, #tpu.memory_space<vmem>> -> memref<1x1x8x128xf32, #tpu.memory_space<vmem>>
    tpu.wait_dma2 semaphore(%arg17 : memref<!tpu.dma_semaphore, #tpu.memory_space<semaphore_mem>>) src(%dma_wait3A_1087 : memref<1x1x8x128xf32, #tpu.memory_space<vmem>>) dst(%dma_wait3A_1082 : memref<1x1x8x128xf32, #tpu.memory_space<hbm>>)
    %dma_wait3A_1088 = arith.constant 0 : i32
    %dma_wait3A_1089 = arith.constant 0 : i32
    %dma_wait3A_1090 = arith.constant 24 : i32
    %dma_wait3A_1091 = arith.constant 0 : i32
    %dma_wait3A_1092 = tpu.memref_slice %arg11[%dma_wait3A_1088, %dma_wait3A_1089, %dma_wait3A_1090, %dma_wait3A_1091] : memref<1x1x32x129xf32, #tpu.memory_space<vmem>> -> memref<1x1x8x128xf32, #tpu.memory_space<vmem>>
    %dma_wait3A_1093 = arith.constant 195 : i32
    %dma_wait3A_1094 = arith.constant 0 : i32
    %dma_wait3A_1095 = arith.constant 0 : i32
    %dma_wait3A_1096 = tpu.memref_slice %arg5[%dma_wait3A_1093, %add3A, %dma_wait3A_1094, %dma_wait3A_1095] : memref<200x32x8x128xf32, #tpu.memory_space<hbm>> -> memref<1x1x8x128xf32, #tpu.memory_space<hbm>>
    %dma_wait3A_1097 = arith.constant 195 : i32
    %dma_wait3A_1098 = arith.constant 0 : i32
    %dma_wait3A_1099 = arith.constant 0 : i32
    %dma_wait3A_1100 = tpu.memref_slice %arg5[%dma_wait3A_1097, %add3A, %dma_wait3A_1098, %dma_wait3A_1099] : memref<200x32x8x128xf32, #tpu.memory_space<hbm>> -> memref<1x1x8x128xf32, #tpu.memory_space<hbm>>
    %dma_wait3A_1101 = arith.constant 0 : i32
    %dma_wait3A_1102 = arith.constant 0 : i32
    %dma_wait3A_1103 = arith.constant 24 : i32
    %dma_wait3A_1104 = arith.constant 0 : i32
    %dma_wait3A_1105 = tpu.memref_slice %arg11[%dma_wait3A_1101, %dma_wait3A_1102, %dma_wait3A_1103, %dma_wait3A_1104] : memref<1x1x32x129xf32, #tpu.memory_space<vmem>> -> memref<1x1x8x128xf32, #tpu.memory_space<vmem>>
    tpu.wait_dma2 semaphore(%arg17 : memref<!tpu.dma_semaphore, #tpu.memory_space<semaphore_mem>>) src(%dma_wait3A_1105 : memref<1x1x8x128xf32, #tpu.memory_space<vmem>>) dst(%dma_wait3A_1100 : memref<1x1x8x128xf32, #tpu.memory_space<hbm>>)
    %dma_wait3A_1106 = arith.constant 0 : i32
    %dma_wait3A_1107 = arith.constant 0 : i32
    %dma_wait3A_1108 = arith.constant 0 : i32
    %dma_wait3A_1109 = arith.constant 0 : i32
    %dma_wait3A_1110 = tpu.memref_slice %arg12[%dma_wait3A_1106, %dma_wait3A_1107, %dma_wait3A_1108, %dma_wait3A_1109] : memref<1x1x32x129xf32, #tpu.memory_space<vmem>> -> memref<1x1x8x128xf32, #tpu.memory_space<vmem>>
    %dma_wait3A_1111 = arith.constant 196 : i32
    %dma_wait3A_1112 = arith.constant 0 : i32
    %dma_wait3A_1113 = arith.constant 0 : i32
    %dma_wait3A_1114 = tpu.memref_slice %arg5[%dma_wait3A_1111, %add3A, %dma_wait3A_1112, %dma_wait3A_1113] : memref<200x32x8x128xf32, #tpu.memory_space<hbm>> -> memref<1x1x8x128xf32, #tpu.memory_space<hbm>>
    %dma_wait3A_1115 = arith.constant 196 : i32
    %dma_wait3A_1116 = arith.constant 0 : i32
    %dma_wait3A_1117 = arith.constant 0 : i32
    %dma_wait3A_1118 = tpu.memref_slice %arg5[%dma_wait3A_1115, %add3A, %dma_wait3A_1116, %dma_wait3A_1117] : memref<200x32x8x128xf32, #tpu.memory_space<hbm>> -> memref<1x1x8x128xf32, #tpu.memory_space<hbm>>
    %dma_wait3A_1119 = arith.constant 0 : i32
    %dma_wait3A_1120 = arith.constant 0 : i32
    %dma_wait3A_1121 = arith.constant 0 : i32
    %dma_wait3A_1122 = arith.constant 0 : i32
    %dma_wait3A_1123 = tpu.memref_slice %arg12[%dma_wait3A_1119, %dma_wait3A_1120, %dma_wait3A_1121, %dma_wait3A_1122] : memref<1x1x32x129xf32, #tpu.memory_space<vmem>> -> memref<1x1x8x128xf32, #tpu.memory_space<vmem>>
    tpu.wait_dma2 semaphore(%arg18 : memref<!tpu.dma_semaphore, #tpu.memory_space<semaphore_mem>>) src(%dma_wait3A_1123 : memref<1x1x8x128xf32, #tpu.memory_space<vmem>>) dst(%dma_wait3A_1118 : memref<1x1x8x128xf32, #tpu.memory_space<hbm>>)
    %dma_wait3A_1124 = arith.constant 0 : i32
    %dma_wait3A_1125 = arith.constant 0 : i32
    %dma_wait3A_1126 = arith.constant 8 : i32
    %dma_wait3A_1127 = arith.constant 0 : i32
    %dma_wait3A_1128 = tpu.memref_slice %arg12[%dma_wait3A_1124, %dma_wait3A_1125, %dma_wait3A_1126, %dma_wait3A_1127] : memref<1x1x32x129xf32, #tpu.memory_space<vmem>> -> memref<1x1x8x128xf32, #tpu.memory_space<vmem>>
    %dma_wait3A_1129 = arith.constant 197 : i32
    %dma_wait3A_1130 = arith.constant 0 : i32
    %dma_wait3A_1131 = arith.constant 0 : i32
    %dma_wait3A_1132 = tpu.memref_slice %arg5[%dma_wait3A_1129, %add3A, %dma_wait3A_1130, %dma_wait3A_1131] : memref<200x32x8x128xf32, #tpu.memory_space<hbm>> -> memref<1x1x8x128xf32, #tpu.memory_space<hbm>>
    %dma_wait3A_1133 = arith.constant 197 : i32
    %dma_wait3A_1134 = arith.constant 0 : i32
    %dma_wait3A_1135 = arith.constant 0 : i32
    %dma_wait3A_1136 = tpu.memref_slice %arg5[%dma_wait3A_1133, %add3A, %dma_wait3A_1134, %dma_wait3A_1135] : memref<200x32x8x128xf32, #tpu.memory_space<hbm>> -> memref<1x1x8x128xf32, #tpu.memory_space<hbm>>
    %dma_wait3A_1137 = arith.constant 0 : i32
    %dma_wait3A_1138 = arith.constant 0 : i32
    %dma_wait3A_1139 = arith.constant 8 : i32
    %dma_wait3A_1140 = arith.constant 0 : i32
    %dma_wait3A_1141 = tpu.memref_slice %arg12[%dma_wait3A_1137, %dma_wait3A_1138, %dma_wait3A_1139, %dma_wait3A_1140] : memref<1x1x32x129xf32, #tpu.memory_space<vmem>> -> memref<1x1x8x128xf32, #tpu.memory_space<vmem>>
    tpu.wait_dma2 semaphore(%arg18 : memref<!tpu.dma_semaphore, #tpu.memory_space<semaphore_mem>>) src(%dma_wait3A_1141 : memref<1x1x8x128xf32, #tpu.memory_space<vmem>>) dst(%dma_wait3A_1136 : memref<1x1x8x128xf32, #tpu.memory_space<hbm>>)
    %dma_wait3A_1142 = arith.constant 0 : i32
    %dma_wait3A_1143 = arith.constant 0 : i32
    %dma_wait3A_1144 = arith.constant 16 : i32
    %dma_wait3A_1145 = arith.constant 0 : i32
    %dma_wait3A_1146 = tpu.memref_slice %arg12[%dma_wait3A_1142, %dma_wait3A_1143, %dma_wait3A_1144, %dma_wait3A_1145] : memref<1x1x32x129xf32, #tpu.memory_space<vmem>> -> memref<1x1x8x128xf32, #tpu.memory_space<vmem>>
    %dma_wait3A_1147 = arith.constant 198 : i32
    %dma_wait3A_1148 = arith.constant 0 : i32
    %dma_wait3A_1149 = arith.constant 0 : i32
    %dma_wait3A_1150 = tpu.memref_slice %arg5[%dma_wait3A_1147, %add3A, %dma_wait3A_1148, %dma_wait3A_1149] : memref<200x32x8x128xf32, #tpu.memory_space<hbm>> -> memref<1x1x8x128xf32, #tpu.memory_space<hbm>>
    %dma_wait3A_1151 = arith.constant 198 : i32
    %dma_wait3A_1152 = arith.constant 0 : i32
    %dma_wait3A_1153 = arith.constant 0 : i32
    %dma_wait3A_1154 = tpu.memref_slice %arg5[%dma_wait3A_1151, %add3A, %dma_wait3A_1152, %dma_wait3A_1153] : memref<200x32x8x128xf32, #tpu.memory_space<hbm>> -> memref<1x1x8x128xf32, #tpu.memory_space<hbm>>
    %dma_wait3A_1155 = arith.constant 0 : i32
    %dma_wait3A_1156 = arith.constant 0 : i32
    %dma_wait3A_1157 = arith.constant 16 : i32
    %dma_wait3A_1158 = arith.constant 0 : i32
    %dma_wait3A_1159 = tpu.memref_slice %arg12[%dma_wait3A_1155, %dma_wait3A_1156, %dma_wait3A_1157, %dma_wait3A_1158] : memref<1x1x32x129xf32, #tpu.memory_space<vmem>> -> memref<1x1x8x128xf32, #tpu.memory_space<vmem>>
    tpu.wait_dma2 semaphore(%arg18 : memref<!tpu.dma_semaphore, #tpu.memory_space<semaphore_mem>>) src(%dma_wait3A_1159 : memref<1x1x8x128xf32, #tpu.memory_space<vmem>>) dst(%dma_wait3A_1154 : memref<1x1x8x128xf32, #tpu.memory_space<hbm>>)
    %dma_wait3A_1160 = arith.constant 0 : i32
    %dma_wait3A_1161 = arith.constant 0 : i32
    %dma_wait3A_1162 = arith.constant 24 : i32
    %dma_wait3A_1163 = arith.constant 0 : i32
    %dma_wait3A_1164 = tpu.memref_slice %arg12[%dma_wait3A_1160, %dma_wait3A_1161, %dma_wait3A_1162, %dma_wait3A_1163] : memref<1x1x32x129xf32, #tpu.memory_space<vmem>> -> memref<1x1x8x128xf32, #tpu.memory_space<vmem>>
    %dma_wait3A_1165 = arith.constant 199 : i32
    %dma_wait3A_1166 = arith.constant 0 : i32
    %dma_wait3A_1167 = arith.constant 0 : i32
    %dma_wait3A_1168 = tpu.memref_slice %arg5[%dma_wait3A_1165, %add3A, %dma_wait3A_1166, %dma_wait3A_1167] : memref<200x32x8x128xf32, #tpu.memory_space<hbm>> -> memref<1x1x8x128xf32, #tpu.memory_space<hbm>>
    %dma_wait3A_1169 = arith.constant 199 : i32
    %dma_wait3A_1170 = arith.constant 0 : i32
    %dma_wait3A_1171 = arith.constant 0 : i32
    %dma_wait3A_1172 = tpu.memref_slice %arg5[%dma_wait3A_1169, %add3A, %dma_wait3A_1170, %dma_wait3A_1171] : memref<200x32x8x128xf32, #tpu.memory_space<hbm>> -> memref<1x1x8x128xf32, #tpu.memory_space<hbm>>
    %dma_wait3A_1173 = arith.constant 0 : i32
    %dma_wait3A_1174 = arith.constant 0 : i32
    %dma_wait3A_1175 = arith.constant 24 : i32
    %dma_wait3A_1176 = arith.constant 0 : i32
    %dma_wait3A_1177 = tpu.memref_slice %arg12[%dma_wait3A_1173, %dma_wait3A_1174, %dma_wait3A_1175, %dma_wait3A_1176] : memref<1x1x32x129xf32, #tpu.memory_space<vmem>> -> memref<1x1x8x128xf32, #tpu.memory_space<vmem>>
    tpu.wait_dma2 semaphore(%arg18 : memref<!tpu.dma_semaphore, #tpu.memory_space<semaphore_mem>>) src(%dma_wait3A_1177 : memref<1x1x8x128xf32, #tpu.memory_space<vmem>>) dst(%dma_wait3A_1172 : memref<1x1x8x128xf32, #tpu.memory_space<hbm>>)
    return
  }
}

</mosaic_0001>

<sc_bundles>
// kernel: kernel.3.cloned.1.call-start
scs
__scs_entry_jumppad:
0x0: {  	(pc) =	sbr.rel $0x88, $3  }
0x1: {  	(tag) =	ssettag $0x0;
	lr =	simm.s32 $0x1  }
0x2: {  	[smem:$0x3F9E] =	sst lr;
	_ =	strace $0xD0000000  }
0x3: {  	_ = 	snop  }
0x4: {  	_ = 	snop  }
0x5: {  	_ = 	snop  }
0x6: {  	_ = 	snop  }
0x7: {  	_ = 	snop  }
__scs_overlays_trampoline_lowered:
0x8: {  	[smem:$0x3FAD] =	sst s0  }
0x9: {  	[smem:$0x3FAE] =	sst s1  }
0xa: {  	[smem:$0x3FAF] =	sst s2  }
0xb: {  	[smem:$0x3FB0] =	sst s3  }
0xc: {  	[smem:$0x3FB1] =	sst s4  }
0xd: {  	[smem:$0x3FB2] =	sst s5  }
0xe: {  	[smem:$0x3FB3] =	sst s6  }
0xf: {  	[smem:$0x3FB4] =	sst s7  }
0x10: {  	[smem:$0x3FB5] =	sst s8  }
0x11: {  	[smem:$0x3FB6] =	sst s9;
	s0 =	simm.s32 @!p0 $0x0  }
0x12: {  	s1 =	sld [smem:$0x3F9C];
	s0 =	simm.s32 @p0 $0x1  }
0x13: {  	[smem:$0x3FB7] =	sst s0;
	s0 =	simm.s32 @!p1 $0x0  }
0x14: {  	s2 =	sld [smem:$0x3F9B];
	s0 =	simm.s32 @p1 $0x1  }
0x15: {  	[smem:$0x3FB8] =	sst s0;
	s0 =	simm.s32 @!p2 $0x0  }
0x16: {  	s3 =	sld [smem:$0x3FDB];
	s0 =	simm.s32 @p2 $0x1  }
0x17: {  	s4 =	simm.s32 $0x1BF5;
	[smem:$0x3FBA] =	sst s0  }
0x18: {  	s0 =	sld [smem:$0x3F9D];
	_ =	swait.ge [sflag:s4], $0x0  }
0x19: {  	s7 =	sld [smem:$0x3F9E]  }
0x1a: {  	s8 =	sadd.s32 $0xFFFFE003, lr  }
0x1b: {  	s9 =	sadd.s32 $0xFFFFFEF7, lr;
	s5 =	simm.s32 $0xFFFFFFFF;
	p2 =	slt.u32 s8, $0xFFFFF086  }
0x1c: {  	p1 =	slt.u32 s9, $0xF7A;
	s5 =	simm.s32 @!p2 $0x0  }
0x1d: {  	s5 =	simm.s32 @p1 $0x1;
	p0 =	seq.s32 s7, s2  }
0x1e: {  	s7 =	smul.u32 @!p0 $0xF7A, s2;
	p2 =	seq.s32 @!p0 s5, $0x0  }
0x1f: {  	s9 =	smul.u32 $0xF7A, s1;
	s8 =	simm.s32 @!p0 $0x1BF5;
	p2 =	por !p2, p0  }
0x20: {  	[sflag:s8] =	ssyncset.s32 @!p0 $0xFFFFF086;
	s6 =	sadd.s32 @!p0 s3, s7;
	s7 =	simm.s32 @!p0 $0x108  }
0x21: {  	s3 =	sadd.s32 s3, s9;
	s6 =	sadd.s32 @!p0 $0x88, s6;
	s7 =	simm.s32 @p2 $0x1082  }
0x22: {  	[simem:s7], [sflag:s8] =	dma.local @!p0 [hbm:s6], $0xF7A  }
0x23: {  	s9 =	sor.u32 $0xD0000000, s2;
	s6 =	simm.s32 $0x108;
	_ =	swait.ge @!p0 [sflag:s8], $0x0  }
0x24: {  	s3 =	sadd.s32 $0x88, s3;
	s6 =	simm.s32 @!p1 $0x1082;
	[sflag:s4] =	ssyncset.s32 $0xFFFFF086  }
0x25: {  	[simem:s6], [sflag:s4] =	dma.local [hbm:s3], $0xF7A  }
0x26: {  	[smem:$0x3F9E] =	sst s1;
	(tag) =	ssettag s2;
	_ =	strace s9  }
0x27: {  	s1 =	sld [smem:$0x3FAE]  }
0x28: {  	s2 =	sld [smem:$0x3FAF]  }
0x29: {  	s4 =	sld [smem:$0x3FB1]  }
0x2a: {  	p0 =	seq.s32 s5, $0x0;
	s5 =	sld [smem:$0x3FB2]  }
0x2b: {  	s6 =	sld [smem:$0x3FB3]  }
0x2c: {  	s7 =	sld [smem:$0x3FB4]  }
0x2d: {  	s3 =	simm.s32 $0x108;
	s8 =	sld [smem:$0x3FB5]  }
0x2e: {  	s3 =	simm.s32 @!p0 $0x1082;
	s9 =	sld [smem:$0x3FB6]  }
0x2f: {  	lr =	sadd.s32 s0, s3;
	s0 =	sld [smem:$0x3FAD]  }
0x30: {  	s3 =	sld [smem:$0x3FB0]  }
0x31: {  	[smem:$0x3FB9] =	sst s10  }
0x32: {  	s10 =	sld [smem:$0x3FB7];
	_ =	sdelay $0x3  }
0x33: {  	p0 =	seq.s32 s10, $0x1;
	s10 =	sld [smem:$0x3FB9];
	_ =	sdelay $0x3  }
0x34: {  	[smem:$0x3FB9] =	sst s10  }
0x35: {  	s10 =	sld [smem:$0x3FB8];
	_ =	sdelay $0x3  }
0x36: {  	p1 =	seq.s32 s10, $0x1;
	s10 =	sld [smem:$0x3FB9];
	_ =	sdelay $0x3  }
0x37: {  	[smem:$0x3FB9] =	sst s10  }
0x38: {  	s10 =	sld [smem:$0x3FBA]  }
0x39: {  	_ = 	snop;
	(pc) =	sbr.ind lr, $3  }
0x3a: {  	_ = 	snop  }
0x3b: {  	_ = 	snop  }
0x3c: {  	p2 =	seq.s32 s10, $0x1;
	s10 =	sld [smem:$0x3FB9]  }
0x3d: {  	_ =	shalt  }
0x3e: {  	_ =	shalt  }
0x3f: {  	_ =	shalt  }
0x40: {  	_ =	shalt  }
0x41: {  	_ =	shalt  }
0x42: {  	_ =	shalt  }
0x43: {  	_ =	shalt  }
0x44: {  	_ =	shalt  }
0x45: {  	_ =	shalt  }
0x46: {  	_ =	shalt  }
0x47: {  	_ =	shalt  }
0x48: {  	_ =	shalt  }
0x49: {  	_ =	shalt  }
0x4a: {  	_ =	shalt  }
0x4b: {  	_ =	shalt  }
0x4c: {  	_ =	shalt  }
0x4d: {  	_ =	shalt  }
0x4e: {  	_ =	shalt  }
0x4f: {  	_ =	shalt  }
0x50: {  	_ =	shalt  }
0x51: {  	_ =	shalt  }
0x52: {  	_ =	shalt  }
0x53: {  	_ =	shalt  }
0x54: {  	_ =	shalt  }
0x55: {  	_ =	shalt  }
0x56: {  	_ =	shalt  }
0x57: {  	_ =	shalt  }
0x58: {  	_ =	shalt  }
0x59: {  	_ =	shalt  }
0x5a: {  	_ =	shalt  }
0x5b: {  	_ =	shalt  }
0x5c: {  	_ =	shalt  }
0x5d: {  	_ =	shalt  }
0x5e: {  	_ =	shalt  }
0x5f: {  	_ =	shalt  }
0x60: {  	_ =	shalt  }
0x61: {  	_ =	shalt  }
0x62: {  	_ =	shalt  }
0x63: {  	_ =	shalt  }
0x64: {  	_ =	shalt  }
0x65: {  	_ =	shalt  }
0x66: {  	_ =	shalt  }
0x67: {  	_ =	shalt  }
0x68: {  	_ =	shalt  }
0x69: {  	_ =	shalt  }
0x6a: {  	_ =	shalt  }
0x6b: {  	_ =	shalt  }
0x6c: {  	_ =	shalt  }
0x6d: {  	_ =	shalt  }
0x6e: {  	_ =	shalt  }
0x6f: {  	_ =	shalt  }
0x70: {  	_ =	shalt  }
0x71: {  	_ =	shalt  }
0x72: {  	_ =	shalt  }
0x73: {  	_ =	shalt  }
0x74: {  	_ =	shalt  }
0x75: {  	_ =	shalt  }
0x76: {  	_ =	shalt  }
0x77: {  	_ =	shalt  }
0x78: {  	_ =	shalt  }
0x79: {  	_ =	shalt  }
0x7a: {  	_ =	shalt  }
0x7b: {  	_ =	shalt  }
0x7c: {  	_ =	shalt  }
0x7d: {  	_ =	shalt  }
0x7e: {  	_ =	shalt  }
0x7f: {  	_ =	shalt  }
0x80: {  	_ =	shalt  }
0x81: {  	_ =	shalt  }
0x82: {  	_ =	shalt  }
0x83: {  	_ =	shalt  }
0x84: {  	_ =	shalt  }
0x85: {  	_ =	shalt  }
0x86: {  	_ =	shalt  }
0x87: {  	_ =	shalt  }
.Lfunc_end0:
.L_simem_size_0:
called_computation_lowered:
.L_overlay_start_0:
0x88: {  	s2 =	sld [smem:$0x3FD9]  }
0x89: {  	s3 =	sld [smem:$0x3FFE];
	_ =	sdelay $0x1  }
0x8a: {  	s1 =	srdreg.scid  }
0x8b: {  	s0 =	sand.u32 $0x1, s1  }
0x8c: {  	s17 =	sshll.u32 s0, $0xA;
	s2 =	sadd.s32 s3, s2  }
0x8d: {  	s2 =	sadd.s32 s2, s17  }
0x8e: {  	[smem:$0x3FC5] =	sst s2  }
0x8f: {  	_ = 	snop  }
0x90: {  	s2 =	sld [smem:$0x3FD0];
	(tm) =	ssettm $0x1  }
0x91: {  	s18 =	sld [smem:$0x3FFB];
	_ =	sdelay $0x3  }
0x92: {  	_ =	strace s18  }
0x93: {  	s3 =	sld [smem:$0x3FFC];
	_ =	sdelay $0x3  }
0x94: {  	_ =	strace s3  }
0x95: {  	s3 =	sld [smem:$0x3FFD];
	_ =	sdelay $0x3  }
0x96: {  	_ =	strace s3  }
0x97: {  	_ =	strace $0x8FFFFFFF  }
0x98: {  	s19 =	sld [smem:$0x3FDB];
	_ =	sdelay $0x1  }
0x99: {  	s4 =	simm.s32 $_scs_section_size  }
0x9a: {  	s5 =	simm.s32 $_size__tile_overlayer_lowered;
	s6 =	simm.s32 $_tile_overlayer_lowered  }
0x9b: {  	s22 =	simm.s32 $0x1BFF;
	s21 =	sshll.u32 s6, $0x1;
	s3 =	sadd.s32 s4, s19  }
0x9c: {  	s7 =	simm.s32 $0x0;
	s20 =	sshll.u32 s5, $0x1;
	s5 =	sadd.s32 s21, s3  }
0x9d: {  	[timem:s7], [sflag:s22] =	dma.local [hbm:s5], s20  }
0x9e: {  	_ =	swait.ge [sflag:s22], s20  }
0x9f: {  	s4 =	ssub.s32 $0x0, s20;
	[sflag:s22] =	ssyncset.done $0x0  }
0xa0: {  	[sflag:s22] =	ssyncadd.s32 s4;
	_ =	sdelay $0x1  }
0xa1: {  	s23 =	simm.s32 $0x1B8B  }
0xa2: {  	_ =	swait.ge [sflag:s23], $0x1  }
0xa3: {  	[sflag:s23] =	ssyncset.done $0x0  }
0xa4: {  	s25 =	simm.s32 $0x1B8E;
	s24 =	sld [smem:$0x3FFE];
	[sflag:s23] =	ssyncadd.s32 $0xFFFFFFFF  }
0xa5: {  	s26 =	simm.s32 $execute0_lowered;
	[smem:$0x3FD2] =	sst s25  }
0xa6: {  	s5 =	sshll.u32 s26, $0x1;
	_ =	strace $0x80000046;
	[dreg:$0x1] =	wrdreg $0xFFFFFFFF  }
0xa7: {  	s28 =	simm.s32 $_size_execute0_lowered;
	s3 =	sadd.s32 s3, s5;
	[dreg:$0x0] =	wrdreg $0x0  }
0xa8: {  	s5 =	sshll.u32 s28, $0x1;
	[dreg:$0x2] =	wrdreg s3  }
0xa9: {  	[dreg:$0x3] =	wrdreg s5  }
0xaa: {  	[dreg:$0x4] =	wrdreg $0xC0  }
0xab: {  	_ =	task [dreg:s7], $0x5FFFF  }
0xac: {  	[dreg:$0x1] =	wrdreg $0xFFFFFFFF  }
0xad: {  	[dreg:$0x0] =	wrdreg $0x60  }
0xae: {  	[dreg:$0x2] =	wrdreg s24  }
0xaf: {  	[dreg:$0x3] =	wrdreg s2  }
0xb0: {  	[dreg:$0x4] =	wrdreg $0x9  }
0xb1: {  	_ =	task.clear_ibuf [dreg:s7], $0x5FFFF;
	_ =	strace $0x90000046  }
0xb2: {  	s29 =	simm.s32 $0x9;
	_ =	strace $0x80000048  }
0xb3: {  	_ =	swait.ge [sflag:s29], $0x1  }
0xb4: {  	[sflag:s29] =	ssyncadd.s32 $0xFFFFFFFF  }
0xb5: {  	_ =	strace $0x90000048  }
0xb6: {  	_ =	sfence  }
0xb7: {  	s30 =	sld [smem:$0x0];
	_ =	sdelay $0x2  }
0xb8: {  	s31 =	sshll.u32 s1, $0xD;
	s1 =	sshrl.u32 s1, $0x2  }
0xb9: {  	s3 =	sand.u32 $0x4000, s31;
	s1 =	sadd.s32 s1, s30  }
0xba: {  	s0 =	sor.u32 s3, s0;
	s1 =	sshll.u32 s1, $0x11  }
0xbb: {  	s0 =	sor.u32 s1, s0  }
0xbc: {  	s0 =	sadd.s32 $0x8F2B, s0  }
0xbd: {  	[sflag:s0] =	ssyncadd.remote.s32 $0x1  }
0xbe: {  	_ =	sfence.sel $0xFFFF  }
0xbf: {  	[dreg:$0x0] =	wrdreg $0xFFFFFFFF;
	(pc) =	sbr.abs _section_cstart, $3  }
0xc0: {  	[dreg:$0x1] =	wrdreg $0xFFFFFFFF  }
0xc1: {  	_ =	task.clear_ibuf [dreg:s7], $0x2FFFF;
	_ =	strace $0x9FFFFFFF  }
0xc2: {  	(tm) =	ssettm $0x7FFFFFFF  }
0xc3: {  	_ =	shalt  }
tec
execute0_lowered:
.L_overlay_start_1:
0x0: {  	(tag) =	ssettag $0x1  }
0x1: {  	v0 =	vlaneseq.u32  }
0x2: {  	v1 =	vmul.u32 $0x198, v0;
	_ =	sdelay $0x1  }
0x3: {  	v2 =	vadd.s32 $0x32, v1;
	v9 =	vadd.s32 $0x1980, v1  }
0x4: {  	s0 =	srdreg.scid;
	s2 =	stileid.u32;
	v17 =	vadd.s32 $0x3300, v1;
	v18 =	vadd.s32 $0x3332, v1;
	v19 =	vadd.s32 $0x3364, v1  }
0x5: {  	s0 =	sand.u32 $0x1, s0;
	s3 =	sshll.u32 s2, $0x1;
	v20 =	vadd.s32 $0x3396, v1;
	v21 =	vadd.s32 $0x33C8, v1;
	v22 =	vadd.s32 $0x33FA, v1  }
0x6: {  	s1 =	rddreg [dreg:$0x0];
	s5 =	sor.u32 s0, s3;
	s3 =	simm.s32 $0x0;
	v23 =	vadd.s32 $0x342C, v1;
	v24 =	vadd.s32 $0x345E, v1;
	v25 =	vadd.s32 $0x4C80, v1  }
0x7: {  	[smem:$0x7FF] =	sst s3;
	v26 =	vadd.s32 $0x4CB2, v1;
	v27 =	vadd.s32 $0x4CE4, v1;
	v28 =	vadd.s32 $0x4D16, v1  }
0x8: {  	s2 =	rddreg [dreg:$0x1];
	v29 =	vadd.s32 $0x4D48, v1;
	v30 =	vadd.s32 $0x4D7A, v1;
	_ =	strace $0x80000047;
	[tilespmem:$0x1FF20] =	vst v2;
	v2 =	vadd.s32 $0x64, v1  }
0x9: {  	v31 =	vadd.s32 $0x4DAC, v1;
	v32 =	vadd.s32 $0x4DDE, v1;
	[tilespmem:$0x1FF30] =	vst v2;
	v2 =	vadd.s32 $0x96, v1  }
0xa: {  	v33 =	vadd.s32 $0x6600, v1;
	v34 =	vadd.s32 $0x6632, v1;
	[tilespmem:$0x1FF40] =	vst v2;
	v2 =	vadd.s32 $0xC8, v1  }
0xb: {  	v35 =	vadd.s32 $0x6664, v1;
	v36 =	vadd.s32 $0x6696, v1;
	[tilespmem:$0x1FF50] =	vst v2;
	v2 =	vadd.s32 $0xFA, v1  }
0xc: {  	s15 =	simm.s32 $0x80;
	s26 =	simm.s32 $0x2;
	s28 =	simm.s32 $0x1D400;
	v37 =	vadd.s32 $0x66C8, v1;
	v38 =	vadd.s32 $0x66FA, v1;
	[tilespmem:$0x1FF60] =	vst v2;
	v2 =	vadd.s32 $0x12C, v1  }
0xd: {  	s17 =	simm.s32 $0x3;
	s19 =	simm.s32 $0x1E500;
	s29 =	simm.s32 $0x1F1C0;
	v39 =	vadd.s32 $0x672C, v1;
	v40 =	vadd.s32 $0x675E, v1;
	[tilespmem:$0x1FF70] =	vst v2;
	v2 =	vadd.s32 $0x15E, v1  }
0xe: {  	s18 =	simm.s32 $0x5;
	s30 =	simm.s32 $0x1F248;
	s31 =	simm.s32 $0x1F2D0;
	v41 =	vadd.s32 $0x7F80, v1;
	v42 =	vadd.s32 $0x7FB2, v1;
	[tilespmem:$0x1FF80] =	vst v2;
	v2 =	vadd.s32 $0x19B2, v1  }
0xf: {  	s12 =	simm.s32 $0x1F468;
	s11 =	simm.s32 $0x1F578;
	s14 =	simm.s32 $0x0;
	v43 =	vadd.s32 $0x7FE4, v1;
	v44 =	vadd.s32 $0x8016, v1;
	[tilespmem:$0x1FF90] =	vst v2;
	v2 =	vadd.s32 $0x19E4, v1  }
0x10: {  	s0 =	ssub.s32 $0x2, s0;
	s8 =	sadd.s32 $0x1000, s2;
	s9 =	sadd.s32 $0x2000, s2;
	v45 =	vadd.s32 $0x8048, v1;
	v46 =	vadd.s32 $0x807A, v1;
	[tilespmem:$0x1FFA0] =	vst v2;
	v2 =	vadd.s32 $0x1A16, v1  }
0x11: {  	s10 =	sadd.s32 $0x3000, s2;
	s4 =	smul.u32 $0x1900, s5;
	s7 =	sshrl.u32 s0, $0x1;
	v47 =	vadd.s32 $0x80AC, v1;
	v48 =	vadd.s32 $0x80DE, v1;
	[tilespmem:$0x1FFB0] =	vst v2;
	v2 =	vadd.s32 $0x1A48, v1  }
0x12: {  	v49 =	vadd.s32 $0x9900, v1;
	v50 =	vadd.s32 $0x9932, v1;
	s0 =	ssub.s32 s0, s7;
	s7 =	sshll.u32 s5, $0xA;
	s5 =	simm.s32 $0x1F4F0;
	[tilespmem:$0x1FFC0] =	vst v2;
	v2 =	vadd.s32 $0x1A7A, v1  }
0x13: {  	v51 =	vadd.s32 $0x9964, v1;
	s6 =	sadd.s32 s4, s1;
	s4 =	sadd.s32 $0xC35800, s1;
	s1 =	sadd.s32 $0x32800, s1;
	[tilespmem:$0x1FFD0] =	vst v2;
	v2 =	vadd.s32 $0x1AAC, v1  }
0x14: {  	v52 =	vadd.s32 $0x9996, v1;
	v53 =	vadd.s32 $0x99C8, v1;
	s0 =	smax.u32 s0, $0x1;
	[dreg:$0x3] =	wrdreg s1;
	s6 =	sadd.s32 $0x800, s6;
	[tilespmem:$0x1FFE0] =	vst v2;
	v2 =	vadd.s32 $0x1ADE, v1  }
0x15: {  	v54 =	vadd.s32 $0x99FA, v1;
	v55 =	vadd.s32 $0x9A2C, v1;
	v56 =	vadd.s32 $0x9A5E, v1;
	[dreg:$0x4] =	wrdreg s0;
	s1 =	simm.s32 $0x1F358;
	s0 =	simm.s32 $0x1F3E0;
	[tilespmem:$0x1FFF0] =	vst v2  }
.LBB2_1:
0x16: {  	[dreg:$0x5] =	wrdreg s14  }
0x17: {  	s13 =	rddreg [dreg:$0x3];
	s24 =	simm.s32 $0x1F600;
	s25 =	simm.s32 $0x6  }
0x18: {  	[tilespmem:s24], [sflag:$0x6] =	stream.linear.gather [hbm4b:s13+s3], $0x80, $0x38;
	[tilespmem:$0x1F680] =	vst v63  }
0x19: {  	_ =	swait.ge [sflag:s25], $0x80  }
0x1a: {  	[sflag:s25] =	ssyncset.done $0x0  }
0x1b: {  	[sflag:s25] =	ssyncadd.s32 $0xFFFFFF80  }
0x1c: {  	v57 =	vld [tilespmem:$0x1F600]  }
0x1d: {  	v58 =	vld [tilespmem:$0x1F610]  }
0x1e: {  	v59 =	vld [tilespmem:$0x1F620]  }
0x1f: {  	v60 =	vld [tilespmem:$0x1F630]  }
0x20: {  	v61 =	vld [tilespmem:$0x1F640]  }
0x21: {  	v62 =	vld [tilespmem:$0x1F650]  }
0x22: {  	s20 =	sadd.s32 $0x0, s6;
	v63 =	vld [tilespmem:$0x1F660]  }
0x23: {  	s14 =	simm.s32 $0x198;
	s16 =	simm.s32 $0x0;
	s13 =	simm.s32 $0x32;
	v2 =	vld [tilespmem:$0x1F670]  }
.LBB2_2:
0x24: {  	[tilespmem:s16], [sflag:$0x1] =	stream.linear.gather [hbm4b:s20+s3], $0x190, $0x38;
	[tilespmem:$0x1F680] =	vst v63  }
0x25: {  	s20 =	smov.u32 s13;
	s16 =	smov.u32 s14;
	p0 =	sne.s32 s13, $0x18CE  }
.Ltmp0:
0x26: {  	s13 =	sadd.s32 $0x32, s13;
	(pc) =	sbr.rel @p0 .LBB2_2-.Ltmp0, $2  }
0x27: {  	_ =	sdelay $0x2  }
0x28: {  	s14 =	sadd.s32 $0x198, s14;
	s20 =	sadd.s32 s20, s6  }
0x29: {  	[tilespmem:s16], [sflag:$0x1] =	stream.linear.gather [hbm4b:s20+s3], $0x190, $0x38;
	[tilespmem:$0x1F680] =	vst v63  }
0x2a: {  	s13 =	simm.s32 $0x1  }
0x2b: {  	_ =	swait.ge [sflag:s13], $0xC800  }
0x2c: {  	[sflag:s13] =	ssyncset.done $0x0  }
0x2d: {  	[sflag:s13] =	ssyncadd.s32 $0xFFFF3800;
	s13 =	simm.s32 $0x0  }
0x2e: {  	v3 =	vld.idx.msk [tilespmem:v1+s13+$0x0], $0xffff;
	_ =	sdelay $0x4  }
0x2f: {  	[tilespmem:$0xCC00] =	vst v3;
	v3 =	vld [tilespmem:$0x1FF20];
	_ =	sdelay $0x7  }
0x30: {  	v3 =	vld.idx.msk [tilespmem:v3+s13+$0x0], $0xffff;
	_ =	sdelay $0x4  }
0x31: {  	v3 =	vadd.s32 $0x186A0, v3  }
0x32: {  	[tilespmem:$0xCC10] =	vst v3;
	v3 =	vld [tilespmem:$0x1FF30];
	_ =	sdelay $0x7  }
0x33: {  	v3 =	vld.idx.msk [tilespmem:v3+s13+$0x0], $0xffff;
	_ =	sdelay $0x4  }
0x34: {  	v3 =	vadd.s32 $0x30D40, v3  }
0x35: {  	[tilespmem:$0xCC20] =	vst v3;
	v3 =	vld [tilespmem:$0x1FF40];
	_ =	sdelay $0x7  }
0x36: {  	v3 =	vld.idx.msk [tilespmem:v3+s13+$0x0], $0xffff;
	_ =	sdelay $0x4  }
0x37: {  	v3 =	vadd.s32 $0x493E0, v3  }
0x38: {  	[tilespmem:$0xCC30] =	vst v3;
	v3 =	vld [tilespmem:$0x1FF50];
	_ =	sdelay $0x7  }
0x39: {  	v3 =	vld.idx.msk [tilespmem:v3+s13+$0x0], $0xffff;
	_ =	sdelay $0x4  }
0x3a: {  	v3 =	vadd.s32 $0x61A80, v3  }
0x3b: {  	[tilespmem:$0xCC40] =	vst v3;
	v3 =	vld [tilespmem:$0x1FF60];
	_ =	sdelay $0x7  }
0x3c: {  	v3 =	vld.idx.msk [tilespmem:v3+s13+$0x0], $0xffff;
	_ =	sdelay $0x4  }
0x3d: {  	v3 =	vadd.s32 $0x7A120, v3  }
0x3e: {  	[tilespmem:$0xCC50] =	vst v3;
	v3 =	vld [tilespmem:$0x1FF70];
	_ =	sdelay $0x7  }
0x3f: {  	v3 =	vld.idx.msk [tilespmem:v3+s13+$0x0], $0xffff;
	_ =	sdelay $0x4  }
0x40: {  	v3 =	vadd.s32 $0x927C0, v3  }
0x41: {  	[tilespmem:$0xCC60] =	vst v3;
	v3 =	vld [tilespmem:$0x1FF80];
	_ =	sdelay $0x7  }
0x42: {  	v3 =	vld.idx.msk [tilespmem:v3+s13+$0x0], $0xffff;
	_ =	sdelay $0x4  }
0x43: {  	v3 =	vadd.s32 $0xAAE60, v3  }
0x44: {  	[tilespmem:$0xCC70] =	vst v3  }
0x45: {  	v3 =	vld.idx.msk [tilespmem:v9+s13+$0x0], $0xffff;
	_ =	sdelay $0x4  }
0x46: {  	[tilespmem:$0xCC80] =	vst v3;
	v3 =	vld [tilespmem:$0x1FF90];
	_ =	sdelay $0x7  }
0x47: {  	v3 =	vld.idx.msk [tilespmem:v3+s13+$0x0], $0xffff;
	_ =	sdelay $0x4  }
0x48: {  	v3 =	vadd.s32 $0x186A0, v3  }
0x49: {  	[tilespmem:$0xCC90] =	vst v3;
	v3 =	vld [tilespmem:$0x1FFA0];
	_ =	sdelay $0x7  }
0x4a: {  	v3 =	vld.idx.msk [tilespmem:v3+s13+$0x0], $0xffff;
	_ =	sdelay $0x4  }
0x4b: {  	v3 =	vadd.s32 $0x30D40, v3  }
0x4c: {  	[tilespmem:$0xCCA0] =	vst v3;
	v3 =	vld [tilespmem:$0x1FFB0];
	_ =	sdelay $0x7  }
0x4d: {  	v3 =	vld.idx.msk [tilespmem:v3+s13+$0x0], $0xffff;
	_ =	sdelay $0x4  }
0x4e: {  	v3 =	vadd.s32 $0x493E0, v3  }
0x4f: {  	[tilespmem:$0xCCB0] =	vst v3;
	v3 =	vld [tilespmem:$0x1FFC0];
	_ =	sdelay $0x7  }
0x50: {  	v3 =	vld.idx.msk [tilespmem:v3+s13+$0x0], $0xffff;
	_ =	sdelay $0x4  }
0x51: {  	v3 =	vadd.s32 $0x61A80, v3  }
0x52: {  	[tilespmem:$0xCCC0] =	vst v3;
	v3 =	vld [tilespmem:$0x1FFD0];
	_ =	sdelay $0x7  }
0x53: {  	v3 =	vld.idx.msk [tilespmem:v3+s13+$0x0], $0xffff;
	_ =	sdelay $0x4  }
0x54: {  	v3 =	vadd.s32 $0x7A120, v3  }
0x55: {  	[tilespmem:$0xCCD0] =	vst v3;
	v3 =	vld [tilespmem:$0x1FFE0];
	_ =	sdelay $0x7  }
0x56: {  	v3 =	vld.idx.msk [tilespmem:v3+s13+$0x0], $0xffff;
	_ =	sdelay $0x4  }
0x57: {  	v3 =	vadd.s32 $0x927C0, v3  }
0x58: {  	[tilespmem:$0xCCE0] =	vst v3;
	v3 =	vld [tilespmem:$0x1FFF0];
	_ =	sdelay $0x7  }
0x59: {  	v3 =	vld.idx.msk [tilespmem:v3+s13+$0x0], $0xffff;
	_ =	sdelay $0x4  }
0x5a: {  	v3 =	vadd.s32 $0xAAE60, v3  }
0x5b: {  	[tilespmem:$0xCCF0] =	vst v3  }
0x5c: {  	v3 =	vld.idx.msk [tilespmem:v17+s13+$0x0], $0xffff;
	_ =	sdelay $0x4  }
0x5d: {  	[tilespmem:$0xCD00] =	vst v3  }
0x5e: {  	v3 =	vld.idx.msk [tilespmem:v18+s13+$0x0], $0xffff;
	_ =	sdelay $0x4  }
0x5f: {  	v3 =	vadd.s32 $0x186A0, v3  }
0x60: {  	[tilespmem:$0xCD10] =	vst v3  }
0x61: {  	v3 =	vld.idx.msk [tilespmem:v19+s13+$0x0], $0xffff;
	_ =	sdelay $0x4  }
0x62: {  	v3 =	vadd.s32 $0x30D40, v3  }
0x63: {  	[tilespmem:$0xCD20] =	vst v3  }
0x64: {  	v3 =	vld.idx.msk [tilespmem:v20+s13+$0x0], $0xffff;
	_ =	sdelay $0x4  }
0x65: {  	v3 =	vadd.s32 $0x493E0, v3  }
0x66: {  	[tilespmem:$0xCD30] =	vst v3  }
0x67: {  	v3 =	vld.idx.msk [tilespmem:v21+s13+$0x0], $0xffff;
	_ =	sdelay $0x4  }
0x68: {  	v3 =	vadd.s32 $0x61A80, v3  }
0x69: {  	[tilespmem:$0xCD40] =	vst v3  }
0x6a: {  	v3 =	vld.idx.msk [tilespmem:v22+s13+$0x0], $0xffff;
	_ =	sdelay $0x4  }
0x6b: {  	v3 =	vadd.s32 $0x7A120, v3  }
0x6c: {  	[tilespmem:$0xCD50] =	vst v3  }
0x6d: {  	v3 =	vld.idx.msk [tilespmem:v23+s13+$0x0], $0xffff;
	_ =	sdelay $0x4  }
0x6e: {  	v3 =	vadd.s32 $0x927C0, v3  }
0x6f: {  	[tilespmem:$0xCD60] =	vst v3  }
0x70: {  	v3 =	vld.idx.msk [tilespmem:v24+s13+$0x0], $0xffff;
	_ =	sdelay $0x4  }
0x71: {  	v3 =	vadd.s32 $0xAAE60, v3  }
0x72: {  	[tilespmem:$0xCD70] =	vst v3  }
0x73: {  	v3 =	vld.idx.msk [tilespmem:v25+s13+$0x0], $0xffff;
	_ =	sdelay $0x4  }
0x74: {  	[tilespmem:$0xCD80] =	vst v3  }
0x75: {  	v3 =	vld.idx.msk [tilespmem:v26+s13+$0x0], $0xffff;
	_ =	sdelay $0x4  }
0x76: {  	v3 =	vadd.s32 $0x186A0, v3  }
0x77: {  	[tilespmem:$0xCD90] =	vst v3  }
0x78: {  	v3 =	vld.idx.msk [tilespmem:v27+s13+$0x0], $0xffff;
	_ =	sdelay $0x4  }
0x79: {  	v3 =	vadd.s32 $0x30D40, v3  }
0x7a: {  	[tilespmem:$0xCDA0] =	vst v3  }
0x7b: {  	v3 =	vld.idx.msk [tilespmem:v28+s13+$0x0], $0xffff;
	_ =	sdelay $0x4  }
0x7c: {  	v3 =	vadd.s32 $0x493E0, v3  }
0x7d: {  	[tilespmem:$0xCDB0] =	vst v3  }
0x7e: {  	v3 =	vld.idx.msk [tilespmem:v29+s13+$0x0], $0xffff;
	_ =	sdelay $0x4  }
0x7f: {  	v3 =	vadd.s32 $0x61A80, v3  }
0x80: {  	[tilespmem:$0xCDC0] =	vst v3  }
0x81: {  	v3 =	vld.idx.msk [tilespmem:v30+s13+$0x0], $0xffff;
	_ =	sdelay $0x4  }
0x82: {  	v3 =	vadd.s32 $0x7A120, v3  }
0x83: {  	[tilespmem:$0xCDD0] =	vst v3  }
0x84: {  	v3 =	vld.idx.msk [tilespmem:v31+s13+$0x0], $0xffff;
	_ =	sdelay $0x4  }
0x85: {  	v3 =	vadd.s32 $0x927C0, v3  }
0x86: {  	[tilespmem:$0xCDE0] =	vst v3  }
0x87: {  	v3 =	vld.idx.msk [tilespmem:v32+s13+$0x0], $0xffff;
	_ =	sdelay $0x4  }
0x88: {  	v3 =	vadd.s32 $0xAAE60, v3  }
0x89: {  	[tilespmem:$0xCDF0] =	vst v3  }
0x8a: {  	v3 =	vld.idx.msk [tilespmem:v33+s13+$0x0], $0xffff;
	_ =	sdelay $0x4  }
0x8b: {  	[tilespmem:$0xCE00] =	vst v3  }
0x8c: {  	v3 =	vld.idx.msk [tilespmem:v34+s13+$0x0], $0xffff;
	_ =	sdelay $0x4  }
0x8d: {  	v3 =	vadd.s32 $0x186A0, v3  }
0x8e: {  	[tilespmem:$0xCE10] =	vst v3  }
0x8f: {  	v3 =	vld.idx.msk [tilespmem:v35+s13+$0x0], $0xffff;
	_ =	sdelay $0x4  }
0x90: {  	v3 =	vadd.s32 $0x30D40, v3  }
0x91: {  	[tilespmem:$0xCE20] =	vst v3  }
0x92: {  	v3 =	vld.idx.msk [tilespmem:v36+s13+$0x0], $0xffff;
	_ =	sdelay $0x4  }
0x93: {  	v3 =	vadd.s32 $0x493E0, v3  }
0x94: {  	[tilespmem:$0xCE30] =	vst v3  }
0x95: {  	v3 =	vld.idx.msk [tilespmem:v37+s13+$0x0], $0xffff;
	_ =	sdelay $0x4  }
0x96: {  	v3 =	vadd.s32 $0x61A80, v3  }
0x97: {  	[tilespmem:$0xCE40] =	vst v3  }
0x98: {  	v3 =	vld.idx.msk [tilespmem:v38+s13+$0x0], $0xffff;
	_ =	sdelay $0x4  }
0x99: {  	v3 =	vadd.s32 $0x7A120, v3  }
0x9a: {  	[tilespmem:$0xCE50] =	vst v3  }
0x9b: {  	v3 =	vld.idx.msk [tilespmem:v39+s13+$0x0], $0xffff;
	_ =	sdelay $0x4  }
0x9c: {  	v3 =	vadd.s32 $0x927C0, v3  }
0x9d: {  	[tilespmem:$0xCE60] =	vst v3  }
0x9e: {  	v3 =	vld.idx.msk [tilespmem:v40+s13+$0x0], $0xffff;
	_ =	sdelay $0x4  }
0x9f: {  	v3 =	vadd.s32 $0xAAE60, v3  }
0xa0: {  	[tilespmem:$0xCE70] =	vst v3  }
0xa1: {  	v3 =	vld.idx.msk [tilespmem:v41+s13+$0x0], $0xffff;
	_ =	sdelay $0x4  }
0xa2: {  	[tilespmem:$0xCE80] =	vst v3  }
0xa3: {  	v3 =	vld.idx.msk [tilespmem:v42+s13+$0x0], $0xffff;
	_ =	sdelay $0x4  }
0xa4: {  	v3 =	vadd.s32 $0x186A0, v3  }
0xa5: {  	[tilespmem:$0xCE90] =	vst v3  }
0xa6: {  	v3 =	vld.idx.msk [tilespmem:v43+s13+$0x0], $0xffff;
	_ =	sdelay $0x4  }
0xa7: {  	v3 =	vadd.s32 $0x30D40, v3  }
0xa8: {  	[tilespmem:$0xCEA0] =	vst v3  }
0xa9: {  	v3 =	vld.idx.msk [tilespmem:v44+s13+$0x0], $0xffff;
	_ =	sdelay $0x4  }
0xaa: {  	v3 =	vadd.s32 $0x493E0, v3  }
0xab: {  	[tilespmem:$0xCEB0] =	vst v3  }
0xac: {  	v3 =	vld.idx.msk [tilespmem:v45+s13+$0x0], $0xffff;
	_ =	sdelay $0x4  }
0xad: {  	v3 =	vadd.s32 $0x61A80, v3  }
0xae: {  	[tilespmem:$0xCEC0] =	vst v3  }
0xaf: {  	v3 =	vld.idx.msk [tilespmem:v46+s13+$0x0], $0xffff;
	_ =	sdelay $0x4  }
0xb0: {  	v3 =	vadd.s32 $0x7A120, v3  }
0xb1: {  	[tilespmem:$0xCED0] =	vst v3  }
0xb2: {  	v3 =	vld.idx.msk [tilespmem:v47+s13+$0x0], $0xffff;
	_ =	sdelay $0x4  }
0xb3: {  	v3 =	vadd.s32 $0x927C0, v3  }
0xb4: {  	[tilespmem:$0xCEE0] =	vst v3  }
0xb5: {  	v3 =	vld.idx.msk [tilespmem:v48+s13+$0x0], $0xffff;
	_ =	sdelay $0x4  }
0xb6: {  	v3 =	vadd.s32 $0xAAE60, v3  }
0xb7: {  	[tilespmem:$0xCEF0] =	vst v3  }
0xb8: {  	v3 =	vld.idx.msk [tilespmem:v49+s13+$0x0], $0xffff;
	_ =	sdelay $0x4  }
0xb9: {  	[tilespmem:$0xCF00] =	vst v3  }
0xba: {  	v3 =	vld.idx.msk [tilespmem:v50+s13+$0x0], $0xffff;
	_ =	sdelay $0x4  }
0xbb: {  	v3 =	vadd.s32 $0x186A0, v3  }
0xbc: {  	[tilespmem:$0xCF10] =	vst v3  }
0xbd: {  	v3 =	vld.idx.msk [tilespmem:v51+s13+$0x0], $0xffff;
	_ =	sdelay $0x4  }
0xbe: {  	v3 =	vadd.s32 $0x30D40, v3  }
0xbf: {  	[tilespmem:$0xCF20] =	vst v3  }
0xc0: {  	v3 =	vld.idx.msk [tilespmem:v52+s13+$0x0], $0xffff;
	_ =	sdelay $0x4  }
0xc1: {  	v3 =	vadd.s32 $0x493E0, v3  }
0xc2: {  	[tilespmem:$0xCF30] =	vst v3  }
0xc3: {  	v3 =	vld.idx.msk [tilespmem:v53+s13+$0x0], $0xffff;
	_ =	sdelay $0x4  }
0xc4: {  	v3 =	vadd.s32 $0x61A80, v3  }
0xc5: {  	[tilespmem:$0xCF40] =	vst v3  }
0xc6: {  	v3 =	vld.idx.msk [tilespmem:v54+s13+$0x0], $0xffff;
	_ =	sdelay $0x4  }
0xc7: {  	v3 =	vadd.s32 $0x7A120, v3  }
0xc8: {  	[tilespmem:$0xCF50] =	vst v3  }
0xc9: {  	v3 =	vld.idx.msk [tilespmem:v55+s13+$0x0], $0xffff;
	_ =	sdelay $0x4  }
0xca: {  	v3 =	vadd.s32 $0x927C0, v3  }
0xcb: {  	[tilespmem:$0xCF60] =	vst v3  }
0xcc: {  	v4 =	vld.idx.msk [tilespmem:v56+s13+$0x0], $0xffff;
	_ =	sdelay $0x1  }
0xcd: {  	v3 =	vadd.s32 $0xB280, v1;
	_ =	sdelay $0x2  }
0xce: {  	v4 =	vadd.s32 $0xAAE60, v4  }
0xcf: {  	[tilespmem:$0xCF70] =	vst v4  }
0xd0: {  	v4 =	vld.idx.msk [tilespmem:v3+s13+$0x0], $0xffff  }
0xd1: {  	v5 =	vadd.s32 $0xB2B2, v1;
	_ =	sdelay $0x3  }
0xd2: {  	[tilespmem:$0xCF80] =	vst v4  }
0xd3: {  	v4 =	vld.idx.msk [tilespmem:v5+s13+$0x0], $0xffff;
	_ =	sdelay $0x1  }
0xd4: {  	v5 =	vadd.s32 $0xB2E4, v1;
	_ =	sdelay $0x2  }
0xd5: {  	v4 =	vadd.s32 $0x186A0, v4  }
0xd6: {  	[tilespmem:$0xCF90] =	vst v4  }
0xd7: {  	v4 =	vld.idx.msk [tilespmem:v5+s13+$0x0], $0xffff;
	_ =	sdelay $0x1  }
0xd8: {  	v5 =	vadd.s32 $0xB316, v1;
	_ =	sdelay $0x2  }
0xd9: {  	v4 =	vadd.s32 $0x30D40, v4  }
0xda: {  	[tilespmem:$0xCFA0] =	vst v4  }
0xdb: {  	v4 =	vld.idx.msk [tilespmem:v5+s13+$0x0], $0xffff;
	_ =	sdelay $0x1  }
0xdc: {  	v5 =	vadd.s32 $0xB348, v1;
	_ =	sdelay $0x2  }
0xdd: {  	v4 =	vadd.s32 $0x493E0, v4  }
0xde: {  	[tilespmem:$0xCFB0] =	vst v4  }
0xdf: {  	v4 =	vld.idx.msk [tilespmem:v5+s13+$0x0], $0xffff;
	_ =	sdelay $0x1  }
0xe0: {  	v5 =	vadd.s32 $0xB37A, v1;
	_ =	sdelay $0x2  }
0xe1: {  	v4 =	vadd.s32 $0x61A80, v4  }
0xe2: {  	[tilespmem:$0xCFC0] =	vst v4  }
0xe3: {  	v4 =	vld.idx.msk [tilespmem:v5+s13+$0x0], $0xffff;
	_ =	sdelay $0x1  }
0xe4: {  	v5 =	vadd.s32 $0xB3AC, v1;
	_ =	sdelay $0x2  }
0xe5: {  	v4 =	vadd.s32 $0x7A120, v4  }
0xe6: {  	[tilespmem:$0xCFD0] =	vst v4  }
0xe7: {  	v4 =	vld.idx.msk [tilespmem:v5+s13+$0x0], $0xffff;
	_ =	sdelay $0x1  }
0xe8: {  	v5 =	vadd.s32 $0xB3DE, v1;
	_ =	sdelay $0x2  }
0xe9: {  	v4 =	vadd.s32 $0x927C0, v4  }
0xea: {  	[tilespmem:$0xCFE0] =	vst v4  }
0xeb: {  	v4 =	vld.idx.msk [tilespmem:v5+s13+$0x0], $0xffff;
	_ =	sdelay $0x4  }
0xec: {  	v4 =	vadd.s32 $0xAAE60, v4  }
0xed: {  	s14 =	simm.s32 $0xCC00;
	s23 =	simm.s32 $0xD400;
	[tilespmem:$0xCFF0] =	vst v4  }
0xee: {  	[tilespmem:s23], [sflag:$0x2] =	stream.indirect.gather [hbm4b:s4+s15], $0x20, s14, s15, $0xb8;
	[tilespmem:$0x1F680] =	vst v63  }
0xef: {  	s24 =	simm.s32 $0xCC80;
	s25 =	simm.s32 $0xE400  }
0xf0: {  	[tilespmem:s25], [sflag:$0x2] =	stream.indirect.gather [hbm4b:s4+s15], $0x20, s24, s15, $0xb8;
	[tilespmem:$0x1F680] =	vst v63  }
0xf1: {  	s20 =	simm.s32 $0xCD00;
	s21 =	simm.s32 $0xF400  }
0xf2: {  	[tilespmem:s21], [sflag:$0x2] =	stream.indirect.gather [hbm4b:s4+s15], $0x20, s20, s15, $0xb8;
	[tilespmem:$0x1F680] =	vst v63  }
0xf3: {  	s22 =	simm.s32 $0xCD80;
	s23 =	simm.s32 $0x10400  }
0xf4: {  	[tilespmem:s23], [sflag:$0x2] =	stream.indirect.gather [hbm4b:s4+s15], $0x20, s22, s15, $0xb8;
	[tilespmem:$0x1F680] =	vst v63  }
0xf5: {  	s24 =	simm.s32 $0xCE00;
	s25 =	simm.s32 $0x11400  }
0xf6: {  	[tilespmem:s25], [sflag:$0x2] =	stream.indirect.gather [hbm4b:s4+s15], $0x20, s24, s15, $0xb8;
	[tilespmem:$0x1F680] =	vst v63  }
0xf7: {  	s20 =	simm.s32 $0xCE80;
	s21 =	simm.s32 $0x12400  }
0xf8: {  	[tilespmem:s21], [sflag:$0x2] =	stream.indirect.gather [hbm4b:s4+s15], $0x20, s20, s15, $0xb8;
	[tilespmem:$0x1F680] =	vst v63  }
0xf9: {  	s22 =	simm.s32 $0xCF00;
	s23 =	simm.s32 $0x13400  }
0xfa: {  	[tilespmem:s23], [sflag:$0x2] =	stream.indirect.gather [hbm4b:s4+s15], $0x20, s22, s15, $0xb8;
	[tilespmem:$0x1F680] =	vst v63  }
0xfb: {  	s14 =	simm.s32 $0x0;
	s24 =	simm.s32 $0xCF80;
	s25 =	simm.s32 $0x14400  }
0xfc: {  	[tilespmem:s25], [sflag:$0x2] =	stream.indirect.gather [hbm4b:s4+s15], $0x20, s24, s15, $0xb8;
	[tilespmem:$0x1F680] =	vst v63  }
.LBB2_4:
0xfd: {  	s16 =	sshllo.u32 s14, $0x1  }
0xfe: {  	v4 =	vmov s16  }
0xff: {  	v4 =	vand.u32 $0x3F, v4  }
0x100: {  	v5 =	vadd.s32 v1, v4;
	_ =	sdelay $0x1  }
0x101: {  	s20 =	sshll.u32 s14, $0x1  }
0x102: {  	s21 =	sadd.s32 $0x33, s20  }
0x103: {  	v6 =	vmov s21  }
0x104: {  	v7 =	vld.idx.msk [tilespmem:v5+s3+$0x0], $0xffff;
	v5 =	vand.u32 $0x7F, v6  }
0x105: {  	v6 =	vadd.s32 v1, v5;
	_ =	sdelay $0x3  }
0x106: {  	s23 =	sadd.s32 $0x65, s20;
	[tilespmem:$0xD000] =	vst v7  }
0x107: {  	v7 =	vld.idx.msk [tilespmem:v6+s3+$0x0], $0xffff;
	v6 =	vmov s23  }
0x108: {  	v6 =	vand.u32 $0xFF, v6  }
0x109: {  	v8 =	vadd.s32 v1, v6;
	_ =	sdelay $0x2  }
0x10a: {  	v7 =	vadd.s32 $0x186A0, v7  }
0x10b: {  	s24 =	sadd.s32 $0x97, s20;
	[tilespmem:$0xD010] =	vst v7  }
0x10c: {  	v7 =	vmov s24;
	v8 =	vld.idx.msk [tilespmem:v8+s3+$0x0], $0xffff  }
0x10d: {  	v7 =	vand.u32 $0xFF, v7  }
0x10e: {  	v10 =	vadd.s32 v1, v7;
	_ =	sdelay $0x2  }
0x10f: {  	v8 =	vadd.s32 $0x30D40, v8  }
0x110: {  	s25 =	sadd.s32 $0xC9, s20;
	[tilespmem:$0xD020] =	vst v8  }
0x111: {  	v8 =	vmov s25;
	v10 =	vld.idx.msk [tilespmem:v10+s3+$0x0], $0xffff  }
0x112: {  	v8 =	vand.u32 $0x1FF, v8  }
0x113: {  	v11 =	vadd.s32 v1, v8;
	_ =	sdelay $0x2  }
0x114: {  	v10 =	vadd.s32 $0x493E0, v10  }
0x115: {  	s22 =	sadd.s32 $0xFB, s20;
	[tilespmem:$0xD030] =	vst v10  }
0x116: {  	v10 =	vmov s22;
	v11 =	vld.idx.msk [tilespmem:v11+s3+$0x0], $0xffff  }
0x117: {  	v10 =	vand.u32 $0x1FF, v10  }
0x118: {  	v12 =	vadd.s32 v1, v10;
	_ =	sdelay $0x2  }
0x119: {  	v11 =	vadd.s32 $0x61A80, v11  }
0x11a: {  	s23 =	sadd.s32 $0x12D, s20;
	[tilespmem:$0xD040] =	vst v11  }
0x11b: {  	v11 =	vmov s23;
	v12 =	vld.idx.msk [tilespmem:v12+s3+$0x0], $0xffff  }
0x11c: {  	v11 =	vand.u32 $0x17F, v11  }
0x11d: {  	v13 =	vadd.s32 v1, v11;
	_ =	sdelay $0x2  }
0x11e: {  	v12 =	vadd.s32 $0x7A120, v12  }
0x11f: {  	s24 =	sadd.s32 $0x15F, s20;
	[tilespmem:$0xD050] =	vst v12  }
0x120: {  	v12 =	vmov s24;
	v13 =	vld.idx.msk [tilespmem:v13+s3+$0x0], $0xffff  }
0x121: {  	v12 =	vand.u32 $0x1FF, v12  }
0x122: {  	v14 =	vadd.s32 v1, v12;
	_ =	sdelay $0x2  }
0x123: {  	v13 =	vadd.s32 $0x927C0, v13  }
0x124: {  	[tilespmem:$0xD060] =	vst v13  }
0x125: {  	v13 =	vld.idx.msk [tilespmem:v14+s3+$0x0], $0xffff;
	_ =	sdelay $0x1  }
0x126: {  	v14 =	vadd.s32 v9, v4;
	_ =	sdelay $0x2  }
0x127: {  	v13 =	vadd.s32 $0xAAE60, v13  }
0x128: {  	[tilespmem:$0xD070] =	vst v13  }
0x129: {  	v13 =	vld.idx.msk [tilespmem:v14+s3+$0x0], $0xffff  }
0x12a: {  	v14 =	vadd.s32 v9, v5;
	_ =	sdelay $0x3  }
0x12b: {  	[tilespmem:$0xD080] =	vst v13  }
0x12c: {  	v13 =	vld.idx.msk [tilespmem:v14+s3+$0x0], $0xffff;
	_ =	sdelay $0x1  }
0x12d: {  	v14 =	vadd.s32 v9, v6;
	_ =	sdelay $0x2  }
0x12e: {  	v13 =	vadd.s32 $0x186A0, v13  }
0x12f: {  	[tilespmem:$0xD090] =	vst v13  }
0x130: {  	v13 =	vld.idx.msk [tilespmem:v14+s3+$0x0], $0xffff;
	_ =	sdelay $0x1  }
0x131: {  	v14 =	vadd.s32 v9, v7;
	_ =	sdelay $0x2  }
0x132: {  	v13 =	vadd.s32 $0x30D40, v13  }
0x133: {  	[tilespmem:$0xD0A0] =	vst v13  }
0x134: {  	v13 =	vld.idx.msk [tilespmem:v14+s3+$0x0], $0xffff;
	_ =	sdelay $0x1  }
0x135: {  	v14 =	vadd.s32 v9, v8;
	_ =	sdelay $0x2  }
0x136: {  	v13 =	vadd.s32 $0x493E0, v13  }
0x137: {  	[tilespmem:$0xD0B0] =	vst v13  }
0x138: {  	v13 =	vld.idx.msk [tilespmem:v14+s3+$0x0], $0xffff;
	_ =	sdelay $0x1  }
0x139: {  	v14 =	vadd.s32 v9, v10;
	_ =	sdelay $0x2  }
0x13a: {  	v13 =	vadd.s32 $0x61A80, v13  }
0x13b: {  	[tilespmem:$0xD0C0] =	vst v13  }
0x13c: {  	v13 =	vld.idx.msk [tilespmem:v14+s3+$0x0], $0xffff;
	_ =	sdelay $0x1  }
0x13d: {  	v14 =	vadd.s32 v9, v11;
	_ =	sdelay $0x2  }
0x13e: {  	v13 =	vadd.s32 $0x7A120, v13  }
0x13f: {  	[tilespmem:$0xD0D0] =	vst v13  }
0x140: {  	v13 =	vld.idx.msk [tilespmem:v14+s3+$0x0], $0xffff;
	_ =	sdelay $0x1  }
0x141: {  	v14 =	vadd.s32 v9, v12;
	_ =	sdelay $0x2  }
0x142: {  	v13 =	vadd.s32 $0x927C0, v13  }
0x143: {  	[tilespmem:$0xD0E0] =	vst v13  }
0x144: {  	v13 =	vld.idx.msk [tilespmem:v14+s3+$0x0], $0xffff;
	_ =	sdelay $0x1  }
0x145: {  	v14 =	vadd.s32 v17, v4;
	_ =	sdelay $0x2  }
0x146: {  	v13 =	vadd.s32 $0xAAE60, v13  }
0x147: {  	[tilespmem:$0xD0F0] =	vst v13  }
0x148: {  	v13 =	vld.idx.msk [tilespmem:v14+s3+$0x0], $0xffff  }
0x149: {  	v14 =	vadd.s32 v17, v5;
	_ =	sdelay $0x3  }
0x14a: {  	[tilespmem:$0xD100] =	vst v13  }
0x14b: {  	v13 =	vld.idx.msk [tilespmem:v14+s3+$0x0], $0xffff;
	_ =	sdelay $0x1  }
0x14c: {  	v14 =	vadd.s32 v17, v6;
	_ =	sdelay $0x2  }
0x14d: {  	v13 =	vadd.s32 $0x186A0, v13  }
0x14e: {  	[tilespmem:$0xD110] =	vst v13  }
0x14f: {  	v13 =	vld.idx.msk [tilespmem:v14+s3+$0x0], $0xffff;
	_ =	sdelay $0x1  }
0x150: {  	v14 =	vadd.s32 v17, v7;
	_ =	sdelay $0x2  }
0x151: {  	v13 =	vadd.s32 $0x30D40, v13  }
0x152: {  	[tilespmem:$0xD120] =	vst v13  }
0x153: {  	v13 =	vld.idx.msk [tilespmem:v14+s3+$0x0], $0xffff;
	_ =	sdelay $0x1  }
0x154: {  	v14 =	vadd.s32 v17, v8;
	_ =	sdelay $0x2  }
0x155: {  	v13 =	vadd.s32 $0x493E0, v13  }
0x156: {  	[tilespmem:$0xD130] =	vst v13  }
0x157: {  	v13 =	vld.idx.msk [tilespmem:v14+s3+$0x0], $0xffff;
	_ =	sdelay $0x1  }
0x158: {  	v14 =	vadd.s32 v17, v10;
	_ =	sdelay $0x2  }
0x159: {  	v13 =	vadd.s32 $0x61A80, v13  }
0x15a: {  	[tilespmem:$0xD140] =	vst v13  }
0x15b: {  	v13 =	vld.idx.msk [tilespmem:v14+s3+$0x0], $0xffff;
	_ =	sdelay $0x1  }
0x15c: {  	v14 =	vadd.s32 v17, v11;
	_ =	sdelay $0x2  }
0x15d: {  	v13 =	vadd.s32 $0x7A120, v13  }
0x15e: {  	[tilespmem:$0xD150] =	vst v13  }
0x15f: {  	v13 =	vld.idx.msk [tilespmem:v14+s3+$0x0], $0xffff;
	_ =	sdelay $0x1  }
0x160: {  	v14 =	vadd.s32 v17, v12;
	_ =	sdelay $0x2  }
0x161: {  	v13 =	vadd.s32 $0x927C0, v13  }
0x162: {  	[tilespmem:$0xD160] =	vst v13  }
0x163: {  	v13 =	vld.idx.msk [tilespmem:v14+s3+$0x0], $0xffff;
	_ =	sdelay $0x1  }
0x164: {  	v14 =	vadd.s32 v25, v4;
	_ =	sdelay $0x2  }
0x165: {  	v13 =	vadd.s32 $0xAAE60, v13  }
0x166: {  	[tilespmem:$0xD170] =	vst v13  }
0x167: {  	v13 =	vld.idx.msk [tilespmem:v14+s3+$0x0], $0xffff  }
0x168: {  	v14 =	vadd.s32 v25, v5;
	_ =	sdelay $0x3  }
0x169: {  	[tilespmem:$0xD180] =	vst v13  }
0x16a: {  	v13 =	vld.idx.msk [tilespmem:v14+s3+$0x0], $0xffff;
	_ =	sdelay $0x1  }
0x16b: {  	v14 =	vadd.s32 v25, v6;
	_ =	sdelay $0x2  }
0x16c: {  	v13 =	vadd.s32 $0x186A0, v13  }
0x16d: {  	[tilespmem:$0xD190] =	vst v13  }
0x16e: {  	v13 =	vld.idx.msk [tilespmem:v14+s3+$0x0], $0xffff;
	_ =	sdelay $0x1  }
0x16f: {  	v14 =	vadd.s32 v25, v7;
	_ =	sdelay $0x2  }
0x170: {  	v13 =	vadd.s32 $0x30D40, v13  }
0x171: {  	[tilespmem:$0xD1A0] =	vst v13  }
0x172: {  	v13 =	vld.idx.msk [tilespmem:v14+s3+$0x0], $0xffff;
	_ =	sdelay $0x1  }
0x173: {  	v14 =	vadd.s32 v25, v8;
	_ =	sdelay $0x2  }
0x174: {  	v13 =	vadd.s32 $0x493E0, v13  }
0x175: {  	[tilespmem:$0xD1B0] =	vst v13  }
0x176: {  	v13 =	vld.idx.msk [tilespmem:v14+s3+$0x0], $0xffff;
	_ =	sdelay $0x1  }
0x177: {  	v14 =	vadd.s32 v25, v10;
	_ =	sdelay $0x2  }
0x178: {  	v13 =	vadd.s32 $0x61A80, v13  }
0x179: {  	[tilespmem:$0xD1C0] =	vst v13  }
0x17a: {  	v13 =	vld.idx.msk [tilespmem:v14+s3+$0x0], $0xffff;
	_ =	sdelay $0x1  }
0x17b: {  	v14 =	vadd.s32 v25, v11;
	_ =	sdelay $0x2  }
0x17c: {  	v13 =	vadd.s32 $0x7A120, v13  }
0x17d: {  	[tilespmem:$0xD1D0] =	vst v13  }
0x17e: {  	v13 =	vld.idx.msk [tilespmem:v14+s3+$0x0], $0xffff;
	_ =	sdelay $0x1  }
0x17f: {  	v14 =	vadd.s32 v25, v12;
	_ =	sdelay $0x2  }
0x180: {  	v13 =	vadd.s32 $0x927C0, v13  }
0x181: {  	[tilespmem:$0xD1E0] =	vst v13  }
0x182: {  	v13 =	vld.idx.msk [tilespmem:v14+s3+$0x0], $0xffff;
	_ =	sdelay $0x1  }
0x183: {  	v14 =	vadd.s32 v33, v4;
	_ =	sdelay $0x2  }
0x184: {  	v13 =	vadd.s32 $0xAAE60, v13  }
0x185: {  	[tilespmem:$0xD1F0] =	vst v13  }
0x186: {  	v13 =	vld.idx.msk [tilespmem:v14+s3+$0x0], $0xffff  }
0x187: {  	v14 =	vadd.s32 v33, v5;
	_ =	sdelay $0x3  }
0x188: {  	[tilespmem:$0xD200] =	vst v13  }
0x189: {  	v13 =	vld.idx.msk [tilespmem:v14+s3+$0x0], $0xffff;
	_ =	sdelay $0x1  }
0x18a: {  	v14 =	vadd.s32 v33, v6;
	_ =	sdelay $0x2  }
0x18b: {  	v13 =	vadd.s32 $0x186A0, v13  }
0x18c: {  	[tilespmem:$0xD210] =	vst v13  }
0x18d: {  	v13 =	vld.idx.msk [tilespmem:v14+s3+$0x0], $0xffff;
	_ =	sdelay $0x1  }
0x18e: {  	v14 =	vadd.s32 v33, v7;
	_ =	sdelay $0x2  }
0x18f: {  	v13 =	vadd.s32 $0x30D40, v13  }
0x190: {  	[tilespmem:$0xD220] =	vst v13  }
0x191: {  	v13 =	vld.idx.msk [tilespmem:v14+s3+$0x0], $0xffff;
	_ =	sdelay $0x1  }
0x192: {  	v14 =	vadd.s32 v33, v8;
	_ =	sdelay $0x2  }
0x193: {  	v13 =	vadd.s32 $0x493E0, v13  }
0x194: {  	[tilespmem:$0xD230] =	vst v13  }
0x195: {  	v13 =	vld.idx.msk [tilespmem:v14+s3+$0x0], $0xffff;
	_ =	sdelay $0x1  }
0x196: {  	v14 =	vadd.s32 v33, v10;
	_ =	sdelay $0x2  }
0x197: {  	v13 =	vadd.s32 $0x61A80, v13  }
0x198: {  	[tilespmem:$0xD240] =	vst v13  }
0x199: {  	v13 =	vld.idx.msk [tilespmem:v14+s3+$0x0], $0xffff;
	_ =	sdelay $0x1  }
0x19a: {  	v14 =	vadd.s32 v33, v11;
	_ =	sdelay $0x2  }
0x19b: {  	v13 =	vadd.s32 $0x7A120, v13  }
0x19c: {  	[tilespmem:$0xD250] =	vst v13  }
0x19d: {  	v13 =	vld.idx.msk [tilespmem:v14+s3+$0x0], $0xffff;
	_ =	sdelay $0x1  }
0x19e: {  	v14 =	vadd.s32 v33, v12;
	_ =	sdelay $0x2  }
0x19f: {  	v13 =	vadd.s32 $0x927C0, v13  }
0x1a0: {  	[tilespmem:$0xD260] =	vst v13  }
0x1a1: {  	v13 =	vld.idx.msk [tilespmem:v14+s3+$0x0], $0xffff;
	_ =	sdelay $0x1  }
0x1a2: {  	v14 =	vadd.s32 v41, v4;
	_ =	sdelay $0x2  }
0x1a3: {  	v13 =	vadd.s32 $0xAAE60, v13  }
0x1a4: {  	[tilespmem:$0xD270] =	vst v13  }
0x1a5: {  	v13 =	vld.idx.msk [tilespmem:v14+s3+$0x0], $0xffff  }
0x1a6: {  	v14 =	vadd.s32 v41, v5;
	_ =	sdelay $0x3  }
0x1a7: {  	[tilespmem:$0xD280] =	vst v13  }
0x1a8: {  	v13 =	vld.idx.msk [tilespmem:v14+s3+$0x0], $0xffff;
	_ =	sdelay $0x1  }
0x1a9: {  	v14 =	vadd.s32 v41, v6;
	_ =	sdelay $0x2  }
0x1aa: {  	v13 =	vadd.s32 $0x186A0, v13  }
0x1ab: {  	[tilespmem:$0xD290] =	vst v13  }
0x1ac: {  	v13 =	vld.idx.msk [tilespmem:v14+s3+$0x0], $0xffff;
	_ =	sdelay $0x1  }
0x1ad: {  	v14 =	vadd.s32 v41, v7;
	_ =	sdelay $0x2  }
0x1ae: {  	v13 =	vadd.s32 $0x30D40, v13  }
0x1af: {  	[tilespmem:$0xD2A0] =	vst v13  }
0x1b0: {  	v13 =	vld.idx.msk [tilespmem:v14+s3+$0x0], $0xffff;
	_ =	sdelay $0x1  }
0x1b1: {  	v14 =	vadd.s32 v41, v8;
	_ =	sdelay $0x2  }
0x1b2: {  	v13 =	vadd.s32 $0x493E0, v13  }
0x1b3: {  	[tilespmem:$0xD2B0] =	vst v13  }
0x1b4: {  	v13 =	vld.idx.msk [tilespmem:v14+s3+$0x0], $0xffff;
	_ =	sdelay $0x1  }
0x1b5: {  	v14 =	vadd.s32 v41, v10;
	_ =	sdelay $0x2  }
0x1b6: {  	v13 =	vadd.s32 $0x61A80, v13  }
0x1b7: {  	[tilespmem:$0xD2C0] =	vst v13  }
0x1b8: {  	v13 =	vld.idx.msk [tilespmem:v14+s3+$0x0], $0xffff;
	_ =	sdelay $0x1  }
0x1b9: {  	v14 =	vadd.s32 v41, v11;
	_ =	sdelay $0x2  }
0x1ba: {  	v13 =	vadd.s32 $0x7A120, v13  }
0x1bb: {  	[tilespmem:$0xD2D0] =	vst v13  }
0x1bc: {  	v13 =	vld.idx.msk [tilespmem:v14+s3+$0x0], $0xffff;
	_ =	sdelay $0x1  }
0x1bd: {  	v14 =	vadd.s32 v41, v12;
	_ =	sdelay $0x2  }
0x1be: {  	v13 =	vadd.s32 $0x927C0, v13  }
0x1bf: {  	[tilespmem:$0xD2E0] =	vst v13  }
0x1c0: {  	v13 =	vld.idx.msk [tilespmem:v14+s3+$0x0], $0xffff;
	_ =	sdelay $0x1  }
0x1c1: {  	v14 =	vadd.s32 v49, v4;
	_ =	sdelay $0x2  }
0x1c2: {  	v13 =	vadd.s32 $0xAAE60, v13  }
0x1c3: {  	[tilespmem:$0xD2F0] =	vst v13  }
0x1c4: {  	v13 =	vld.idx.msk [tilespmem:v14+s3+$0x0], $0xffff  }
0x1c5: {  	v14 =	vadd.s32 v49, v5;
	_ =	sdelay $0x3  }
0x1c6: {  	[tilespmem:$0xD300] =	vst v13  }
0x1c7: {  	v13 =	vld.idx.msk [tilespmem:v14+s3+$0x0], $0xffff;
	_ =	sdelay $0x1  }
0x1c8: {  	v14 =	vadd.s32 v49, v6;
	_ =	sdelay $0x2  }
0x1c9: {  	v13 =	vadd.s32 $0x186A0, v13  }
0x1ca: {  	[tilespmem:$0xD310] =	vst v13  }
0x1cb: {  	v13 =	vld.idx.msk [tilespmem:v14+s3+$0x0], $0xffff;
	_ =	sdelay $0x1  }
0x1cc: {  	v14 =	vadd.s32 v49, v7;
	_ =	sdelay $0x2  }
0x1cd: {  	v13 =	vadd.s32 $0x30D40, v13  }
0x1ce: {  	[tilespmem:$0xD320] =	vst v13  }
0x1cf: {  	v13 =	vld.idx.msk [tilespmem:v14+s3+$0x0], $0xffff;
	_ =	sdelay $0x1  }
0x1d0: {  	v14 =	vadd.s32 v49, v8;
	_ =	sdelay $0x2  }
0x1d1: {  	v13 =	vadd.s32 $0x493E0, v13  }
0x1d2: {  	[tilespmem:$0xD330] =	vst v13  }
0x1d3: {  	v13 =	vld.idx.msk [tilespmem:v14+s3+$0x0], $0xffff;
	_ =	sdelay $0x1  }
0x1d4: {  	v14 =	vadd.s32 v49, v10;
	_ =	sdelay $0x2  }
0x1d5: {  	v13 =	vadd.s32 $0x61A80, v13  }
0x1d6: {  	[tilespmem:$0xD340] =	vst v13  }
0x1d7: {  	v13 =	vld.idx.msk [tilespmem:v14+s3+$0x0], $0xffff;
	_ =	sdelay $0x1  }
0x1d8: {  	v14 =	vadd.s32 v49, v11;
	_ =	sdelay $0x2  }
0x1d9: {  	v13 =	vadd.s32 $0x7A120, v13  }
0x1da: {  	[tilespmem:$0xD350] =	vst v13  }
0x1db: {  	v13 =	vld.idx.msk [tilespmem:v14+s3+$0x0], $0xffff;
	_ =	sdelay $0x1  }
0x1dc: {  	v14 =	vadd.s32 v49, v12;
	_ =	sdelay $0x2  }
0x1dd: {  	v13 =	vadd.s32 $0x927C0, v13  }
0x1de: {  	[tilespmem:$0xD360] =	vst v13  }
0x1df: {  	v13 =	vld.idx.msk [tilespmem:v14+s3+$0x0], $0xffff;
	_ =	sdelay $0x1  }
0x1e0: {  	v4 =	vadd.s32 v3, v4;
	_ =	sdelay $0x2  }
0x1e1: {  	v13 =	vadd.s32 $0xAAE60, v13  }
0x1e2: {  	[tilespmem:$0xD370] =	vst v13  }
0x1e3: {  	v4 =	vld.idx.msk [tilespmem:v4+s3+$0x0], $0xffff  }
0x1e4: {  	v5 =	vadd.s32 v3, v5;
	_ =	sdelay $0x3  }
0x1e5: {  	[tilespmem:$0xD380] =	vst v4  }
0x1e6: {  	v4 =	vld.idx.msk [tilespmem:v5+s3+$0x0], $0xffff;
	_ =	sdelay $0x1  }
0x1e7: {  	v5 =	vadd.s32 v3, v6;
	_ =	sdelay $0x2  }
0x1e8: {  	v4 =	vadd.s32 $0x186A0, v4  }
0x1e9: {  	[tilespmem:$0xD390] =	vst v4  }
0x1ea: {  	v4 =	vld.idx.msk [tilespmem:v5+s3+$0x0], $0xffff;
	_ =	sdelay $0x1  }
0x1eb: {  	v5 =	vadd.s32 v3, v7;
	_ =	sdelay $0x2  }
0x1ec: {  	v4 =	vadd.s32 $0x30D40, v4  }
0x1ed: {  	[tilespmem:$0xD3A0] =	vst v4  }
0x1ee: {  	v4 =	vld.idx.msk [tilespmem:v5+s3+$0x0], $0xffff;
	_ =	sdelay $0x1  }
0x1ef: {  	v5 =	vadd.s32 v3, v8;
	_ =	sdelay $0x2  }
0x1f0: {  	v4 =	vadd.s32 $0x493E0, v4  }
0x1f1: {  	[tilespmem:$0xD3B0] =	vst v4  }
0x1f2: {  	v4 =	vld.idx.msk [tilespmem:v5+s3+$0x0], $0xffff;
	_ =	sdelay $0x1  }
0x1f3: {  	v5 =	vadd.s32 v3, v10;
	_ =	sdelay $0x2  }
0x1f4: {  	v4 =	vadd.s32 $0x61A80, v4  }
0x1f5: {  	[tilespmem:$0xD3C0] =	vst v4  }
0x1f6: {  	v4 =	vld.idx.msk [tilespmem:v5+s3+$0x0], $0xffff;
	_ =	sdelay $0x1  }
0x1f7: {  	v5 =	vadd.s32 v3, v11;
	_ =	sdelay $0x2  }
0x1f8: {  	v4 =	vadd.s32 $0x7A120, v4  }
0x1f9: {  	[tilespmem:$0xD3D0] =	vst v4  }
0x1fa: {  	v4 =	vld.idx.msk [tilespmem:v5+s3+$0x0], $0xffff;
	_ =	sdelay $0x1  }
0x1fb: {  	v5 =	vadd.s32 v3, v12;
	_ =	sdelay $0x2  }
0x1fc: {  	v4 =	vadd.s32 $0x927C0, v4  }
0x1fd: {  	[tilespmem:$0xD3E0] =	vst v4  }
0x1fe: {  	v4 =	vld.idx.msk [tilespmem:v5+s3+$0x0], $0xffff;
	_ =	sdelay $0x4  }
0x1ff: {  	v4 =	vadd.s32 $0xAAE60, v4  }
0x200: {  	s25 =	simm.s32 $0xD000;
	s22 =	simm.s32 $0x15400;
	[tilespmem:$0xD3F0] =	vst v4  }
0x201: {  	[tilespmem:s22], [sflag:$0x3] =	stream.indirect.gather [hbm4b:s4+s15], $0x20, s25, s15, $0xb8;
	[tilespmem:$0x1F680] =	vst v63  }
0x202: {  	s23 =	simm.s32 $0x16400;
	s22 =	simm.s32 $0xD080  }
0x203: {  	[tilespmem:s23], [sflag:$0x3] =	stream.indirect.gather [hbm4b:s4+s15], $0x20, s22, s15, $0xb8;
	[tilespmem:$0x1F680] =	vst v63  }
0x204: {  	s24 =	simm.s32 $0xD100;
	s25 =	simm.s32 $0x17400  }
0x205: {  	[tilespmem:s25], [sflag:$0x3] =	stream.indirect.gather [hbm4b:s4+s15], $0x20, s24, s15, $0xb8;
	[tilespmem:$0x1F680] =	vst v63  }
0x206: {  	s22 =	simm.s32 $0xD180;
	s23 =	simm.s32 $0x18400  }
0x207: {  	[tilespmem:s23], [sflag:$0x3] =	stream.indirect.gather [hbm4b:s4+s15], $0x20, s22, s15, $0xb8;
	[tilespmem:$0x1F680] =	vst v63  }
0x208: {  	s24 =	simm.s32 $0xD200;
	s25 =	simm.s32 $0x19400  }
0x209: {  	[tilespmem:s25], [sflag:$0x3] =	stream.indirect.gather [hbm4b:s4+s15], $0x20, s24, s15, $0xb8;
	[tilespmem:$0x1F680] =	vst v63  }
0x20a: {  	s22 =	simm.s32 $0xD280;
	s23 =	simm.s32 $0x1A400  }
0x20b: {  	[tilespmem:s23], [sflag:$0x3] =	stream.indirect.gather [hbm4b:s4+s15], $0x20, s22, s15, $0xb8;
	[tilespmem:$0x1F680] =	vst v63  }
0x20c: {  	s24 =	simm.s32 $0xD300;
	s25 =	simm.s32 $0x1B400  }
0x20d: {  	[tilespmem:s25], [sflag:$0x3] =	stream.indirect.gather [hbm4b:s4+s15], $0x20, s24, s15, $0xb8;
	[tilespmem:$0x1F680] =	vst v63  }
0x20e: {  	s23 =	simm.s32 $0xD380;
	s24 =	simm.s32 $0x1C400  }
0x20f: {  	[tilespmem:s24], [sflag:$0x3] =	stream.indirect.gather [hbm4b:s4+s15], $0x20, s23, s15, $0xb8;
	[tilespmem:$0x1F680] =	vst v63  }
0x210: {  	_ =	swait.ge [sflag:s26], $0x8000  }
0x211: {  	p0 =	seq.s32 s14, $0x0;
	[sflag:s26] =	ssyncset.done $0x0  }
0x212: {  	s21 =	simm.s32 @!p0 $0x4;
	[sflag:s26] =	ssyncadd.s32 $0xFFFF8000  }
0x213: {  	_ =	swait.ge @!p0 [sflag:s21], $0x400  }
0x214: {  	[sflag:s21] =	ssyncset.done @!p0 $0x0  }
0x215: {  	[sflag:s21] =	ssyncadd.s32 @!p0 $0xFFFFFC00  }
0x216: {  	_ =	swait.ge @!p0 [sflag:s21], $0x400  }
0x217: {  	[sflag:s21] =	ssyncset.done @!p0 $0x0  }
0x218: {  	[sflag:s21] =	ssyncadd.s32 @!p0 $0xFFFFFC00  }
0x219: {  	_ =	swait.ge @!p0 [sflag:s21], $0x400  }
0x21a: {  	[sflag:s21] =	ssyncset.done @!p0 $0x0  }
0x21b: {  	[sflag:s21] =	ssyncadd.s32 @!p0 $0xFFFFFC00  }
0x21c: {  	s25 =	sand.u32 $0x380, s13;
	s23 =	sand.u32 $0xF, s13;
	_ =	swait.ge @!p0 [sflag:s21], $0x400  }
0x21d: {  	s22 =	sor.u32 s23, s25;
	[sflag:s21] =	ssyncset.done @!p0 $0x0  }
0x21e: {  	s22 =	sshll.u32 s22, $0x5;
	[sflag:s21] =	ssyncadd.s32 @!p0 $0xFFFFFC00  }
0x21f: {  	s24 =	simm.s32 $0x0;
	s23 =	simm.s32 $0x1;
	s21 =	simm.s32 $0x0;
	v6 =	vld [tilespmem:s22+$0xD410]  }
.LBB2_5:
0x220: {  	p1 =	sne.s32 s23, $0x7F;
	v4 =	vld [tilespmem:s22+$0xD400]  }
0x221: {  	v5 =	vld [tilespmem:s22+$0xD600]  }
0x222: {  	v7 =	vld [tilespmem:s22+$0xD610]  }
0x223: {  	v8 =	vld [tilespmem:s22+$0xD800]  }
0x224: {  	v10 =	vld [tilespmem:s22+$0xD810]  }
0x225: {  	v11 =	vld [tilespmem:s22+$0xDA00]  }
0x226: {  	v4 =	vmul.f32 v4, v57;
	v5 =	vmul.f32 v5, v58;
	v12 =	vld [tilespmem:s22+$0xDA10]  }
0x227: {  	v6 =	vmul.f32 v6, v57;
	v7 =	vmul.f32 v7, v58;
	v13 =	vld [tilespmem:s22+$0xDC00]  }
0x228: {  	v4 =	vadd.f32 v5, v4;
	v5 =	vmul.f32 v8, v59;
	v8 =	vld [tilespmem:s22+$0xDC10]  }
0x229: {  	v6 =	vadd.f32 v7, v6;
	v7 =	vmul.f32 v10, v59;
	v10 =	vld [tilespmem:s22+$0xDE00]  }
0x22a: {  	v4 =	vadd.f32 v5, v4;
	v5 =	vmul.f32 v11, v60;
	v11 =	vld [tilespmem:s22+$0xDE10]  }
0x22b: {  	v6 =	vadd.f32 v7, v6;
	v7 =	vmul.f32 v12, v60;
	v12 =	vld [tilespmem:s22+$0xE000]  }
0x22c: {  	v4 =	vadd.f32 v5, v4;
	v5 =	vmul.f32 v13, v61;
	v13 =	vld [tilespmem:s22+$0xE010]  }
0x22d: {  	v14 =	vmov s21;
	s21 =	smov.u32 s23;
	v6 =	vadd.f32 v7, v6;
	v7 =	vmul.f32 v8, v61;
	v8 =	vld [tilespmem:s22+$0xE200]  }
0x22e: {  	v5 =	vadd.f32 v5, v4;
	v10 =	vmul.f32 v10, v62;
	v15 =	vld [tilespmem:s22+$0xE210];
	v4 =	vmul.u32 $0x88, v0  }
0x22f: {  	v6 =	vadd.f32 v7, v6;
	v7 =	vmul.f32 v11, v62;
	v11 =	vand.u32 $0x7F, v14  }
0x230: {  	v10 =	vadd.f32 v10, v5;
	v12 =	vmul.f32 v12, v63;
	v14 =	vadd.s32 v4, v11  }
0x231: {  	v5 =	vadd.s32 $0x880, v4;
	v6 =	vadd.f32 v7, v6;
	v7 =	vmul.f32 v13, v63  }
0x232: {  	v11 =	vadd.s32 v5, v11;
	v10 =	vadd.f32 v12, v10;
	v8 =	vmul.f32 v8, v2  }
0x233: {  	v6 =	vadd.f32 v7, v6;
	v7 =	vmul.f32 v15, v2  }
.Ltmp1:
0x234: {  	s24 =	sadd.s32 $0x8, s24;
	v8 =	vadd.f32 v8, v10;
	(pc) =	sbr.rel @p1 .LBB2_5-.Ltmp1, $4  }
0x235: {  	s25 =	sand.u32 $0xF, s23;
	s22 =	sand.u32 $0x380, s24;
	v6 =	vadd.f32 v7, v6  }
0x236: {  	s22 =	sor.u32 s25, s22;
	[tilespmem:v14+s28+$0x0] =	vst.idx.msk $0xffff, v8  }
0x237: {  	s22 =	sshll.u32 s22, $0x5;
	[tilespmem:v11+s28+$0x0] =	vst.idx.msk $0xffff, v6  }
0x238: {  	s23 =	sadd.s32 $0x1, s23;
	v6 =	vld [tilespmem:s22+$0xD410]  }
0x239: {  	v7 =	vld [tilespmem:s22+$0xD400]  }
0x23a: {  	v8 =	vld [tilespmem:s22+$0xD600]  }
0x23b: {  	v10 =	vld [tilespmem:s22+$0xD610]  }
0x23c: {  	v11 =	vld [tilespmem:s22+$0xD800]  }
0x23d: {  	v12 =	vld [tilespmem:s22+$0xD810]  }
0x23e: {  	v13 =	vld [tilespmem:s22+$0xDA00]  }
0x23f: {  	v14 =	vld [tilespmem:s22+$0xDA10];
	v7 =	vmul.f32 v7, v57;
	v8 =	vmul.f32 v8, v58  }
0x240: {  	v15 =	vld [tilespmem:s22+$0xDC00];
	v6 =	vmul.f32 v6, v57;
	v10 =	vmul.f32 v10, v58  }
0x241: {  	v7 =	vadd.f32 v8, v7;
	v8 =	vmul.f32 v11, v59;
	v11 =	vld [tilespmem:s22+$0xDC10]  }
0x242: {  	v6 =	vadd.f32 v10, v6;
	v10 =	vmul.f32 v12, v59;
	v12 =	vld [tilespmem:s22+$0xDE00]  }
0x243: {  	v7 =	vadd.f32 v8, v7;
	v8 =	vmul.f32 v13, v60;
	v13 =	vld [tilespmem:s22+$0xDE10]  }
0x244: {  	v6 =	vadd.f32 v10, v6;
	v10 =	vmul.f32 v14, v60;
	v14 =	vld [tilespmem:s22+$0xE000]  }
0x245: {  	v7 =	vadd.f32 v8, v7;
	v8 =	vmul.f32 v15, v61;
	v15 =	vld [tilespmem:s22+$0xE010]  }
0x246: {  	v6 =	vadd.f32 v10, v6;
	v10 =	vmul.f32 v11, v61;
	v11 =	vld [tilespmem:s22+$0xE200]  }
0x247: {  	v7 =	vadd.f32 v8, v7;
	v8 =	vmul.f32 v12, v62;
	v12 =	vld [tilespmem:s22+$0xE210]  }
0x248: {  	v16 =	vmov s21;
	v6 =	vadd.f32 v10, v6;
	v10 =	vmul.f32 v13, v62  }
0x249: {  	v13 =	vand.u32 $0x7F, v16;
	v7 =	vadd.f32 v8, v7;
	v8 =	vmul.f32 v14, v63  }
0x24a: {  	v14 =	vadd.s32 v4, v13;
	v6 =	vadd.f32 v10, v6;
	v10 =	vmul.f32 v15, v63  }
0x24b: {  	v7 =	vadd.f32 v8, v7;
	v8 =	vmul.f32 v11, v2;
	v11 =	vadd.s32 v5, v13  }
0x24c: {  	v6 =	vadd.f32 v10, v6;
	v10 =	vmul.f32 v12, v2  }
0x24d: {  	s23 =	sshll.u32 s14, $0x12;
	v7 =	vadd.f32 v8, v7  }
0x24e: {  	s21 =	sor.u32 s7, s23;
	v6 =	vadd.f32 v10, v6  }
0x24f: {  	s21 =	sshrl.u32 s21, $0x3;
	[tilespmem:v14+s28+$0x0] =	vst.idx.msk $0xffff, v7  }
0x250: {  	s22 =	sadd.s32 s2, s21;
	[tilespmem:v11+s28+$0x0] =	vst.idx.msk $0xffff, v6  }
0x251: {  	[hbm4b:s22+s3] =	stream.linear.scatter [tilespmem:s28], [sflag:$0x4], $0x80, $0x38;
	[tilespmem:$0x1F680] =	vst v63  }
0x252: {  	s24 =	simm.s32 $0x1D488;
	s23 =	sadd.s32 $0x10, s22  }
0x253: {  	[hbm4b:s23+s3] =	stream.linear.scatter [tilespmem:s24], [sflag:$0x4], $0x80, $0x38;
	[tilespmem:$0x1F680] =	vst v63  }
0x254: {  	s25 =	simm.s32 $0x1D510;
	s24 =	sadd.s32 $0x20, s22  }
0x255: {  	[hbm4b:s24+s3] =	stream.linear.scatter [tilespmem:s25], [sflag:$0x4], $0x80, $0x38;
	[tilespmem:$0x1F680] =	vst v63  }
0x256: {  	s24 =	sadd.s32 $0x30, s22;
	s25 =	simm.s32 $0x1D598  }
0x257: {  	[hbm4b:s24+s3] =	stream.linear.scatter [tilespmem:s25], [sflag:$0x4], $0x80, $0x38;
	[tilespmem:$0x1F680] =	vst v63  }
0x258: {  	s24 =	sadd.s32 $0x40, s22;
	s25 =	simm.s32 $0x1D620  }
0x259: {  	[hbm4b:s24+s3] =	stream.linear.scatter [tilespmem:s25], [sflag:$0x4], $0x80, $0x38;
	[tilespmem:$0x1F680] =	vst v63  }
0x25a: {  	s24 =	sadd.s32 $0x50, s22;
	s25 =	simm.s32 $0x1D6A8  }
0x25b: {  	[hbm4b:s24+s3] =	stream.linear.scatter [tilespmem:s25], [sflag:$0x4], $0x80, $0x38;
	[tilespmem:$0x1F680] =	vst v63  }
0x25c: {  	s24 =	sadd.s32 $0x60, s22;
	s25 =	simm.s32 $0x1D730  }
0x25d: {  	[hbm4b:s24+s3] =	stream.linear.scatter [tilespmem:s25], [sflag:$0x4], $0x80, $0x38;
	[tilespmem:$0x1F680] =	vst v63  }
0x25e: {  	s22 =	sadd.s32 $0x70, s22;
	s24 =	simm.s32 $0x1D7B8  }
0x25f: {  	[hbm4b:s22+s3] =	stream.linear.scatter [tilespmem:s24], [sflag:$0x4], $0x80, $0x38;
	[tilespmem:$0x1F680] =	vst v63  }
0x260: {  	s25 =	simm.s32 $0x1D840;
	s22 =	sadd.s32 s21, s8  }
0x261: {  	[hbm4b:s22+s3] =	stream.linear.scatter [tilespmem:s25], [sflag:$0x4], $0x80, $0x38;
	[tilespmem:$0x1F680] =	vst v63  }
0x262: {  	s24 =	sadd.s32 $0x10, s22;
	s25 =	simm.s32 $0x1D8C8  }
0x263: {  	[hbm4b:s24+s3] =	stream.linear.scatter [tilespmem:s25], [sflag:$0x4], $0x80, $0x38;
	[tilespmem:$0x1F680] =	vst v63  }
0x264: {  	s24 =	sadd.s32 $0x20, s22;
	s25 =	simm.s32 $0x1D950  }
0x265: {  	[hbm4b:s24+s3] =	stream.linear.scatter [tilespmem:s25], [sflag:$0x4], $0x80, $0x38;
	[tilespmem:$0x1F680] =	vst v63  }
0x266: {  	s24 =	sadd.s32 $0x30, s22;
	s25 =	simm.s32 $0x1D9D8  }
0x267: {  	[hbm4b:s24+s3] =	stream.linear.scatter [tilespmem:s25], [sflag:$0x4], $0x80, $0x38;
	[tilespmem:$0x1F680] =	vst v63  }
0x268: {  	s24 =	sadd.s32 $0x40, s22;
	s25 =	simm.s32 $0x1DA60  }
0x269: {  	[hbm4b:s24+s3] =	stream.linear.scatter [tilespmem:s25], [sflag:$0x4], $0x80, $0x38;
	[tilespmem:$0x1F680] =	vst v63  }
0x26a: {  	s24 =	sadd.s32 $0x50, s22;
	s25 =	simm.s32 $0x1DAE8  }
0x26b: {  	[hbm4b:s24+s3] =	stream.linear.scatter [tilespmem:s25], [sflag:$0x4], $0x80, $0x38;
	[tilespmem:$0x1F680] =	vst v63  }
0x26c: {  	s24 =	sadd.s32 $0x60, s22;
	s25 =	simm.s32 $0x1DB70  }
0x26d: {  	[hbm4b:s24+s3] =	stream.linear.scatter [tilespmem:s25], [sflag:$0x4], $0x80, $0x38;
	[tilespmem:$0x1F680] =	vst v63  }
0x26e: {  	s22 =	sadd.s32 $0x70, s22;
	s24 =	simm.s32 $0x1DBF8  }
0x26f: {  	[hbm4b:s22+s3] =	stream.linear.scatter [tilespmem:s24], [sflag:$0x4], $0x80, $0x38;
	[tilespmem:$0x1F680] =	vst v63  }
0x270: {  	s25 =	simm.s32 $0x1DC80;
	s22 =	sadd.s32 s21, s9  }
0x271: {  	[hbm4b:s22+s3] =	stream.linear.scatter [tilespmem:s25], [sflag:$0x4], $0x80, $0x38;
	[tilespmem:$0x1F680] =	vst v63  }
0x272: {  	s24 =	sadd.s32 $0x10, s22;
	s25 =	simm.s32 $0x1DD08  }
0x273: {  	[hbm4b:s24+s3] =	stream.linear.scatter [tilespmem:s25], [sflag:$0x4], $0x80, $0x38;
	[tilespmem:$0x1F680] =	vst v63  }
0x274: {  	s24 =	sadd.s32 $0x20, s22;
	s25 =	simm.s32 $0x1DD90  }
0x275: {  	[hbm4b:s24+s3] =	stream.linear.scatter [tilespmem:s25], [sflag:$0x4], $0x80, $0x38;
	[tilespmem:$0x1F680] =	vst v63  }
0x276: {  	s24 =	sadd.s32 $0x30, s22;
	s25 =	simm.s32 $0x1DE18  }
0x277: {  	[hbm4b:s24+s3] =	stream.linear.scatter [tilespmem:s25], [sflag:$0x4], $0x80, $0x38;
	[tilespmem:$0x1F680] =	vst v63  }
0x278: {  	s24 =	sadd.s32 $0x40, s22;
	s25 =	simm.s32 $0x1DEA0  }
0x279: {  	[hbm4b:s24+s3] =	stream.linear.scatter [tilespmem:s25], [sflag:$0x4], $0x80, $0x38;
	[tilespmem:$0x1F680] =	vst v63  }
0x27a: {  	s24 =	sadd.s32 $0x50, s22;
	s25 =	simm.s32 $0x1DF28  }
0x27b: {  	[hbm4b:s24+s3] =	stream.linear.scatter [tilespmem:s25], [sflag:$0x4], $0x80, $0x38;
	[tilespmem:$0x1F680] =	vst v63  }
0x27c: {  	s24 =	sadd.s32 $0x60, s22;
	s25 =	simm.s32 $0x1DFB0  }
0x27d: {  	[hbm4b:s24+s3] =	stream.linear.scatter [tilespmem:s25], [sflag:$0x4], $0x80, $0x38;
	[tilespmem:$0x1F680] =	vst v63  }
0x27e: {  	s22 =	sadd.s32 $0x70, s22;
	s25 =	simm.s32 $0x1E038  }
0x27f: {  	[hbm4b:s22+s3] =	stream.linear.scatter [tilespmem:s25], [sflag:$0x4], $0x80, $0x38;
	[tilespmem:$0x1F680] =	vst v63  }
0x280: {  	s23 =	simm.s32 $0x1E0C0;
	s21 =	sadd.s32 s21, s10  }
0x281: {  	[hbm4b:s21+s3] =	stream.linear.scatter [tilespmem:s23], [sflag:$0x4], $0x80, $0x38;
	[tilespmem:$0x1F680] =	vst v63  }
0x282: {  	s24 =	sadd.s32 $0x10, s21;
	s25 =	simm.s32 $0x1E148  }
0x283: {  	[hbm4b:s24+s3] =	stream.linear.scatter [tilespmem:s25], [sflag:$0x4], $0x80, $0x38;
	[tilespmem:$0x1F680] =	vst v63  }
0x284: {  	s24 =	sadd.s32 $0x20, s21;
	s25 =	simm.s32 $0x1E1D0  }
0x285: {  	[hbm4b:s24+s3] =	stream.linear.scatter [tilespmem:s25], [sflag:$0x4], $0x80, $0x38;
	[tilespmem:$0x1F680] =	vst v63  }
0x286: {  	s24 =	sadd.s32 $0x30, s21;
	s25 =	simm.s32 $0x1E258  }
0x287: {  	[hbm4b:s24+s3] =	stream.linear.scatter [tilespmem:s25], [sflag:$0x4], $0x80, $0x38;
	[tilespmem:$0x1F680] =	vst v63  }
0x288: {  	s24 =	sadd.s32 $0x40, s21;
	s25 =	simm.s32 $0x1E2E0  }
0x289: {  	[hbm4b:s24+s3] =	stream.linear.scatter [tilespmem:s25], [sflag:$0x4], $0x80, $0x38;
	[tilespmem:$0x1F680] =	vst v63  }
0x28a: {  	p1 =	sne.s32 s14, $0x18;
	s24 =	sadd.s32 $0x50, s21;
	s25 =	simm.s32 $0x1E368  }
0x28b: {  	[hbm4b:s24+s3] =	stream.linear.scatter [tilespmem:s25], [sflag:$0x4], $0x80, $0x38;
	[tilespmem:$0x1F680] =	vst v63  }
.Ltmp2:
0x28c: {  	_ = 	snop;
	(pc) =	sbr.rel @p1 .LBB2_8-.Ltmp2, $4  }
0x28d: {  	s23 =	sadd.s32 $0x60, s21;
	s24 =	simm.s32 $0x1E3F0  }
0x28e: {  	[hbm4b:s23+s3] =	stream.linear.scatter [tilespmem:s24], [sflag:$0x4], $0x80, $0x38;
	[tilespmem:$0x1F680] =	vst v63  }
0x28f: {  	s21 =	sadd.s32 $0x70, s21;
	s25 =	simm.s32 $0x1E478  }
0x290: {  	[hbm4b:s21+s3] =	stream.linear.scatter [tilespmem:s25], [sflag:$0x4], $0x80, $0x38;
	[tilespmem:$0x1F680] =	vst v63  }
.Ltmp3:
0x291: {  	(pc) =	sbr.rel .LBB2_9-.Ltmp3, $4  }
0x292: {  	_ = 	snop  }
0x293: {  	_ =	swait.ge [sflag:s17], $0x8000  }
0x294: {  	[sflag:s17] =	ssyncset.done $0x0  }
0x295: {  	[sflag:s17] =	ssyncadd.s32 $0xFFFF8000  }
.LBB2_8:
0x296: {  	s21 =	sadd.s32 $0x2, s20  }
0x297: {  	v6 =	vmov s21  }
0x298: {  	v6 =	vand.u32 $0x7E, v6  }
0x299: {  	v7 =	vadd.s32 v1, v6;
	_ =	sdelay $0x2  }
0x29a: {  	s24 =	sadd.s32 $0x34, s20  }
0x29b: {  	v8 =	vmov s24  }
0x29c: {  	v10 =	vld.idx.msk [tilespmem:v7+s3+$0x0], $0xffff;
	v7 =	vand.u32 $0x7E, v8  }
0x29d: {  	v8 =	vadd.s32 v1, v7;
	_ =	sdelay $0x3  }
0x29e: {  	s25 =	sadd.s32 $0x66, s20;
	[tilespmem:$0xCC00] =	vst v10  }
0x29f: {  	v10 =	vld.idx.msk [tilespmem:v8+s3+$0x0], $0xffff;
	v8 =	vmov s25  }
0x2a0: {  	v8 =	vand.u32 $0xFE, v8  }
0x2a1: {  	v11 =	vadd.s32 v1, v8;
	_ =	sdelay $0x2  }
0x2a2: {  	v10 =	vadd.s32 $0x186A0, v10  }
0x2a3: {  	s22 =	sadd.s32 $0x98, s20;
	[tilespmem:$0xCC10] =	vst v10  }
0x2a4: {  	v10 =	vmov s22;
	v11 =	vld.idx.msk [tilespmem:v11+s3+$0x0], $0xffff  }
0x2a5: {  	v10 =	vand.u32 $0xFE, v10  }
0x2a6: {  	v12 =	vadd.s32 v1, v10;
	_ =	sdelay $0x2  }
0x2a7: {  	v11 =	vadd.s32 $0x30D40, v11  }
0x2a8: {  	s23 =	sadd.s32 $0xCA, s20;
	[tilespmem:$0xCC20] =	vst v11  }
0x2a9: {  	v11 =	vmov s23;
	v12 =	vld.idx.msk [tilespmem:v12+s3+$0x0], $0xffff  }
0x2aa: {  	v11 =	vand.u32 $0x1FE, v11  }
0x2ab: {  	v13 =	vadd.s32 v1, v11;
	_ =	sdelay $0x2  }
0x2ac: {  	v12 =	vadd.s32 $0x493E0, v12  }
0x2ad: {  	s24 =	sadd.s32 $0xFC, s20;
	[tilespmem:$0xCC30] =	vst v12  }
0x2ae: {  	v12 =	vmov s24;
	v13 =	vld.idx.msk [tilespmem:v13+s3+$0x0], $0xffff  }
0x2af: {  	v12 =	vand.u32 $0x1FE, v12  }
0x2b0: {  	v14 =	vadd.s32 v1, v12;
	_ =	sdelay $0x2  }
0x2b1: {  	v13 =	vadd.s32 $0x61A80, v13  }
0x2b2: {  	s25 =	sadd.s32 $0x12E, s20;
	[tilespmem:$0xCC40] =	vst v13  }
0x2b3: {  	v13 =	vmov s25;
	v14 =	vld.idx.msk [tilespmem:v14+s3+$0x0], $0xffff  }
0x2b4: {  	v13 =	vand.u32 $0x17E, v13  }
0x2b5: {  	v15 =	vadd.s32 v1, v13;
	_ =	sdelay $0x2  }
0x2b6: {  	v14 =	vadd.s32 $0x7A120, v14  }
0x2b7: {  	s21 =	sadd.s32 $0x160, s20;
	[tilespmem:$0xCC50] =	vst v14  }
0x2b8: {  	v14 =	vmov s21;
	v15 =	vld.idx.msk [tilespmem:v15+s3+$0x0], $0xffff  }
0x2b9: {  	v14 =	vand.u32 $0x1FE, v14  }
0x2ba: {  	v16 =	vadd.s32 v1, v14;
	_ =	sdelay $0x2  }
0x2bb: {  	v15 =	vadd.s32 $0x927C0, v15  }
0x2bc: {  	[tilespmem:$0xCC60] =	vst v15  }
0x2bd: {  	v15 =	vld.idx.msk [tilespmem:v16+s3+$0x0], $0xffff;
	_ =	sdelay $0x1  }
0x2be: {  	v16 =	vadd.s32 v9, v6;
	_ =	sdelay $0x2  }
0x2bf: {  	v15 =	vadd.s32 $0xAAE60, v15  }
0x2c0: {  	[tilespmem:$0xCC70] =	vst v15  }
0x2c1: {  	v15 =	vld.idx.msk [tilespmem:v16+s3+$0x0], $0xffff  }
0x2c2: {  	v16 =	vadd.s32 v9, v7;
	_ =	sdelay $0x3  }
0x2c3: {  	[tilespmem:$0xCC80] =	vst v15  }
0x2c4: {  	v15 =	vld.idx.msk [tilespmem:v16+s3+$0x0], $0xffff;
	_ =	sdelay $0x1  }
0x2c5: {  	v16 =	vadd.s32 v9, v8;
	_ =	sdelay $0x2  }
0x2c6: {  	v15 =	vadd.s32 $0x186A0, v15  }
0x2c7: {  	[tilespmem:$0xCC90] =	vst v15  }
0x2c8: {  	v15 =	vld.idx.msk [tilespmem:v16+s3+$0x0], $0xffff;
	_ =	sdelay $0x1  }
0x2c9: {  	v16 =	vadd.s32 v9, v10;
	_ =	sdelay $0x2  }
0x2ca: {  	v15 =	vadd.s32 $0x30D40, v15  }
0x2cb: {  	[tilespmem:$0xCCA0] =	vst v15  }
0x2cc: {  	v15 =	vld.idx.msk [tilespmem:v16+s3+$0x0], $0xffff;
	_ =	sdelay $0x1  }
0x2cd: {  	v16 =	vadd.s32 v9, v11;
	_ =	sdelay $0x2  }
0x2ce: {  	v15 =	vadd.s32 $0x493E0, v15  }
0x2cf: {  	[tilespmem:$0xCCB0] =	vst v15  }
0x2d0: {  	v15 =	vld.idx.msk [tilespmem:v16+s3+$0x0], $0xffff;
	_ =	sdelay $0x1  }
0x2d1: {  	v16 =	vadd.s32 v9, v12;
	_ =	sdelay $0x2  }
0x2d2: {  	v15 =	vadd.s32 $0x61A80, v15  }
0x2d3: {  	[tilespmem:$0xCCC0] =	vst v15  }
0x2d4: {  	v15 =	vld.idx.msk [tilespmem:v16+s3+$0x0], $0xffff;
	_ =	sdelay $0x1  }
0x2d5: {  	v16 =	vadd.s32 v9, v13;
	_ =	sdelay $0x2  }
0x2d6: {  	v15 =	vadd.s32 $0x7A120, v15  }
0x2d7: {  	[tilespmem:$0xCCD0] =	vst v15  }
0x2d8: {  	v15 =	vld.idx.msk [tilespmem:v16+s3+$0x0], $0xffff;
	_ =	sdelay $0x1  }
0x2d9: {  	v16 =	vadd.s32 v9, v14;
	_ =	sdelay $0x2  }
0x2da: {  	v15 =	vadd.s32 $0x927C0, v15  }
0x2db: {  	[tilespmem:$0xCCE0] =	vst v15  }
0x2dc: {  	v15 =	vld.idx.msk [tilespmem:v16+s3+$0x0], $0xffff;
	_ =	sdelay $0x1  }
0x2dd: {  	v16 =	vadd.s32 v17, v6;
	_ =	sdelay $0x2  }
0x2de: {  	v15 =	vadd.s32 $0xAAE60, v15  }
0x2df: {  	[tilespmem:$0xCCF0] =	vst v15  }
0x2e0: {  	v15 =	vld.idx.msk [tilespmem:v16+s3+$0x0], $0xffff  }
0x2e1: {  	v16 =	vadd.s32 v17, v7;
	_ =	sdelay $0x3  }
0x2e2: {  	[tilespmem:$0xCD00] =	vst v15  }
0x2e3: {  	v15 =	vld.idx.msk [tilespmem:v16+s3+$0x0], $0xffff;
	_ =	sdelay $0x1  }
0x2e4: {  	v16 =	vadd.s32 v17, v8;
	_ =	sdelay $0x2  }
0x2e5: {  	v15 =	vadd.s32 $0x186A0, v15  }
0x2e6: {  	[tilespmem:$0xCD10] =	vst v15  }
0x2e7: {  	v15 =	vld.idx.msk [tilespmem:v16+s3+$0x0], $0xffff;
	_ =	sdelay $0x1  }
0x2e8: {  	v16 =	vadd.s32 v17, v10;
	_ =	sdelay $0x2  }
0x2e9: {  	v15 =	vadd.s32 $0x30D40, v15  }
0x2ea: {  	[tilespmem:$0xCD20] =	vst v15  }
0x2eb: {  	v15 =	vld.idx.msk [tilespmem:v16+s3+$0x0], $0xffff;
	_ =	sdelay $0x1  }
0x2ec: {  	v16 =	vadd.s32 v17, v11;
	_ =	sdelay $0x2  }
0x2ed: {  	v15 =	vadd.s32 $0x493E0, v15  }
0x2ee: {  	[tilespmem:$0xCD30] =	vst v15  }
0x2ef: {  	v15 =	vld.idx.msk [tilespmem:v16+s3+$0x0], $0xffff;
	_ =	sdelay $0x1  }
0x2f0: {  	v16 =	vadd.s32 v17, v12;
	_ =	sdelay $0x2  }
0x2f1: {  	v15 =	vadd.s32 $0x61A80, v15  }
0x2f2: {  	[tilespmem:$0xCD40] =	vst v15  }
0x2f3: {  	v15 =	vld.idx.msk [tilespmem:v16+s3+$0x0], $0xffff;
	_ =	sdelay $0x1  }
0x2f4: {  	v16 =	vadd.s32 v17, v13;
	_ =	sdelay $0x2  }
0x2f5: {  	v15 =	vadd.s32 $0x7A120, v15  }
0x2f6: {  	[tilespmem:$0xCD50] =	vst v15  }
0x2f7: {  	v15 =	vld.idx.msk [tilespmem:v16+s3+$0x0], $0xffff;
	_ =	sdelay $0x1  }
0x2f8: {  	v16 =	vadd.s32 v17, v14;
	_ =	sdelay $0x2  }
0x2f9: {  	v15 =	vadd.s32 $0x927C0, v15  }
0x2fa: {  	[tilespmem:$0xCD60] =	vst v15  }
0x2fb: {  	v15 =	vld.idx.msk [tilespmem:v16+s3+$0x0], $0xffff;
	_ =	sdelay $0x1  }
0x2fc: {  	v16 =	vadd.s32 v25, v6;
	_ =	sdelay $0x2  }
0x2fd: {  	v15 =	vadd.s32 $0xAAE60, v15  }
0x2fe: {  	[tilespmem:$0xCD70] =	vst v15  }
0x2ff: {  	v15 =	vld.idx.msk [tilespmem:v16+s3+$0x0], $0xffff  }
0x300: {  	v16 =	vadd.s32 v25, v7;
	_ =	sdelay $0x3  }
0x301: {  	[tilespmem:$0xCD80] =	vst v15  }
0x302: {  	v15 =	vld.idx.msk [tilespmem:v16+s3+$0x0], $0xffff;
	_ =	sdelay $0x1  }
0x303: {  	v16 =	vadd.s32 v25, v8;
	_ =	sdelay $0x2  }
0x304: {  	v15 =	vadd.s32 $0x186A0, v15  }
0x305: {  	[tilespmem:$0xCD90] =	vst v15  }
0x306: {  	v15 =	vld.idx.msk [tilespmem:v16+s3+$0x0], $0xffff;
	_ =	sdelay $0x1  }
0x307: {  	v16 =	vadd.s32 v25, v10;
	_ =	sdelay $0x2  }
0x308: {  	v15 =	vadd.s32 $0x30D40, v15  }
0x309: {  	[tilespmem:$0xCDA0] =	vst v15  }
0x30a: {  	v15 =	vld.idx.msk [tilespmem:v16+s3+$0x0], $0xffff;
	_ =	sdelay $0x1  }
0x30b: {  	v16 =	vadd.s32 v25, v11;
	_ =	sdelay $0x2  }
0x30c: {  	v15 =	vadd.s32 $0x493E0, v15  }
0x30d: {  	[tilespmem:$0xCDB0] =	vst v15  }
0x30e: {  	v15 =	vld.idx.msk [tilespmem:v16+s3+$0x0], $0xffff;
	_ =	sdelay $0x1  }
0x30f: {  	v16 =	vadd.s32 v25, v12;
	_ =	sdelay $0x2  }
0x310: {  	v15 =	vadd.s32 $0x61A80, v15  }
0x311: {  	[tilespmem:$0xCDC0] =	vst v15  }
0x312: {  	v15 =	vld.idx.msk [tilespmem:v16+s3+$0x0], $0xffff;
	_ =	sdelay $0x1  }
0x313: {  	v16 =	vadd.s32 v25, v13;
	_ =	sdelay $0x2  }
0x314: {  	v15 =	vadd.s32 $0x7A120, v15  }
0x315: {  	[tilespmem:$0xCDD0] =	vst v15  }
0x316: {  	v15 =	vld.idx.msk [tilespmem:v16+s3+$0x0], $0xffff;
	_ =	sdelay $0x1  }
0x317: {  	v16 =	vadd.s32 v25, v14;
	_ =	sdelay $0x2  }
0x318: {  	v15 =	vadd.s32 $0x927C0, v15  }
0x319: {  	[tilespmem:$0xCDE0] =	vst v15  }
0x31a: {  	v15 =	vld.idx.msk [tilespmem:v16+s3+$0x0], $0xffff;
	_ =	sdelay $0x1  }
0x31b: {  	v16 =	vadd.s32 v33, v6;
	_ =	sdelay $0x2  }
0x31c: {  	v15 =	vadd.s32 $0xAAE60, v15  }
0x31d: {  	[tilespmem:$0xCDF0] =	vst v15  }
0x31e: {  	v15 =	vld.idx.msk [tilespmem:v16+s3+$0x0], $0xffff  }
0x31f: {  	v16 =	vadd.s32 v33, v7;
	_ =	sdelay $0x3  }
0x320: {  	[tilespmem:$0xCE00] =	vst v15  }
0x321: {  	v15 =	vld.idx.msk [tilespmem:v16+s3+$0x0], $0xffff;
	_ =	sdelay $0x1  }
0x322: {  	v16 =	vadd.s32 v33, v8;
	_ =	sdelay $0x2  }
0x323: {  	v15 =	vadd.s32 $0x186A0, v15  }
0x324: {  	[tilespmem:$0xCE10] =	vst v15  }
0x325: {  	v15 =	vld.idx.msk [tilespmem:v16+s3+$0x0], $0xffff;
	_ =	sdelay $0x1  }
0x326: {  	v16 =	vadd.s32 v33, v10;
	_ =	sdelay $0x2  }
0x327: {  	v15 =	vadd.s32 $0x30D40, v15  }
0x328: {  	[tilespmem:$0xCE20] =	vst v15  }
0x329: {  	v15 =	vld.idx.msk [tilespmem:v16+s3+$0x0], $0xffff;
	_ =	sdelay $0x1  }
0x32a: {  	v16 =	vadd.s32 v33, v11;
	_ =	sdelay $0x2  }
0x32b: {  	v15 =	vadd.s32 $0x493E0, v15  }
0x32c: {  	[tilespmem:$0xCE30] =	vst v15  }
0x32d: {  	v15 =	vld.idx.msk [tilespmem:v16+s3+$0x0], $0xffff;
	_ =	sdelay $0x1  }
0x32e: {  	v16 =	vadd.s32 v33, v12;
	_ =	sdelay $0x2  }
0x32f: {  	v15 =	vadd.s32 $0x61A80, v15  }
0x330: {  	[tilespmem:$0xCE40] =	vst v15  }
0x331: {  	v15 =	vld.idx.msk [tilespmem:v16+s3+$0x0], $0xffff;
	_ =	sdelay $0x1  }
0x332: {  	v16 =	vadd.s32 v33, v13;
	_ =	sdelay $0x2  }
0x333: {  	v15 =	vadd.s32 $0x7A120, v15  }
0x334: {  	[tilespmem:$0xCE50] =	vst v15  }
0x335: {  	v15 =	vld.idx.msk [tilespmem:v16+s3+$0x0], $0xffff;
	_ =	sdelay $0x1  }
0x336: {  	v16 =	vadd.s32 v33, v14;
	_ =	sdelay $0x2  }
0x337: {  	v15 =	vadd.s32 $0x927C0, v15  }
0x338: {  	[tilespmem:$0xCE60] =	vst v15  }
0x339: {  	v15 =	vld.idx.msk [tilespmem:v16+s3+$0x0], $0xffff;
	_ =	sdelay $0x1  }
0x33a: {  	v16 =	vadd.s32 v41, v6;
	_ =	sdelay $0x2  }
0x33b: {  	v15 =	vadd.s32 $0xAAE60, v15  }
0x33c: {  	[tilespmem:$0xCE70] =	vst v15  }
0x33d: {  	v15 =	vld.idx.msk [tilespmem:v16+s3+$0x0], $0xffff  }
0x33e: {  	v16 =	vadd.s32 v41, v7;
	_ =	sdelay $0x3  }
0x33f: {  	[tilespmem:$0xCE80] =	vst v15  }
0x340: {  	v15 =	vld.idx.msk [tilespmem:v16+s3+$0x0], $0xffff;
	_ =	sdelay $0x1  }
0x341: {  	v16 =	vadd.s32 v41, v8;
	_ =	sdelay $0x2  }
0x342: {  	v15 =	vadd.s32 $0x186A0, v15  }
0x343: {  	[tilespmem:$0xCE90] =	vst v15  }
0x344: {  	v15 =	vld.idx.msk [tilespmem:v16+s3+$0x0], $0xffff;
	_ =	sdelay $0x1  }
0x345: {  	v16 =	vadd.s32 v41, v10;
	_ =	sdelay $0x2  }
0x346: {  	v15 =	vadd.s32 $0x30D40, v15  }
0x347: {  	[tilespmem:$0xCEA0] =	vst v15  }
0x348: {  	v15 =	vld.idx.msk [tilespmem:v16+s3+$0x0], $0xffff;
	_ =	sdelay $0x1  }
0x349: {  	v16 =	vadd.s32 v41, v11;
	_ =	sdelay $0x2  }
0x34a: {  	v15 =	vadd.s32 $0x493E0, v15  }
0x34b: {  	[tilespmem:$0xCEB0] =	vst v15  }
0x34c: {  	v15 =	vld.idx.msk [tilespmem:v16+s3+$0x0], $0xffff;
	_ =	sdelay $0x1  }
0x34d: {  	v16 =	vadd.s32 v41, v12;
	_ =	sdelay $0x2  }
0x34e: {  	v15 =	vadd.s32 $0x61A80, v15  }
0x34f: {  	[tilespmem:$0xCEC0] =	vst v15  }
0x350: {  	v15 =	vld.idx.msk [tilespmem:v16+s3+$0x0], $0xffff;
	_ =	sdelay $0x1  }
0x351: {  	v16 =	vadd.s32 v41, v13;
	_ =	sdelay $0x2  }
0x352: {  	v15 =	vadd.s32 $0x7A120, v15  }
0x353: {  	[tilespmem:$0xCED0] =	vst v15  }
0x354: {  	v15 =	vld.idx.msk [tilespmem:v16+s3+$0x0], $0xffff;
	_ =	sdelay $0x1  }
0x355: {  	v16 =	vadd.s32 v41, v14;
	_ =	sdelay $0x2  }
0x356: {  	v15 =	vadd.s32 $0x927C0, v15  }
0x357: {  	[tilespmem:$0xCEE0] =	vst v15  }
0x358: {  	v15 =	vld.idx.msk [tilespmem:v16+s3+$0x0], $0xffff;
	_ =	sdelay $0x1  }
0x359: {  	v16 =	vadd.s32 v49, v6;
	_ =	sdelay $0x2  }
0x35a: {  	v15 =	vadd.s32 $0xAAE60, v15  }
0x35b: {  	[tilespmem:$0xCEF0] =	vst v15  }
0x35c: {  	v15 =	vld.idx.msk [tilespmem:v16+s3+$0x0], $0xffff  }
0x35d: {  	v16 =	vadd.s32 v49, v7;
	_ =	sdelay $0x3  }
0x35e: {  	[tilespmem:$0xCF00] =	vst v15  }
0x35f: {  	v15 =	vld.idx.msk [tilespmem:v16+s3+$0x0], $0xffff;
	_ =	sdelay $0x1  }
0x360: {  	v16 =	vadd.s32 v49, v8;
	_ =	sdelay $0x2  }
0x361: {  	v15 =	vadd.s32 $0x186A0, v15  }
0x362: {  	[tilespmem:$0xCF10] =	vst v15  }
0x363: {  	v15 =	vld.idx.msk [tilespmem:v16+s3+$0x0], $0xffff;
	_ =	sdelay $0x1  }
0x364: {  	v16 =	vadd.s32 v49, v10;
	_ =	sdelay $0x2  }
0x365: {  	v15 =	vadd.s32 $0x30D40, v15  }
0x366: {  	[tilespmem:$0xCF20] =	vst v15  }
0x367: {  	v15 =	vld.idx.msk [tilespmem:v16+s3+$0x0], $0xffff;
	_ =	sdelay $0x1  }
0x368: {  	v16 =	vadd.s32 v49, v11;
	_ =	sdelay $0x2  }
0x369: {  	v15 =	vadd.s32 $0x493E0, v15  }
0x36a: {  	[tilespmem:$0xCF30] =	vst v15  }
0x36b: {  	v15 =	vld.idx.msk [tilespmem:v16+s3+$0x0], $0xffff;
	_ =	sdelay $0x1  }
0x36c: {  	v16 =	vadd.s32 v49, v12;
	_ =	sdelay $0x2  }
0x36d: {  	v15 =	vadd.s32 $0x61A80, v15  }
0x36e: {  	[tilespmem:$0xCF40] =	vst v15  }
0x36f: {  	v15 =	vld.idx.msk [tilespmem:v16+s3+$0x0], $0xffff;
	_ =	sdelay $0x1  }
0x370: {  	v16 =	vadd.s32 v49, v13;
	_ =	sdelay $0x2  }
0x371: {  	v15 =	vadd.s32 $0x7A120, v15  }
0x372: {  	[tilespmem:$0xCF50] =	vst v15  }
0x373: {  	v15 =	vld.idx.msk [tilespmem:v16+s3+$0x0], $0xffff;
	_ =	sdelay $0x1  }
0x374: {  	v16 =	vadd.s32 v49, v14;
	_ =	sdelay $0x2  }
0x375: {  	v15 =	vadd.s32 $0x927C0, v15  }
0x376: {  	[tilespmem:$0xCF60] =	vst v15  }
0x377: {  	v15 =	vld.idx.msk [tilespmem:v16+s3+$0x0], $0xffff;
	_ =	sdelay $0x1  }
0x378: {  	v6 =	vadd.s32 v3, v6;
	_ =	sdelay $0x2  }
0x379: {  	v15 =	vadd.s32 $0xAAE60, v15  }
0x37a: {  	[tilespmem:$0xCF70] =	vst v15  }
0x37b: {  	v6 =	vld.idx.msk [tilespmem:v6+s3+$0x0], $0xffff  }
0x37c: {  	v7 =	vadd.s32 v3, v7;
	_ =	sdelay $0x3  }
0x37d: {  	[tilespmem:$0xCF80] =	vst v6  }
0x37e: {  	v6 =	vld.idx.msk [tilespmem:v7+s3+$0x0], $0xffff;
	_ =	sdelay $0x1  }
0x37f: {  	v7 =	vadd.s32 v3, v8;
	_ =	sdelay $0x2  }
0x380: {  	v6 =	vadd.s32 $0x186A0, v6  }
0x381: {  	[tilespmem:$0xCF90] =	vst v6  }
0x382: {  	v6 =	vld.idx.msk [tilespmem:v7+s3+$0x0], $0xffff;
	_ =	sdelay $0x1  }
0x383: {  	v7 =	vadd.s32 v3, v10;
	_ =	sdelay $0x2  }
0x384: {  	v6 =	vadd.s32 $0x30D40, v6  }
0x385: {  	[tilespmem:$0xCFA0] =	vst v6  }
0x386: {  	v6 =	vld.idx.msk [tilespmem:v7+s3+$0x0], $0xffff;
	_ =	sdelay $0x1  }
0x387: {  	v7 =	vadd.s32 v3, v11;
	_ =	sdelay $0x2  }
0x388: {  	v6 =	vadd.s32 $0x493E0, v6  }
0x389: {  	[tilespmem:$0xCFB0] =	vst v6  }
0x38a: {  	v6 =	vld.idx.msk [tilespmem:v7+s3+$0x0], $0xffff;
	_ =	sdelay $0x1  }
0x38b: {  	v7 =	vadd.s32 v3, v12;
	_ =	sdelay $0x2  }
0x38c: {  	v6 =	vadd.s32 $0x61A80, v6  }
0x38d: {  	[tilespmem:$0xCFC0] =	vst v6  }
0x38e: {  	v6 =	vld.idx.msk [tilespmem:v7+s3+$0x0], $0xffff;
	_ =	sdelay $0x1  }
0x38f: {  	v7 =	vadd.s32 v3, v13;
	_ =	sdelay $0x2  }
0x390: {  	v6 =	vadd.s32 $0x7A120, v6  }
0x391: {  	[tilespmem:$0xCFD0] =	vst v6  }
0x392: {  	v6 =	vld.idx.msk [tilespmem:v7+s3+$0x0], $0xffff;
	_ =	sdelay $0x1  }
0x393: {  	v7 =	vadd.s32 v3, v14;
	_ =	sdelay $0x2  }
0x394: {  	v6 =	vadd.s32 $0x927C0, v6  }
0x395: {  	[tilespmem:$0xCFE0] =	vst v6  }
0x396: {  	v6 =	vld.idx.msk [tilespmem:v7+s3+$0x0], $0xffff;
	_ =	sdelay $0x4  }
0x397: {  	v6 =	vadd.s32 $0xAAE60, v6  }
0x398: {  	s22 =	simm.s32 $0xCC00;
	s23 =	simm.s32 $0xD400;
	[tilespmem:$0xCFF0] =	vst v6  }
0x399: {  	[tilespmem:s23], [sflag:$0x2] =	stream.indirect.gather [hbm4b:s4+s15], $0x20, s22, s15, $0xb8;
	[tilespmem:$0x1F680] =	vst v63  }
0x39a: {  	s24 =	simm.s32 $0xCC80;
	s25 =	simm.s32 $0xE400  }
0x39b: {  	[tilespmem:s25], [sflag:$0x2] =	stream.indirect.gather [hbm4b:s4+s15], $0x20, s24, s15, $0xb8;
	[tilespmem:$0x1F680] =	vst v63  }
0x39c: {  	s22 =	simm.s32 $0xCD00;
	s23 =	simm.s32 $0xF400  }
0x39d: {  	[tilespmem:s23], [sflag:$0x2] =	stream.indirect.gather [hbm4b:s4+s15], $0x20, s22, s15, $0xb8;
	[tilespmem:$0x1F680] =	vst v63  }
0x39e: {  	s24 =	simm.s32 $0xCD80;
	s25 =	simm.s32 $0x10400  }
0x39f: {  	[tilespmem:s25], [sflag:$0x2] =	stream.indirect.gather [hbm4b:s4+s15], $0x20, s24, s15, $0xb8;
	[tilespmem:$0x1F680] =	vst v63  }
0x3a0: {  	s22 =	simm.s32 $0xCE00;
	s23 =	simm.s32 $0x11400  }
0x3a1: {  	[tilespmem:s23], [sflag:$0x2] =	stream.indirect.gather [hbm4b:s4+s15], $0x20, s22, s15, $0xb8;
	[tilespmem:$0x1F680] =	vst v63  }
0x3a2: {  	s24 =	simm.s32 $0xCE80;
	s25 =	simm.s32 $0x12400  }
0x3a3: {  	[tilespmem:s25], [sflag:$0x2] =	stream.indirect.gather [hbm4b:s4+s15], $0x20, s24, s15, $0xb8;
	[tilespmem:$0x1F680] =	vst v63  }
0x3a4: {  	s22 =	simm.s32 $0xCF00;
	s23 =	simm.s32 $0x13400  }
0x3a5: {  	[tilespmem:s23], [sflag:$0x2] =	stream.indirect.gather [hbm4b:s4+s15], $0x20, s22, s15, $0xb8;
	[tilespmem:$0x1F680] =	vst v63  }
.Ltmp4:
0x3a6: {  	s24 =	simm.s32 $0xCF80;
	s25 =	simm.s32 $0x14400;
	(pc) =	sbr.rel @p0 .LBB2_10-.Ltmp4, $4  }
0x3a7: {  	[tilespmem:s25], [sflag:$0x2] =	stream.indirect.gather [hbm4b:s4+s15], $0x20, s24, s15, $0xb8;
	[tilespmem:$0x1F680] =	vst v63  }
0x3a8: {  	_ =	swait.ge [sflag:s17], $0x8000  }
0x3a9: {  	[sflag:s17] =	ssyncset.done $0x0  }
0x3aa: {  	[sflag:s17] =	ssyncadd.s32 $0xFFFF8000  }
.LBB2_9:
0x3ab: {  	_ =	swait.ge [sflag:s18], $0x400  }
0x3ac: {  	[sflag:s18] =	ssyncset.done $0x0  }
0x3ad: {  	[sflag:s18] =	ssyncadd.s32 $0xFFFFFC00  }
0x3ae: {  	_ =	swait.ge [sflag:s18], $0x400  }
0x3af: {  	[sflag:s18] =	ssyncset.done $0x0  }
0x3b0: {  	[sflag:s18] =	ssyncadd.s32 $0xFFFFFC00  }
0x3b1: {  	_ =	swait.ge [sflag:s18], $0x400  }
0x3b2: {  	[sflag:s18] =	ssyncset.done $0x0  }
0x3b3: {  	[sflag:s18] =	ssyncadd.s32 $0xFFFFFC00  }
0x3b4: {  	_ =	swait.ge [sflag:s18], $0x400  }
0x3b5: {  	[sflag:s18] =	ssyncset.done $0x0  }
0x3b6: {  	[sflag:s18] =	ssyncadd.s32 $0xFFFFFC00  }
.LBB2_10:
0x3b7: {  	s20 =	simm.s32 $0x0  }
0x3b8: {  	s21 =	sand.u32 $0x380, s20;
	s22 =	sand.u32 $0xF, s20  }
0x3b9: {  	s21 =	sor.u32 s22, s21  }
0x3ba: {  	s21 =	sshll.u32 s21, $0x5  }
0x3bb: {  	s23 =	simm.s32 $0x0;
	s22 =	simm.s32 $0x1;
	v6 =	vld [tilespmem:s21+$0x15410]  }
.LBB2_11:
0x3bc: {  	p0 =	sne.s32 s22, $0x7F;
	v7 =	vld [tilespmem:s21+$0x15400]  }
0x3bd: {  	v8 =	vld [tilespmem:s21+$0x15600]  }
0x3be: {  	v10 =	vld [tilespmem:s21+$0x15610]  }
0x3bf: {  	v11 =	vld [tilespmem:s21+$0x15800]  }
0x3c0: {  	v12 =	vld [tilespmem:s21+$0x15810]  }
0x3c1: {  	v13 =	vld [tilespmem:s21+$0x15A00]  }
0x3c2: {  	v7 =	vmul.f32 v7, v57;
	v8 =	vmul.f32 v8, v58;
	v14 =	vld [tilespmem:s21+$0x15A10]  }
0x3c3: {  	v6 =	vmul.f32 v6, v57;
	v10 =	vmul.f32 v10, v58;
	v15 =	vld [tilespmem:s21+$0x15C00]  }
0x3c4: {  	v7 =	vadd.f32 v8, v7;
	v8 =	vmul.f32 v11, v59;
	v11 =	vld [tilespmem:s21+$0x15C10]  }
0x3c5: {  	v6 =	vadd.f32 v10, v6;
	v10 =	vmul.f32 v12, v59;
	v12 =	vld [tilespmem:s21+$0x15E00]  }
0x3c6: {  	v7 =	vadd.f32 v8, v7;
	v8 =	vmul.f32 v13, v60;
	v13 =	vld [tilespmem:s21+$0x15E10]  }
0x3c7: {  	v6 =	vadd.f32 v10, v6;
	v10 =	vmul.f32 v14, v60;
	v14 =	vld [tilespmem:s21+$0x16000]  }
0x3c8: {  	v7 =	vadd.f32 v8, v7;
	v8 =	vmul.f32 v15, v61;
	v15 =	vld [tilespmem:s21+$0x16010]  }
0x3c9: {  	v6 =	vadd.f32 v10, v6;
	v10 =	vmul.f32 v11, v61;
	v11 =	vld [tilespmem:s21+$0x16200]  }
0x3ca: {  	v7 =	vadd.f32 v8, v7;
	v8 =	vmul.f32 v12, v62;
	v12 =	vld [tilespmem:s21+$0x16210]  }
0x3cb: {  	v6 =	vadd.f32 v10, v6;
	v10 =	vmul.f32 v13, v62;
	v13 =	vmov s20;
	s20 =	smov.u32 s22  }
0x3cc: {  	v7 =	vadd.f32 v8, v7;
	v8 =	vmul.f32 v14, v63;
	v13 =	vand.u32 $0x7F, v13  }
0x3cd: {  	v6 =	vadd.f32 v10, v6;
	v10 =	vmul.f32 v15, v63;
	v14 =	vadd.s32 v4, v13  }
0x3ce: {  	v7 =	vadd.f32 v8, v7;
	v8 =	vmul.f32 v11, v2;
	v11 =	vadd.s32 v5, v13  }
0x3cf: {  	v6 =	vadd.f32 v10, v6;
	v10 =	vmul.f32 v12, v2  }
.Ltmp5:
0x3d0: {  	s23 =	sadd.s32 $0x8, s23;
	v7 =	vadd.f32 v8, v7;
	(pc) =	sbr.rel @p0 .LBB2_11-.Ltmp5, $4  }
0x3d1: {  	s24 =	sand.u32 $0xF, s22;
	s21 =	sand.u32 $0x380, s23;
	v6 =	vadd.f32 v10, v6  }
0x3d2: {  	s21 =	sor.u32 s24, s21;
	[tilespmem:v14+s19+$0x0] =	vst.idx.msk $0xffff, v7  }
0x3d3: {  	s21 =	sshll.u32 s21, $0x5;
	[tilespmem:v11+s19+$0x0] =	vst.idx.msk $0xffff, v6  }
0x3d4: {  	s22 =	sadd.s32 $0x1, s22;
	v6 =	vld [tilespmem:s21+$0x15410]  }
0x3d5: {  	v7 =	vld [tilespmem:s21+$0x15400]  }
0x3d6: {  	v8 =	vld [tilespmem:s21+$0x15600]  }
0x3d7: {  	v10 =	vld [tilespmem:s21+$0x15610]  }
0x3d8: {  	v11 =	vld [tilespmem:s21+$0x15800]  }
0x3d9: {  	v12 =	vld [tilespmem:s21+$0x15810]  }
0x3da: {  	v13 =	vld [tilespmem:s21+$0x15A00]  }
0x3db: {  	v14 =	vld [tilespmem:s21+$0x15A10];
	v7 =	vmul.f32 v7, v57;
	v8 =	vmul.f32 v8, v58  }
0x3dc: {  	v15 =	vld [tilespmem:s21+$0x15C00];
	v6 =	vmul.f32 v6, v57;
	v10 =	vmul.f32 v10, v58  }
0x3dd: {  	v7 =	vadd.f32 v8, v7;
	v8 =	vmul.f32 v11, v59;
	v11 =	vld [tilespmem:s21+$0x15C10]  }
0x3de: {  	v6 =	vadd.f32 v10, v6;
	v10 =	vmul.f32 v12, v59;
	v12 =	vld [tilespmem:s21+$0x15E00]  }
0x3df: {  	v7 =	vadd.f32 v8, v7;
	v8 =	vmul.f32 v13, v60;
	v13 =	vld [tilespmem:s21+$0x15E10]  }
0x3e0: {  	v6 =	vadd.f32 v10, v6;
	v10 =	vmul.f32 v14, v60;
	v14 =	vld [tilespmem:s21+$0x16000]  }
0x3e1: {  	v7 =	vadd.f32 v8, v7;
	v8 =	vmul.f32 v15, v61;
	v15 =	vld [tilespmem:s21+$0x16010]  }
0x3e2: {  	v6 =	vadd.f32 v10, v6;
	v10 =	vmul.f32 v11, v61;
	v11 =	vld [tilespmem:s21+$0x16200]  }
0x3e3: {  	v7 =	vadd.f32 v8, v7;
	v8 =	vmul.f32 v12, v62;
	v12 =	vld [tilespmem:s21+$0x16210]  }
0x3e4: {  	v6 =	vadd.f32 v10, v6;
	v10 =	vmul.f32 v13, v62;
	v13 =	vmov s20  }
0x3e5: {  	v7 =	vadd.f32 v8, v7;
	v8 =	vmul.f32 v14, v63;
	v13 =	vand.u32 $0x7F, v13  }
0x3e6: {  	v6 =	vadd.f32 v10, v6;
	v10 =	vmul.f32 v15, v63;
	v4 =	vadd.s32 v4, v13  }
0x3e7: {  	v5 =	vadd.s32 v5, v13;
	v7 =	vadd.f32 v8, v7;
	v8 =	vmul.f32 v11, v2  }
0x3e8: {  	v6 =	vadd.f32 v10, v6;
	v10 =	vmul.f32 v12, v2  }
0x3e9: {  	s16 =	sshll.u32 s16, $0x11;
	v7 =	vadd.f32 v8, v7  }
0x3ea: {  	s16 =	sor.u32 s7, s16;
	v6 =	vadd.f32 v10, v6  }
0x3eb: {  	s16 =	sshrl.u32 s16, $0x3;
	[tilespmem:v4+s19+$0x0] =	vst.idx.msk $0xffff, v7  }
0x3ec: {  	s20 =	sadd.s32 s2, s16;
	[tilespmem:v5+s19+$0x0] =	vst.idx.msk $0xffff, v6  }
0x3ed: {  	[hbm4b:s20+s3] =	stream.linear.scatter [tilespmem:s19], [sflag:$0x5], $0x80, $0x38;
	[tilespmem:$0x1F680] =	vst v63  }
0x3ee: {  	s22 =	simm.s32 $0x1E588;
	s25 =	sadd.s32 $0x10, s20  }
0x3ef: {  	[hbm4b:s25+s3] =	stream.linear.scatter [tilespmem:s22], [sflag:$0x5], $0x80, $0x38;
	[tilespmem:$0x1F680] =	vst v63  }
0x3f0: {  	s23 =	simm.s32 $0x1E610;
	s22 =	sadd.s32 $0x20, s20  }
0x3f1: {  	[hbm4b:s22+s3] =	stream.linear.scatter [tilespmem:s23], [sflag:$0x5], $0x80, $0x38;
	[tilespmem:$0x1F680] =	vst v63  }
0x3f2: {  	s24 =	sadd.s32 $0x30, s20;
	s25 =	simm.s32 $0x1E698  }
0x3f3: {  	[hbm4b:s24+s3] =	stream.linear.scatter [tilespmem:s25], [sflag:$0x5], $0x80, $0x38;
	[tilespmem:$0x1F680] =	vst v63  }
0x3f4: {  	s22 =	sadd.s32 $0x40, s20;
	s23 =	simm.s32 $0x1E720  }
0x3f5: {  	[hbm4b:s22+s3] =	stream.linear.scatter [tilespmem:s23], [sflag:$0x5], $0x80, $0x38;
	[tilespmem:$0x1F680] =	vst v63  }
0x3f6: {  	s24 =	sadd.s32 $0x50, s20;
	s25 =	simm.s32 $0x1E7A8  }
0x3f7: {  	[hbm4b:s24+s3] =	stream.linear.scatter [tilespmem:s25], [sflag:$0x5], $0x80, $0x38;
	[tilespmem:$0x1F680] =	vst v63  }
0x3f8: {  	s22 =	sadd.s32 $0x60, s20;
	s23 =	simm.s32 $0x1E830  }
0x3f9: {  	[hbm4b:s22+s3] =	stream.linear.scatter [tilespmem:s23], [sflag:$0x5], $0x80, $0x38;
	[tilespmem:$0x1F680] =	vst v63  }
0x3fa: {  	s20 =	sadd.s32 $0x70, s20;
	s24 =	simm.s32 $0x1E8B8  }
0x3fb: {  	[hbm4b:s20+s3] =	stream.linear.scatter [tilespmem:s24], [sflag:$0x5], $0x80, $0x38;
	[tilespmem:$0x1F680] =	vst v63  }
0x3fc: {  	s25 =	simm.s32 $0x1E940;
	s20 =	sadd.s32 s16, s8  }
0x3fd: {  	[hbm4b:s20+s3] =	stream.linear.scatter [tilespmem:s25], [sflag:$0x5], $0x80, $0x38;
	[tilespmem:$0x1F680] =	vst v63  }
0x3fe: {  	s23 =	simm.s32 $0x1E9C8;
	s22 =	sadd.s32 $0x10, s20  }
0x3ff: {  	[hbm4b:s22+s3] =	stream.linear.scatter [tilespmem:s23], [sflag:$0x5], $0x80, $0x38;
	[tilespmem:$0x1F680] =	vst v63  }
0x400: {  	s24 =	sadd.s32 $0x20, s20;
	s25 =	simm.s32 $0x1EA50  }
0x401: {  	[hbm4b:s24+s3] =	stream.linear.scatter [tilespmem:s25], [sflag:$0x5], $0x80, $0x38;
	[tilespmem:$0x1F680] =	vst v63  }
0x402: {  	s22 =	sadd.s32 $0x30, s20;
	s23 =	simm.s32 $0x1EAD8  }
0x403: {  	[hbm4b:s22+s3] =	stream.linear.scatter [tilespmem:s23], [sflag:$0x5], $0x80, $0x38;
	[tilespmem:$0x1F680] =	vst v63  }
0x404: {  	s24 =	sadd.s32 $0x40, s20;
	s25 =	simm.s32 $0x1EB60  }
0x405: {  	[hbm4b:s24+s3] =	stream.linear.scatter [tilespmem:s25], [sflag:$0x5], $0x80, $0x38;
	[tilespmem:$0x1F680] =	vst v63  }
0x406: {  	s22 =	sadd.s32 $0x50, s20;
	s23 =	simm.s32 $0x1EBE8  }
0x407: {  	[hbm4b:s22+s3] =	stream.linear.scatter [tilespmem:s23], [sflag:$0x5], $0x80, $0x38;
	[tilespmem:$0x1F680] =	vst v63  }
0x408: {  	s24 =	sadd.s32 $0x60, s20;
	s25 =	simm.s32 $0x1EC70  }
0x409: {  	[hbm4b:s24+s3] =	stream.linear.scatter [tilespmem:s25], [sflag:$0x5], $0x80, $0x38;
	[tilespmem:$0x1F680] =	vst v63  }
0x40a: {  	s20 =	sadd.s32 $0x70, s20;
	s22 =	simm.s32 $0x1ECF8  }
0x40b: {  	[hbm4b:s20+s3] =	stream.linear.scatter [tilespmem:s22], [sflag:$0x5], $0x80, $0x38;
	[tilespmem:$0x1F680] =	vst v63  }
0x40c: {  	s23 =	simm.s32 $0x1ED80;
	s20 =	sadd.s32 s16, s9  }
0x40d: {  	[hbm4b:s20+s3] =	stream.linear.scatter [tilespmem:s23], [sflag:$0x5], $0x80, $0x38;
	[tilespmem:$0x1F680] =	vst v63  }
0x40e: {  	s25 =	simm.s32 $0x1EE08;
	s24 =	sadd.s32 $0x10, s20  }
0x40f: {  	[hbm4b:s24+s3] =	stream.linear.scatter [tilespmem:s25], [sflag:$0x5], $0x80, $0x38;
	[tilespmem:$0x1F680] =	vst v63  }
0x410: {  	s22 =	sadd.s32 $0x20, s20;
	s23 =	simm.s32 $0x1EE90  }
0x411: {  	[hbm4b:s22+s3] =	stream.linear.scatter [tilespmem:s23], [sflag:$0x5], $0x80, $0x38;
	[tilespmem:$0x1F680] =	vst v63  }
0x412: {  	s24 =	sadd.s32 $0x30, s20;
	s25 =	simm.s32 $0x1EF18  }
0x413: {  	[hbm4b:s24+s3] =	stream.linear.scatter [tilespmem:s25], [sflag:$0x5], $0x80, $0x38;
	[tilespmem:$0x1F680] =	vst v63  }
0x414: {  	s22 =	sadd.s32 $0x40, s20;
	s23 =	simm.s32 $0x1EFA0  }
0x415: {  	[hbm4b:s22+s3] =	stream.linear.scatter [tilespmem:s23], [sflag:$0x5], $0x80, $0x38;
	[tilespmem:$0x1F680] =	vst v63  }
0x416: {  	s24 =	sadd.s32 $0x50, s20;
	s25 =	simm.s32 $0x1F028  }
0x417: {  	[hbm4b:s24+s3] =	stream.linear.scatter [tilespmem:s25], [sflag:$0x5], $0x80, $0x38;
	[tilespmem:$0x1F680] =	vst v63  }
0x418: {  	s22 =	sadd.s32 $0x60, s20;
	s23 =	simm.s32 $0x1F0B0  }
0x419: {  	[hbm4b:s22+s3] =	stream.linear.scatter [tilespmem:s23], [sflag:$0x5], $0x80, $0x38;
	[tilespmem:$0x1F680] =	vst v63  }
0x41a: {  	s20 =	sadd.s32 $0x70, s20;
	s24 =	simm.s32 $0x1F138  }
0x41b: {  	[hbm4b:s20+s3] =	stream.linear.scatter [tilespmem:s24], [sflag:$0x5], $0x80, $0x38;
	[tilespmem:$0x1F680] =	vst v63  }
0x41c: {  	s16 =	sadd.s32 s16, s10  }
0x41d: {  	[hbm4b:s16+s3] =	stream.linear.scatter [tilespmem:s29], [sflag:$0x5], $0x80, $0x38;
	[tilespmem:$0x1F680] =	vst v63  }
0x41e: {  	s25 =	sadd.s32 $0x10, s16  }
0x41f: {  	[hbm4b:s25+s3] =	stream.linear.scatter [tilespmem:s30], [sflag:$0x5], $0x80, $0x38;
	[tilespmem:$0x1F680] =	vst v63  }
0x420: {  	s21 =	sadd.s32 $0x20, s16  }
0x421: {  	[hbm4b:s21+s3] =	stream.linear.scatter [tilespmem:s31], [sflag:$0x5], $0x80, $0x38;
	[tilespmem:$0x1F680] =	vst v63  }
0x422: {  	s22 =	sadd.s32 $0x30, s16  }
0x423: {  	[hbm4b:s22+s3] =	stream.linear.scatter [tilespmem:s1], [sflag:$0x5], $0x80, $0x38;
	[tilespmem:$0x1F680] =	vst v63  }
0x424: {  	s14 =	sadd.s32 $0x1, s14;
	s23 =	sadd.s32 $0x40, s16  }
0x425: {  	[hbm4b:s23+s3] =	stream.linear.scatter [tilespmem:s0], [sflag:$0x5], $0x80, $0x38;
	[tilespmem:$0x1F680] =	vst v63  }
0x426: {  	p0 =	sne.s32 s14, $0x19;
	s24 =	sadd.s32 $0x50, s16  }
0x427: {  	[hbm4b:s24+s3] =	stream.linear.scatter [tilespmem:s12], [sflag:$0x5], $0x80, $0x38;
	[tilespmem:$0x1F680] =	vst v63  }
.Ltmp6:
0x428: {  	_ = 	snop;
	(pc) =	sbr.rel @p0 .LBB2_4-.Ltmp6, $4  }
0x429: {  	s25 =	sadd.s32 $0x60, s16  }
0x42a: {  	[hbm4b:s25+s3] =	stream.linear.scatter [tilespmem:s5], [sflag:$0x5], $0x80, $0x38;
	[tilespmem:$0x1F680] =	vst v63  }
0x42b: {  	s16 =	sadd.s32 $0x70, s16  }
0x42c: {  	[hbm4b:s16+s3] =	stream.linear.scatter [tilespmem:s11], [sflag:$0x5], $0x80, $0x38;
	[tilespmem:$0x1F680] =	vst v63  }
0x42d: {  	s13 =	simm.s32 $0x4  }
0x42e: {  	_ =	swait.ge [sflag:s13], $0x400  }
0x42f: {  	[sflag:s13] =	ssyncset.done $0x0  }
0x430: {  	[sflag:s13] =	ssyncadd.s32 $0xFFFFFC00  }
0x431: {  	_ =	swait.ge [sflag:s13], $0x400  }
0x432: {  	[sflag:s13] =	ssyncset.done $0x0  }
0x433: {  	[sflag:s13] =	ssyncadd.s32 $0xFFFFFC00  }
0x434: {  	_ =	swait.ge [sflag:s13], $0x400  }
0x435: {  	[sflag:s13] =	ssyncset.done $0x0  }
0x436: {  	[sflag:s13] =	ssyncadd.s32 $0xFFFFFC00  }
0x437: {  	_ =	swait.ge [sflag:s13], $0x400  }
0x438: {  	[sflag:s13] =	ssyncset.done $0x0  }
0x439: {  	[sflag:s13] =	ssyncadd.s32 $0xFFFFFC00  }
0x43a: {  	_ =	swait.ge [sflag:s18], $0x400  }
0x43b: {  	[sflag:s18] =	ssyncset.done $0x0  }
0x43c: {  	[sflag:s18] =	ssyncadd.s32 $0xFFFFFC00  }
0x43d: {  	_ =	swait.ge [sflag:s18], $0x400  }
0x43e: {  	[sflag:s18] =	ssyncset.done $0x0  }
0x43f: {  	[sflag:s18] =	ssyncadd.s32 $0xFFFFFC00  }
0x440: {  	_ =	swait.ge [sflag:s18], $0x400  }
0x441: {  	[sflag:s18] =	ssyncset.done $0x0  }
0x442: {  	[sflag:s18] =	ssyncadd.s32 $0xFFFFFC00  }
0x443: {  	_ =	swait.ge [sflag:s18], $0x400  }
0x444: {  	s14 =	rddreg [dreg:$0x5]  }
0x445: {  	s25 =	rddreg [dreg:$0x4];
	s14 =	sadd.s32 $0x1, s14  }
0x446: {  	p0 =	sne.s32 s14, s25  }
.Ltmp7:
0x447: {  	_ = 	snop;
	(pc) =	sbr.rel @p0 .LBB2_1-.Ltmp7, $3  }
0x448: {  	_ =	sdelay $0x1  }
0x449: {  	[sflag:s18] =	ssyncset.done $0x0  }
0x44a: {  	[sflag:s18] =	ssyncadd.s32 $0xFFFFFC00  }
0x44b: {  	_ =	sfence.sel $0x180000  }
0x44c: {  	[bflag:$0x0] =	sbarrier.arrive $0xFFFF  }
0x44d: {  	_ =	strace $0x90000047  }
0x44e: {  	s0 =	stileid.u32;
	[bflag:$0x2] =	sbarrier.arrive $0xFFFF  }
0x44f: {  	p0 =	sne.s32 s0, $0x0;
	s0 =	rddreg [dreg:$0x2]  }
0x450: {  	s0 =	sadd.s32 @!p0 $0x100000, s0  }
0x451: {  	[sflag:s0] =	ssyncadd.tile.s32 @!p0 $0x1;
	_ =	shalt  }
.Lfunc_end2:
_tile_overlayer_lowered:
.L_overlay_start_2:
0x452: {  	(tag) =	ssettag $0x2  }
0x453: {  	s0 =	rddreg [dreg:$0x0];
	s2 =	stileid.u32  }
0x454: {  	s1 =	rddreg [dreg:$0x1];
	p0 =	sne.s32 s2, $0x0  }
0x455: {  	s3 =	rddreg [dreg:$0x2];
	[bflag:$0x3] =	sbarrier.arrive $0xFFFF;
	s2 =	simm.s32 @!p0 $0x1C06  }
0x456: {  	[timem:s3], [sflag:s2] =	dma.local @!p0 [hbm:s0], s1  }
0x457: {  	s0 =	simm.s32 @!p0 $0x6  }
0x458: {  	_ =	swait.ge @!p0 [sflag:s0], s1  }
0x459: {  	s1 =	ssub.s32 @!p0 $0x0, s1;
	[sflag:s0] =	ssyncset.done @!p0 $0x0  }
0x45a: {  	[sflag:s0] =	ssyncadd.s32 @!p0 s1  }
0x45b: {  	[bflag:$0x3] =	sbarrier.arrive $0xFFFF  }
0x45c: {  	_ =	shalt  }

</sc_bundles>
